<compile_context>
chip_gen: v7x
topology: tpu7x:2x2x1
jax: 0.10.2.dev20260603
libtpu: 0.0.44.dev20260713+nightly
codegen_flags: <defaults>
</compile_context>

<pallas_src>
import functools

import jax
import jax.numpy as jnp
from jax import lax
from jax.experimental import pallas as pl
from jax.experimental.pallas import tpu as pltpu
from jax.experimental.pallas import tpu_sc as plsc

D = 64
L = 20
NB = 20
NC = 2
NS = 16
NW = NC * NS
LANES = 16


def _sc_embed(item_id, genres_flat, xs, bounds_pad, item_table, gt_flat, t3_flat):
  B = item_id.shape[0]
  bpw = B // NW
  sub = 128
  n_sub = bpw // sub
  ig_chunk = 256

  mesh = plsc.VectorSubcoreMesh(core_axis_name="c", subcore_axis_name="s")

  @functools.partial(
      pl.kernel,
      mesh=mesh,
      compiler_params=pltpu.CompilerParams(
          needs_layout_passes=False, use_tc_tiling_on_sc=False),
      out_type=(
          jax.ShapeDtypeStruct((B, D), jnp.float32),
          jax.ShapeDtypeStruct((B * D,), jnp.float32),
          jax.ShapeDtypeStruct((B * D,), jnp.float32),
      ),
      scratch_types=(
          pltpu.VMEM((ig_chunk,), jnp.int32),
          pltpu.VMEM((ig_chunk,), jnp.int32),
          pltpu.VMEM((ig_chunk, D), jnp.float32),
          pltpu.VMEM((bpw * L,), jnp.int32),
          pltpu.VMEM((1000 * D,), jnp.float32),
          pltpu.VMEM((3 * NB * D,), jnp.float32),
          pltpu.VMEM((32,), jnp.float32),
          pltpu.VMEM((3 * bpw,), jnp.float32),
          pltpu.VMEM((sub * D,), jnp.float32),
          pltpu.VMEM((sub * D,), jnp.float32),
          pltpu.SemaphoreType.DMA,
      ),
  )
  def k(item_id_h, genres_h, xs_h, bounds_h, table_h, gt_h, t3_h,
        iout_h, gout_h, cout_h,
        idx_a, idx_b, rows_v, gen_v, gt_v, t3_v, bnd_v, xs_v, gbuf, cbuf, sem):
    wid = lax.axis_index("s") * NC + lax.axis_index("c")
    base = wid * bpw

    pltpu.sync_copy(item_id_h.at[pl.ds(base, ig_chunk)], idx_a)
    cp_a = pltpu.async_copy(table_h.at[idx_a], rows_v, sem)
    pltpu.sync_copy(item_id_h.at[pl.ds(base + ig_chunk, ig_chunk)], idx_b)
    pltpu.sync_copy(genres_h.at[pl.ds(base * L, bpw * L)], gen_v)
    pltpu.sync_copy(gt_h, gt_v)
    pltpu.sync_copy(t3_h, t3_v)
    pltpu.sync_copy(bounds_h, bnd_v)
    for t in range(3):
      pltpu.sync_copy(xs_h.at[pl.ds(t * B + base, bpw)], xs_v.at[pl.ds(t * bpw, bpw)])

    zero = jnp.zeros((LANES,), jnp.float32)
    for j in range(D // LANES):
      gt_v[pl.ds(LANES * j, LANES)] = zero

    iota = lax.iota(jnp.int32, LANES)
    ba = bnd_v[pl.ds(0, LANES)]
    bb = bnd_v[pl.ds(LANES, LANES)]

    onev = jnp.ones((LANES,), jnp.float32)

    def row_body(i, sck):
      bi = sck * sub + i
      gbase = bi * L
      acc = [zero, zero, zero, zero]
      cntv = zero
      for l in range(L):
        gsp = plsc.load_gather(gen_v, [jnp.full((LANES,), gbase + l, jnp.int32)])
        cntv = cntv + jnp.where(gsp > 0, onev, zero)
        rb = gsp * D
        for j in range(D // LANES):
          acc[j] = acc[j] + plsc.load_gather(gt_v, [rb + (LANES * j) + iota])
      inv = onev / (cntv + jnp.float32(1e-8))
      for j in range(D // LANES):
        gbuf[pl.ds(i * D + LANES * j, LANES)] = acc[j] * inv
      cacc = [zero, zero, zero, zero]
      for t in range(3):
        xsp = plsc.load_gather(xs_v, [jnp.full((LANES,), t * bpw + bi, jnp.int32)])
        bidx = (plsc.all_reduce_population_count(ba < xsp)
                + plsc.all_reduce_population_count(bb < xsp))
        rb2 = bidx * D + (t * NB * D)
        for j in range(D // LANES):
          cacc[j] = cacc[j] + plsc.load_gather(t3_v, [rb2 + LANES * j + iota])
      for j in range(D // LANES):
        cbuf[pl.ds(i * D + LANES * j, LANES)] = cacc[j]
      return sck

    for sck in range(n_sub):
      lax.fori_loop(0, sub, row_body, sck)
      pltpu.sync_copy(gbuf, gout_h.at[pl.ds((base + sck * sub) * D, sub * D)])
      pltpu.sync_copy(cbuf, cout_h.at[pl.ds((base + sck * sub) * D, sub * D)])
      if sck == n_sub // 2 - 1:
        cp_a.wait()
        pltpu.sync_copy(rows_v, iout_h.at[pl.ds(base, ig_chunk)])
        cp_b = pltpu.async_copy(table_h.at[idx_b], rows_v, sem)
    cp_b.wait()
    pltpu.sync_copy(rows_v, iout_h.at[pl.ds(base + ig_chunk, ig_chunk)])

  return k(item_id, genres_flat, xs, bounds_pad, item_table, gt_flat, t3_flat)


def _mlp(i_emb, g_emb, c_emb, W1, bias3, W2, b2):
  B = i_emb.shape[0]
  blk = 2048

  def body(i_ref, g_ref, c_ref, w1_ref, bias_ref, w2_ref, b2_ref, o_ref):
    h = (jnp.dot(i_ref[...], w1_ref[0:D, :], preferred_element_type=jnp.float32)
         + jnp.dot(g_ref[...], w1_ref[D:2 * D, :], preferred_element_type=jnp.float32)
         + jnp.dot(c_ref[...], w1_ref[2 * D:3 * D, :], preferred_element_type=jnp.float32)
         + bias_ref[0:1, :])
    mu = jnp.mean(h, axis=1, keepdims=True)
    d = h - mu
    var = jnp.mean(d * d, axis=1, keepdims=True)
    hn = d * lax.rsqrt(var + 1e-5) * bias_ref[1:2, :] + bias_ref[2:3, :]
    hn = jnp.maximum(hn, 0.0)
    out = jnp.dot(hn, w2_ref[...], preferred_element_type=jnp.float32) + b2_ref[0:1, :]
    nrm = jnp.sqrt(jnp.sum(out * out, axis=1, keepdims=True))
    o_ref[...] = out / jnp.maximum(nrm, 1e-12)

  return pl.pallas_call(
      body,
      grid=(B // blk,),
      in_specs=[
          pl.BlockSpec((blk, D), lambda i: (i, 0)),
          pl.BlockSpec((blk, D), lambda i: (i, 0)),
          pl.BlockSpec((blk, D), lambda i: (i, 0)),
          pl.BlockSpec((3 * D, 2 * D), lambda i: (0, 0)),
          pl.BlockSpec((4, 2 * D), lambda i: (0, 0)),
          pl.BlockSpec((2 * D, D), lambda i: (0, 0)),
          pl.BlockSpec((1, D), lambda i: (0, 0)),
      ],
      out_specs=pl.BlockSpec((blk, D), lambda i: (i, 0)),
      out_shape=jax.ShapeDtypeStruct((B, D), jnp.float32),
  )(i_emb, g_emb, c_emb, W1, bias3, W2, b2)


def kernel(item_id, tmdb_genres, release_year, avg_rating, revenue,
           item_table, genre_table, ry_table, ar_table, rev_table, bounds,
           W1, b1, g1, be1, W2, b2):
  B = item_id.shape[0]
  genres_flat = tmdb_genres.reshape(-1).astype(jnp.int32)
  xs = jnp.concatenate([release_year, avg_rating, revenue])
  bounds_pad = jnp.concatenate(
      [bounds, jnp.full((32 - bounds.shape[0],), 2.0, jnp.float32)])
  gt_flat = genre_table.reshape(-1)
  t3_flat = jnp.concatenate(
      [ry_table.reshape(-1), ar_table.reshape(-1), rev_table.reshape(-1)])

  i_emb, g_flat, c_flat = _sc_embed(
      item_id.astype(jnp.int32), genres_flat, xs, bounds_pad,
      item_table, gt_flat, t3_flat)
  g_emb = g_flat.reshape(B, D)
  c_emb = c_flat.reshape(B, D)

  bias3 = jnp.concatenate(
      [b1[None, :], g1[None, :], be1[None, :],
       jnp.zeros((1, 2 * D), jnp.float32)], axis=0)
  return _mlp(i_emb, g_emb, c_emb, W1, bias3, W2, b2[None, :])

# --- scband reference (transcript-rebuilt; emitter-appended) ---
"""Pipeline reference for scband-item-tower-89455578841455 (READ-ONLY COPY).

The authoritative reference and input builder live on the scoring server;
editing this copy changes nothing except your own understanding.
"""

import jax, jax.numpy as jnp
import numpy as np

B = 16384
ITEM_V = 1000000
GENRE_V = 1000
L = 20
D = 64
NB = 20


def setup_inputs(seed: int = 0) -> dict:
    key = jax.random.key(seed)
    ks = jax.random.split(key, 16)
    item_id = jax.random.randint(ks[0], (B,), 0, ITEM_V)
    tmdb_genres = jax.random.randint(ks[1], (B, L), 0, GENRE_V)
    release_year = jax.random.uniform(ks[2], (B,), dtype=jnp.float32)
    avg_rating = jax.random.uniform(ks[3], (B,), dtype=jnp.float32)
    revenue = jax.random.uniform(ks[4], (B,), dtype=jnp.float32)
    item_table = jax.random.normal(ks[5], (ITEM_V, D), dtype=jnp.float32) * 0.02
    genre_table = jax.random.normal(ks[6], (GENRE_V, D), dtype=jnp.float32) * 0.02
    ry_table = jax.random.normal(ks[7], (NB, D), dtype=jnp.float32) * 0.02
    ar_table = jax.random.normal(ks[8], (NB, D), dtype=jnp.float32) * 0.02
    rev_table = jax.random.normal(ks[9], (NB, D), dtype=jnp.float32) * 0.02
    bounds = jnp.linspace(0.0, 1.0, NB + 1)[1:-1].astype(jnp.float32)
    W1 = jax.random.normal(ks[10], (3 * D, 2 * D), dtype=jnp.float32) * 0.05
    b1 = jnp.zeros((2 * D,), dtype=jnp.float32)
    g1 = jnp.ones((2 * D,), dtype=jnp.float32)
    be1 = jnp.zeros((2 * D,), dtype=jnp.float32)
    W2 = jax.random.normal(ks[11], (2 * D, D), dtype=jnp.float32) * 0.05
    b2 = jnp.zeros((D,), dtype=jnp.float32)
    return {"item_id": item_id, "tmdb_genres": tmdb_genres, "release_year": release_year,
            "avg_rating": avg_rating, "revenue": revenue, "item_table": item_table,
            "genre_table": genre_table, "ry_table": ry_table, "ar_table": ar_table,
            "rev_table": rev_table, "bounds": bounds, "W1": W1, "b1": b1, "g1": g1,
            "be1": be1, "W2": W2, "b2": b2}


def reference(item_id, tmdb_genres, release_year, avg_rating, revenue,
              item_table, genre_table, ry_table, ar_table, rev_table, bounds,
              W1, b1, g1, be1, W2, b2):
    # embedding lookups
    i_emb = jnp.take(item_table, item_id, axis=0)            # [B, D]
    g_emb = jnp.take(genre_table, tmdb_genres, axis=0)       # [B, L, D]
    g_mask = (tmdb_genres > 0).astype(jnp.float32)[..., None]
    g_emb = (g_emb * g_mask).sum(axis=1) / (g_mask.sum(axis=1) + 1e-8)
    # bucketize (torch.bucketize right=False == searchsorted side='left')
    ry_idx = jnp.searchsorted(bounds, release_year, side='left')
    ar_idx = jnp.searchsorted(bounds, avg_rating, side='left')
    rev_idx = jnp.searchsorted(bounds, revenue, side='left')
    cont_emb = jnp.take(ry_table, ry_idx, axis=0) + jnp.take(ar_table, ar_idx, axis=0) + jnp.take(rev_table, rev_idx, axis=0)
    x = jnp.concatenate([i_emb, g_emb, cont_emb], axis=1)    # [B, 3D]
    # MLP: Linear -> LayerNorm -> ReLU -> (Dropout eval=identity) -> Linear
    h = x @ W1 + b1
    mu = h.mean(axis=-1, keepdims=True)
    var = ((h - mu) ** 2).mean(axis=-1, keepdims=True)
    h = (h - mu) / jnp.sqrt(var + 1e-5) * g1 + be1
    h = jax.nn.relu(h)
    out = h @ W2 + b2
    norm = jnp.sqrt(jnp.sum(out * out, axis=1, keepdims=True))
    return out / jnp.maximum(norm, 1e-12)

if __name__ == "__main__":
    import jax
    _d = setup_inputs()
    print(jax.jit(kernel)(*tuple(_d.values())))

</pallas_src>

<mosaic_0001>
#map = affine_map<(d0, d1) -> (0)>
#map1 = affine_map<(d0, d1) -> (0, 0)>
module attributes {stable_mosaic.version = 14 : i64} {
  func.func @k(%arg0: i32, %arg1: i32, %arg2: memref<16384xi32, #tpu.memory_space<hbm>>, %arg3: memref<327680xi32, #tpu.memory_space<hbm>>, %arg4: memref<49152xf32, #tpu.memory_space<hbm>>, %arg5: memref<32xf32, #tpu.memory_space<hbm>>, %arg6: memref<1000000x64xf32, #tpu.memory_space<hbm>>, %arg7: memref<64000xf32, #tpu.memory_space<hbm>>, %arg8: memref<3840xf32, #tpu.memory_space<hbm>>, %arg9: memref<16384x64xf32, #tpu.memory_space<hbm>>, %arg10: memref<1048576xf32, #tpu.memory_space<hbm>>, %arg11: memref<1048576xf32, #tpu.memory_space<hbm>>, %arg12: memref<256xi32, #tpu.memory_space<vmem>>, %arg13: memref<256xi32, #tpu.memory_space<vmem>>, %arg14: memref<256x64xf32, #tpu.memory_space<vmem>>, %arg15: memref<10240xi32, #tpu.memory_space<vmem>>, %arg16: memref<64000xf32, #tpu.memory_space<vmem>>, %arg17: memref<3840xf32, #tpu.memory_space<vmem>>, %arg18: memref<32xf32, #tpu.memory_space<vmem>>, %arg19: memref<1536xf32, #tpu.memory_space<vmem>>, %arg20: memref<8192xf32, #tpu.memory_space<vmem>>, %arg21: memref<8192xf32, #tpu.memory_space<vmem>>, %arg22: memref<!tpu.dma_semaphore, #tpu.memory_space<semaphore_mem>>) attributes {dimension_semantics = [#tpu.dimension_semantics<core_parallel>, #tpu.dimension_semantics<subcore_parallel>], iteration_bounds = array<i64: 2, 16>, scalar_prefetch = 0 : i64, scratch_operands = 11 : i64, tpu.core_type = #tpu.core_type<sc_vector_subcore>, window_params = [{transform_indices = #map}, {transform_indices = #map}, {transform_indices = #map}, {transform_indices = #map}, {transform_indices = #map1}, {transform_indices = #map}, {transform_indices = #map}, {transform_indices = #map1}, {transform_indices = #map}, {transform_indices = #map}]} {
    %mul3A = arith.constant 2 : i32
    %mul3A_0 = arith.muli %arg1, %mul3A : i32
    %add3A = arith.addi %mul3A_0, %arg0 : i32
    %mul3A_1 = arith.constant 512 : i32
    %mul3A_2 = arith.muli %add3A, %mul3A_1 : i32
    "tpu.region"() ({
      %run_scoped3A = tpu.sem_alloc : memref<!tpu.dma_semaphore, #tpu.memory_space<semaphore_mem>>
      %dma_start3A_93 = tpu.memref_slice %arg2[%mul3A_2] : memref<16384xi32, #tpu.memory_space<hbm>> -> memref<256xi32, #tpu.memory_space<hbm>>
      %dma_start3A_94 = tpu.memref_slice %arg2[%mul3A_2] : memref<16384xi32, #tpu.memory_space<hbm>> -> memref<256xi32, #tpu.memory_space<hbm>>
      tpu.enqueue_dma source(%dma_start3A_94 : memref<256xi32, #tpu.memory_space<hbm>>) target(%arg12 : memref<256xi32, #tpu.memory_space<vmem>>) target_semaphore(%run_scoped3A : memref<!tpu.dma_semaphore, #tpu.memory_space<semaphore_mem>>)
      %dma_wait3A_95 = tpu.memref_slice %arg2[%mul3A_2] : memref<16384xi32, #tpu.memory_space<hbm>> -> memref<256xi32, #tpu.memory_space<hbm>>
      %dma_wait3A_96 = tpu.memref_slice %arg2[%mul3A_2] : memref<16384xi32, #tpu.memory_space<hbm>> -> memref<256xi32, #tpu.memory_space<hbm>>
      tpu.wait_dma2 semaphore(%run_scoped3A : memref<!tpu.dma_semaphore, #tpu.memory_space<semaphore_mem>>) src(%dma_wait3A_96 : memref<256xi32, #tpu.memory_space<hbm>>) dst(%arg12 : memref<256xi32, #tpu.memory_space<vmem>>)
      tpu.yield
    }) : () -> ()
    %dma_start3A = arith.constant 0 : i32
    %dma_start3A_3 = arith.constant 0 : i32
    %dma_start3A_4 = tpu.memref_slice %arg6[%dma_start3A, %dma_start3A_3] : memref<1000000x64xf32, #tpu.memory_space<hbm>> -> memref<1000000x64xf32, #tpu.memory_space<hbm>>
    tpu.enqueue_indirect_dma source(%dma_start3A_4 : memref<1000000x64xf32, #tpu.memory_space<hbm>>) target(%arg14 : memref<256x64xf32, #tpu.memory_space<vmem>>) offsets(%arg12 : memref<256xi32, #tpu.memory_space<vmem>>) semaphore(%arg22 : memref<!tpu.dma_semaphore, #tpu.memory_space<semaphore_mem>>)
    %add3A_5 = arith.constant 256 : i32
    %add3A_6 = arith.addi %mul3A_2, %add3A_5 : i32
    "tpu.region"() ({
      %run_scoped3A = tpu.sem_alloc : memref<!tpu.dma_semaphore, #tpu.memory_space<semaphore_mem>>
      %dma_start3A_93 = tpu.memref_slice %arg2[%add3A_6] : memref<16384xi32, #tpu.memory_space<hbm>> -> memref<256xi32, #tpu.memory_space<hbm>>
      %dma_start3A_94 = tpu.memref_slice %arg2[%add3A_6] : memref<16384xi32, #tpu.memory_space<hbm>> -> memref<256xi32, #tpu.memory_space<hbm>>
      tpu.enqueue_dma source(%dma_start3A_94 : memref<256xi32, #tpu.memory_space<hbm>>) target(%arg13 : memref<256xi32, #tpu.memory_space<vmem>>) target_semaphore(%run_scoped3A : memref<!tpu.dma_semaphore, #tpu.memory_space<semaphore_mem>>)
      %dma_wait3A_95 = tpu.memref_slice %arg2[%add3A_6] : memref<16384xi32, #tpu.memory_space<hbm>> -> memref<256xi32, #tpu.memory_space<hbm>>
      %dma_wait3A_96 = tpu.memref_slice %arg2[%add3A_6] : memref<16384xi32, #tpu.memory_space<hbm>> -> memref<256xi32, #tpu.memory_space<hbm>>
      tpu.wait_dma2 semaphore(%run_scoped3A : memref<!tpu.dma_semaphore, #tpu.memory_space<semaphore_mem>>) src(%dma_wait3A_96 : memref<256xi32, #tpu.memory_space<hbm>>) dst(%arg13 : memref<256xi32, #tpu.memory_space<vmem>>)
      tpu.yield
    }) : () -> ()
    %mul3A_7 = arith.constant 20 : i32
    %mul3A_8 = arith.muli %mul3A_2, %mul3A_7 : i32
    "tpu.region"() ({
      %run_scoped3A = tpu.sem_alloc : memref<!tpu.dma_semaphore, #tpu.memory_space<semaphore_mem>>
      %dma_start3A_93 = tpu.memref_slice %arg3[%mul3A_8] : memref<327680xi32, #tpu.memory_space<hbm>> -> memref<10240xi32, #tpu.memory_space<hbm>>
      %dma_start3A_94 = tpu.memref_slice %arg3[%mul3A_8] : memref<327680xi32, #tpu.memory_space<hbm>> -> memref<10240xi32, #tpu.memory_space<hbm>>
      tpu.enqueue_dma source(%dma_start3A_94 : memref<10240xi32, #tpu.memory_space<hbm>>) target(%arg15 : memref<10240xi32, #tpu.memory_space<vmem>>) target_semaphore(%run_scoped3A : memref<!tpu.dma_semaphore, #tpu.memory_space<semaphore_mem>>)
      %dma_wait3A_95 = tpu.memref_slice %arg3[%mul3A_8] : memref<327680xi32, #tpu.memory_space<hbm>> -> memref<10240xi32, #tpu.memory_space<hbm>>
      %dma_wait3A_96 = tpu.memref_slice %arg3[%mul3A_8] : memref<327680xi32, #tpu.memory_space<hbm>> -> memref<10240xi32, #tpu.memory_space<hbm>>
      tpu.wait_dma2 semaphore(%run_scoped3A : memref<!tpu.dma_semaphore, #tpu.memory_space<semaphore_mem>>) src(%dma_wait3A_96 : memref<10240xi32, #tpu.memory_space<hbm>>) dst(%arg15 : memref<10240xi32, #tpu.memory_space<vmem>>)
      tpu.yield
    }) : () -> ()
    "tpu.region"() ({
      %run_scoped3A = tpu.sem_alloc : memref<!tpu.dma_semaphore, #tpu.memory_space<semaphore_mem>>
      tpu.enqueue_dma source(%arg7 : memref<64000xf32, #tpu.memory_space<hbm>>) target(%arg16 : memref<64000xf32, #tpu.memory_space<vmem>>) target_semaphore(%run_scoped3A : memref<!tpu.dma_semaphore, #tpu.memory_space<semaphore_mem>>)
      tpu.wait_dma2 semaphore(%run_scoped3A : memref<!tpu.dma_semaphore, #tpu.memory_space<semaphore_mem>>) src(%arg7 : memref<64000xf32, #tpu.memory_space<hbm>>) dst(%arg16 : memref<64000xf32, #tpu.memory_space<vmem>>)
      tpu.yield
    }) : () -> ()
    "tpu.region"() ({
      %run_scoped3A = tpu.sem_alloc : memref<!tpu.dma_semaphore, #tpu.memory_space<semaphore_mem>>
      tpu.enqueue_dma source(%arg8 : memref<3840xf32, #tpu.memory_space<hbm>>) target(%arg17 : memref<3840xf32, #tpu.memory_space<vmem>>) target_semaphore(%run_scoped3A : memref<!tpu.dma_semaphore, #tpu.memory_space<semaphore_mem>>)
      tpu.wait_dma2 semaphore(%run_scoped3A : memref<!tpu.dma_semaphore, #tpu.memory_space<semaphore_mem>>) src(%arg8 : memref<3840xf32, #tpu.memory_space<hbm>>) dst(%arg17 : memref<3840xf32, #tpu.memory_space<vmem>>)
      tpu.yield
    }) : () -> ()
    "tpu.region"() ({
      %run_scoped3A = tpu.sem_alloc : memref<!tpu.dma_semaphore, #tpu.memory_space<semaphore_mem>>
      tpu.enqueue_dma source(%arg5 : memref<32xf32, #tpu.memory_space<hbm>>) target(%arg18 : memref<32xf32, #tpu.memory_space<vmem>>) target_semaphore(%run_scoped3A : memref<!tpu.dma_semaphore, #tpu.memory_space<semaphore_mem>>)
      tpu.wait_dma2 semaphore(%run_scoped3A : memref<!tpu.dma_semaphore, #tpu.memory_space<semaphore_mem>>) src(%arg5 : memref<32xf32, #tpu.memory_space<hbm>>) dst(%arg18 : memref<32xf32, #tpu.memory_space<vmem>>)
      tpu.yield
    }) : () -> ()
    %add3A_9 = arith.constant 0 : i32
    %add3A_10 = arith.addi %add3A_9, %mul3A_2 : i32
    "tpu.region"() ({
      %run_scoped3A = tpu.sem_alloc : memref<!tpu.dma_semaphore, #tpu.memory_space<semaphore_mem>>
      %dma_start3A_93 = arith.constant 0 : i32
      %dma_start3A_94 = tpu.memref_slice %arg19[%dma_start3A_93] : memref<1536xf32, #tpu.memory_space<vmem>> -> memref<512xf32, #tpu.memory_space<vmem>>
      %dma_start3A_95 = tpu.memref_slice %arg4[%add3A_10] : memref<49152xf32, #tpu.memory_space<hbm>> -> memref<512xf32, #tpu.memory_space<hbm>>
      %dma_start3A_96 = arith.constant 0 : i32
      %dma_start3A_97 = tpu.memref_slice %arg19[%dma_start3A_96] : memref<1536xf32, #tpu.memory_space<vmem>> -> memref<512xf32, #tpu.memory_space<vmem>>
      %dma_start3A_98 = tpu.memref_slice %arg4[%add3A_10] : memref<49152xf32, #tpu.memory_space<hbm>> -> memref<512xf32, #tpu.memory_space<hbm>>
      tpu.enqueue_dma source(%dma_start3A_98 : memref<512xf32, #tpu.memory_space<hbm>>) target(%dma_start3A_97 : memref<512xf32, #tpu.memory_space<vmem>>) target_semaphore(%run_scoped3A : memref<!tpu.dma_semaphore, #tpu.memory_space<semaphore_mem>>)
      %dma_wait3A_99 = arith.constant 0 : i32
      %dma_wait3A_100 = tpu.memref_slice %arg19[%dma_wait3A_99] : memref<1536xf32, #tpu.memory_space<vmem>> -> memref<512xf32, #tpu.memory_space<vmem>>
      %dma_wait3A_101 = tpu.memref_slice %arg4[%add3A_10] : memref<49152xf32, #tpu.memory_space<hbm>> -> memref<512xf32, #tpu.memory_space<hbm>>
      %dma_wait3A_102 = arith.constant 0 : i32
      %dma_wait3A_103 = tpu.memref_slice %arg19[%dma_wait3A_102] : memref<1536xf32, #tpu.memory_space<vmem>> -> memref<512xf32, #tpu.memory_space<vmem>>
      %dma_wait3A_104 = tpu.memref_slice %arg4[%add3A_10] : memref<49152xf32, #tpu.memory_space<hbm>> -> memref<512xf32, #tpu.memory_space<hbm>>
      tpu.wait_dma2 semaphore(%run_scoped3A : memref<!tpu.dma_semaphore, #tpu.memory_space<semaphore_mem>>) src(%dma_wait3A_104 : memref<512xf32, #tpu.memory_space<hbm>>) dst(%dma_wait3A_103 : memref<512xf32, #tpu.memory_space<vmem>>)
      tpu.yield
    }) : () -> ()
    %add3A_11 = arith.constant 16384 : i32
    %add3A_12 = arith.addi %add3A_11, %mul3A_2 : i32
    "tpu.region"() ({
      %run_scoped3A = tpu.sem_alloc : memref<!tpu.dma_semaphore, #tpu.memory_space<semaphore_mem>>
      %dma_start3A_93 = arith.constant 512 : i32
      %dma_start3A_94 = tpu.memref_slice %arg19[%dma_start3A_93] : memref<1536xf32, #tpu.memory_space<vmem>> -> memref<512xf32, #tpu.memory_space<vmem>>
      %dma_start3A_95 = tpu.memref_slice %arg4[%add3A_12] : memref<49152xf32, #tpu.memory_space<hbm>> -> memref<512xf32, #tpu.memory_space<hbm>>
      %dma_start3A_96 = arith.constant 512 : i32
      %dma_start3A_97 = tpu.memref_slice %arg19[%dma_start3A_96] : memref<1536xf32, #tpu.memory_space<vmem>> -> memref<512xf32, #tpu.memory_space<vmem>>
      %dma_start3A_98 = tpu.memref_slice %arg4[%add3A_12] : memref<49152xf32, #tpu.memory_space<hbm>> -> memref<512xf32, #tpu.memory_space<hbm>>
      tpu.enqueue_dma source(%dma_start3A_98 : memref<512xf32, #tpu.memory_space<hbm>>) target(%dma_start3A_97 : memref<512xf32, #tpu.memory_space<vmem>>) target_semaphore(%run_scoped3A : memref<!tpu.dma_semaphore, #tpu.memory_space<semaphore_mem>>)
      %dma_wait3A_99 = arith.constant 512 : i32
      %dma_wait3A_100 = tpu.memref_slice %arg19[%dma_wait3A_99] : memref<1536xf32, #tpu.memory_space<vmem>> -> memref<512xf32, #tpu.memory_space<vmem>>
      %dma_wait3A_101 = tpu.memref_slice %arg4[%add3A_12] : memref<49152xf32, #tpu.memory_space<hbm>> -> memref<512xf32, #tpu.memory_space<hbm>>
      %dma_wait3A_102 = arith.constant 512 : i32
      %dma_wait3A_103 = tpu.memref_slice %arg19[%dma_wait3A_102] : memref<1536xf32, #tpu.memory_space<vmem>> -> memref<512xf32, #tpu.memory_space<vmem>>
      %dma_wait3A_104 = tpu.memref_slice %arg4[%add3A_12] : memref<49152xf32, #tpu.memory_space<hbm>> -> memref<512xf32, #tpu.memory_space<hbm>>
      tpu.wait_dma2 semaphore(%run_scoped3A : memref<!tpu.dma_semaphore, #tpu.memory_space<semaphore_mem>>) src(%dma_wait3A_104 : memref<512xf32, #tpu.memory_space<hbm>>) dst(%dma_wait3A_103 : memref<512xf32, #tpu.memory_space<vmem>>)
      tpu.yield
    }) : () -> ()
    %add3A_13 = arith.constant 32768 : i32
    %add3A_14 = arith.addi %add3A_13, %mul3A_2 : i32
    "tpu.region"() ({
      %run_scoped3A = tpu.sem_alloc : memref<!tpu.dma_semaphore, #tpu.memory_space<semaphore_mem>>
      %dma_start3A_93 = arith.constant 1024 : i32
      %dma_start3A_94 = tpu.memref_slice %arg19[%dma_start3A_93] : memref<1536xf32, #tpu.memory_space<vmem>> -> memref<512xf32, #tpu.memory_space<vmem>>
      %dma_start3A_95 = tpu.memref_slice %arg4[%add3A_14] : memref<49152xf32, #tpu.memory_space<hbm>> -> memref<512xf32, #tpu.memory_space<hbm>>
      %dma_start3A_96 = arith.constant 1024 : i32
      %dma_start3A_97 = tpu.memref_slice %arg19[%dma_start3A_96] : memref<1536xf32, #tpu.memory_space<vmem>> -> memref<512xf32, #tpu.memory_space<vmem>>
      %dma_start3A_98 = tpu.memref_slice %arg4[%add3A_14] : memref<49152xf32, #tpu.memory_space<hbm>> -> memref<512xf32, #tpu.memory_space<hbm>>
      tpu.enqueue_dma source(%dma_start3A_98 : memref<512xf32, #tpu.memory_space<hbm>>) target(%dma_start3A_97 : memref<512xf32, #tpu.memory_space<vmem>>) target_semaphore(%run_scoped3A : memref<!tpu.dma_semaphore, #tpu.memory_space<semaphore_mem>>)
      %dma_wait3A_99 = arith.constant 1024 : i32
      %dma_wait3A_100 = tpu.memref_slice %arg19[%dma_wait3A_99] : memref<1536xf32, #tpu.memory_space<vmem>> -> memref<512xf32, #tpu.memory_space<vmem>>
      %dma_wait3A_101 = tpu.memref_slice %arg4[%add3A_14] : memref<49152xf32, #tpu.memory_space<hbm>> -> memref<512xf32, #tpu.memory_space<hbm>>
      %dma_wait3A_102 = arith.constant 1024 : i32
      %dma_wait3A_103 = tpu.memref_slice %arg19[%dma_wait3A_102] : memref<1536xf32, #tpu.memory_space<vmem>> -> memref<512xf32, #tpu.memory_space<vmem>>
      %dma_wait3A_104 = tpu.memref_slice %arg4[%add3A_14] : memref<49152xf32, #tpu.memory_space<hbm>> -> memref<512xf32, #tpu.memory_space<hbm>>
      tpu.wait_dma2 semaphore(%run_scoped3A : memref<!tpu.dma_semaphore, #tpu.memory_space<semaphore_mem>>) src(%dma_wait3A_104 : memref<512xf32, #tpu.memory_space<hbm>>) dst(%dma_wait3A_103 : memref<512xf32, #tpu.memory_space<vmem>>)
      tpu.yield
    }) : () -> ()
    %broadcast_in_dim3A = arith.constant 0.000000e+00 : f32
    %broadcast_in_dim3A_15 = vector.broadcast %broadcast_in_dim3A : f32 to vector<16xf32>
    %swap3A = arith.constant 0 : index
    %swap3A_16 = tpu.vector_load %arg16[%swap3A] {strides = array<i32>} : memref<64000xf32, #tpu.memory_space<vmem>>, vector<16xf32>,
    tpu.vector_store %arg16[%swap3A], %broadcast_in_dim3A_15 {strides = array<i32>} : memref<64000xf32, #tpu.memory_space<vmem>>, vector<16xf32>,
    %swap3A_17 = arith.constant 16 : index
    %swap3A_18 = tpu.vector_load %arg16[%swap3A_17] {strides = array<i32>} : memref<64000xf32, #tpu.memory_space<vmem>>, vector<16xf32>,
    tpu.vector_store %arg16[%swap3A_17], %broadcast_in_dim3A_15 {strides = array<i32>} : memref<64000xf32, #tpu.memory_space<vmem>>, vector<16xf32>,
    %swap3A_19 = arith.constant 32 : index
    %swap3A_20 = tpu.vector_load %arg16[%swap3A_19] {strides = array<i32>} : memref<64000xf32, #tpu.memory_space<vmem>>, vector<16xf32>,
    tpu.vector_store %arg16[%swap3A_19], %broadcast_in_dim3A_15 {strides = array<i32>} : memref<64000xf32, #tpu.memory_space<vmem>>, vector<16xf32>,
    %swap3A_21 = arith.constant 48 : index
    %swap3A_22 = tpu.vector_load %arg16[%swap3A_21] {strides = array<i32>} : memref<64000xf32, #tpu.memory_space<vmem>>, vector<16xf32>,
    tpu.vector_store %arg16[%swap3A_21], %broadcast_in_dim3A_15 {strides = array<i32>} : memref<64000xf32, #tpu.memory_space<vmem>>, vector<16xf32>,
    %iota3A = tpu.iota {dimensions = array<i32: 0>} : vector<16xi32>
    %get3A = arith.constant 0 : index
    %get3A_23 = tpu.vector_load %arg18[%get3A] {strides = array<i32>} : memref<32xf32, #tpu.memory_space<vmem>>, vector<16xf32>,
    %get3A_24 = arith.constant 16 : index
    %get3A_25 = tpu.vector_load %arg18[%get3A_24] {strides = array<i32>} : memref<32xf32, #tpu.memory_space<vmem>>, vector<16xf32>,
    %broadcast_in_dim3A_26 = arith.constant 1.000000e+00 : f32
    %broadcast_in_dim3A_27 = vector.broadcast %broadcast_in_dim3A_26 : f32 to vector<16xf32>
    %scan3A = arith.constant 0 : i32
    %scan3A_28 = arith.constant 0 : i32
    %scan3A_29 = arith.constant 128 : i32
    %scan3A_30 = arith.addi %scan3A_28, %scan3A_29 : i32
    %scan3A_31 = arith.constant 1 : i32
    scf.for %scan3A_93 = %scan3A_28 to %scan3A_30 step %scan3A_31  : i32 {
      %mul3A_94 = arith.constant 128 : i32
      %mul3A_95 = arith.muli %scan3A, %mul3A_94 : i32
      %add3A_96 = arith.addi %mul3A_95, %scan3A_93 : i32
      %mul3A_97 = arith.constant 20 : i32
      %mul3A_98 = arith.muli %add3A_96, %mul3A_97 : i32
      %add3A_99 = arith.constant 0 : i32
      %add3A_100 = arith.addi %mul3A_98, %add3A_99 : i32
      %broadcast_in_dim3A_101 = vector.broadcast %add3A_100 : i32 to vector<16xi32>
      %gather3A = tpu.vector_load_idx %arg15[%broadcast_in_dim3A_101] : memref<10240xi32, #tpu.memory_space<vmem>>[vector<16xi32>], vector<16xi32>,
      %gt3A = arith.constant 0 : i32
      %gt3A_102 = vector.broadcast %gt3A : i32 to vector<16xi32>
      %gt3A_103 = arith.cmpi sgt, %gather3A, %gt3A_102 : vector<16xi32>
      %select_n3A = arith.select %gt3A_103, %broadcast_in_dim3A_27, %broadcast_in_dim3A_15 : vector<16xi1>, vector<16xf32>
      %add3A_104 = arith.addf %broadcast_in_dim3A_15, %select_n3A : vector<16xf32>
      %mul3A_105 = arith.constant 64 : i32
      %mul3A_106 = vector.broadcast %mul3A_105 : i32 to vector<16xi32>
      %mul3A_107 = arith.muli %gather3A, %mul3A_106 : vector<16xi32>
      %add3A_108 = arith.constant 0 : i32
      %add3A_109 = vector.broadcast %add3A_108 : i32 to vector<16xi32>
      %add3A_110 = arith.addi %mul3A_107, %add3A_109 : vector<16xi32>
      %add3A_111 = arith.addi %add3A_110, %iota3A : vector<16xi32>
      %gather3A_112 = tpu.vector_load_idx %arg16[%add3A_111] : memref<64000xf32, #tpu.memory_space<vmem>>[vector<16xi32>], vector<16xf32>,
      %add3A_113 = arith.addf %broadcast_in_dim3A_15, %gather3A_112 : vector<16xf32>
      %add3A_114 = arith.constant 16 : i32
      %add3A_115 = vector.broadcast %add3A_114 : i32 to vector<16xi32>
      %add3A_116 = arith.addi %mul3A_107, %add3A_115 : vector<16xi32>
      %add3A_117 = arith.addi %add3A_116, %iota3A : vector<16xi32>
      %gather3A_118 = tpu.vector_load_idx %arg16[%add3A_117] : memref<64000xf32, #tpu.memory_space<vmem>>[vector<16xi32>], vector<16xf32>,
      %add3A_119 = arith.addf %broadcast_in_dim3A_15, %gather3A_118 : vector<16xf32>
      %add3A_120 = arith.constant 32 : i32
      %add3A_121 = vector.broadcast %add3A_120 : i32 to vector<16xi32>
      %add3A_122 = arith.addi %mul3A_107, %add3A_121 : vector<16xi32>
      %add3A_123 = arith.addi %add3A_122, %iota3A : vector<16xi32>
      %gather3A_124 = tpu.vector_load_idx %arg16[%add3A_123] : memref<64000xf32, #tpu.memory_space<vmem>>[vector<16xi32>], vector<16xf32>,
      %add3A_125 = arith.addf %broadcast_in_dim3A_15, %gather3A_124 : vector<16xf32>
      %add3A_126 = arith.constant 48 : i32
      %add3A_127 = vector.broadcast %add3A_126 : i32 to vector<16xi32>
      %add3A_128 = arith.addi %mul3A_107, %add3A_127 : vector<16xi32>
      %add3A_129 = arith.addi %add3A_128, %iota3A : vector<16xi32>
      %gather3A_130 = tpu.vector_load_idx %arg16[%add3A_129] : memref<64000xf32, #tpu.memory_space<vmem>>[vector<16xi32>], vector<16xf32>,
      %add3A_131 = arith.addf %broadcast_in_dim3A_15, %gather3A_130 : vector<16xf32>
      %add3A_132 = arith.constant 1 : i32
      %add3A_133 = arith.addi %mul3A_98, %add3A_132 : i32
      %broadcast_in_dim3A_134 = vector.broadcast %add3A_133 : i32 to vector<16xi32>
      %gather3A_135 = tpu.vector_load_idx %arg15[%broadcast_in_dim3A_134] : memref<10240xi32, #tpu.memory_space<vmem>>[vector<16xi32>], vector<16xi32>,
      %gt3A_136 = arith.constant 0 : i32
      %gt3A_137 = vector.broadcast %gt3A_136 : i32 to vector<16xi32>
      %gt3A_138 = arith.cmpi sgt, %gather3A_135, %gt3A_137 : vector<16xi32>
      %select_n3A_139 = arith.select %gt3A_138, %broadcast_in_dim3A_27, %broadcast_in_dim3A_15 : vector<16xi1>, vector<16xf32>
      %add3A_140 = arith.addf %add3A_104, %select_n3A_139 : vector<16xf32>
      %mul3A_141 = arith.constant 64 : i32
      %mul3A_142 = vector.broadcast %mul3A_141 : i32 to vector<16xi32>
      %mul3A_143 = arith.muli %gather3A_135, %mul3A_142 : vector<16xi32>
      %add3A_144 = arith.constant 0 : i32
      %add3A_145 = vector.broadcast %add3A_144 : i32 to vector<16xi32>
      %add3A_146 = arith.addi %mul3A_143, %add3A_145 : vector<16xi32>
      %add3A_147 = arith.addi %add3A_146, %iota3A : vector<16xi32>
      %gather3A_148 = tpu.vector_load_idx %arg16[%add3A_147] : memref<64000xf32, #tpu.memory_space<vmem>>[vector<16xi32>], vector<16xf32>,
      %add3A_149 = arith.addf %add3A_113, %gather3A_148 : vector<16xf32>
      %add3A_150 = arith.constant 16 : i32
      %add3A_151 = vector.broadcast %add3A_150 : i32 to vector<16xi32>
      %add3A_152 = arith.addi %mul3A_143, %add3A_151 : vector<16xi32>
      %add3A_153 = arith.addi %add3A_152, %iota3A : vector<16xi32>
      %gather3A_154 = tpu.vector_load_idx %arg16[%add3A_153] : memref<64000xf32, #tpu.memory_space<vmem>>[vector<16xi32>], vector<16xf32>,
      %add3A_155 = arith.addf %add3A_119, %gather3A_154 : vector<16xf32>
      %add3A_156 = arith.constant 32 : i32
      %add3A_157 = vector.broadcast %add3A_156 : i32 to vector<16xi32>
      %add3A_158 = arith.addi %mul3A_143, %add3A_157 : vector<16xi32>
      %add3A_159 = arith.addi %add3A_158, %iota3A : vector<16xi32>
      %gather3A_160 = tpu.vector_load_idx %arg16[%add3A_159] : memref<64000xf32, #tpu.memory_space<vmem>>[vector<16xi32>], vector<16xf32>,
      %add3A_161 = arith.addf %add3A_125, %gather3A_160 : vector<16xf32>
      %add3A_162 = arith.constant 48 : i32
      %add3A_163 = vector.broadcast %add3A_162 : i32 to vector<16xi32>
      %add3A_164 = arith.addi %mul3A_143, %add3A_163 : vector<16xi32>
      %add3A_165 = arith.addi %add3A_164, %iota3A : vector<16xi32>
      %gather3A_166 = tpu.vector_load_idx %arg16[%add3A_165] : memref<64000xf32, #tpu.memory_space<vmem>>[vector<16xi32>], vector<16xf32>,
      %add3A_167 = arith.addf %add3A_131, %gather3A_166 : vector<16xf32>
      %add3A_168 = arith.constant 2 : i32
      %add3A_169 = arith.addi %mul3A_98, %add3A_168 : i32
      %broadcast_in_dim3A_170 = vector.broadcast %add3A_169 : i32 to vector<16xi32>
      %gather3A_171 = tpu.vector_load_idx %arg15[%broadcast_in_dim3A_170] : memref<10240xi32, #tpu.memory_space<vmem>>[vector<16xi32>], vector<16xi32>,
      %gt3A_172 = arith.constant 0 : i32
      %gt3A_173 = vector.broadcast %gt3A_172 : i32 to vector<16xi32>
      %gt3A_174 = arith.cmpi sgt, %gather3A_171, %gt3A_173 : vector<16xi32>
      %select_n3A_175 = arith.select %gt3A_174, %broadcast_in_dim3A_27, %broadcast_in_dim3A_15 : vector<16xi1>, vector<16xf32>
      %add3A_176 = arith.addf %add3A_140, %select_n3A_175 : vector<16xf32>
      %mul3A_177 = arith.constant 64 : i32
      %mul3A_178 = vector.broadcast %mul3A_177 : i32 to vector<16xi32>
      %mul3A_179 = arith.muli %gather3A_171, %mul3A_178 : vector<16xi32>
      %add3A_180 = arith.constant 0 : i32
      %add3A_181 = vector.broadcast %add3A_180 : i32 to vector<16xi32>
      %add3A_182 = arith.addi %mul3A_179, %add3A_181 : vector<16xi32>
      %add3A_183 = arith.addi %add3A_182, %iota3A : vector<16xi32>
      %gather3A_184 = tpu.vector_load_idx %arg16[%add3A_183] : memref<64000xf32, #tpu.memory_space<vmem>>[vector<16xi32>], vector<16xf32>,
      %add3A_185 = arith.addf %add3A_149, %gather3A_184 : vector<16xf32>
      %add3A_186 = arith.constant 16 : i32
      %add3A_187 = vector.broadcast %add3A_186 : i32 to vector<16xi32>
      %add3A_188 = arith.addi %mul3A_179, %add3A_187 : vector<16xi32>
      %add3A_189 = arith.addi %add3A_188, %iota3A : vector<16xi32>
      %gather3A_190 = tpu.vector_load_idx %arg16[%add3A_189] : memref<64000xf32, #tpu.memory_space<vmem>>[vector<16xi32>], vector<16xf32>,
      %add3A_191 = arith.addf %add3A_155, %gather3A_190 : vector<16xf32>
      %add3A_192 = arith.constant 32 : i32
      %add3A_193 = vector.broadcast %add3A_192 : i32 to vector<16xi32>
      %add3A_194 = arith.addi %mul3A_179, %add3A_193 : vector<16xi32>
      %add3A_195 = arith.addi %add3A_194, %iota3A : vector<16xi32>
      %gather3A_196 = tpu.vector_load_idx %arg16[%add3A_195] : memref<64000xf32, #tpu.memory_space<vmem>>[vector<16xi32>], vector<16xf32>,
      %add3A_197 = arith.addf %add3A_161, %gather3A_196 : vector<16xf32>
      %add3A_198 = arith.constant 48 : i32
      %add3A_199 = vector.broadcast %add3A_198 : i32 to vector<16xi32>
      %add3A_200 = arith.addi %mul3A_179, %add3A_199 : vector<16xi32>
      %add3A_201 = arith.addi %add3A_200, %iota3A : vector<16xi32>
      %gather3A_202 = tpu.vector_load_idx %arg16[%add3A_201] : memref<64000xf32, #tpu.memory_space<vmem>>[vector<16xi32>], vector<16xf32>,
      %add3A_203 = arith.addf %add3A_167, %gather3A_202 : vector<16xf32>
      %add3A_204 = arith.constant 3 : i32
      %add3A_205 = arith.addi %mul3A_98, %add3A_204 : i32
      %broadcast_in_dim3A_206 = vector.broadcast %add3A_205 : i32 to vector<16xi32>
      %gather3A_207 = tpu.vector_load_idx %arg15[%broadcast_in_dim3A_206] : memref<10240xi32, #tpu.memory_space<vmem>>[vector<16xi32>], vector<16xi32>,
      %gt3A_208 = arith.constant 0 : i32
      %gt3A_209 = vector.broadcast %gt3A_208 : i32 to vector<16xi32>
      %gt3A_210 = arith.cmpi sgt, %gather3A_207, %gt3A_209 : vector<16xi32>
      %select_n3A_211 = arith.select %gt3A_210, %broadcast_in_dim3A_27, %broadcast_in_dim3A_15 : vector<16xi1>, vector<16xf32>
      %add3A_212 = arith.addf %add3A_176, %select_n3A_211 : vector<16xf32>
      %mul3A_213 = arith.constant 64 : i32
      %mul3A_214 = vector.broadcast %mul3A_213 : i32 to vector<16xi32>
      %mul3A_215 = arith.muli %gather3A_207, %mul3A_214 : vector<16xi32>
      %add3A_216 = arith.constant 0 : i32
      %add3A_217 = vector.broadcast %add3A_216 : i32 to vector<16xi32>
      %add3A_218 = arith.addi %mul3A_215, %add3A_217 : vector<16xi32>
      %add3A_219 = arith.addi %add3A_218, %iota3A : vector<16xi32>
      %gather3A_220 = tpu.vector_load_idx %arg16[%add3A_219] : memref<64000xf32, #tpu.memory_space<vmem>>[vector<16xi32>], vector<16xf32>,
      %add3A_221 = arith.addf %add3A_185, %gather3A_220 : vector<16xf32>
      %add3A_222 = arith.constant 16 : i32
      %add3A_223 = vector.broadcast %add3A_222 : i32 to vector<16xi32>
      %add3A_224 = arith.addi %mul3A_215, %add3A_223 : vector<16xi32>
      %add3A_225 = arith.addi %add3A_224, %iota3A : vector<16xi32>
      %gather3A_226 = tpu.vector_load_idx %arg16[%add3A_225] : memref<64000xf32, #tpu.memory_space<vmem>>[vector<16xi32>], vector<16xf32>,
      %add3A_227 = arith.addf %add3A_191, %gather3A_226 : vector<16xf32>
      %add3A_228 = arith.constant 32 : i32
      %add3A_229 = vector.broadcast %add3A_228 : i32 to vector<16xi32>
      %add3A_230 = arith.addi %mul3A_215, %add3A_229 : vector<16xi32>
      %add3A_231 = arith.addi %add3A_230, %iota3A : vector<16xi32>
      %gather3A_232 = tpu.vector_load_idx %arg16[%add3A_231] : memref<64000xf32, #tpu.memory_space<vmem>>[vector<16xi32>], vector<16xf32>,
      %add3A_233 = arith.addf %add3A_197, %gather3A_232 : vector<16xf32>
      %add3A_234 = arith.constant 48 : i32
      %add3A_235 = vector.broadcast %add3A_234 : i32 to vector<16xi32>
      %add3A_236 = arith.addi %mul3A_215, %add3A_235 : vector<16xi32>
      %add3A_237 = arith.addi %add3A_236, %iota3A : vector<16xi32>
      %gather3A_238 = tpu.vector_load_idx %arg16[%add3A_237] : memref<64000xf32, #tpu.memory_space<vmem>>[vector<16xi32>], vector<16xf32>,
      %add3A_239 = arith.addf %add3A_203, %gather3A_238 : vector<16xf32>
      %add3A_240 = arith.constant 4 : i32
      %add3A_241 = arith.addi %mul3A_98, %add3A_240 : i32
      %broadcast_in_dim3A_242 = vector.broadcast %add3A_241 : i32 to vector<16xi32>
      %gather3A_243 = tpu.vector_load_idx %arg15[%broadcast_in_dim3A_242] : memref<10240xi32, #tpu.memory_space<vmem>>[vector<16xi32>], vector<16xi32>,
      %gt3A_244 = arith.constant 0 : i32
      %gt3A_245 = vector.broadcast %gt3A_244 : i32 to vector<16xi32>
      %gt3A_246 = arith.cmpi sgt, %gather3A_243, %gt3A_245 : vector<16xi32>
      %select_n3A_247 = arith.select %gt3A_246, %broadcast_in_dim3A_27, %broadcast_in_dim3A_15 : vector<16xi1>, vector<16xf32>
      %add3A_248 = arith.addf %add3A_212, %select_n3A_247 : vector<16xf32>
      %mul3A_249 = arith.constant 64 : i32
      %mul3A_250 = vector.broadcast %mul3A_249 : i32 to vector<16xi32>
      %mul3A_251 = arith.muli %gather3A_243, %mul3A_250 : vector<16xi32>
      %add3A_252 = arith.constant 0 : i32
      %add3A_253 = vector.broadcast %add3A_252 : i32 to vector<16xi32>
      %add3A_254 = arith.addi %mul3A_251, %add3A_253 : vector<16xi32>
      %add3A_255 = arith.addi %add3A_254, %iota3A : vector<16xi32>
      %gather3A_256 = tpu.vector_load_idx %arg16[%add3A_255] : memref<64000xf32, #tpu.memory_space<vmem>>[vector<16xi32>], vector<16xf32>,
      %add3A_257 = arith.addf %add3A_221, %gather3A_256 : vector<16xf32>
      %add3A_258 = arith.constant 16 : i32
      %add3A_259 = vector.broadcast %add3A_258 : i32 to vector<16xi32>
      %add3A_260 = arith.addi %mul3A_251, %add3A_259 : vector<16xi32>
      %add3A_261 = arith.addi %add3A_260, %iota3A : vector<16xi32>
      %gather3A_262 = tpu.vector_load_idx %arg16[%add3A_261] : memref<64000xf32, #tpu.memory_space<vmem>>[vector<16xi32>], vector<16xf32>,
      %add3A_263 = arith.addf %add3A_227, %gather3A_262 : vector<16xf32>
      %add3A_264 = arith.constant 32 : i32
      %add3A_265 = vector.broadcast %add3A_264 : i32 to vector<16xi32>
      %add3A_266 = arith.addi %mul3A_251, %add3A_265 : vector<16xi32>
      %add3A_267 = arith.addi %add3A_266, %iota3A : vector<16xi32>
      %gather3A_268 = tpu.vector_load_idx %arg16[%add3A_267] : memref<64000xf32, #tpu.memory_space<vmem>>[vector<16xi32>], vector<16xf32>,
      %add3A_269 = arith.addf %add3A_233, %gather3A_268 : vector<16xf32>
      %add3A_270 = arith.constant 48 : i32
      %add3A_271 = vector.broadcast %add3A_270 : i32 to vector<16xi32>
      %add3A_272 = arith.addi %mul3A_251, %add3A_271 : vector<16xi32>
      %add3A_273 = arith.addi %add3A_272, %iota3A : vector<16xi32>
      %gather3A_274 = tpu.vector_load_idx %arg16[%add3A_273] : memref<64000xf32, #tpu.memory_space<vmem>>[vector<16xi32>], vector<16xf32>,
      %add3A_275 = arith.addf %add3A_239, %gather3A_274 : vector<16xf32>
      %add3A_276 = arith.constant 5 : i32
      %add3A_277 = arith.addi %mul3A_98, %add3A_276 : i32
      %broadcast_in_dim3A_278 = vector.broadcast %add3A_277 : i32 to vector<16xi32>
      %gather3A_279 = tpu.vector_load_idx %arg15[%broadcast_in_dim3A_278] : memref<10240xi32, #tpu.memory_space<vmem>>[vector<16xi32>], vector<16xi32>,
      %gt3A_280 = arith.constant 0 : i32
      %gt3A_281 = vector.broadcast %gt3A_280 : i32 to vector<16xi32>
      %gt3A_282 = arith.cmpi sgt, %gather3A_279, %gt3A_281 : vector<16xi32>
      %select_n3A_283 = arith.select %gt3A_282, %broadcast_in_dim3A_27, %broadcast_in_dim3A_15 : vector<16xi1>, vector<16xf32>
      %add3A_284 = arith.addf %add3A_248, %select_n3A_283 : vector<16xf32>
      %mul3A_285 = arith.constant 64 : i32
      %mul3A_286 = vector.broadcast %mul3A_285 : i32 to vector<16xi32>
      %mul3A_287 = arith.muli %gather3A_279, %mul3A_286 : vector<16xi32>
      %add3A_288 = arith.constant 0 : i32
      %add3A_289 = vector.broadcast %add3A_288 : i32 to vector<16xi32>
      %add3A_290 = arith.addi %mul3A_287, %add3A_289 : vector<16xi32>
      %add3A_291 = arith.addi %add3A_290, %iota3A : vector<16xi32>
      %gather3A_292 = tpu.vector_load_idx %arg16[%add3A_291] : memref<64000xf32, #tpu.memory_space<vmem>>[vector<16xi32>], vector<16xf32>,
      %add3A_293 = arith.addf %add3A_257, %gather3A_292 : vector<16xf32>
      %add3A_294 = arith.constant 16 : i32
      %add3A_295 = vector.broadcast %add3A_294 : i32 to vector<16xi32>
      %add3A_296 = arith.addi %mul3A_287, %add3A_295 : vector<16xi32>
      %add3A_297 = arith.addi %add3A_296, %iota3A : vector<16xi32>
      %gather3A_298 = tpu.vector_load_idx %arg16[%add3A_297] : memref<64000xf32, #tpu.memory_space<vmem>>[vector<16xi32>], vector<16xf32>,
      %add3A_299 = arith.addf %add3A_263, %gather3A_298 : vector<16xf32>
      %add3A_300 = arith.constant 32 : i32
      %add3A_301 = vector.broadcast %add3A_300 : i32 to vector<16xi32>
      %add3A_302 = arith.addi %mul3A_287, %add3A_301 : vector<16xi32>
      %add3A_303 = arith.addi %add3A_302, %iota3A : vector<16xi32>
      %gather3A_304 = tpu.vector_load_idx %arg16[%add3A_303] : memref<64000xf32, #tpu.memory_space<vmem>>[vector<16xi32>], vector<16xf32>,
      %add3A_305 = arith.addf %add3A_269, %gather3A_304 : vector<16xf32>
      %add3A_306 = arith.constant 48 : i32
      %add3A_307 = vector.broadcast %add3A_306 : i32 to vector<16xi32>
      %add3A_308 = arith.addi %mul3A_287, %add3A_307 : vector<16xi32>
      %add3A_309 = arith.addi %add3A_308, %iota3A : vector<16xi32>
      %gather3A_310 = tpu.vector_load_idx %arg16[%add3A_309] : memref<64000xf32, #tpu.memory_space<vmem>>[vector<16xi32>], vector<16xf32>,
      %add3A_311 = arith.addf %add3A_275, %gather3A_310 : vector<16xf32>
      %add3A_312 = arith.constant 6 : i32
      %add3A_313 = arith.addi %mul3A_98, %add3A_312 : i32
      %broadcast_in_dim3A_314 = vector.broadcast %add3A_313 : i32 to vector<16xi32>
      %gather3A_315 = tpu.vector_load_idx %arg15[%broadcast_in_dim3A_314] : memref<10240xi32, #tpu.memory_space<vmem>>[vector<16xi32>], vector<16xi32>,
      %gt3A_316 = arith.constant 0 : i32
      %gt3A_317 = vector.broadcast %gt3A_316 : i32 to vector<16xi32>
      %gt3A_318 = arith.cmpi sgt, %gather3A_315, %gt3A_317 : vector<16xi32>
      %select_n3A_319 = arith.select %gt3A_318, %broadcast_in_dim3A_27, %broadcast_in_dim3A_15 : vector<16xi1>, vector<16xf32>
      %add3A_320 = arith.addf %add3A_284, %select_n3A_319 : vector<16xf32>
      %mul3A_321 = arith.constant 64 : i32
      %mul3A_322 = vector.broadcast %mul3A_321 : i32 to vector<16xi32>
      %mul3A_323 = arith.muli %gather3A_315, %mul3A_322 : vector<16xi32>
      %add3A_324 = arith.constant 0 : i32
      %add3A_325 = vector.broadcast %add3A_324 : i32 to vector<16xi32>
      %add3A_326 = arith.addi %mul3A_323, %add3A_325 : vector<16xi32>
      %add3A_327 = arith.addi %add3A_326, %iota3A : vector<16xi32>
      %gather3A_328 = tpu.vector_load_idx %arg16[%add3A_327] : memref<64000xf32, #tpu.memory_space<vmem>>[vector<16xi32>], vector<16xf32>,
      %add3A_329 = arith.addf %add3A_293, %gather3A_328 : vector<16xf32>
      %add3A_330 = arith.constant 16 : i32
      %add3A_331 = vector.broadcast %add3A_330 : i32 to vector<16xi32>
      %add3A_332 = arith.addi %mul3A_323, %add3A_331 : vector<16xi32>
      %add3A_333 = arith.addi %add3A_332, %iota3A : vector<16xi32>
      %gather3A_334 = tpu.vector_load_idx %arg16[%add3A_333] : memref<64000xf32, #tpu.memory_space<vmem>>[vector<16xi32>], vector<16xf32>,
      %add3A_335 = arith.addf %add3A_299, %gather3A_334 : vector<16xf32>
      %add3A_336 = arith.constant 32 : i32
      %add3A_337 = vector.broadcast %add3A_336 : i32 to vector<16xi32>
      %add3A_338 = arith.addi %mul3A_323, %add3A_337 : vector<16xi32>
      %add3A_339 = arith.addi %add3A_338, %iota3A : vector<16xi32>
      %gather3A_340 = tpu.vector_load_idx %arg16[%add3A_339] : memref<64000xf32, #tpu.memory_space<vmem>>[vector<16xi32>], vector<16xf32>,
      %add3A_341 = arith.addf %add3A_305, %gather3A_340 : vector<16xf32>
      %add3A_342 = arith.constant 48 : i32
      %add3A_343 = vector.broadcast %add3A_342 : i32 to vector<16xi32>
      %add3A_344 = arith.addi %mul3A_323, %add3A_343 : vector<16xi32>
      %add3A_345 = arith.addi %add3A_344, %iota3A : vector<16xi32>
      %gather3A_346 = tpu.vector_load_idx %arg16[%add3A_345] : memref<64000xf32, #tpu.memory_space<vmem>>[vector<16xi32>], vector<16xf32>,
      %add3A_347 = arith.addf %add3A_311, %gather3A_346 : vector<16xf32>
      %add3A_348 = arith.constant 7 : i32
      %add3A_349 = arith.addi %mul3A_98, %add3A_348 : i32
      %broadcast_in_dim3A_350 = vector.broadcast %add3A_349 : i32 to vector<16xi32>
      %gather3A_351 = tpu.vector_load_idx %arg15[%broadcast_in_dim3A_350] : memref<10240xi32, #tpu.memory_space<vmem>>[vector<16xi32>], vector<16xi32>,
      %gt3A_352 = arith.constant 0 : i32
      %gt3A_353 = vector.broadcast %gt3A_352 : i32 to vector<16xi32>
      %gt3A_354 = arith.cmpi sgt, %gather3A_351, %gt3A_353 : vector<16xi32>
      %select_n3A_355 = arith.select %gt3A_354, %broadcast_in_dim3A_27, %broadcast_in_dim3A_15 : vector<16xi1>, vector<16xf32>
      %add3A_356 = arith.addf %add3A_320, %select_n3A_355 : vector<16xf32>
      %mul3A_357 = arith.constant 64 : i32
      %mul3A_358 = vector.broadcast %mul3A_357 : i32 to vector<16xi32>
      %mul3A_359 = arith.muli %gather3A_351, %mul3A_358 : vector<16xi32>
      %add3A_360 = arith.constant 0 : i32
      %add3A_361 = vector.broadcast %add3A_360 : i32 to vector<16xi32>
      %add3A_362 = arith.addi %mul3A_359, %add3A_361 : vector<16xi32>
      %add3A_363 = arith.addi %add3A_362, %iota3A : vector<16xi32>
      %gather3A_364 = tpu.vector_load_idx %arg16[%add3A_363] : memref<64000xf32, #tpu.memory_space<vmem>>[vector<16xi32>], vector<16xf32>,
      %add3A_365 = arith.addf %add3A_329, %gather3A_364 : vector<16xf32>
      %add3A_366 = arith.constant 16 : i32
      %add3A_367 = vector.broadcast %add3A_366 : i32 to vector<16xi32>
      %add3A_368 = arith.addi %mul3A_359, %add3A_367 : vector<16xi32>
      %add3A_369 = arith.addi %add3A_368, %iota3A : vector<16xi32>
      %gather3A_370 = tpu.vector_load_idx %arg16[%add3A_369] : memref<64000xf32, #tpu.memory_space<vmem>>[vector<16xi32>], vector<16xf32>,
      %add3A_371 = arith.addf %add3A_335, %gather3A_370 : vector<16xf32>
      %add3A_372 = arith.constant 32 : i32
      %add3A_373 = vector.broadcast %add3A_372 : i32 to vector<16xi32>
      %add3A_374 = arith.addi %mul3A_359, %add3A_373 : vector<16xi32>
      %add3A_375 = arith.addi %add3A_374, %iota3A : vector<16xi32>
      %gather3A_376 = tpu.vector_load_idx %arg16[%add3A_375] : memref<64000xf32, #tpu.memory_space<vmem>>[vector<16xi32>], vector<16xf32>,
      %add3A_377 = arith.addf %add3A_341, %gather3A_376 : vector<16xf32>
      %add3A_378 = arith.constant 48 : i32
      %add3A_379 = vector.broadcast %add3A_378 : i32 to vector<16xi32>
      %add3A_380 = arith.addi %mul3A_359, %add3A_379 : vector<16xi32>
      %add3A_381 = arith.addi %add3A_380, %iota3A : vector<16xi32>
      %gather3A_382 = tpu.vector_load_idx %arg16[%add3A_381] : memref<64000xf32, #tpu.memory_space<vmem>>[vector<16xi32>], vector<16xf32>,
      %add3A_383 = arith.addf %add3A_347, %gather3A_382 : vector<16xf32>
      %add3A_384 = arith.constant 8 : i32
      %add3A_385 = arith.addi %mul3A_98, %add3A_384 : i32
      %broadcast_in_dim3A_386 = vector.broadcast %add3A_385 : i32 to vector<16xi32>
      %gather3A_387 = tpu.vector_load_idx %arg15[%broadcast_in_dim3A_386] : memref<10240xi32, #tpu.memory_space<vmem>>[vector<16xi32>], vector<16xi32>,
      %gt3A_388 = arith.constant 0 : i32
      %gt3A_389 = vector.broadcast %gt3A_388 : i32 to vector<16xi32>
      %gt3A_390 = arith.cmpi sgt, %gather3A_387, %gt3A_389 : vector<16xi32>
      %select_n3A_391 = arith.select %gt3A_390, %broadcast_in_dim3A_27, %broadcast_in_dim3A_15 : vector<16xi1>, vector<16xf32>
      %add3A_392 = arith.addf %add3A_356, %select_n3A_391 : vector<16xf32>
      %mul3A_393 = arith.constant 64 : i32
      %mul3A_394 = vector.broadcast %mul3A_393 : i32 to vector<16xi32>
      %mul3A_395 = arith.muli %gather3A_387, %mul3A_394 : vector<16xi32>
      %add3A_396 = arith.constant 0 : i32
      %add3A_397 = vector.broadcast %add3A_396 : i32 to vector<16xi32>
      %add3A_398 = arith.addi %mul3A_395, %add3A_397 : vector<16xi32>
      %add3A_399 = arith.addi %add3A_398, %iota3A : vector<16xi32>
      %gather3A_400 = tpu.vector_load_idx %arg16[%add3A_399] : memref<64000xf32, #tpu.memory_space<vmem>>[vector<16xi32>], vector<16xf32>,
      %add3A_401 = arith.addf %add3A_365, %gather3A_400 : vector<16xf32>
      %add3A_402 = arith.constant 16 : i32
      %add3A_403 = vector.broadcast %add3A_402 : i32 to vector<16xi32>
      %add3A_404 = arith.addi %mul3A_395, %add3A_403 : vector<16xi32>
      %add3A_405 = arith.addi %add3A_404, %iota3A : vector<16xi32>
      %gather3A_406 = tpu.vector_load_idx %arg16[%add3A_405] : memref<64000xf32, #tpu.memory_space<vmem>>[vector<16xi32>], vector<16xf32>,
      %add3A_407 = arith.addf %add3A_371, %gather3A_406 : vector<16xf32>
      %add3A_408 = arith.constant 32 : i32
      %add3A_409 = vector.broadcast %add3A_408 : i32 to vector<16xi32>
      %add3A_410 = arith.addi %mul3A_395, %add3A_409 : vector<16xi32>
      %add3A_411 = arith.addi %add3A_410, %iota3A : vector<16xi32>
      %gather3A_412 = tpu.vector_load_idx %arg16[%add3A_411] : memref<64000xf32, #tpu.memory_space<vmem>>[vector<16xi32>], vector<16xf32>,
      %add3A_413 = arith.addf %add3A_377, %gather3A_412 : vector<16xf32>
      %add3A_414 = arith.constant 48 : i32
      %add3A_415 = vector.broadcast %add3A_414 : i32 to vector<16xi32>
      %add3A_416 = arith.addi %mul3A_395, %add3A_415 : vector<16xi32>
      %add3A_417 = arith.addi %add3A_416, %iota3A : vector<16xi32>
      %gather3A_418 = tpu.vector_load_idx %arg16[%add3A_417] : memref<64000xf32, #tpu.memory_space<vmem>>[vector<16xi32>], vector<16xf32>,
      %add3A_419 = arith.addf %add3A_383, %gather3A_418 : vector<16xf32>
      %add3A_420 = arith.constant 9 : i32
      %add3A_421 = arith.addi %mul3A_98, %add3A_420 : i32
      %broadcast_in_dim3A_422 = vector.broadcast %add3A_421 : i32 to vector<16xi32>
      %gather3A_423 = tpu.vector_load_idx %arg15[%broadcast_in_dim3A_422] : memref<10240xi32, #tpu.memory_space<vmem>>[vector<16xi32>], vector<16xi32>,
      %gt3A_424 = arith.constant 0 : i32
      %gt3A_425 = vector.broadcast %gt3A_424 : i32 to vector<16xi32>
      %gt3A_426 = arith.cmpi sgt, %gather3A_423, %gt3A_425 : vector<16xi32>
      %select_n3A_427 = arith.select %gt3A_426, %broadcast_in_dim3A_27, %broadcast_in_dim3A_15 : vector<16xi1>, vector<16xf32>
      %add3A_428 = arith.addf %add3A_392, %select_n3A_427 : vector<16xf32>
      %mul3A_429 = arith.constant 64 : i32
      %mul3A_430 = vector.broadcast %mul3A_429 : i32 to vector<16xi32>
      %mul3A_431 = arith.muli %gather3A_423, %mul3A_430 : vector<16xi32>
      %add3A_432 = arith.constant 0 : i32
      %add3A_433 = vector.broadcast %add3A_432 : i32 to vector<16xi32>
      %add3A_434 = arith.addi %mul3A_431, %add3A_433 : vector<16xi32>
      %add3A_435 = arith.addi %add3A_434, %iota3A : vector<16xi32>
      %gather3A_436 = tpu.vector_load_idx %arg16[%add3A_435] : memref<64000xf32, #tpu.memory_space<vmem>>[vector<16xi32>], vector<16xf32>,
      %add3A_437 = arith.addf %add3A_401, %gather3A_436 : vector<16xf32>
      %add3A_438 = arith.constant 16 : i32
      %add3A_439 = vector.broadcast %add3A_438 : i32 to vector<16xi32>
      %add3A_440 = arith.addi %mul3A_431, %add3A_439 : vector<16xi32>
      %add3A_441 = arith.addi %add3A_440, %iota3A : vector<16xi32>
      %gather3A_442 = tpu.vector_load_idx %arg16[%add3A_441] : memref<64000xf32, #tpu.memory_space<vmem>>[vector<16xi32>], vector<16xf32>,
      %add3A_443 = arith.addf %add3A_407, %gather3A_442 : vector<16xf32>
      %add3A_444 = arith.constant 32 : i32
      %add3A_445 = vector.broadcast %add3A_444 : i32 to vector<16xi32>
      %add3A_446 = arith.addi %mul3A_431, %add3A_445 : vector<16xi32>
      %add3A_447 = arith.addi %add3A_446, %iota3A : vector<16xi32>
      %gather3A_448 = tpu.vector_load_idx %arg16[%add3A_447] : memref<64000xf32, #tpu.memory_space<vmem>>[vector<16xi32>], vector<16xf32>,
      %add3A_449 = arith.addf %add3A_413, %gather3A_448 : vector<16xf32>
      %add3A_450 = arith.constant 48 : i32
      %add3A_451 = vector.broadcast %add3A_450 : i32 to vector<16xi32>
      %add3A_452 = arith.addi %mul3A_431, %add3A_451 : vector<16xi32>
      %add3A_453 = arith.addi %add3A_452, %iota3A : vector<16xi32>
      %gather3A_454 = tpu.vector_load_idx %arg16[%add3A_453] : memref<64000xf32, #tpu.memory_space<vmem>>[vector<16xi32>], vector<16xf32>,
      %add3A_455 = arith.addf %add3A_419, %gather3A_454 : vector<16xf32>
      %add3A_456 = arith.constant 10 : i32
      %add3A_457 = arith.addi %mul3A_98, %add3A_456 : i32
      %broadcast_in_dim3A_458 = vector.broadcast %add3A_457 : i32 to vector<16xi32>
      %gather3A_459 = tpu.vector_load_idx %arg15[%broadcast_in_dim3A_458] : memref<10240xi32, #tpu.memory_space<vmem>>[vector<16xi32>], vector<16xi32>,
      %gt3A_460 = arith.constant 0 : i32
      %gt3A_461 = vector.broadcast %gt3A_460 : i32 to vector<16xi32>
      %gt3A_462 = arith.cmpi sgt, %gather3A_459, %gt3A_461 : vector<16xi32>
      %select_n3A_463 = arith.select %gt3A_462, %broadcast_in_dim3A_27, %broadcast_in_dim3A_15 : vector<16xi1>, vector<16xf32>
      %add3A_464 = arith.addf %add3A_428, %select_n3A_463 : vector<16xf32>
      %mul3A_465 = arith.constant 64 : i32
      %mul3A_466 = vector.broadcast %mul3A_465 : i32 to vector<16xi32>
      %mul3A_467 = arith.muli %gather3A_459, %mul3A_466 : vector<16xi32>
      %add3A_468 = arith.constant 0 : i32
      %add3A_469 = vector.broadcast %add3A_468 : i32 to vector<16xi32>
      %add3A_470 = arith.addi %mul3A_467, %add3A_469 : vector<16xi32>
      %add3A_471 = arith.addi %add3A_470, %iota3A : vector<16xi32>
      %gather3A_472 = tpu.vector_load_idx %arg16[%add3A_471] : memref<64000xf32, #tpu.memory_space<vmem>>[vector<16xi32>], vector<16xf32>,
      %add3A_473 = arith.addf %add3A_437, %gather3A_472 : vector<16xf32>
      %add3A_474 = arith.constant 16 : i32
      %add3A_475 = vector.broadcast %add3A_474 : i32 to vector<16xi32>
      %add3A_476 = arith.addi %mul3A_467, %add3A_475 : vector<16xi32>
      %add3A_477 = arith.addi %add3A_476, %iota3A : vector<16xi32>
      %gather3A_478 = tpu.vector_load_idx %arg16[%add3A_477] : memref<64000xf32, #tpu.memory_space<vmem>>[vector<16xi32>], vector<16xf32>,
      %add3A_479 = arith.addf %add3A_443, %gather3A_478 : vector<16xf32>
      %add3A_480 = arith.constant 32 : i32
      %add3A_481 = vector.broadcast %add3A_480 : i32 to vector<16xi32>
      %add3A_482 = arith.addi %mul3A_467, %add3A_481 : vector<16xi32>
      %add3A_483 = arith.addi %add3A_482, %iota3A : vector<16xi32>
      %gather3A_484 = tpu.vector_load_idx %arg16[%add3A_483] : memref<64000xf32, #tpu.memory_space<vmem>>[vector<16xi32>], vector<16xf32>,
      %add3A_485 = arith.addf %add3A_449, %gather3A_484 : vector<16xf32>
      %add3A_486 = arith.constant 48 : i32
      %add3A_487 = vector.broadcast %add3A_486 : i32 to vector<16xi32>
      %add3A_488 = arith.addi %mul3A_467, %add3A_487 : vector<16xi32>
      %add3A_489 = arith.addi %add3A_488, %iota3A : vector<16xi32>
      %gather3A_490 = tpu.vector_load_idx %arg16[%add3A_489] : memref<64000xf32, #tpu.memory_space<vmem>>[vector<16xi32>], vector<16xf32>,
      %add3A_491 = arith.addf %add3A_455, %gather3A_490 : vector<16xf32>
      %add3A_492 = arith.constant 11 : i32
      %add3A_493 = arith.addi %mul3A_98, %add3A_492 : i32
      %broadcast_in_dim3A_494 = vector.broadcast %add3A_493 : i32 to vector<16xi32>
      %gather3A_495 = tpu.vector_load_idx %arg15[%broadcast_in_dim3A_494] : memref<10240xi32, #tpu.memory_space<vmem>>[vector<16xi32>], vector<16xi32>,
      %gt3A_496 = arith.constant 0 : i32
      %gt3A_497 = vector.broadcast %gt3A_496 : i32 to vector<16xi32>
      %gt3A_498 = arith.cmpi sgt, %gather3A_495, %gt3A_497 : vector<16xi32>
      %select_n3A_499 = arith.select %gt3A_498, %broadcast_in_dim3A_27, %broadcast_in_dim3A_15 : vector<16xi1>, vector<16xf32>
      %add3A_500 = arith.addf %add3A_464, %select_n3A_499 : vector<16xf32>
      %mul3A_501 = arith.constant 64 : i32
      %mul3A_502 = vector.broadcast %mul3A_501 : i32 to vector<16xi32>
      %mul3A_503 = arith.muli %gather3A_495, %mul3A_502 : vector<16xi32>
      %add3A_504 = arith.constant 0 : i32
      %add3A_505 = vector.broadcast %add3A_504 : i32 to vector<16xi32>
      %add3A_506 = arith.addi %mul3A_503, %add3A_505 : vector<16xi32>
      %add3A_507 = arith.addi %add3A_506, %iota3A : vector<16xi32>
      %gather3A_508 = tpu.vector_load_idx %arg16[%add3A_507] : memref<64000xf32, #tpu.memory_space<vmem>>[vector<16xi32>], vector<16xf32>,
      %add3A_509 = arith.addf %add3A_473, %gather3A_508 : vector<16xf32>
      %add3A_510 = arith.constant 16 : i32
      %add3A_511 = vector.broadcast %add3A_510 : i32 to vector<16xi32>
      %add3A_512 = arith.addi %mul3A_503, %add3A_511 : vector<16xi32>
      %add3A_513 = arith.addi %add3A_512, %iota3A : vector<16xi32>
      %gather3A_514 = tpu.vector_load_idx %arg16[%add3A_513] : memref<64000xf32, #tpu.memory_space<vmem>>[vector<16xi32>], vector<16xf32>,
      %add3A_515 = arith.addf %add3A_479, %gather3A_514 : vector<16xf32>
      %add3A_516 = arith.constant 32 : i32
      %add3A_517 = vector.broadcast %add3A_516 : i32 to vector<16xi32>
      %add3A_518 = arith.addi %mul3A_503, %add3A_517 : vector<16xi32>
      %add3A_519 = arith.addi %add3A_518, %iota3A : vector<16xi32>
      %gather3A_520 = tpu.vector_load_idx %arg16[%add3A_519] : memref<64000xf32, #tpu.memory_space<vmem>>[vector<16xi32>], vector<16xf32>,
      %add3A_521 = arith.addf %add3A_485, %gather3A_520 : vector<16xf32>
      %add3A_522 = arith.constant 48 : i32
      %add3A_523 = vector.broadcast %add3A_522 : i32 to vector<16xi32>
      %add3A_524 = arith.addi %mul3A_503, %add3A_523 : vector<16xi32>
      %add3A_525 = arith.addi %add3A_524, %iota3A : vector<16xi32>
      %gather3A_526 = tpu.vector_load_idx %arg16[%add3A_525] : memref<64000xf32, #tpu.memory_space<vmem>>[vector<16xi32>], vector<16xf32>,
      %add3A_527 = arith.addf %add3A_491, %gather3A_526 : vector<16xf32>
      %add3A_528 = arith.constant 12 : i32
      %add3A_529 = arith.addi %mul3A_98, %add3A_528 : i32
      %broadcast_in_dim3A_530 = vector.broadcast %add3A_529 : i32 to vector<16xi32>
      %gather3A_531 = tpu.vector_load_idx %arg15[%broadcast_in_dim3A_530] : memref<10240xi32, #tpu.memory_space<vmem>>[vector<16xi32>], vector<16xi32>,
      %gt3A_532 = arith.constant 0 : i32
      %gt3A_533 = vector.broadcast %gt3A_532 : i32 to vector<16xi32>
      %gt3A_534 = arith.cmpi sgt, %gather3A_531, %gt3A_533 : vector<16xi32>
      %select_n3A_535 = arith.select %gt3A_534, %broadcast_in_dim3A_27, %broadcast_in_dim3A_15 : vector<16xi1>, vector<16xf32>
      %add3A_536 = arith.addf %add3A_500, %select_n3A_535 : vector<16xf32>
      %mul3A_537 = arith.constant 64 : i32
      %mul3A_538 = vector.broadcast %mul3A_537 : i32 to vector<16xi32>
      %mul3A_539 = arith.muli %gather3A_531, %mul3A_538 : vector<16xi32>
      %add3A_540 = arith.constant 0 : i32
      %add3A_541 = vector.broadcast %add3A_540 : i32 to vector<16xi32>
      %add3A_542 = arith.addi %mul3A_539, %add3A_541 : vector<16xi32>
      %add3A_543 = arith.addi %add3A_542, %iota3A : vector<16xi32>
      %gather3A_544 = tpu.vector_load_idx %arg16[%add3A_543] : memref<64000xf32, #tpu.memory_space<vmem>>[vector<16xi32>], vector<16xf32>,
      %add3A_545 = arith.addf %add3A_509, %gather3A_544 : vector<16xf32>
      %add3A_546 = arith.constant 16 : i32
      %add3A_547 = vector.broadcast %add3A_546 : i32 to vector<16xi32>
      %add3A_548 = arith.addi %mul3A_539, %add3A_547 : vector<16xi32>
      %add3A_549 = arith.addi %add3A_548, %iota3A : vector<16xi32>
      %gather3A_550 = tpu.vector_load_idx %arg16[%add3A_549] : memref<64000xf32, #tpu.memory_space<vmem>>[vector<16xi32>], vector<16xf32>,
      %add3A_551 = arith.addf %add3A_515, %gather3A_550 : vector<16xf32>
      %add3A_552 = arith.constant 32 : i32
      %add3A_553 = vector.broadcast %add3A_552 : i32 to vector<16xi32>
      %add3A_554 = arith.addi %mul3A_539, %add3A_553 : vector<16xi32>
      %add3A_555 = arith.addi %add3A_554, %iota3A : vector<16xi32>
      %gather3A_556 = tpu.vector_load_idx %arg16[%add3A_555] : memref<64000xf32, #tpu.memory_space<vmem>>[vector<16xi32>], vector<16xf32>,
      %add3A_557 = arith.addf %add3A_521, %gather3A_556 : vector<16xf32>
      %add3A_558 = arith.constant 48 : i32
      %add3A_559 = vector.broadcast %add3A_558 : i32 to vector<16xi32>
      %add3A_560 = arith.addi %mul3A_539, %add3A_559 : vector<16xi32>
      %add3A_561 = arith.addi %add3A_560, %iota3A : vector<16xi32>
      %gather3A_562 = tpu.vector_load_idx %arg16[%add3A_561] : memref<64000xf32, #tpu.memory_space<vmem>>[vector<16xi32>], vector<16xf32>,
      %add3A_563 = arith.addf %add3A_527, %gather3A_562 : vector<16xf32>
      %add3A_564 = arith.constant 13 : i32
      %add3A_565 = arith.addi %mul3A_98, %add3A_564 : i32
      %broadcast_in_dim3A_566 = vector.broadcast %add3A_565 : i32 to vector<16xi32>
      %gather3A_567 = tpu.vector_load_idx %arg15[%broadcast_in_dim3A_566] : memref<10240xi32, #tpu.memory_space<vmem>>[vector<16xi32>], vector<16xi32>,
      %gt3A_568 = arith.constant 0 : i32
      %gt3A_569 = vector.broadcast %gt3A_568 : i32 to vector<16xi32>
      %gt3A_570 = arith.cmpi sgt, %gather3A_567, %gt3A_569 : vector<16xi32>
      %select_n3A_571 = arith.select %gt3A_570, %broadcast_in_dim3A_27, %broadcast_in_dim3A_15 : vector<16xi1>, vector<16xf32>
      %add3A_572 = arith.addf %add3A_536, %select_n3A_571 : vector<16xf32>
      %mul3A_573 = arith.constant 64 : i32
      %mul3A_574 = vector.broadcast %mul3A_573 : i32 to vector<16xi32>
      %mul3A_575 = arith.muli %gather3A_567, %mul3A_574 : vector<16xi32>
      %add3A_576 = arith.constant 0 : i32
      %add3A_577 = vector.broadcast %add3A_576 : i32 to vector<16xi32>
      %add3A_578 = arith.addi %mul3A_575, %add3A_577 : vector<16xi32>
      %add3A_579 = arith.addi %add3A_578, %iota3A : vector<16xi32>
      %gather3A_580 = tpu.vector_load_idx %arg16[%add3A_579] : memref<64000xf32, #tpu.memory_space<vmem>>[vector<16xi32>], vector<16xf32>,
      %add3A_581 = arith.addf %add3A_545, %gather3A_580 : vector<16xf32>
      %add3A_582 = arith.constant 16 : i32
      %add3A_583 = vector.broadcast %add3A_582 : i32 to vector<16xi32>
      %add3A_584 = arith.addi %mul3A_575, %add3A_583 : vector<16xi32>
      %add3A_585 = arith.addi %add3A_584, %iota3A : vector<16xi32>
      %gather3A_586 = tpu.vector_load_idx %arg16[%add3A_585] : memref<64000xf32, #tpu.memory_space<vmem>>[vector<16xi32>], vector<16xf32>,
      %add3A_587 = arith.addf %add3A_551, %gather3A_586 : vector<16xf32>
      %add3A_588 = arith.constant 32 : i32
      %add3A_589 = vector.broadcast %add3A_588 : i32 to vector<16xi32>
      %add3A_590 = arith.addi %mul3A_575, %add3A_589 : vector<16xi32>
      %add3A_591 = arith.addi %add3A_590, %iota3A : vector<16xi32>
      %gather3A_592 = tpu.vector_load_idx %arg16[%add3A_591] : memref<64000xf32, #tpu.memory_space<vmem>>[vector<16xi32>], vector<16xf32>,
      %add3A_593 = arith.addf %add3A_557, %gather3A_592 : vector<16xf32>
      %add3A_594 = arith.constant 48 : i32
      %add3A_595 = vector.broadcast %add3A_594 : i32 to vector<16xi32>
      %add3A_596 = arith.addi %mul3A_575, %add3A_595 : vector<16xi32>
      %add3A_597 = arith.addi %add3A_596, %iota3A : vector<16xi32>
      %gather3A_598 = tpu.vector_load_idx %arg16[%add3A_597] : memref<64000xf32, #tpu.memory_space<vmem>>[vector<16xi32>], vector<16xf32>,
      %add3A_599 = arith.addf %add3A_563, %gather3A_598 : vector<16xf32>
      %add3A_600 = arith.constant 14 : i32
      %add3A_601 = arith.addi %mul3A_98, %add3A_600 : i32
      %broadcast_in_dim3A_602 = vector.broadcast %add3A_601 : i32 to vector<16xi32>
      %gather3A_603 = tpu.vector_load_idx %arg15[%broadcast_in_dim3A_602] : memref<10240xi32, #tpu.memory_space<vmem>>[vector<16xi32>], vector<16xi32>,
      %gt3A_604 = arith.constant 0 : i32
      %gt3A_605 = vector.broadcast %gt3A_604 : i32 to vector<16xi32>
      %gt3A_606 = arith.cmpi sgt, %gather3A_603, %gt3A_605 : vector<16xi32>
      %select_n3A_607 = arith.select %gt3A_606, %broadcast_in_dim3A_27, %broadcast_in_dim3A_15 : vector<16xi1>, vector<16xf32>
      %add3A_608 = arith.addf %add3A_572, %select_n3A_607 : vector<16xf32>
      %mul3A_609 = arith.constant 64 : i32
      %mul3A_610 = vector.broadcast %mul3A_609 : i32 to vector<16xi32>
      %mul3A_611 = arith.muli %gather3A_603, %mul3A_610 : vector<16xi32>
      %add3A_612 = arith.constant 0 : i32
      %add3A_613 = vector.broadcast %add3A_612 : i32 to vector<16xi32>
      %add3A_614 = arith.addi %mul3A_611, %add3A_613 : vector<16xi32>
      %add3A_615 = arith.addi %add3A_614, %iota3A : vector<16xi32>
      %gather3A_616 = tpu.vector_load_idx %arg16[%add3A_615] : memref<64000xf32, #tpu.memory_space<vmem>>[vector<16xi32>], vector<16xf32>,
      %add3A_617 = arith.addf %add3A_581, %gather3A_616 : vector<16xf32>
      %add3A_618 = arith.constant 16 : i32
      %add3A_619 = vector.broadcast %add3A_618 : i32 to vector<16xi32>
      %add3A_620 = arith.addi %mul3A_611, %add3A_619 : vector<16xi32>
      %add3A_621 = arith.addi %add3A_620, %iota3A : vector<16xi32>
      %gather3A_622 = tpu.vector_load_idx %arg16[%add3A_621] : memref<64000xf32, #tpu.memory_space<vmem>>[vector<16xi32>], vector<16xf32>,
      %add3A_623 = arith.addf %add3A_587, %gather3A_622 : vector<16xf32>
      %add3A_624 = arith.constant 32 : i32
      %add3A_625 = vector.broadcast %add3A_624 : i32 to vector<16xi32>
      %add3A_626 = arith.addi %mul3A_611, %add3A_625 : vector<16xi32>
      %add3A_627 = arith.addi %add3A_626, %iota3A : vector<16xi32>
      %gather3A_628 = tpu.vector_load_idx %arg16[%add3A_627] : memref<64000xf32, #tpu.memory_space<vmem>>[vector<16xi32>], vector<16xf32>,
      %add3A_629 = arith.addf %add3A_593, %gather3A_628 : vector<16xf32>
      %add3A_630 = arith.constant 48 : i32
      %add3A_631 = vector.broadcast %add3A_630 : i32 to vector<16xi32>
      %add3A_632 = arith.addi %mul3A_611, %add3A_631 : vector<16xi32>
      %add3A_633 = arith.addi %add3A_632, %iota3A : vector<16xi32>
      %gather3A_634 = tpu.vector_load_idx %arg16[%add3A_633] : memref<64000xf32, #tpu.memory_space<vmem>>[vector<16xi32>], vector<16xf32>,
      %add3A_635 = arith.addf %add3A_599, %gather3A_634 : vector<16xf32>
      %add3A_636 = arith.constant 15 : i32
      %add3A_637 = arith.addi %mul3A_98, %add3A_636 : i32
      %broadcast_in_dim3A_638 = vector.broadcast %add3A_637 : i32 to vector<16xi32>
      %gather3A_639 = tpu.vector_load_idx %arg15[%broadcast_in_dim3A_638] : memref<10240xi32, #tpu.memory_space<vmem>>[vector<16xi32>], vector<16xi32>,
      %gt3A_640 = arith.constant 0 : i32
      %gt3A_641 = vector.broadcast %gt3A_640 : i32 to vector<16xi32>
      %gt3A_642 = arith.cmpi sgt, %gather3A_639, %gt3A_641 : vector<16xi32>
      %select_n3A_643 = arith.select %gt3A_642, %broadcast_in_dim3A_27, %broadcast_in_dim3A_15 : vector<16xi1>, vector<16xf32>
      %add3A_644 = arith.addf %add3A_608, %select_n3A_643 : vector<16xf32>
      %mul3A_645 = arith.constant 64 : i32
      %mul3A_646 = vector.broadcast %mul3A_645 : i32 to vector<16xi32>
      %mul3A_647 = arith.muli %gather3A_639, %mul3A_646 : vector<16xi32>
      %add3A_648 = arith.constant 0 : i32
      %add3A_649 = vector.broadcast %add3A_648 : i32 to vector<16xi32>
      %add3A_650 = arith.addi %mul3A_647, %add3A_649 : vector<16xi32>
      %add3A_651 = arith.addi %add3A_650, %iota3A : vector<16xi32>
      %gather3A_652 = tpu.vector_load_idx %arg16[%add3A_651] : memref<64000xf32, #tpu.memory_space<vmem>>[vector<16xi32>], vector<16xf32>,
      %add3A_653 = arith.addf %add3A_617, %gather3A_652 : vector<16xf32>
      %add3A_654 = arith.constant 16 : i32
      %add3A_655 = vector.broadcast %add3A_654 : i32 to vector<16xi32>
      %add3A_656 = arith.addi %mul3A_647, %add3A_655 : vector<16xi32>
      %add3A_657 = arith.addi %add3A_656, %iota3A : vector<16xi32>
      %gather3A_658 = tpu.vector_load_idx %arg16[%add3A_657] : memref<64000xf32, #tpu.memory_space<vmem>>[vector<16xi32>], vector<16xf32>,
      %add3A_659 = arith.addf %add3A_623, %gather3A_658 : vector<16xf32>
      %add3A_660 = arith.constant 32 : i32
      %add3A_661 = vector.broadcast %add3A_660 : i32 to vector<16xi32>
      %add3A_662 = arith.addi %mul3A_647, %add3A_661 : vector<16xi32>
      %add3A_663 = arith.addi %add3A_662, %iota3A : vector<16xi32>
      %gather3A_664 = tpu.vector_load_idx %arg16[%add3A_663] : memref<64000xf32, #tpu.memory_space<vmem>>[vector<16xi32>], vector<16xf32>,
      %add3A_665 = arith.addf %add3A_629, %gather3A_664 : vector<16xf32>
      %add3A_666 = arith.constant 48 : i32
      %add3A_667 = vector.broadcast %add3A_666 : i32 to vector<16xi32>
      %add3A_668 = arith.addi %mul3A_647, %add3A_667 : vector<16xi32>
      %add3A_669 = arith.addi %add3A_668, %iota3A : vector<16xi32>
      %gather3A_670 = tpu.vector_load_idx %arg16[%add3A_669] : memref<64000xf32, #tpu.memory_space<vmem>>[vector<16xi32>], vector<16xf32>,
      %add3A_671 = arith.addf %add3A_635, %gather3A_670 : vector<16xf32>
      %add3A_672 = arith.constant 16 : i32
      %add3A_673 = arith.addi %mul3A_98, %add3A_672 : i32
      %broadcast_in_dim3A_674 = vector.broadcast %add3A_673 : i32 to vector<16xi32>
      %gather3A_675 = tpu.vector_load_idx %arg15[%broadcast_in_dim3A_674] : memref<10240xi32, #tpu.memory_space<vmem>>[vector<16xi32>], vector<16xi32>,
      %gt3A_676 = arith.constant 0 : i32
      %gt3A_677 = vector.broadcast %gt3A_676 : i32 to vector<16xi32>
      %gt3A_678 = arith.cmpi sgt, %gather3A_675, %gt3A_677 : vector<16xi32>
      %select_n3A_679 = arith.select %gt3A_678, %broadcast_in_dim3A_27, %broadcast_in_dim3A_15 : vector<16xi1>, vector<16xf32>
      %add3A_680 = arith.addf %add3A_644, %select_n3A_679 : vector<16xf32>
      %mul3A_681 = arith.constant 64 : i32
      %mul3A_682 = vector.broadcast %mul3A_681 : i32 to vector<16xi32>
      %mul3A_683 = arith.muli %gather3A_675, %mul3A_682 : vector<16xi32>
      %add3A_684 = arith.constant 0 : i32
      %add3A_685 = vector.broadcast %add3A_684 : i32 to vector<16xi32>
      %add3A_686 = arith.addi %mul3A_683, %add3A_685 : vector<16xi32>
      %add3A_687 = arith.addi %add3A_686, %iota3A : vector<16xi32>
      %gather3A_688 = tpu.vector_load_idx %arg16[%add3A_687] : memref<64000xf32, #tpu.memory_space<vmem>>[vector<16xi32>], vector<16xf32>,
      %add3A_689 = arith.addf %add3A_653, %gather3A_688 : vector<16xf32>
      %add3A_690 = arith.constant 16 : i32
      %add3A_691 = vector.broadcast %add3A_690 : i32 to vector<16xi32>
      %add3A_692 = arith.addi %mul3A_683, %add3A_691 : vector<16xi32>
      %add3A_693 = arith.addi %add3A_692, %iota3A : vector<16xi32>
      %gather3A_694 = tpu.vector_load_idx %arg16[%add3A_693] : memref<64000xf32, #tpu.memory_space<vmem>>[vector<16xi32>], vector<16xf32>,
      %add3A_695 = arith.addf %add3A_659, %gather3A_694 : vector<16xf32>
      %add3A_696 = arith.constant 32 : i32
      %add3A_697 = vector.broadcast %add3A_696 : i32 to vector<16xi32>
      %add3A_698 = arith.addi %mul3A_683, %add3A_697 : vector<16xi32>
      %add3A_699 = arith.addi %add3A_698, %iota3A : vector<16xi32>
      %gather3A_700 = tpu.vector_load_idx %arg16[%add3A_699] : memref<64000xf32, #tpu.memory_space<vmem>>[vector<16xi32>], vector<16xf32>,
      %add3A_701 = arith.addf %add3A_665, %gather3A_700 : vector<16xf32>
      %add3A_702 = arith.constant 48 : i32
      %add3A_703 = vector.broadcast %add3A_702 : i32 to vector<16xi32>
      %add3A_704 = arith.addi %mul3A_683, %add3A_703 : vector<16xi32>
      %add3A_705 = arith.addi %add3A_704, %iota3A : vector<16xi32>
      %gather3A_706 = tpu.vector_load_idx %arg16[%add3A_705] : memref<64000xf32, #tpu.memory_space<vmem>>[vector<16xi32>], vector<16xf32>,
      %add3A_707 = arith.addf %add3A_671, %gather3A_706 : vector<16xf32>
      %add3A_708 = arith.constant 17 : i32
      %add3A_709 = arith.addi %mul3A_98, %add3A_708 : i32
      %broadcast_in_dim3A_710 = vector.broadcast %add3A_709 : i32 to vector<16xi32>
      %gather3A_711 = tpu.vector_load_idx %arg15[%broadcast_in_dim3A_710] : memref<10240xi32, #tpu.memory_space<vmem>>[vector<16xi32>], vector<16xi32>,
      %gt3A_712 = arith.constant 0 : i32
      %gt3A_713 = vector.broadcast %gt3A_712 : i32 to vector<16xi32>
      %gt3A_714 = arith.cmpi sgt, %gather3A_711, %gt3A_713 : vector<16xi32>
      %select_n3A_715 = arith.select %gt3A_714, %broadcast_in_dim3A_27, %broadcast_in_dim3A_15 : vector<16xi1>, vector<16xf32>
      %add3A_716 = arith.addf %add3A_680, %select_n3A_715 : vector<16xf32>
      %mul3A_717 = arith.constant 64 : i32
      %mul3A_718 = vector.broadcast %mul3A_717 : i32 to vector<16xi32>
      %mul3A_719 = arith.muli %gather3A_711, %mul3A_718 : vector<16xi32>
      %add3A_720 = arith.constant 0 : i32
      %add3A_721 = vector.broadcast %add3A_720 : i32 to vector<16xi32>
      %add3A_722 = arith.addi %mul3A_719, %add3A_721 : vector<16xi32>
      %add3A_723 = arith.addi %add3A_722, %iota3A : vector<16xi32>
      %gather3A_724 = tpu.vector_load_idx %arg16[%add3A_723] : memref<64000xf32, #tpu.memory_space<vmem>>[vector<16xi32>], vector<16xf32>,
      %add3A_725 = arith.addf %add3A_689, %gather3A_724 : vector<16xf32>
      %add3A_726 = arith.constant 16 : i32
      %add3A_727 = vector.broadcast %add3A_726 : i32 to vector<16xi32>
      %add3A_728 = arith.addi %mul3A_719, %add3A_727 : vector<16xi32>
      %add3A_729 = arith.addi %add3A_728, %iota3A : vector<16xi32>
      %gather3A_730 = tpu.vector_load_idx %arg16[%add3A_729] : memref<64000xf32, #tpu.memory_space<vmem>>[vector<16xi32>], vector<16xf32>,
      %add3A_731 = arith.addf %add3A_695, %gather3A_730 : vector<16xf32>
      %add3A_732 = arith.constant 32 : i32
      %add3A_733 = vector.broadcast %add3A_732 : i32 to vector<16xi32>
      %add3A_734 = arith.addi %mul3A_719, %add3A_733 : vector<16xi32>
      %add3A_735 = arith.addi %add3A_734, %iota3A : vector<16xi32>
      %gather3A_736 = tpu.vector_load_idx %arg16[%add3A_735] : memref<64000xf32, #tpu.memory_space<vmem>>[vector<16xi32>], vector<16xf32>,
      %add3A_737 = arith.addf %add3A_701, %gather3A_736 : vector<16xf32>
      %add3A_738 = arith.constant 48 : i32
      %add3A_739 = vector.broadcast %add3A_738 : i32 to vector<16xi32>
      %add3A_740 = arith.addi %mul3A_719, %add3A_739 : vector<16xi32>
      %add3A_741 = arith.addi %add3A_740, %iota3A : vector<16xi32>
      %gather3A_742 = tpu.vector_load_idx %arg16[%add3A_741] : memref<64000xf32, #tpu.memory_space<vmem>>[vector<16xi32>], vector<16xf32>,
      %add3A_743 = arith.addf %add3A_707, %gather3A_742 : vector<16xf32>
      %add3A_744 = arith.constant 18 : i32
      %add3A_745 = arith.addi %mul3A_98, %add3A_744 : i32
      %broadcast_in_dim3A_746 = vector.broadcast %add3A_745 : i32 to vector<16xi32>
      %gather3A_747 = tpu.vector_load_idx %arg15[%broadcast_in_dim3A_746] : memref<10240xi32, #tpu.memory_space<vmem>>[vector<16xi32>], vector<16xi32>,
      %gt3A_748 = arith.constant 0 : i32
      %gt3A_749 = vector.broadcast %gt3A_748 : i32 to vector<16xi32>
      %gt3A_750 = arith.cmpi sgt, %gather3A_747, %gt3A_749 : vector<16xi32>
      %select_n3A_751 = arith.select %gt3A_750, %broadcast_in_dim3A_27, %broadcast_in_dim3A_15 : vector<16xi1>, vector<16xf32>
      %add3A_752 = arith.addf %add3A_716, %select_n3A_751 : vector<16xf32>
      %mul3A_753 = arith.constant 64 : i32
      %mul3A_754 = vector.broadcast %mul3A_753 : i32 to vector<16xi32>
      %mul3A_755 = arith.muli %gather3A_747, %mul3A_754 : vector<16xi32>
      %add3A_756 = arith.constant 0 : i32
      %add3A_757 = vector.broadcast %add3A_756 : i32 to vector<16xi32>
      %add3A_758 = arith.addi %mul3A_755, %add3A_757 : vector<16xi32>
      %add3A_759 = arith.addi %add3A_758, %iota3A : vector<16xi32>
      %gather3A_760 = tpu.vector_load_idx %arg16[%add3A_759] : memref<64000xf32, #tpu.memory_space<vmem>>[vector<16xi32>], vector<16xf32>,
      %add3A_761 = arith.addf %add3A_725, %gather3A_760 : vector<16xf32>
      %add3A_762 = arith.constant 16 : i32
      %add3A_763 = vector.broadcast %add3A_762 : i32 to vector<16xi32>
      %add3A_764 = arith.addi %mul3A_755, %add3A_763 : vector<16xi32>
      %add3A_765 = arith.addi %add3A_764, %iota3A : vector<16xi32>
      %gather3A_766 = tpu.vector_load_idx %arg16[%add3A_765] : memref<64000xf32, #tpu.memory_space<vmem>>[vector<16xi32>], vector<16xf32>,
      %add3A_767 = arith.addf %add3A_731, %gather3A_766 : vector<16xf32>
      %add3A_768 = arith.constant 32 : i32
      %add3A_769 = vector.broadcast %add3A_768 : i32 to vector<16xi32>
      %add3A_770 = arith.addi %mul3A_755, %add3A_769 : vector<16xi32>
      %add3A_771 = arith.addi %add3A_770, %iota3A : vector<16xi32>
      %gather3A_772 = tpu.vector_load_idx %arg16[%add3A_771] : memref<64000xf32, #tpu.memory_space<vmem>>[vector<16xi32>], vector<16xf32>,
      %add3A_773 = arith.addf %add3A_737, %gather3A_772 : vector<16xf32>
      %add3A_774 = arith.constant 48 : i32
      %add3A_775 = vector.broadcast %add3A_774 : i32 to vector<16xi32>
      %add3A_776 = arith.addi %mul3A_755, %add3A_775 : vector<16xi32>
      %add3A_777 = arith.addi %add3A_776, %iota3A : vector<16xi32>
      %gather3A_778 = tpu.vector_load_idx %arg16[%add3A_777] : memref<64000xf32, #tpu.memory_space<vmem>>[vector<16xi32>], vector<16xf32>,
      %add3A_779 = arith.addf %add3A_743, %gather3A_778 : vector<16xf32>
      %add3A_780 = arith.constant 19 : i32
      %add3A_781 = arith.addi %mul3A_98, %add3A_780 : i32
      %broadcast_in_dim3A_782 = vector.broadcast %add3A_781 : i32 to vector<16xi32>
      %gather3A_783 = tpu.vector_load_idx %arg15[%broadcast_in_dim3A_782] : memref<10240xi32, #tpu.memory_space<vmem>>[vector<16xi32>], vector<16xi32>,
      %gt3A_784 = arith.constant 0 : i32
      %gt3A_785 = vector.broadcast %gt3A_784 : i32 to vector<16xi32>
      %gt3A_786 = arith.cmpi sgt, %gather3A_783, %gt3A_785 : vector<16xi32>
      %select_n3A_787 = arith.select %gt3A_786, %broadcast_in_dim3A_27, %broadcast_in_dim3A_15 : vector<16xi1>, vector<16xf32>
      %add3A_788 = arith.addf %add3A_752, %select_n3A_787 : vector<16xf32>
      %mul3A_789 = arith.constant 64 : i32
      %mul3A_790 = vector.broadcast %mul3A_789 : i32 to vector<16xi32>
      %mul3A_791 = arith.muli %gather3A_783, %mul3A_790 : vector<16xi32>
      %add3A_792 = arith.constant 0 : i32
      %add3A_793 = vector.broadcast %add3A_792 : i32 to vector<16xi32>
      %add3A_794 = arith.addi %mul3A_791, %add3A_793 : vector<16xi32>
      %add3A_795 = arith.addi %add3A_794, %iota3A : vector<16xi32>
      %gather3A_796 = tpu.vector_load_idx %arg16[%add3A_795] : memref<64000xf32, #tpu.memory_space<vmem>>[vector<16xi32>], vector<16xf32>,
      %add3A_797 = arith.addf %add3A_761, %gather3A_796 : vector<16xf32>
      %add3A_798 = arith.constant 16 : i32
      %add3A_799 = vector.broadcast %add3A_798 : i32 to vector<16xi32>
      %add3A_800 = arith.addi %mul3A_791, %add3A_799 : vector<16xi32>
      %add3A_801 = arith.addi %add3A_800, %iota3A : vector<16xi32>
      %gather3A_802 = tpu.vector_load_idx %arg16[%add3A_801] : memref<64000xf32, #tpu.memory_space<vmem>>[vector<16xi32>], vector<16xf32>,
      %add3A_803 = arith.addf %add3A_767, %gather3A_802 : vector<16xf32>
      %add3A_804 = arith.constant 32 : i32
      %add3A_805 = vector.broadcast %add3A_804 : i32 to vector<16xi32>
      %add3A_806 = arith.addi %mul3A_791, %add3A_805 : vector<16xi32>
      %add3A_807 = arith.addi %add3A_806, %iota3A : vector<16xi32>
      %gather3A_808 = tpu.vector_load_idx %arg16[%add3A_807] : memref<64000xf32, #tpu.memory_space<vmem>>[vector<16xi32>], vector<16xf32>,
      %add3A_809 = arith.addf %add3A_773, %gather3A_808 : vector<16xf32>
      %add3A_810 = arith.constant 48 : i32
      %add3A_811 = vector.broadcast %add3A_810 : i32 to vector<16xi32>
      %add3A_812 = arith.addi %mul3A_791, %add3A_811 : vector<16xi32>
      %add3A_813 = arith.addi %add3A_812, %iota3A : vector<16xi32>
      %gather3A_814 = tpu.vector_load_idx %arg16[%add3A_813] : memref<64000xf32, #tpu.memory_space<vmem>>[vector<16xi32>], vector<16xf32>,
      %add3A_815 = arith.addf %add3A_779, %gather3A_814 : vector<16xf32>
      %add3A_816 = arith.constant 9.99999993E-9 : f32
      %add3A_817 = vector.broadcast %add3A_816 : f32 to vector<16xf32>
      %add3A_818 = arith.addf %add3A_788, %add3A_817 : vector<16xf32>
      %div3A = arith.divf %broadcast_in_dim3A_27, %add3A_818 : vector<16xf32>
      %mul3A_819 = arith.mulf %add3A_797, %div3A : vector<16xf32>
      %mul3A_820 = arith.constant 64 : i32
      %mul3A_821 = arith.muli %scan3A_93, %mul3A_820 : i32
      %add3A_822 = arith.constant 0 : i32
      %add3A_823 = arith.addi %mul3A_821, %add3A_822 : i32
      %swap3A_824 = arith.index_cast %add3A_823 : i32 to index
      %swap3A_825 = tpu.vector_load %arg20[%swap3A_824] {strides = array<i32>} : memref<8192xf32, #tpu.memory_space<vmem>>, vector<16xf32>,
      tpu.vector_store %arg20[%swap3A_824], %mul3A_819 {strides = array<i32>} : memref<8192xf32, #tpu.memory_space<vmem>>, vector<16xf32>,
      %mul3A_826 = arith.mulf %add3A_803, %div3A : vector<16xf32>
      %mul3A_827 = arith.constant 64 : i32
      %mul3A_828 = arith.muli %scan3A_93, %mul3A_827 : i32
      %add3A_829 = arith.constant 16 : i32
      %add3A_830 = arith.addi %mul3A_828, %add3A_829 : i32
      %swap3A_831 = arith.index_cast %add3A_830 : i32 to index
      %swap3A_832 = tpu.vector_load %arg20[%swap3A_831] {strides = array<i32>} : memref<8192xf32, #tpu.memory_space<vmem>>, vector<16xf32>,
      tpu.vector_store %arg20[%swap3A_831], %mul3A_826 {strides = array<i32>} : memref<8192xf32, #tpu.memory_space<vmem>>, vector<16xf32>,
      %mul3A_833 = arith.mulf %add3A_809, %div3A : vector<16xf32>
      %mul3A_834 = arith.constant 64 : i32
      %mul3A_835 = arith.muli %scan3A_93, %mul3A_834 : i32
      %add3A_836 = arith.constant 32 : i32
      %add3A_837 = arith.addi %mul3A_835, %add3A_836 : i32
      %swap3A_838 = arith.index_cast %add3A_837 : i32 to index
      %swap3A_839 = tpu.vector_load %arg20[%swap3A_838] {strides = array<i32>} : memref<8192xf32, #tpu.memory_space<vmem>>, vector<16xf32>,
      tpu.vector_store %arg20[%swap3A_838], %mul3A_833 {strides = array<i32>} : memref<8192xf32, #tpu.memory_space<vmem>>, vector<16xf32>,
      %mul3A_840 = arith.mulf %add3A_815, %div3A : vector<16xf32>
      %mul3A_841 = arith.constant 64 : i32
      %mul3A_842 = arith.muli %scan3A_93, %mul3A_841 : i32
      %add3A_843 = arith.constant 48 : i32
      %add3A_844 = arith.addi %mul3A_842, %add3A_843 : i32
      %swap3A_845 = arith.index_cast %add3A_844 : i32 to index
      %swap3A_846 = tpu.vector_load %arg20[%swap3A_845] {strides = array<i32>} : memref<8192xf32, #tpu.memory_space<vmem>>, vector<16xf32>,
      tpu.vector_store %arg20[%swap3A_845], %mul3A_840 {strides = array<i32>} : memref<8192xf32, #tpu.memory_space<vmem>>, vector<16xf32>,
      %add3A_847 = arith.constant 0 : i32
      %add3A_848 = arith.addi %add3A_847, %add3A_96 : i32
      %broadcast_in_dim3A_849 = vector.broadcast %add3A_848 : i32 to vector<16xi32>
      %gather3A_850 = tpu.vector_load_idx %arg19[%broadcast_in_dim3A_849] : memref<1536xf32, #tpu.memory_space<vmem>>[vector<16xi32>], vector<16xf32>,
      %lt3A = arith.cmpf olt, %get3A_23, %gather3A_850 : vector<16xf32>
      %all_reduce_population_count3A = tpu.all_reduce %lt3A {dim = 0 : i64, kind = #tpu.reduction_kind<sum>} : vector<16xi1> -> vector<16xi32>
      %lt3A_851 = arith.cmpf olt, %get3A_25, %gather3A_850 : vector<16xf32>
      %all_reduce_population_count3A_852 = tpu.all_reduce %lt3A_851 {dim = 0 : i64, kind = #tpu.reduction_kind<sum>} : vector<16xi1> -> vector<16xi32>
      %add3A_853 = arith.addi %all_reduce_population_count3A, %all_reduce_population_count3A_852 : vector<16xi32>
      %mul3A_854 = arith.constant 64 : i32
      %mul3A_855 = vector.broadcast %mul3A_854 : i32 to vector<16xi32>
      %mul3A_856 = arith.muli %add3A_853, %mul3A_855 : vector<16xi32>
      %add3A_857 = arith.constant 0 : i32
      %add3A_858 = vector.broadcast %add3A_857 : i32 to vector<16xi32>
      %add3A_859 = arith.addi %mul3A_856, %add3A_858 : vector<16xi32>
      %add3A_860 = arith.constant 0 : i32
      %add3A_861 = vector.broadcast %add3A_860 : i32 to vector<16xi32>
      %add3A_862 = arith.addi %add3A_859, %add3A_861 : vector<16xi32>
      %add3A_863 = arith.addi %add3A_862, %iota3A : vector<16xi32>
      %gather3A_864 = tpu.vector_load_idx %arg17[%add3A_863] : memref<3840xf32, #tpu.memory_space<vmem>>[vector<16xi32>], vector<16xf32>,
      %add3A_865 = arith.addf %broadcast_in_dim3A_15, %gather3A_864 : vector<16xf32>
      %add3A_866 = arith.constant 16 : i32
      %add3A_867 = vector.broadcast %add3A_866 : i32 to vector<16xi32>
      %add3A_868 = arith.addi %add3A_859, %add3A_867 : vector<16xi32>
      %add3A_869 = arith.addi %add3A_868, %iota3A : vector<16xi32>
      %gather3A_870 = tpu.vector_load_idx %arg17[%add3A_869] : memref<3840xf32, #tpu.memory_space<vmem>>[vector<16xi32>], vector<16xf32>,
      %add3A_871 = arith.addf %broadcast_in_dim3A_15, %gather3A_870 : vector<16xf32>
      %add3A_872 = arith.constant 32 : i32
      %add3A_873 = vector.broadcast %add3A_872 : i32 to vector<16xi32>
      %add3A_874 = arith.addi %add3A_859, %add3A_873 : vector<16xi32>
      %add3A_875 = arith.addi %add3A_874, %iota3A : vector<16xi32>
      %gather3A_876 = tpu.vector_load_idx %arg17[%add3A_875] : memref<3840xf32, #tpu.memory_space<vmem>>[vector<16xi32>], vector<16xf32>,
      %add3A_877 = arith.addf %broadcast_in_dim3A_15, %gather3A_876 : vector<16xf32>
      %add3A_878 = arith.constant 48 : i32
      %add3A_879 = vector.broadcast %add3A_878 : i32 to vector<16xi32>
      %add3A_880 = arith.addi %add3A_859, %add3A_879 : vector<16xi32>
      %add3A_881 = arith.addi %add3A_880, %iota3A : vector<16xi32>
      %gather3A_882 = tpu.vector_load_idx %arg17[%add3A_881] : memref<3840xf32, #tpu.memory_space<vmem>>[vector<16xi32>], vector<16xf32>,
      %add3A_883 = arith.addf %broadcast_in_dim3A_15, %gather3A_882 : vector<16xf32>
      %add3A_884 = arith.constant 512 : i32
      %add3A_885 = arith.addi %add3A_884, %add3A_96 : i32
      %broadcast_in_dim3A_886 = vector.broadcast %add3A_885 : i32 to vector<16xi32>
      %gather3A_887 = tpu.vector_load_idx %arg19[%broadcast_in_dim3A_886] : memref<1536xf32, #tpu.memory_space<vmem>>[vector<16xi32>], vector<16xf32>,
      %lt3A_888 = arith.cmpf olt, %get3A_23, %gather3A_887 : vector<16xf32>
      %all_reduce_population_count3A_889 = tpu.all_reduce %lt3A_888 {dim = 0 : i64, kind = #tpu.reduction_kind<sum>} : vector<16xi1> -> vector<16xi32>
      %lt3A_890 = arith.cmpf olt, %get3A_25, %gather3A_887 : vector<16xf32>
      %all_reduce_population_count3A_891 = tpu.all_reduce %lt3A_890 {dim = 0 : i64, kind = #tpu.reduction_kind<sum>} : vector<16xi1> -> vector<16xi32>
      %add3A_892 = arith.addi %all_reduce_population_count3A_889, %all_reduce_population_count3A_891 : vector<16xi32>
      %mul3A_893 = arith.constant 64 : i32
      %mul3A_894 = vector.broadcast %mul3A_893 : i32 to vector<16xi32>
      %mul3A_895 = arith.muli %add3A_892, %mul3A_894 : vector<16xi32>
      %add3A_896 = arith.constant 1280 : i32
      %add3A_897 = vector.broadcast %add3A_896 : i32 to vector<16xi32>
      %add3A_898 = arith.addi %mul3A_895, %add3A_897 : vector<16xi32>
      %add3A_899 = arith.constant 0 : i32
      %add3A_900 = vector.broadcast %add3A_899 : i32 to vector<16xi32>
      %add3A_901 = arith.addi %add3A_898, %add3A_900 : vector<16xi32>
      %add3A_902 = arith.addi %add3A_901, %iota3A : vector<16xi32>
      %gather3A_903 = tpu.vector_load_idx %arg17[%add3A_902] : memref<3840xf32, #tpu.memory_space<vmem>>[vector<16xi32>], vector<16xf32>,
      %add3A_904 = arith.addf %add3A_865, %gather3A_903 : vector<16xf32>
      %add3A_905 = arith.constant 16 : i32
      %add3A_906 = vector.broadcast %add3A_905 : i32 to vector<16xi32>
      %add3A_907 = arith.addi %add3A_898, %add3A_906 : vector<16xi32>
      %add3A_908 = arith.addi %add3A_907, %iota3A : vector<16xi32>
      %gather3A_909 = tpu.vector_load_idx %arg17[%add3A_908] : memref<3840xf32, #tpu.memory_space<vmem>>[vector<16xi32>], vector<16xf32>,
      %add3A_910 = arith.addf %add3A_871, %gather3A_909 : vector<16xf32>
      %add3A_911 = arith.constant 32 : i32
      %add3A_912 = vector.broadcast %add3A_911 : i32 to vector<16xi32>
      %add3A_913 = arith.addi %add3A_898, %add3A_912 : vector<16xi32>
      %add3A_914 = arith.addi %add3A_913, %iota3A : vector<16xi32>
      %gather3A_915 = tpu.vector_load_idx %arg17[%add3A_914] : memref<3840xf32, #tpu.memory_space<vmem>>[vector<16xi32>], vector<16xf32>,
      %add3A_916 = arith.addf %add3A_877, %gather3A_915 : vector<16xf32>
      %add3A_917 = arith.constant 48 : i32
      %add3A_918 = vector.broadcast %add3A_917 : i32 to vector<16xi32>
      %add3A_919 = arith.addi %add3A_898, %add3A_918 : vector<16xi32>
      %add3A_920 = arith.addi %add3A_919, %iota3A : vector<16xi32>
      %gather3A_921 = tpu.vector_load_idx %arg17[%add3A_920] : memref<3840xf32, #tpu.memory_space<vmem>>[vector<16xi32>], vector<16xf32>,
      %add3A_922 = arith.addf %add3A_883, %gather3A_921 : vector<16xf32>
      %add3A_923 = arith.constant 1024 : i32
      %add3A_924 = arith.addi %add3A_923, %add3A_96 : i32
      %broadcast_in_dim3A_925 = vector.broadcast %add3A_924 : i32 to vector<16xi32>
      %gather3A_926 = tpu.vector_load_idx %arg19[%broadcast_in_dim3A_925] : memref<1536xf32, #tpu.memory_space<vmem>>[vector<16xi32>], vector<16xf32>,
      %lt3A_927 = arith.cmpf olt, %get3A_23, %gather3A_926 : vector<16xf32>
      %all_reduce_population_count3A_928 = tpu.all_reduce %lt3A_927 {dim = 0 : i64, kind = #tpu.reduction_kind<sum>} : vector<16xi1> -> vector<16xi32>
      %lt3A_929 = arith.cmpf olt, %get3A_25, %gather3A_926 : vector<16xf32>
      %all_reduce_population_count3A_930 = tpu.all_reduce %lt3A_929 {dim = 0 : i64, kind = #tpu.reduction_kind<sum>} : vector<16xi1> -> vector<16xi32>
      %add3A_931 = arith.addi %all_reduce_population_count3A_928, %all_reduce_population_count3A_930 : vector<16xi32>
      %mul3A_932 = arith.constant 64 : i32
      %mul3A_933 = vector.broadcast %mul3A_932 : i32 to vector<16xi32>
      %mul3A_934 = arith.muli %add3A_931, %mul3A_933 : vector<16xi32>
      %add3A_935 = arith.constant 2560 : i32
      %add3A_936 = vector.broadcast %add3A_935 : i32 to vector<16xi32>
      %add3A_937 = arith.addi %mul3A_934, %add3A_936 : vector<16xi32>
      %add3A_938 = arith.constant 0 : i32
      %add3A_939 = vector.broadcast %add3A_938 : i32 to vector<16xi32>
      %add3A_940 = arith.addi %add3A_937, %add3A_939 : vector<16xi32>
      %add3A_941 = arith.addi %add3A_940, %iota3A : vector<16xi32>
      %gather3A_942 = tpu.vector_load_idx %arg17[%add3A_941] : memref<3840xf32, #tpu.memory_space<vmem>>[vector<16xi32>], vector<16xf32>,
      %add3A_943 = arith.addf %add3A_904, %gather3A_942 : vector<16xf32>
      %add3A_944 = arith.constant 16 : i32
      %add3A_945 = vector.broadcast %add3A_944 : i32 to vector<16xi32>
      %add3A_946 = arith.addi %add3A_937, %add3A_945 : vector<16xi32>
      %add3A_947 = arith.addi %add3A_946, %iota3A : vector<16xi32>
      %gather3A_948 = tpu.vector_load_idx %arg17[%add3A_947] : memref<3840xf32, #tpu.memory_space<vmem>>[vector<16xi32>], vector<16xf32>,
      %add3A_949 = arith.addf %add3A_910, %gather3A_948 : vector<16xf32>
      %add3A_950 = arith.constant 32 : i32
      %add3A_951 = vector.broadcast %add3A_950 : i32 to vector<16xi32>
      %add3A_952 = arith.addi %add3A_937, %add3A_951 : vector<16xi32>
      %add3A_953 = arith.addi %add3A_952, %iota3A : vector<16xi32>
      %gather3A_954 = tpu.vector_load_idx %arg17[%add3A_953] : memref<3840xf32, #tpu.memory_space<vmem>>[vector<16xi32>], vector<16xf32>,
      %add3A_955 = arith.addf %add3A_916, %gather3A_954 : vector<16xf32>
      %add3A_956 = arith.constant 48 : i32
      %add3A_957 = vector.broadcast %add3A_956 : i32 to vector<16xi32>
      %add3A_958 = arith.addi %add3A_937, %add3A_957 : vector<16xi32>
      %add3A_959 = arith.addi %add3A_958, %iota3A : vector<16xi32>
      %gather3A_960 = tpu.vector_load_idx %arg17[%add3A_959] : memref<3840xf32, #tpu.memory_space<vmem>>[vector<16xi32>], vector<16xf32>,
      %add3A_961 = arith.addf %add3A_922, %gather3A_960 : vector<16xf32>
      %mul3A_962 = arith.constant 64 : i32
      %mul3A_963 = arith.muli %scan3A_93, %mul3A_962 : i32
      %add3A_964 = arith.constant 0 : i32
      %add3A_965 = arith.addi %mul3A_963, %add3A_964 : i32
      %swap3A_966 = arith.index_cast %add3A_965 : i32 to index
      %swap3A_967 = tpu.vector_load %arg21[%swap3A_966] {strides = array<i32>} : memref<8192xf32, #tpu.memory_space<vmem>>, vector<16xf32>,
      tpu.vector_store %arg21[%swap3A_966], %add3A_943 {strides = array<i32>} : memref<8192xf32, #tpu.memory_space<vmem>>, vector<16xf32>,
      %mul3A_968 = arith.constant 64 : i32
      %mul3A_969 = arith.muli %scan3A_93, %mul3A_968 : i32
      %add3A_970 = arith.constant 16 : i32
      %add3A_971 = arith.addi %mul3A_969, %add3A_970 : i32
      %swap3A_972 = arith.index_cast %add3A_971 : i32 to index
      %swap3A_973 = tpu.vector_load %arg21[%swap3A_972] {strides = array<i32>} : memref<8192xf32, #tpu.memory_space<vmem>>, vector<16xf32>,
      tpu.vector_store %arg21[%swap3A_972], %add3A_949 {strides = array<i32>} : memref<8192xf32, #tpu.memory_space<vmem>>, vector<16xf32>,
      %mul3A_974 = arith.constant 64 : i32
      %mul3A_975 = arith.muli %scan3A_93, %mul3A_974 : i32
      %add3A_976 = arith.constant 32 : i32
      %add3A_977 = arith.addi %mul3A_975, %add3A_976 : i32
      %swap3A_978 = arith.index_cast %add3A_977 : i32 to index
      %swap3A_979 = tpu.vector_load %arg21[%swap3A_978] {strides = array<i32>} : memref<8192xf32, #tpu.memory_space<vmem>>, vector<16xf32>,
      tpu.vector_store %arg21[%swap3A_978], %add3A_955 {strides = array<i32>} : memref<8192xf32, #tpu.memory_space<vmem>>, vector<16xf32>,
      %mul3A_980 = arith.constant 64 : i32
      %mul3A_981 = arith.muli %scan3A_93, %mul3A_980 : i32
      %add3A_982 = arith.constant 48 : i32
      %add3A_983 = arith.addi %mul3A_981, %add3A_982 : i32
      %swap3A_984 = arith.index_cast %add3A_983 : i32 to index
      %swap3A_985 = tpu.vector_load %arg21[%swap3A_984] {strides = array<i32>} : memref<8192xf32, #tpu.memory_space<vmem>>, vector<16xf32>,
      tpu.vector_store %arg21[%swap3A_984], %add3A_961 {strides = array<i32>} : memref<8192xf32, #tpu.memory_space<vmem>>, vector<16xf32>,
    }
    %scan3A_32 = arith.constant 128 : i32
    %add3A_33 = arith.constant 0 : i32
    %add3A_34 = arith.addi %mul3A_2, %add3A_33 : i32
    %mul3A_35 = arith.constant 64 : i32
    %mul3A_36 = arith.muli %add3A_34, %mul3A_35 : i32
    "tpu.region"() ({
      %run_scoped3A = tpu.sem_alloc : memref<!tpu.dma_semaphore, #tpu.memory_space<semaphore_mem>>
      %dma_start3A_93 = tpu.memref_slice %arg10[%mul3A_36] : memref<1048576xf32, #tpu.memory_space<hbm>> -> memref<8192xf32, #tpu.memory_space<hbm>>
      %dma_start3A_94 = tpu.memref_slice %arg10[%mul3A_36] : memref<1048576xf32, #tpu.memory_space<hbm>> -> memref<8192xf32, #tpu.memory_space<hbm>>
      tpu.enqueue_dma source(%arg20 : memref<8192xf32, #tpu.memory_space<vmem>>) target(%dma_start3A_94 : memref<8192xf32, #tpu.memory_space<hbm>>) target_semaphore(%run_scoped3A : memref<!tpu.dma_semaphore, #tpu.memory_space<semaphore_mem>>)
      %dma_wait3A_95 = tpu.memref_slice %arg10[%mul3A_36] : memref<1048576xf32, #tpu.memory_space<hbm>> -> memref<8192xf32, #tpu.memory_space<hbm>>
      %dma_wait3A_96 = tpu.memref_slice %arg10[%mul3A_36] : memref<1048576xf32, #tpu.memory_space<hbm>> -> memref<8192xf32, #tpu.memory_space<hbm>>
      tpu.wait_dma2 semaphore(%run_scoped3A : memref<!tpu.dma_semaphore, #tpu.memory_space<semaphore_mem>>) src(%arg20 : memref<8192xf32, #tpu.memory_space<vmem>>) dst(%dma_wait3A_96 : memref<8192xf32, #tpu.memory_space<hbm>>)
      tpu.yield
    }) : () -> ()
    %add3A_37 = arith.constant 0 : i32
    %add3A_38 = arith.addi %mul3A_2, %add3A_37 : i32
    %mul3A_39 = arith.constant 64 : i32
    %mul3A_40 = arith.muli %add3A_38, %mul3A_39 : i32
    "tpu.region"() ({
      %run_scoped3A = tpu.sem_alloc : memref<!tpu.dma_semaphore, #tpu.memory_space<semaphore_mem>>
      %dma_start3A_93 = tpu.memref_slice %arg11[%mul3A_40] : memref<1048576xf32, #tpu.memory_space<hbm>> -> memref<8192xf32, #tpu.memory_space<hbm>>
      %dma_start3A_94 = tpu.memref_slice %arg11[%mul3A_40] : memref<1048576xf32, #tpu.memory_space<hbm>> -> memref<8192xf32, #tpu.memory_space<hbm>>
      tpu.enqueue_dma source(%arg21 : memref<8192xf32, #tpu.memory_space<vmem>>) target(%dma_start3A_94 : memref<8192xf32, #tpu.memory_space<hbm>>) target_semaphore(%run_scoped3A : memref<!tpu.dma_semaphore, #tpu.memory_space<semaphore_mem>>)
      %dma_wait3A_95 = tpu.memref_slice %arg11[%mul3A_40] : memref<1048576xf32, #tpu.memory_space<hbm>> -> memref<8192xf32, #tpu.memory_space<hbm>>
      %dma_wait3A_96 = tpu.memref_slice %arg11[%mul3A_40] : memref<1048576xf32, #tpu.memory_space<hbm>> -> memref<8192xf32, #tpu.memory_space<hbm>>
      tpu.wait_dma2 semaphore(%run_scoped3A : memref<!tpu.dma_semaphore, #tpu.memory_space<semaphore_mem>>) src(%arg21 : memref<8192xf32, #tpu.memory_space<vmem>>) dst(%dma_wait3A_96 : memref<8192xf32, #tpu.memory_space<hbm>>)
      tpu.yield
    }) : () -> ()
    %scan3A_41 = arith.constant 1 : i32
    %scan3A_42 = arith.constant 0 : i32
    %scan3A_43 = arith.constant 128 : i32
    %scan3A_44 = arith.addi %scan3A_42, %scan3A_43 : i32
    %scan3A_45 = arith.constant 1 : i32
    scf.for %scan3A_93 = %scan3A_42 to %scan3A_44 step %scan3A_45  : i32 {
      %mul3A_94 = arith.constant 128 : i32
      %mul3A_95 = arith.muli %scan3A_41, %mul3A_94 : i32
      %add3A_96 = arith.addi %mul3A_95, %scan3A_93 : i32
      %mul3A_97 = arith.constant 20 : i32
      %mul3A_98 = arith.muli %add3A_96, %mul3A_97 : i32
      %add3A_99 = arith.constant 0 : i32
      %add3A_100 = arith.addi %mul3A_98, %add3A_99 : i32
      %broadcast_in_dim3A_101 = vector.broadcast %add3A_100 : i32 to vector<16xi32>
      %gather3A = tpu.vector_load_idx %arg15[%broadcast_in_dim3A_101] : memref<10240xi32, #tpu.memory_space<vmem>>[vector<16xi32>], vector<16xi32>,
      %gt3A = arith.constant 0 : i32
      %gt3A_102 = vector.broadcast %gt3A : i32 to vector<16xi32>
      %gt3A_103 = arith.cmpi sgt, %gather3A, %gt3A_102 : vector<16xi32>
      %select_n3A = arith.select %gt3A_103, %broadcast_in_dim3A_27, %broadcast_in_dim3A_15 : vector<16xi1>, vector<16xf32>
      %add3A_104 = arith.addf %broadcast_in_dim3A_15, %select_n3A : vector<16xf32>
      %mul3A_105 = arith.constant 64 : i32
      %mul3A_106 = vector.broadcast %mul3A_105 : i32 to vector<16xi32>
      %mul3A_107 = arith.muli %gather3A, %mul3A_106 : vector<16xi32>
      %add3A_108 = arith.constant 0 : i32
      %add3A_109 = vector.broadcast %add3A_108 : i32 to vector<16xi32>
      %add3A_110 = arith.addi %mul3A_107, %add3A_109 : vector<16xi32>
      %add3A_111 = arith.addi %add3A_110, %iota3A : vector<16xi32>
      %gather3A_112 = tpu.vector_load_idx %arg16[%add3A_111] : memref<64000xf32, #tpu.memory_space<vmem>>[vector<16xi32>], vector<16xf32>,
      %add3A_113 = arith.addf %broadcast_in_dim3A_15, %gather3A_112 : vector<16xf32>
      %add3A_114 = arith.constant 16 : i32
      %add3A_115 = vector.broadcast %add3A_114 : i32 to vector<16xi32>
      %add3A_116 = arith.addi %mul3A_107, %add3A_115 : vector<16xi32>
      %add3A_117 = arith.addi %add3A_116, %iota3A : vector<16xi32>
      %gather3A_118 = tpu.vector_load_idx %arg16[%add3A_117] : memref<64000xf32, #tpu.memory_space<vmem>>[vector<16xi32>], vector<16xf32>,
      %add3A_119 = arith.addf %broadcast_in_dim3A_15, %gather3A_118 : vector<16xf32>
      %add3A_120 = arith.constant 32 : i32
      %add3A_121 = vector.broadcast %add3A_120 : i32 to vector<16xi32>
      %add3A_122 = arith.addi %mul3A_107, %add3A_121 : vector<16xi32>
      %add3A_123 = arith.addi %add3A_122, %iota3A : vector<16xi32>
      %gather3A_124 = tpu.vector_load_idx %arg16[%add3A_123] : memref<64000xf32, #tpu.memory_space<vmem>>[vector<16xi32>], vector<16xf32>,
      %add3A_125 = arith.addf %broadcast_in_dim3A_15, %gather3A_124 : vector<16xf32>
      %add3A_126 = arith.constant 48 : i32
      %add3A_127 = vector.broadcast %add3A_126 : i32 to vector<16xi32>
      %add3A_128 = arith.addi %mul3A_107, %add3A_127 : vector<16xi32>
      %add3A_129 = arith.addi %add3A_128, %iota3A : vector<16xi32>
      %gather3A_130 = tpu.vector_load_idx %arg16[%add3A_129] : memref<64000xf32, #tpu.memory_space<vmem>>[vector<16xi32>], vector<16xf32>,
      %add3A_131 = arith.addf %broadcast_in_dim3A_15, %gather3A_130 : vector<16xf32>
      %add3A_132 = arith.constant 1 : i32
      %add3A_133 = arith.addi %mul3A_98, %add3A_132 : i32
      %broadcast_in_dim3A_134 = vector.broadcast %add3A_133 : i32 to vector<16xi32>
      %gather3A_135 = tpu.vector_load_idx %arg15[%broadcast_in_dim3A_134] : memref<10240xi32, #tpu.memory_space<vmem>>[vector<16xi32>], vector<16xi32>,
      %gt3A_136 = arith.constant 0 : i32
      %gt3A_137 = vector.broadcast %gt3A_136 : i32 to vector<16xi32>
      %gt3A_138 = arith.cmpi sgt, %gather3A_135, %gt3A_137 : vector<16xi32>
      %select_n3A_139 = arith.select %gt3A_138, %broadcast_in_dim3A_27, %broadcast_in_dim3A_15 : vector<16xi1>, vector<16xf32>
      %add3A_140 = arith.addf %add3A_104, %select_n3A_139 : vector<16xf32>
      %mul3A_141 = arith.constant 64 : i32
      %mul3A_142 = vector.broadcast %mul3A_141 : i32 to vector<16xi32>
      %mul3A_143 = arith.muli %gather3A_135, %mul3A_142 : vector<16xi32>
      %add3A_144 = arith.constant 0 : i32
      %add3A_145 = vector.broadcast %add3A_144 : i32 to vector<16xi32>
      %add3A_146 = arith.addi %mul3A_143, %add3A_145 : vector<16xi32>
      %add3A_147 = arith.addi %add3A_146, %iota3A : vector<16xi32>
      %gather3A_148 = tpu.vector_load_idx %arg16[%add3A_147] : memref<64000xf32, #tpu.memory_space<vmem>>[vector<16xi32>], vector<16xf32>,
      %add3A_149 = arith.addf %add3A_113, %gather3A_148 : vector<16xf32>
      %add3A_150 = arith.constant 16 : i32
      %add3A_151 = vector.broadcast %add3A_150 : i32 to vector<16xi32>
      %add3A_152 = arith.addi %mul3A_143, %add3A_151 : vector<16xi32>
      %add3A_153 = arith.addi %add3A_152, %iota3A : vector<16xi32>
      %gather3A_154 = tpu.vector_load_idx %arg16[%add3A_153] : memref<64000xf32, #tpu.memory_space<vmem>>[vector<16xi32>], vector<16xf32>,
      %add3A_155 = arith.addf %add3A_119, %gather3A_154 : vector<16xf32>
      %add3A_156 = arith.constant 32 : i32
      %add3A_157 = vector.broadcast %add3A_156 : i32 to vector<16xi32>
      %add3A_158 = arith.addi %mul3A_143, %add3A_157 : vector<16xi32>
      %add3A_159 = arith.addi %add3A_158, %iota3A : vector<16xi32>
      %gather3A_160 = tpu.vector_load_idx %arg16[%add3A_159] : memref<64000xf32, #tpu.memory_space<vmem>>[vector<16xi32>], vector<16xf32>,
      %add3A_161 = arith.addf %add3A_125, %gather3A_160 : vector<16xf32>
      %add3A_162 = arith.constant 48 : i32
      %add3A_163 = vector.broadcast %add3A_162 : i32 to vector<16xi32>
      %add3A_164 = arith.addi %mul3A_143, %add3A_163 : vector<16xi32>
      %add3A_165 = arith.addi %add3A_164, %iota3A : vector<16xi32>
      %gather3A_166 = tpu.vector_load_idx %arg16[%add3A_165] : memref<64000xf32, #tpu.memory_space<vmem>>[vector<16xi32>], vector<16xf32>,
      %add3A_167 = arith.addf %add3A_131, %gather3A_166 : vector<16xf32>
      %add3A_168 = arith.constant 2 : i32
      %add3A_169 = arith.addi %mul3A_98, %add3A_168 : i32
      %broadcast_in_dim3A_170 = vector.broadcast %add3A_169 : i32 to vector<16xi32>
      %gather3A_171 = tpu.vector_load_idx %arg15[%broadcast_in_dim3A_170] : memref<10240xi32, #tpu.memory_space<vmem>>[vector<16xi32>], vector<16xi32>,
      %gt3A_172 = arith.constant 0 : i32
      %gt3A_173 = vector.broadcast %gt3A_172 : i32 to vector<16xi32>
      %gt3A_174 = arith.cmpi sgt, %gather3A_171, %gt3A_173 : vector<16xi32>
      %select_n3A_175 = arith.select %gt3A_174, %broadcast_in_dim3A_27, %broadcast_in_dim3A_15 : vector<16xi1>, vector<16xf32>
      %add3A_176 = arith.addf %add3A_140, %select_n3A_175 : vector<16xf32>
      %mul3A_177 = arith.constant 64 : i32
      %mul3A_178 = vector.broadcast %mul3A_177 : i32 to vector<16xi32>
      %mul3A_179 = arith.muli %gather3A_171, %mul3A_178 : vector<16xi32>
      %add3A_180 = arith.constant 0 : i32
      %add3A_181 = vector.broadcast %add3A_180 : i32 to vector<16xi32>
      %add3A_182 = arith.addi %mul3A_179, %add3A_181 : vector<16xi32>
      %add3A_183 = arith.addi %add3A_182, %iota3A : vector<16xi32>
      %gather3A_184 = tpu.vector_load_idx %arg16[%add3A_183] : memref<64000xf32, #tpu.memory_space<vmem>>[vector<16xi32>], vector<16xf32>,
      %add3A_185 = arith.addf %add3A_149, %gather3A_184 : vector<16xf32>
      %add3A_186 = arith.constant 16 : i32
      %add3A_187 = vector.broadcast %add3A_186 : i32 to vector<16xi32>
      %add3A_188 = arith.addi %mul3A_179, %add3A_187 : vector<16xi32>
      %add3A_189 = arith.addi %add3A_188, %iota3A : vector<16xi32>
      %gather3A_190 = tpu.vector_load_idx %arg16[%add3A_189] : memref<64000xf32, #tpu.memory_space<vmem>>[vector<16xi32>], vector<16xf32>,
      %add3A_191 = arith.addf %add3A_155, %gather3A_190 : vector<16xf32>
      %add3A_192 = arith.constant 32 : i32
      %add3A_193 = vector.broadcast %add3A_192 : i32 to vector<16xi32>
      %add3A_194 = arith.addi %mul3A_179, %add3A_193 : vector<16xi32>
      %add3A_195 = arith.addi %add3A_194, %iota3A : vector<16xi32>
      %gather3A_196 = tpu.vector_load_idx %arg16[%add3A_195] : memref<64000xf32, #tpu.memory_space<vmem>>[vector<16xi32>], vector<16xf32>,
      %add3A_197 = arith.addf %add3A_161, %gather3A_196 : vector<16xf32>
      %add3A_198 = arith.constant 48 : i32
      %add3A_199 = vector.broadcast %add3A_198 : i32 to vector<16xi32>
      %add3A_200 = arith.addi %mul3A_179, %add3A_199 : vector<16xi32>
      %add3A_201 = arith.addi %add3A_200, %iota3A : vector<16xi32>
      %gather3A_202 = tpu.vector_load_idx %arg16[%add3A_201] : memref<64000xf32, #tpu.memory_space<vmem>>[vector<16xi32>], vector<16xf32>,
      %add3A_203 = arith.addf %add3A_167, %gather3A_202 : vector<16xf32>
      %add3A_204 = arith.constant 3 : i32
      %add3A_205 = arith.addi %mul3A_98, %add3A_204 : i32
      %broadcast_in_dim3A_206 = vector.broadcast %add3A_205 : i32 to vector<16xi32>
      %gather3A_207 = tpu.vector_load_idx %arg15[%broadcast_in_dim3A_206] : memref<10240xi32, #tpu.memory_space<vmem>>[vector<16xi32>], vector<16xi32>,
      %gt3A_208 = arith.constant 0 : i32
      %gt3A_209 = vector.broadcast %gt3A_208 : i32 to vector<16xi32>
      %gt3A_210 = arith.cmpi sgt, %gather3A_207, %gt3A_209 : vector<16xi32>
      %select_n3A_211 = arith.select %gt3A_210, %broadcast_in_dim3A_27, %broadcast_in_dim3A_15 : vector<16xi1>, vector<16xf32>
      %add3A_212 = arith.addf %add3A_176, %select_n3A_211 : vector<16xf32>
      %mul3A_213 = arith.constant 64 : i32
      %mul3A_214 = vector.broadcast %mul3A_213 : i32 to vector<16xi32>
      %mul3A_215 = arith.muli %gather3A_207, %mul3A_214 : vector<16xi32>
      %add3A_216 = arith.constant 0 : i32
      %add3A_217 = vector.broadcast %add3A_216 : i32 to vector<16xi32>
      %add3A_218 = arith.addi %mul3A_215, %add3A_217 : vector<16xi32>
      %add3A_219 = arith.addi %add3A_218, %iota3A : vector<16xi32>
      %gather3A_220 = tpu.vector_load_idx %arg16[%add3A_219] : memref<64000xf32, #tpu.memory_space<vmem>>[vector<16xi32>], vector<16xf32>,
      %add3A_221 = arith.addf %add3A_185, %gather3A_220 : vector<16xf32>
      %add3A_222 = arith.constant 16 : i32
      %add3A_223 = vector.broadcast %add3A_222 : i32 to vector<16xi32>
      %add3A_224 = arith.addi %mul3A_215, %add3A_223 : vector<16xi32>
      %add3A_225 = arith.addi %add3A_224, %iota3A : vector<16xi32>
      %gather3A_226 = tpu.vector_load_idx %arg16[%add3A_225] : memref<64000xf32, #tpu.memory_space<vmem>>[vector<16xi32>], vector<16xf32>,
      %add3A_227 = arith.addf %add3A_191, %gather3A_226 : vector<16xf32>
      %add3A_228 = arith.constant 32 : i32
      %add3A_229 = vector.broadcast %add3A_228 : i32 to vector<16xi32>
      %add3A_230 = arith.addi %mul3A_215, %add3A_229 : vector<16xi32>
      %add3A_231 = arith.addi %add3A_230, %iota3A : vector<16xi32>
      %gather3A_232 = tpu.vector_load_idx %arg16[%add3A_231] : memref<64000xf32, #tpu.memory_space<vmem>>[vector<16xi32>], vector<16xf32>,
      %add3A_233 = arith.addf %add3A_197, %gather3A_232 : vector<16xf32>
      %add3A_234 = arith.constant 48 : i32
      %add3A_235 = vector.broadcast %add3A_234 : i32 to vector<16xi32>
      %add3A_236 = arith.addi %mul3A_215, %add3A_235 : vector<16xi32>
      %add3A_237 = arith.addi %add3A_236, %iota3A : vector<16xi32>
      %gather3A_238 = tpu.vector_load_idx %arg16[%add3A_237] : memref<64000xf32, #tpu.memory_space<vmem>>[vector<16xi32>], vector<16xf32>,
      %add3A_239 = arith.addf %add3A_203, %gather3A_238 : vector<16xf32>
      %add3A_240 = arith.constant 4 : i32
      %add3A_241 = arith.addi %mul3A_98, %add3A_240 : i32
      %broadcast_in_dim3A_242 = vector.broadcast %add3A_241 : i32 to vector<16xi32>
      %gather3A_243 = tpu.vector_load_idx %arg15[%broadcast_in_dim3A_242] : memref<10240xi32, #tpu.memory_space<vmem>>[vector<16xi32>], vector<16xi32>,
      %gt3A_244 = arith.constant 0 : i32
      %gt3A_245 = vector.broadcast %gt3A_244 : i32 to vector<16xi32>
      %gt3A_246 = arith.cmpi sgt, %gather3A_243, %gt3A_245 : vector<16xi32>
      %select_n3A_247 = arith.select %gt3A_246, %broadcast_in_dim3A_27, %broadcast_in_dim3A_15 : vector<16xi1>, vector<16xf32>
      %add3A_248 = arith.addf %add3A_212, %select_n3A_247 : vector<16xf32>
      %mul3A_249 = arith.constant 64 : i32
      %mul3A_250 = vector.broadcast %mul3A_249 : i32 to vector<16xi32>
      %mul3A_251 = arith.muli %gather3A_243, %mul3A_250 : vector<16xi32>
      %add3A_252 = arith.constant 0 : i32
      %add3A_253 = vector.broadcast %add3A_252 : i32 to vector<16xi32>
      %add3A_254 = arith.addi %mul3A_251, %add3A_253 : vector<16xi32>
      %add3A_255 = arith.addi %add3A_254, %iota3A : vector<16xi32>
      %gather3A_256 = tpu.vector_load_idx %arg16[%add3A_255] : memref<64000xf32, #tpu.memory_space<vmem>>[vector<16xi32>], vector<16xf32>,
      %add3A_257 = arith.addf %add3A_221, %gather3A_256 : vector<16xf32>
      %add3A_258 = arith.constant 16 : i32
      %add3A_259 = vector.broadcast %add3A_258 : i32 to vector<16xi32>
      %add3A_260 = arith.addi %mul3A_251, %add3A_259 : vector<16xi32>
      %add3A_261 = arith.addi %add3A_260, %iota3A : vector<16xi32>
      %gather3A_262 = tpu.vector_load_idx %arg16[%add3A_261] : memref<64000xf32, #tpu.memory_space<vmem>>[vector<16xi32>], vector<16xf32>,
      %add3A_263 = arith.addf %add3A_227, %gather3A_262 : vector<16xf32>
      %add3A_264 = arith.constant 32 : i32
      %add3A_265 = vector.broadcast %add3A_264 : i32 to vector<16xi32>
      %add3A_266 = arith.addi %mul3A_251, %add3A_265 : vector<16xi32>
      %add3A_267 = arith.addi %add3A_266, %iota3A : vector<16xi32>
      %gather3A_268 = tpu.vector_load_idx %arg16[%add3A_267] : memref<64000xf32, #tpu.memory_space<vmem>>[vector<16xi32>], vector<16xf32>,
      %add3A_269 = arith.addf %add3A_233, %gather3A_268 : vector<16xf32>
      %add3A_270 = arith.constant 48 : i32
      %add3A_271 = vector.broadcast %add3A_270 : i32 to vector<16xi32>
      %add3A_272 = arith.addi %mul3A_251, %add3A_271 : vector<16xi32>
      %add3A_273 = arith.addi %add3A_272, %iota3A : vector<16xi32>
      %gather3A_274 = tpu.vector_load_idx %arg16[%add3A_273] : memref<64000xf32, #tpu.memory_space<vmem>>[vector<16xi32>], vector<16xf32>,
      %add3A_275 = arith.addf %add3A_239, %gather3A_274 : vector<16xf32>
      %add3A_276 = arith.constant 5 : i32
      %add3A_277 = arith.addi %mul3A_98, %add3A_276 : i32
      %broadcast_in_dim3A_278 = vector.broadcast %add3A_277 : i32 to vector<16xi32>
      %gather3A_279 = tpu.vector_load_idx %arg15[%broadcast_in_dim3A_278] : memref<10240xi32, #tpu.memory_space<vmem>>[vector<16xi32>], vector<16xi32>,
      %gt3A_280 = arith.constant 0 : i32
      %gt3A_281 = vector.broadcast %gt3A_280 : i32 to vector<16xi32>
      %gt3A_282 = arith.cmpi sgt, %gather3A_279, %gt3A_281 : vector<16xi32>
      %select_n3A_283 = arith.select %gt3A_282, %broadcast_in_dim3A_27, %broadcast_in_dim3A_15 : vector<16xi1>, vector<16xf32>
      %add3A_284 = arith.addf %add3A_248, %select_n3A_283 : vector<16xf32>
      %mul3A_285 = arith.constant 64 : i32
      %mul3A_286 = vector.broadcast %mul3A_285 : i32 to vector<16xi32>
      %mul3A_287 = arith.muli %gather3A_279, %mul3A_286 : vector<16xi32>
      %add3A_288 = arith.constant 0 : i32
      %add3A_289 = vector.broadcast %add3A_288 : i32 to vector<16xi32>
      %add3A_290 = arith.addi %mul3A_287, %add3A_289 : vector<16xi32>
      %add3A_291 = arith.addi %add3A_290, %iota3A : vector<16xi32>
      %gather3A_292 = tpu.vector_load_idx %arg16[%add3A_291] : memref<64000xf32, #tpu.memory_space<vmem>>[vector<16xi32>], vector<16xf32>,
      %add3A_293 = arith.addf %add3A_257, %gather3A_292 : vector<16xf32>
      %add3A_294 = arith.constant 16 : i32
      %add3A_295 = vector.broadcast %add3A_294 : i32 to vector<16xi32>
      %add3A_296 = arith.addi %mul3A_287, %add3A_295 : vector<16xi32>
      %add3A_297 = arith.addi %add3A_296, %iota3A : vector<16xi32>
      %gather3A_298 = tpu.vector_load_idx %arg16[%add3A_297] : memref<64000xf32, #tpu.memory_space<vmem>>[vector<16xi32>], vector<16xf32>,
      %add3A_299 = arith.addf %add3A_263, %gather3A_298 : vector<16xf32>
      %add3A_300 = arith.constant 32 : i32
      %add3A_301 = vector.broadcast %add3A_300 : i32 to vector<16xi32>
      %add3A_302 = arith.addi %mul3A_287, %add3A_301 : vector<16xi32>
      %add3A_303 = arith.addi %add3A_302, %iota3A : vector<16xi32>
      %gather3A_304 = tpu.vector_load_idx %arg16[%add3A_303] : memref<64000xf32, #tpu.memory_space<vmem>>[vector<16xi32>], vector<16xf32>,
      %add3A_305 = arith.addf %add3A_269, %gather3A_304 : vector<16xf32>
      %add3A_306 = arith.constant 48 : i32
      %add3A_307 = vector.broadcast %add3A_306 : i32 to vector<16xi32>
      %add3A_308 = arith.addi %mul3A_287, %add3A_307 : vector<16xi32>
      %add3A_309 = arith.addi %add3A_308, %iota3A : vector<16xi32>
      %gather3A_310 = tpu.vector_load_idx %arg16[%add3A_309] : memref<64000xf32, #tpu.memory_space<vmem>>[vector<16xi32>], vector<16xf32>,
      %add3A_311 = arith.addf %add3A_275, %gather3A_310 : vector<16xf32>
      %add3A_312 = arith.constant 6 : i32
      %add3A_313 = arith.addi %mul3A_98, %add3A_312 : i32
      %broadcast_in_dim3A_314 = vector.broadcast %add3A_313 : i32 to vector<16xi32>
      %gather3A_315 = tpu.vector_load_idx %arg15[%broadcast_in_dim3A_314] : memref<10240xi32, #tpu.memory_space<vmem>>[vector<16xi32>], vector<16xi32>,
      %gt3A_316 = arith.constant 0 : i32
      %gt3A_317 = vector.broadcast %gt3A_316 : i32 to vector<16xi32>
      %gt3A_318 = arith.cmpi sgt, %gather3A_315, %gt3A_317 : vector<16xi32>
      %select_n3A_319 = arith.select %gt3A_318, %broadcast_in_dim3A_27, %broadcast_in_dim3A_15 : vector<16xi1>, vector<16xf32>
      %add3A_320 = arith.addf %add3A_284, %select_n3A_319 : vector<16xf32>
      %mul3A_321 = arith.constant 64 : i32
      %mul3A_322 = vector.broadcast %mul3A_321 : i32 to vector<16xi32>
      %mul3A_323 = arith.muli %gather3A_315, %mul3A_322 : vector<16xi32>
      %add3A_324 = arith.constant 0 : i32
      %add3A_325 = vector.broadcast %add3A_324 : i32 to vector<16xi32>
      %add3A_326 = arith.addi %mul3A_323, %add3A_325 : vector<16xi32>
      %add3A_327 = arith.addi %add3A_326, %iota3A : vector<16xi32>
      %gather3A_328 = tpu.vector_load_idx %arg16[%add3A_327] : memref<64000xf32, #tpu.memory_space<vmem>>[vector<16xi32>], vector<16xf32>,
      %add3A_329 = arith.addf %add3A_293, %gather3A_328 : vector<16xf32>
      %add3A_330 = arith.constant 16 : i32
      %add3A_331 = vector.broadcast %add3A_330 : i32 to vector<16xi32>
      %add3A_332 = arith.addi %mul3A_323, %add3A_331 : vector<16xi32>
      %add3A_333 = arith.addi %add3A_332, %iota3A : vector<16xi32>
      %gather3A_334 = tpu.vector_load_idx %arg16[%add3A_333] : memref<64000xf32, #tpu.memory_space<vmem>>[vector<16xi32>], vector<16xf32>,
      %add3A_335 = arith.addf %add3A_299, %gather3A_334 : vector<16xf32>
      %add3A_336 = arith.constant 32 : i32
      %add3A_337 = vector.broadcast %add3A_336 : i32 to vector<16xi32>
      %add3A_338 = arith.addi %mul3A_323, %add3A_337 : vector<16xi32>
      %add3A_339 = arith.addi %add3A_338, %iota3A : vector<16xi32>
      %gather3A_340 = tpu.vector_load_idx %arg16[%add3A_339] : memref<64000xf32, #tpu.memory_space<vmem>>[vector<16xi32>], vector<16xf32>,
      %add3A_341 = arith.addf %add3A_305, %gather3A_340 : vector<16xf32>
      %add3A_342 = arith.constant 48 : i32
      %add3A_343 = vector.broadcast %add3A_342 : i32 to vector<16xi32>
      %add3A_344 = arith.addi %mul3A_323, %add3A_343 : vector<16xi32>
      %add3A_345 = arith.addi %add3A_344, %iota3A : vector<16xi32>
      %gather3A_346 = tpu.vector_load_idx %arg16[%add3A_345] : memref<64000xf32, #tpu.memory_space<vmem>>[vector<16xi32>], vector<16xf32>,
      %add3A_347 = arith.addf %add3A_311, %gather3A_346 : vector<16xf32>
      %add3A_348 = arith.constant 7 : i32
      %add3A_349 = arith.addi %mul3A_98, %add3A_348 : i32
      %broadcast_in_dim3A_350 = vector.broadcast %add3A_349 : i32 to vector<16xi32>
      %gather3A_351 = tpu.vector_load_idx %arg15[%broadcast_in_dim3A_350] : memref<10240xi32, #tpu.memory_space<vmem>>[vector<16xi32>], vector<16xi32>,
      %gt3A_352 = arith.constant 0 : i32
      %gt3A_353 = vector.broadcast %gt3A_352 : i32 to vector<16xi32>
      %gt3A_354 = arith.cmpi sgt, %gather3A_351, %gt3A_353 : vector<16xi32>
      %select_n3A_355 = arith.select %gt3A_354, %broadcast_in_dim3A_27, %broadcast_in_dim3A_15 : vector<16xi1>, vector<16xf32>
      %add3A_356 = arith.addf %add3A_320, %select_n3A_355 : vector<16xf32>
      %mul3A_357 = arith.constant 64 : i32
      %mul3A_358 = vector.broadcast %mul3A_357 : i32 to vector<16xi32>
      %mul3A_359 = arith.muli %gather3A_351, %mul3A_358 : vector<16xi32>
      %add3A_360 = arith.constant 0 : i32
      %add3A_361 = vector.broadcast %add3A_360 : i32 to vector<16xi32>
      %add3A_362 = arith.addi %mul3A_359, %add3A_361 : vector<16xi32>
      %add3A_363 = arith.addi %add3A_362, %iota3A : vector<16xi32>
      %gather3A_364 = tpu.vector_load_idx %arg16[%add3A_363] : memref<64000xf32, #tpu.memory_space<vmem>>[vector<16xi32>], vector<16xf32>,
      %add3A_365 = arith.addf %add3A_329, %gather3A_364 : vector<16xf32>
      %add3A_366 = arith.constant 16 : i32
      %add3A_367 = vector.broadcast %add3A_366 : i32 to vector<16xi32>
      %add3A_368 = arith.addi %mul3A_359, %add3A_367 : vector<16xi32>
      %add3A_369 = arith.addi %add3A_368, %iota3A : vector<16xi32>
      %gather3A_370 = tpu.vector_load_idx %arg16[%add3A_369] : memref<64000xf32, #tpu.memory_space<vmem>>[vector<16xi32>], vector<16xf32>,
      %add3A_371 = arith.addf %add3A_335, %gather3A_370 : vector<16xf32>
      %add3A_372 = arith.constant 32 : i32
      %add3A_373 = vector.broadcast %add3A_372 : i32 to vector<16xi32>
      %add3A_374 = arith.addi %mul3A_359, %add3A_373 : vector<16xi32>
      %add3A_375 = arith.addi %add3A_374, %iota3A : vector<16xi32>
      %gather3A_376 = tpu.vector_load_idx %arg16[%add3A_375] : memref<64000xf32, #tpu.memory_space<vmem>>[vector<16xi32>], vector<16xf32>,
      %add3A_377 = arith.addf %add3A_341, %gather3A_376 : vector<16xf32>
      %add3A_378 = arith.constant 48 : i32
      %add3A_379 = vector.broadcast %add3A_378 : i32 to vector<16xi32>
      %add3A_380 = arith.addi %mul3A_359, %add3A_379 : vector<16xi32>
      %add3A_381 = arith.addi %add3A_380, %iota3A : vector<16xi32>
      %gather3A_382 = tpu.vector_load_idx %arg16[%add3A_381] : memref<64000xf32, #tpu.memory_space<vmem>>[vector<16xi32>], vector<16xf32>,
      %add3A_383 = arith.addf %add3A_347, %gather3A_382 : vector<16xf32>
      %add3A_384 = arith.constant 8 : i32
      %add3A_385 = arith.addi %mul3A_98, %add3A_384 : i32
      %broadcast_in_dim3A_386 = vector.broadcast %add3A_385 : i32 to vector<16xi32>
      %gather3A_387 = tpu.vector_load_idx %arg15[%broadcast_in_dim3A_386] : memref<10240xi32, #tpu.memory_space<vmem>>[vector<16xi32>], vector<16xi32>,
      %gt3A_388 = arith.constant 0 : i32
      %gt3A_389 = vector.broadcast %gt3A_388 : i32 to vector<16xi32>
      %gt3A_390 = arith.cmpi sgt, %gather3A_387, %gt3A_389 : vector<16xi32>
      %select_n3A_391 = arith.select %gt3A_390, %broadcast_in_dim3A_27, %broadcast_in_dim3A_15 : vector<16xi1>, vector<16xf32>
      %add3A_392 = arith.addf %add3A_356, %select_n3A_391 : vector<16xf32>
      %mul3A_393 = arith.constant 64 : i32
      %mul3A_394 = vector.broadcast %mul3A_393 : i32 to vector<16xi32>
      %mul3A_395 = arith.muli %gather3A_387, %mul3A_394 : vector<16xi32>
      %add3A_396 = arith.constant 0 : i32
      %add3A_397 = vector.broadcast %add3A_396 : i32 to vector<16xi32>
      %add3A_398 = arith.addi %mul3A_395, %add3A_397 : vector<16xi32>
      %add3A_399 = arith.addi %add3A_398, %iota3A : vector<16xi32>
      %gather3A_400 = tpu.vector_load_idx %arg16[%add3A_399] : memref<64000xf32, #tpu.memory_space<vmem>>[vector<16xi32>], vector<16xf32>,
      %add3A_401 = arith.addf %add3A_365, %gather3A_400 : vector<16xf32>
      %add3A_402 = arith.constant 16 : i32
      %add3A_403 = vector.broadcast %add3A_402 : i32 to vector<16xi32>
      %add3A_404 = arith.addi %mul3A_395, %add3A_403 : vector<16xi32>
      %add3A_405 = arith.addi %add3A_404, %iota3A : vector<16xi32>
      %gather3A_406 = tpu.vector_load_idx %arg16[%add3A_405] : memref<64000xf32, #tpu.memory_space<vmem>>[vector<16xi32>], vector<16xf32>,
      %add3A_407 = arith.addf %add3A_371, %gather3A_406 : vector<16xf32>
      %add3A_408 = arith.constant 32 : i32
      %add3A_409 = vector.broadcast %add3A_408 : i32 to vector<16xi32>
      %add3A_410 = arith.addi %mul3A_395, %add3A_409 : vector<16xi32>
      %add3A_411 = arith.addi %add3A_410, %iota3A : vector<16xi32>
      %gather3A_412 = tpu.vector_load_idx %arg16[%add3A_411] : memref<64000xf32, #tpu.memory_space<vmem>>[vector<16xi32>], vector<16xf32>,
      %add3A_413 = arith.addf %add3A_377, %gather3A_412 : vector<16xf32>
      %add3A_414 = arith.constant 48 : i32
      %add3A_415 = vector.broadcast %add3A_414 : i32 to vector<16xi32>
      %add3A_416 = arith.addi %mul3A_395, %add3A_415 : vector<16xi32>
      %add3A_417 = arith.addi %add3A_416, %iota3A : vector<16xi32>
      %gather3A_418 = tpu.vector_load_idx %arg16[%add3A_417] : memref<64000xf32, #tpu.memory_space<vmem>>[vector<16xi32>], vector<16xf32>,
      %add3A_419 = arith.addf %add3A_383, %gather3A_418 : vector<16xf32>
      %add3A_420 = arith.constant 9 : i32
      %add3A_421 = arith.addi %mul3A_98, %add3A_420 : i32
      %broadcast_in_dim3A_422 = vector.broadcast %add3A_421 : i32 to vector<16xi32>
      %gather3A_423 = tpu.vector_load_idx %arg15[%broadcast_in_dim3A_422] : memref<10240xi32, #tpu.memory_space<vmem>>[vector<16xi32>], vector<16xi32>,
      %gt3A_424 = arith.constant 0 : i32
      %gt3A_425 = vector.broadcast %gt3A_424 : i32 to vector<16xi32>
      %gt3A_426 = arith.cmpi sgt, %gather3A_423, %gt3A_425 : vector<16xi32>
      %select_n3A_427 = arith.select %gt3A_426, %broadcast_in_dim3A_27, %broadcast_in_dim3A_15 : vector<16xi1>, vector<16xf32>
      %add3A_428 = arith.addf %add3A_392, %select_n3A_427 : vector<16xf32>
      %mul3A_429 = arith.constant 64 : i32
      %mul3A_430 = vector.broadcast %mul3A_429 : i32 to vector<16xi32>
      %mul3A_431 = arith.muli %gather3A_423, %mul3A_430 : vector<16xi32>
      %add3A_432 = arith.constant 0 : i32
      %add3A_433 = vector.broadcast %add3A_432 : i32 to vector<16xi32>
      %add3A_434 = arith.addi %mul3A_431, %add3A_433 : vector<16xi32>
      %add3A_435 = arith.addi %add3A_434, %iota3A : vector<16xi32>
      %gather3A_436 = tpu.vector_load_idx %arg16[%add3A_435] : memref<64000xf32, #tpu.memory_space<vmem>>[vector<16xi32>], vector<16xf32>,
      %add3A_437 = arith.addf %add3A_401, %gather3A_436 : vector<16xf32>
      %add3A_438 = arith.constant 16 : i32
      %add3A_439 = vector.broadcast %add3A_438 : i32 to vector<16xi32>
      %add3A_440 = arith.addi %mul3A_431, %add3A_439 : vector<16xi32>
      %add3A_441 = arith.addi %add3A_440, %iota3A : vector<16xi32>
      %gather3A_442 = tpu.vector_load_idx %arg16[%add3A_441] : memref<64000xf32, #tpu.memory_space<vmem>>[vector<16xi32>], vector<16xf32>,
      %add3A_443 = arith.addf %add3A_407, %gather3A_442 : vector<16xf32>
      %add3A_444 = arith.constant 32 : i32
      %add3A_445 = vector.broadcast %add3A_444 : i32 to vector<16xi32>
      %add3A_446 = arith.addi %mul3A_431, %add3A_445 : vector<16xi32>
      %add3A_447 = arith.addi %add3A_446, %iota3A : vector<16xi32>
      %gather3A_448 = tpu.vector_load_idx %arg16[%add3A_447] : memref<64000xf32, #tpu.memory_space<vmem>>[vector<16xi32>], vector<16xf32>,
      %add3A_449 = arith.addf %add3A_413, %gather3A_448 : vector<16xf32>
      %add3A_450 = arith.constant 48 : i32
      %add3A_451 = vector.broadcast %add3A_450 : i32 to vector<16xi32>
      %add3A_452 = arith.addi %mul3A_431, %add3A_451 : vector<16xi32>
      %add3A_453 = arith.addi %add3A_452, %iota3A : vector<16xi32>
      %gather3A_454 = tpu.vector_load_idx %arg16[%add3A_453] : memref<64000xf32, #tpu.memory_space<vmem>>[vector<16xi32>], vector<16xf32>,
      %add3A_455 = arith.addf %add3A_419, %gather3A_454 : vector<16xf32>
      %add3A_456 = arith.constant 10 : i32
      %add3A_457 = arith.addi %mul3A_98, %add3A_456 : i32
      %broadcast_in_dim3A_458 = vector.broadcast %add3A_457 : i32 to vector<16xi32>
      %gather3A_459 = tpu.vector_load_idx %arg15[%broadcast_in_dim3A_458] : memref<10240xi32, #tpu.memory_space<vmem>>[vector<16xi32>], vector<16xi32>,
      %gt3A_460 = arith.constant 0 : i32
      %gt3A_461 = vector.broadcast %gt3A_460 : i32 to vector<16xi32>
      %gt3A_462 = arith.cmpi sgt, %gather3A_459, %gt3A_461 : vector<16xi32>
      %select_n3A_463 = arith.select %gt3A_462, %broadcast_in_dim3A_27, %broadcast_in_dim3A_15 : vector<16xi1>, vector<16xf32>
      %add3A_464 = arith.addf %add3A_428, %select_n3A_463 : vector<16xf32>
      %mul3A_465 = arith.constant 64 : i32
      %mul3A_466 = vector.broadcast %mul3A_465 : i32 to vector<16xi32>
      %mul3A_467 = arith.muli %gather3A_459, %mul3A_466 : vector<16xi32>
      %add3A_468 = arith.constant 0 : i32
      %add3A_469 = vector.broadcast %add3A_468 : i32 to vector<16xi32>
      %add3A_470 = arith.addi %mul3A_467, %add3A_469 : vector<16xi32>
      %add3A_471 = arith.addi %add3A_470, %iota3A : vector<16xi32>
      %gather3A_472 = tpu.vector_load_idx %arg16[%add3A_471] : memref<64000xf32, #tpu.memory_space<vmem>>[vector<16xi32>], vector<16xf32>,
      %add3A_473 = arith.addf %add3A_437, %gather3A_472 : vector<16xf32>
      %add3A_474 = arith.constant 16 : i32
      %add3A_475 = vector.broadcast %add3A_474 : i32 to vector<16xi32>
      %add3A_476 = arith.addi %mul3A_467, %add3A_475 : vector<16xi32>
      %add3A_477 = arith.addi %add3A_476, %iota3A : vector<16xi32>
      %gather3A_478 = tpu.vector_load_idx %arg16[%add3A_477] : memref<64000xf32, #tpu.memory_space<vmem>>[vector<16xi32>], vector<16xf32>,
      %add3A_479 = arith.addf %add3A_443, %gather3A_478 : vector<16xf32>
      %add3A_480 = arith.constant 32 : i32
      %add3A_481 = vector.broadcast %add3A_480 : i32 to vector<16xi32>
      %add3A_482 = arith.addi %mul3A_467, %add3A_481 : vector<16xi32>
      %add3A_483 = arith.addi %add3A_482, %iota3A : vector<16xi32>
      %gather3A_484 = tpu.vector_load_idx %arg16[%add3A_483] : memref<64000xf32, #tpu.memory_space<vmem>>[vector<16xi32>], vector<16xf32>,
      %add3A_485 = arith.addf %add3A_449, %gather3A_484 : vector<16xf32>
      %add3A_486 = arith.constant 48 : i32
      %add3A_487 = vector.broadcast %add3A_486 : i32 to vector<16xi32>
      %add3A_488 = arith.addi %mul3A_467, %add3A_487 : vector<16xi32>
      %add3A_489 = arith.addi %add3A_488, %iota3A : vector<16xi32>
      %gather3A_490 = tpu.vector_load_idx %arg16[%add3A_489] : memref<64000xf32, #tpu.memory_space<vmem>>[vector<16xi32>], vector<16xf32>,
      %add3A_491 = arith.addf %add3A_455, %gather3A_490 : vector<16xf32>
      %add3A_492 = arith.constant 11 : i32
      %add3A_493 = arith.addi %mul3A_98, %add3A_492 : i32
      %broadcast_in_dim3A_494 = vector.broadcast %add3A_493 : i32 to vector<16xi32>
      %gather3A_495 = tpu.vector_load_idx %arg15[%broadcast_in_dim3A_494] : memref<10240xi32, #tpu.memory_space<vmem>>[vector<16xi32>], vector<16xi32>,
      %gt3A_496 = arith.constant 0 : i32
      %gt3A_497 = vector.broadcast %gt3A_496 : i32 to vector<16xi32>
      %gt3A_498 = arith.cmpi sgt, %gather3A_495, %gt3A_497 : vector<16xi32>
      %select_n3A_499 = arith.select %gt3A_498, %broadcast_in_dim3A_27, %broadcast_in_dim3A_15 : vector<16xi1>, vector<16xf32>
      %add3A_500 = arith.addf %add3A_464, %select_n3A_499 : vector<16xf32>
      %mul3A_501 = arith.constant 64 : i32
      %mul3A_502 = vector.broadcast %mul3A_501 : i32 to vector<16xi32>
      %mul3A_503 = arith.muli %gather3A_495, %mul3A_502 : vector<16xi32>
      %add3A_504 = arith.constant 0 : i32
      %add3A_505 = vector.broadcast %add3A_504 : i32 to vector<16xi32>
      %add3A_506 = arith.addi %mul3A_503, %add3A_505 : vector<16xi32>
      %add3A_507 = arith.addi %add3A_506, %iota3A : vector<16xi32>
      %gather3A_508 = tpu.vector_load_idx %arg16[%add3A_507] : memref<64000xf32, #tpu.memory_space<vmem>>[vector<16xi32>], vector<16xf32>,
      %add3A_509 = arith.addf %add3A_473, %gather3A_508 : vector<16xf32>
      %add3A_510 = arith.constant 16 : i32
      %add3A_511 = vector.broadcast %add3A_510 : i32 to vector<16xi32>
      %add3A_512 = arith.addi %mul3A_503, %add3A_511 : vector<16xi32>
      %add3A_513 = arith.addi %add3A_512, %iota3A : vector<16xi32>
      %gather3A_514 = tpu.vector_load_idx %arg16[%add3A_513] : memref<64000xf32, #tpu.memory_space<vmem>>[vector<16xi32>], vector<16xf32>,
      %add3A_515 = arith.addf %add3A_479, %gather3A_514 : vector<16xf32>
      %add3A_516 = arith.constant 32 : i32
      %add3A_517 = vector.broadcast %add3A_516 : i32 to vector<16xi32>
      %add3A_518 = arith.addi %mul3A_503, %add3A_517 : vector<16xi32>
      %add3A_519 = arith.addi %add3A_518, %iota3A : vector<16xi32>
      %gather3A_520 = tpu.vector_load_idx %arg16[%add3A_519] : memref<64000xf32, #tpu.memory_space<vmem>>[vector<16xi32>], vector<16xf32>,
      %add3A_521 = arith.addf %add3A_485, %gather3A_520 : vector<16xf32>
      %add3A_522 = arith.constant 48 : i32
      %add3A_523 = vector.broadcast %add3A_522 : i32 to vector<16xi32>
      %add3A_524 = arith.addi %mul3A_503, %add3A_523 : vector<16xi32>
      %add3A_525 = arith.addi %add3A_524, %iota3A : vector<16xi32>
      %gather3A_526 = tpu.vector_load_idx %arg16[%add3A_525] : memref<64000xf32, #tpu.memory_space<vmem>>[vector<16xi32>], vector<16xf32>,
      %add3A_527 = arith.addf %add3A_491, %gather3A_526 : vector<16xf32>
      %add3A_528 = arith.constant 12 : i32
      %add3A_529 = arith.addi %mul3A_98, %add3A_528 : i32
      %broadcast_in_dim3A_530 = vector.broadcast %add3A_529 : i32 to vector<16xi32>
      %gather3A_531 = tpu.vector_load_idx %arg15[%broadcast_in_dim3A_530] : memref<10240xi32, #tpu.memory_space<vmem>>[vector<16xi32>], vector<16xi32>,
      %gt3A_532 = arith.constant 0 : i32
      %gt3A_533 = vector.broadcast %gt3A_532 : i32 to vector<16xi32>
      %gt3A_534 = arith.cmpi sgt, %gather3A_531, %gt3A_533 : vector<16xi32>
      %select_n3A_535 = arith.select %gt3A_534, %broadcast_in_dim3A_27, %broadcast_in_dim3A_15 : vector<16xi1>, vector<16xf32>
      %add3A_536 = arith.addf %add3A_500, %select_n3A_535 : vector<16xf32>
      %mul3A_537 = arith.constant 64 : i32
      %mul3A_538 = vector.broadcast %mul3A_537 : i32 to vector<16xi32>
      %mul3A_539 = arith.muli %gather3A_531, %mul3A_538 : vector<16xi32>
      %add3A_540 = arith.constant 0 : i32
      %add3A_541 = vector.broadcast %add3A_540 : i32 to vector<16xi32>
      %add3A_542 = arith.addi %mul3A_539, %add3A_541 : vector<16xi32>
      %add3A_543 = arith.addi %add3A_542, %iota3A : vector<16xi32>
      %gather3A_544 = tpu.vector_load_idx %arg16[%add3A_543] : memref<64000xf32, #tpu.memory_space<vmem>>[vector<16xi32>], vector<16xf32>,
      %add3A_545 = arith.addf %add3A_509, %gather3A_544 : vector<16xf32>
      %add3A_546 = arith.constant 16 : i32
      %add3A_547 = vector.broadcast %add3A_546 : i32 to vector<16xi32>
      %add3A_548 = arith.addi %mul3A_539, %add3A_547 : vector<16xi32>
      %add3A_549 = arith.addi %add3A_548, %iota3A : vector<16xi32>
      %gather3A_550 = tpu.vector_load_idx %arg16[%add3A_549] : memref<64000xf32, #tpu.memory_space<vmem>>[vector<16xi32>], vector<16xf32>,
      %add3A_551 = arith.addf %add3A_515, %gather3A_550 : vector<16xf32>
      %add3A_552 = arith.constant 32 : i32
      %add3A_553 = vector.broadcast %add3A_552 : i32 to vector<16xi32>
      %add3A_554 = arith.addi %mul3A_539, %add3A_553 : vector<16xi32>
      %add3A_555 = arith.addi %add3A_554, %iota3A : vector<16xi32>
      %gather3A_556 = tpu.vector_load_idx %arg16[%add3A_555] : memref<64000xf32, #tpu.memory_space<vmem>>[vector<16xi32>], vector<16xf32>,
      %add3A_557 = arith.addf %add3A_521, %gather3A_556 : vector<16xf32>
      %add3A_558 = arith.constant 48 : i32
      %add3A_559 = vector.broadcast %add3A_558 : i32 to vector<16xi32>
      %add3A_560 = arith.addi %mul3A_539, %add3A_559 : vector<16xi32>
      %add3A_561 = arith.addi %add3A_560, %iota3A : vector<16xi32>
      %gather3A_562 = tpu.vector_load_idx %arg16[%add3A_561] : memref<64000xf32, #tpu.memory_space<vmem>>[vector<16xi32>], vector<16xf32>,
      %add3A_563 = arith.addf %add3A_527, %gather3A_562 : vector<16xf32>
      %add3A_564 = arith.constant 13 : i32
      %add3A_565 = arith.addi %mul3A_98, %add3A_564 : i32
      %broadcast_in_dim3A_566 = vector.broadcast %add3A_565 : i32 to vector<16xi32>
      %gather3A_567 = tpu.vector_load_idx %arg15[%broadcast_in_dim3A_566] : memref<10240xi32, #tpu.memory_space<vmem>>[vector<16xi32>], vector<16xi32>,
      %gt3A_568 = arith.constant 0 : i32
      %gt3A_569 = vector.broadcast %gt3A_568 : i32 to vector<16xi32>
      %gt3A_570 = arith.cmpi sgt, %gather3A_567, %gt3A_569 : vector<16xi32>
      %select_n3A_571 = arith.select %gt3A_570, %broadcast_in_dim3A_27, %broadcast_in_dim3A_15 : vector<16xi1>, vector<16xf32>
      %add3A_572 = arith.addf %add3A_536, %select_n3A_571 : vector<16xf32>
      %mul3A_573 = arith.constant 64 : i32
      %mul3A_574 = vector.broadcast %mul3A_573 : i32 to vector<16xi32>
      %mul3A_575 = arith.muli %gather3A_567, %mul3A_574 : vector<16xi32>
      %add3A_576 = arith.constant 0 : i32
      %add3A_577 = vector.broadcast %add3A_576 : i32 to vector<16xi32>
      %add3A_578 = arith.addi %mul3A_575, %add3A_577 : vector<16xi32>
      %add3A_579 = arith.addi %add3A_578, %iota3A : vector<16xi32>
      %gather3A_580 = tpu.vector_load_idx %arg16[%add3A_579] : memref<64000xf32, #tpu.memory_space<vmem>>[vector<16xi32>], vector<16xf32>,
      %add3A_581 = arith.addf %add3A_545, %gather3A_580 : vector<16xf32>
      %add3A_582 = arith.constant 16 : i32
      %add3A_583 = vector.broadcast %add3A_582 : i32 to vector<16xi32>
      %add3A_584 = arith.addi %mul3A_575, %add3A_583 : vector<16xi32>
      %add3A_585 = arith.addi %add3A_584, %iota3A : vector<16xi32>
      %gather3A_586 = tpu.vector_load_idx %arg16[%add3A_585] : memref<64000xf32, #tpu.memory_space<vmem>>[vector<16xi32>], vector<16xf32>,
      %add3A_587 = arith.addf %add3A_551, %gather3A_586 : vector<16xf32>
      %add3A_588 = arith.constant 32 : i32
      %add3A_589 = vector.broadcast %add3A_588 : i32 to vector<16xi32>
      %add3A_590 = arith.addi %mul3A_575, %add3A_589 : vector<16xi32>
      %add3A_591 = arith.addi %add3A_590, %iota3A : vector<16xi32>
      %gather3A_592 = tpu.vector_load_idx %arg16[%add3A_591] : memref<64000xf32, #tpu.memory_space<vmem>>[vector<16xi32>], vector<16xf32>,
      %add3A_593 = arith.addf %add3A_557, %gather3A_592 : vector<16xf32>
      %add3A_594 = arith.constant 48 : i32
      %add3A_595 = vector.broadcast %add3A_594 : i32 to vector<16xi32>
      %add3A_596 = arith.addi %mul3A_575, %add3A_595 : vector<16xi32>
      %add3A_597 = arith.addi %add3A_596, %iota3A : vector<16xi32>
      %gather3A_598 = tpu.vector_load_idx %arg16[%add3A_597] : memref<64000xf32, #tpu.memory_space<vmem>>[vector<16xi32>], vector<16xf32>,
      %add3A_599 = arith.addf %add3A_563, %gather3A_598 : vector<16xf32>
      %add3A_600 = arith.constant 14 : i32
      %add3A_601 = arith.addi %mul3A_98, %add3A_600 : i32
      %broadcast_in_dim3A_602 = vector.broadcast %add3A_601 : i32 to vector<16xi32>
      %gather3A_603 = tpu.vector_load_idx %arg15[%broadcast_in_dim3A_602] : memref<10240xi32, #tpu.memory_space<vmem>>[vector<16xi32>], vector<16xi32>,
      %gt3A_604 = arith.constant 0 : i32
      %gt3A_605 = vector.broadcast %gt3A_604 : i32 to vector<16xi32>
      %gt3A_606 = arith.cmpi sgt, %gather3A_603, %gt3A_605 : vector<16xi32>
      %select_n3A_607 = arith.select %gt3A_606, %broadcast_in_dim3A_27, %broadcast_in_dim3A_15 : vector<16xi1>, vector<16xf32>
      %add3A_608 = arith.addf %add3A_572, %select_n3A_607 : vector<16xf32>
      %mul3A_609 = arith.constant 64 : i32
      %mul3A_610 = vector.broadcast %mul3A_609 : i32 to vector<16xi32>
      %mul3A_611 = arith.muli %gather3A_603, %mul3A_610 : vector<16xi32>
      %add3A_612 = arith.constant 0 : i32
      %add3A_613 = vector.broadcast %add3A_612 : i32 to vector<16xi32>
      %add3A_614 = arith.addi %mul3A_611, %add3A_613 : vector<16xi32>
      %add3A_615 = arith.addi %add3A_614, %iota3A : vector<16xi32>
      %gather3A_616 = tpu.vector_load_idx %arg16[%add3A_615] : memref<64000xf32, #tpu.memory_space<vmem>>[vector<16xi32>], vector<16xf32>,
      %add3A_617 = arith.addf %add3A_581, %gather3A_616 : vector<16xf32>
      %add3A_618 = arith.constant 16 : i32
      %add3A_619 = vector.broadcast %add3A_618 : i32 to vector<16xi32>
      %add3A_620 = arith.addi %mul3A_611, %add3A_619 : vector<16xi32>
      %add3A_621 = arith.addi %add3A_620, %iota3A : vector<16xi32>
      %gather3A_622 = tpu.vector_load_idx %arg16[%add3A_621] : memref<64000xf32, #tpu.memory_space<vmem>>[vector<16xi32>], vector<16xf32>,
      %add3A_623 = arith.addf %add3A_587, %gather3A_622 : vector<16xf32>
      %add3A_624 = arith.constant 32 : i32
      %add3A_625 = vector.broadcast %add3A_624 : i32 to vector<16xi32>
      %add3A_626 = arith.addi %mul3A_611, %add3A_625 : vector<16xi32>
      %add3A_627 = arith.addi %add3A_626, %iota3A : vector<16xi32>
      %gather3A_628 = tpu.vector_load_idx %arg16[%add3A_627] : memref<64000xf32, #tpu.memory_space<vmem>>[vector<16xi32>], vector<16xf32>,
      %add3A_629 = arith.addf %add3A_593, %gather3A_628 : vector<16xf32>
      %add3A_630 = arith.constant 48 : i32
      %add3A_631 = vector.broadcast %add3A_630 : i32 to vector<16xi32>
      %add3A_632 = arith.addi %mul3A_611, %add3A_631 : vector<16xi32>
      %add3A_633 = arith.addi %add3A_632, %iota3A : vector<16xi32>
      %gather3A_634 = tpu.vector_load_idx %arg16[%add3A_633] : memref<64000xf32, #tpu.memory_space<vmem>>[vector<16xi32>], vector<16xf32>,
      %add3A_635 = arith.addf %add3A_599, %gather3A_634 : vector<16xf32>
      %add3A_636 = arith.constant 15 : i32
      %add3A_637 = arith.addi %mul3A_98, %add3A_636 : i32
      %broadcast_in_dim3A_638 = vector.broadcast %add3A_637 : i32 to vector<16xi32>
      %gather3A_639 = tpu.vector_load_idx %arg15[%broadcast_in_dim3A_638] : memref<10240xi32, #tpu.memory_space<vmem>>[vector<16xi32>], vector<16xi32>,
      %gt3A_640 = arith.constant 0 : i32
      %gt3A_641 = vector.broadcast %gt3A_640 : i32 to vector<16xi32>
      %gt3A_642 = arith.cmpi sgt, %gather3A_639, %gt3A_641 : vector<16xi32>
      %select_n3A_643 = arith.select %gt3A_642, %broadcast_in_dim3A_27, %broadcast_in_dim3A_15 : vector<16xi1>, vector<16xf32>
      %add3A_644 = arith.addf %add3A_608, %select_n3A_643 : vector<16xf32>
      %mul3A_645 = arith.constant 64 : i32
      %mul3A_646 = vector.broadcast %mul3A_645 : i32 to vector<16xi32>
      %mul3A_647 = arith.muli %gather3A_639, %mul3A_646 : vector<16xi32>
      %add3A_648 = arith.constant 0 : i32
      %add3A_649 = vector.broadcast %add3A_648 : i32 to vector<16xi32>
      %add3A_650 = arith.addi %mul3A_647, %add3A_649 : vector<16xi32>
      %add3A_651 = arith.addi %add3A_650, %iota3A : vector<16xi32>
      %gather3A_652 = tpu.vector_load_idx %arg16[%add3A_651] : memref<64000xf32, #tpu.memory_space<vmem>>[vector<16xi32>], vector<16xf32>,
      %add3A_653 = arith.addf %add3A_617, %gather3A_652 : vector<16xf32>
      %add3A_654 = arith.constant 16 : i32
      %add3A_655 = vector.broadcast %add3A_654 : i32 to vector<16xi32>
      %add3A_656 = arith.addi %mul3A_647, %add3A_655 : vector<16xi32>
      %add3A_657 = arith.addi %add3A_656, %iota3A : vector<16xi32>
      %gather3A_658 = tpu.vector_load_idx %arg16[%add3A_657] : memref<64000xf32, #tpu.memory_space<vmem>>[vector<16xi32>], vector<16xf32>,
      %add3A_659 = arith.addf %add3A_623, %gather3A_658 : vector<16xf32>
      %add3A_660 = arith.constant 32 : i32
      %add3A_661 = vector.broadcast %add3A_660 : i32 to vector<16xi32>
      %add3A_662 = arith.addi %mul3A_647, %add3A_661 : vector<16xi32>
      %add3A_663 = arith.addi %add3A_662, %iota3A : vector<16xi32>
      %gather3A_664 = tpu.vector_load_idx %arg16[%add3A_663] : memref<64000xf32, #tpu.memory_space<vmem>>[vector<16xi32>], vector<16xf32>,
      %add3A_665 = arith.addf %add3A_629, %gather3A_664 : vector<16xf32>
      %add3A_666 = arith.constant 48 : i32
      %add3A_667 = vector.broadcast %add3A_666 : i32 to vector<16xi32>
      %add3A_668 = arith.addi %mul3A_647, %add3A_667 : vector<16xi32>
      %add3A_669 = arith.addi %add3A_668, %iota3A : vector<16xi32>
      %gather3A_670 = tpu.vector_load_idx %arg16[%add3A_669] : memref<64000xf32, #tpu.memory_space<vmem>>[vector<16xi32>], vector<16xf32>,
      %add3A_671 = arith.addf %add3A_635, %gather3A_670 : vector<16xf32>
      %add3A_672 = arith.constant 16 : i32
      %add3A_673 = arith.addi %mul3A_98, %add3A_672 : i32
      %broadcast_in_dim3A_674 = vector.broadcast %add3A_673 : i32 to vector<16xi32>
      %gather3A_675 = tpu.vector_load_idx %arg15[%broadcast_in_dim3A_674] : memref<10240xi32, #tpu.memory_space<vmem>>[vector<16xi32>], vector<16xi32>,
      %gt3A_676 = arith.constant 0 : i32
      %gt3A_677 = vector.broadcast %gt3A_676 : i32 to vector<16xi32>
      %gt3A_678 = arith.cmpi sgt, %gather3A_675, %gt3A_677 : vector<16xi32>
      %select_n3A_679 = arith.select %gt3A_678, %broadcast_in_dim3A_27, %broadcast_in_dim3A_15 : vector<16xi1>, vector<16xf32>
      %add3A_680 = arith.addf %add3A_644, %select_n3A_679 : vector<16xf32>
      %mul3A_681 = arith.constant 64 : i32
      %mul3A_682 = vector.broadcast %mul3A_681 : i32 to vector<16xi32>
      %mul3A_683 = arith.muli %gather3A_675, %mul3A_682 : vector<16xi32>
      %add3A_684 = arith.constant 0 : i32
      %add3A_685 = vector.broadcast %add3A_684 : i32 to vector<16xi32>
      %add3A_686 = arith.addi %mul3A_683, %add3A_685 : vector<16xi32>
      %add3A_687 = arith.addi %add3A_686, %iota3A : vector<16xi32>
      %gather3A_688 = tpu.vector_load_idx %arg16[%add3A_687] : memref<64000xf32, #tpu.memory_space<vmem>>[vector<16xi32>], vector<16xf32>,
      %add3A_689 = arith.addf %add3A_653, %gather3A_688 : vector<16xf32>
      %add3A_690 = arith.constant 16 : i32
      %add3A_691 = vector.broadcast %add3A_690 : i32 to vector<16xi32>
      %add3A_692 = arith.addi %mul3A_683, %add3A_691 : vector<16xi32>
      %add3A_693 = arith.addi %add3A_692, %iota3A : vector<16xi32>
      %gather3A_694 = tpu.vector_load_idx %arg16[%add3A_693] : memref<64000xf32, #tpu.memory_space<vmem>>[vector<16xi32>], vector<16xf32>,
      %add3A_695 = arith.addf %add3A_659, %gather3A_694 : vector<16xf32>
      %add3A_696 = arith.constant 32 : i32
      %add3A_697 = vector.broadcast %add3A_696 : i32 to vector<16xi32>
      %add3A_698 = arith.addi %mul3A_683, %add3A_697 : vector<16xi32>
      %add3A_699 = arith.addi %add3A_698, %iota3A : vector<16xi32>
      %gather3A_700 = tpu.vector_load_idx %arg16[%add3A_699] : memref<64000xf32, #tpu.memory_space<vmem>>[vector<16xi32>], vector<16xf32>,
      %add3A_701 = arith.addf %add3A_665, %gather3A_700 : vector<16xf32>
      %add3A_702 = arith.constant 48 : i32
      %add3A_703 = vector.broadcast %add3A_702 : i32 to vector<16xi32>
      %add3A_704 = arith.addi %mul3A_683, %add3A_703 : vector<16xi32>
      %add3A_705 = arith.addi %add3A_704, %iota3A : vector<16xi32>
      %gather3A_706 = tpu.vector_load_idx %arg16[%add3A_705] : memref<64000xf32, #tpu.memory_space<vmem>>[vector<16xi32>], vector<16xf32>,
      %add3A_707 = arith.addf %add3A_671, %gather3A_706 : vector<16xf32>
      %add3A_708 = arith.constant 17 : i32
      %add3A_709 = arith.addi %mul3A_98, %add3A_708 : i32
      %broadcast_in_dim3A_710 = vector.broadcast %add3A_709 : i32 to vector<16xi32>
      %gather3A_711 = tpu.vector_load_idx %arg15[%broadcast_in_dim3A_710] : memref<10240xi32, #tpu.memory_space<vmem>>[vector<16xi32>], vector<16xi32>,
      %gt3A_712 = arith.constant 0 : i32
      %gt3A_713 = vector.broadcast %gt3A_712 : i32 to vector<16xi32>
      %gt3A_714 = arith.cmpi sgt, %gather3A_711, %gt3A_713 : vector<16xi32>
      %select_n3A_715 = arith.select %gt3A_714, %broadcast_in_dim3A_27, %broadcast_in_dim3A_15 : vector<16xi1>, vector<16xf32>
      %add3A_716 = arith.addf %add3A_680, %select_n3A_715 : vector<16xf32>
      %mul3A_717 = arith.constant 64 : i32
      %mul3A_718 = vector.broadcast %mul3A_717 : i32 to vector<16xi32>
      %mul3A_719 = arith.muli %gather3A_711, %mul3A_718 : vector<16xi32>
      %add3A_720 = arith.constant 0 : i32
      %add3A_721 = vector.broadcast %add3A_720 : i32 to vector<16xi32>
      %add3A_722 = arith.addi %mul3A_719, %add3A_721 : vector<16xi32>
      %add3A_723 = arith.addi %add3A_722, %iota3A : vector<16xi32>
      %gather3A_724 = tpu.vector_load_idx %arg16[%add3A_723] : memref<64000xf32, #tpu.memory_space<vmem>>[vector<16xi32>], vector<16xf32>,
      %add3A_725 = arith.addf %add3A_689, %gather3A_724 : vector<16xf32>
      %add3A_726 = arith.constant 16 : i32
      %add3A_727 = vector.broadcast %add3A_726 : i32 to vector<16xi32>
      %add3A_728 = arith.addi %mul3A_719, %add3A_727 : vector<16xi32>
      %add3A_729 = arith.addi %add3A_728, %iota3A : vector<16xi32>
      %gather3A_730 = tpu.vector_load_idx %arg16[%add3A_729] : memref<64000xf32, #tpu.memory_space<vmem>>[vector<16xi32>], vector<16xf32>,
      %add3A_731 = arith.addf %add3A_695, %gather3A_730 : vector<16xf32>
      %add3A_732 = arith.constant 32 : i32
      %add3A_733 = vector.broadcast %add3A_732 : i32 to vector<16xi32>
      %add3A_734 = arith.addi %mul3A_719, %add3A_733 : vector<16xi32>
      %add3A_735 = arith.addi %add3A_734, %iota3A : vector<16xi32>
      %gather3A_736 = tpu.vector_load_idx %arg16[%add3A_735] : memref<64000xf32, #tpu.memory_space<vmem>>[vector<16xi32>], vector<16xf32>,
      %add3A_737 = arith.addf %add3A_701, %gather3A_736 : vector<16xf32>
      %add3A_738 = arith.constant 48 : i32
      %add3A_739 = vector.broadcast %add3A_738 : i32 to vector<16xi32>
      %add3A_740 = arith.addi %mul3A_719, %add3A_739 : vector<16xi32>
      %add3A_741 = arith.addi %add3A_740, %iota3A : vector<16xi32>
      %gather3A_742 = tpu.vector_load_idx %arg16[%add3A_741] : memref<64000xf32, #tpu.memory_space<vmem>>[vector<16xi32>], vector<16xf32>,
      %add3A_743 = arith.addf %add3A_707, %gather3A_742 : vector<16xf32>
      %add3A_744 = arith.constant 18 : i32
      %add3A_745 = arith.addi %mul3A_98, %add3A_744 : i32
      %broadcast_in_dim3A_746 = vector.broadcast %add3A_745 : i32 to vector<16xi32>
      %gather3A_747 = tpu.vector_load_idx %arg15[%broadcast_in_dim3A_746] : memref<10240xi32, #tpu.memory_space<vmem>>[vector<16xi32>], vector<16xi32>,
      %gt3A_748 = arith.constant 0 : i32
      %gt3A_749 = vector.broadcast %gt3A_748 : i32 to vector<16xi32>
      %gt3A_750 = arith.cmpi sgt, %gather3A_747, %gt3A_749 : vector<16xi32>
      %select_n3A_751 = arith.select %gt3A_750, %broadcast_in_dim3A_27, %broadcast_in_dim3A_15 : vector<16xi1>, vector<16xf32>
      %add3A_752 = arith.addf %add3A_716, %select_n3A_751 : vector<16xf32>
      %mul3A_753 = arith.constant 64 : i32
      %mul3A_754 = vector.broadcast %mul3A_753 : i32 to vector<16xi32>
      %mul3A_755 = arith.muli %gather3A_747, %mul3A_754 : vector<16xi32>
      %add3A_756 = arith.constant 0 : i32
      %add3A_757 = vector.broadcast %add3A_756 : i32 to vector<16xi32>
      %add3A_758 = arith.addi %mul3A_755, %add3A_757 : vector<16xi32>
      %add3A_759 = arith.addi %add3A_758, %iota3A : vector<16xi32>
      %gather3A_760 = tpu.vector_load_idx %arg16[%add3A_759] : memref<64000xf32, #tpu.memory_space<vmem>>[vector<16xi32>], vector<16xf32>,
      %add3A_761 = arith.addf %add3A_725, %gather3A_760 : vector<16xf32>
      %add3A_762 = arith.constant 16 : i32
      %add3A_763 = vector.broadcast %add3A_762 : i32 to vector<16xi32>
      %add3A_764 = arith.addi %mul3A_755, %add3A_763 : vector<16xi32>
      %add3A_765 = arith.addi %add3A_764, %iota3A : vector<16xi32>
      %gather3A_766 = tpu.vector_load_idx %arg16[%add3A_765] : memref<64000xf32, #tpu.memory_space<vmem>>[vector<16xi32>], vector<16xf32>,
      %add3A_767 = arith.addf %add3A_731, %gather3A_766 : vector<16xf32>
      %add3A_768 = arith.constant 32 : i32
      %add3A_769 = vector.broadcast %add3A_768 : i32 to vector<16xi32>
      %add3A_770 = arith.addi %mul3A_755, %add3A_769 : vector<16xi32>
      %add3A_771 = arith.addi %add3A_770, %iota3A : vector<16xi32>
      %gather3A_772 = tpu.vector_load_idx %arg16[%add3A_771] : memref<64000xf32, #tpu.memory_space<vmem>>[vector<16xi32>], vector<16xf32>,
      %add3A_773 = arith.addf %add3A_737, %gather3A_772 : vector<16xf32>
      %add3A_774 = arith.constant 48 : i32
      %add3A_775 = vector.broadcast %add3A_774 : i32 to vector<16xi32>
      %add3A_776 = arith.addi %mul3A_755, %add3A_775 : vector<16xi32>
      %add3A_777 = arith.addi %add3A_776, %iota3A : vector<16xi32>
      %gather3A_778 = tpu.vector_load_idx %arg16[%add3A_777] : memref<64000xf32, #tpu.memory_space<vmem>>[vector<16xi32>], vector<16xf32>,
      %add3A_779 = arith.addf %add3A_743, %gather3A_778 : vector<16xf32>
      %add3A_780 = arith.constant 19 : i32
      %add3A_781 = arith.addi %mul3A_98, %add3A_780 : i32
      %broadcast_in_dim3A_782 = vector.broadcast %add3A_781 : i32 to vector<16xi32>
      %gather3A_783 = tpu.vector_load_idx %arg15[%broadcast_in_dim3A_782] : memref<10240xi32, #tpu.memory_space<vmem>>[vector<16xi32>], vector<16xi32>,
      %gt3A_784 = arith.constant 0 : i32
      %gt3A_785 = vector.broadcast %gt3A_784 : i32 to vector<16xi32>
      %gt3A_786 = arith.cmpi sgt, %gather3A_783, %gt3A_785 : vector<16xi32>
      %select_n3A_787 = arith.select %gt3A_786, %broadcast_in_dim3A_27, %broadcast_in_dim3A_15 : vector<16xi1>, vector<16xf32>
      %add3A_788 = arith.addf %add3A_752, %select_n3A_787 : vector<16xf32>
      %mul3A_789 = arith.constant 64 : i32
      %mul3A_790 = vector.broadcast %mul3A_789 : i32 to vector<16xi32>
      %mul3A_791 = arith.muli %gather3A_783, %mul3A_790 : vector<16xi32>
      %add3A_792 = arith.constant 0 : i32
      %add3A_793 = vector.broadcast %add3A_792 : i32 to vector<16xi32>
      %add3A_794 = arith.addi %mul3A_791, %add3A_793 : vector<16xi32>
      %add3A_795 = arith.addi %add3A_794, %iota3A : vector<16xi32>
      %gather3A_796 = tpu.vector_load_idx %arg16[%add3A_795] : memref<64000xf32, #tpu.memory_space<vmem>>[vector<16xi32>], vector<16xf32>,
      %add3A_797 = arith.addf %add3A_761, %gather3A_796 : vector<16xf32>
      %add3A_798 = arith.constant 16 : i32
      %add3A_799 = vector.broadcast %add3A_798 : i32 to vector<16xi32>
      %add3A_800 = arith.addi %mul3A_791, %add3A_799 : vector<16xi32>
      %add3A_801 = arith.addi %add3A_800, %iota3A : vector<16xi32>
      %gather3A_802 = tpu.vector_load_idx %arg16[%add3A_801] : memref<64000xf32, #tpu.memory_space<vmem>>[vector<16xi32>], vector<16xf32>,
      %add3A_803 = arith.addf %add3A_767, %gather3A_802 : vector<16xf32>
      %add3A_804 = arith.constant 32 : i32
      %add3A_805 = vector.broadcast %add3A_804 : i32 to vector<16xi32>
      %add3A_806 = arith.addi %mul3A_791, %add3A_805 : vector<16xi32>
      %add3A_807 = arith.addi %add3A_806, %iota3A : vector<16xi32>
      %gather3A_808 = tpu.vector_load_idx %arg16[%add3A_807] : memref<64000xf32, #tpu.memory_space<vmem>>[vector<16xi32>], vector<16xf32>,
      %add3A_809 = arith.addf %add3A_773, %gather3A_808 : vector<16xf32>
      %add3A_810 = arith.constant 48 : i32
      %add3A_811 = vector.broadcast %add3A_810 : i32 to vector<16xi32>
      %add3A_812 = arith.addi %mul3A_791, %add3A_811 : vector<16xi32>
      %add3A_813 = arith.addi %add3A_812, %iota3A : vector<16xi32>
      %gather3A_814 = tpu.vector_load_idx %arg16[%add3A_813] : memref<64000xf32, #tpu.memory_space<vmem>>[vector<16xi32>], vector<16xf32>,
      %add3A_815 = arith.addf %add3A_779, %gather3A_814 : vector<16xf32>
      %add3A_816 = arith.constant 9.99999993E-9 : f32
      %add3A_817 = vector.broadcast %add3A_816 : f32 to vector<16xf32>
      %add3A_818 = arith.addf %add3A_788, %add3A_817 : vector<16xf32>
      %div3A = arith.divf %broadcast_in_dim3A_27, %add3A_818 : vector<16xf32>
      %mul3A_819 = arith.mulf %add3A_797, %div3A : vector<16xf32>
      %mul3A_820 = arith.constant 64 : i32
      %mul3A_821 = arith.muli %scan3A_93, %mul3A_820 : i32
      %add3A_822 = arith.constant 0 : i32
      %add3A_823 = arith.addi %mul3A_821, %add3A_822 : i32
      %swap3A_824 = arith.index_cast %add3A_823 : i32 to index
      %swap3A_825 = tpu.vector_load %arg20[%swap3A_824] {strides = array<i32>} : memref<8192xf32, #tpu.memory_space<vmem>>, vector<16xf32>,
      tpu.vector_store %arg20[%swap3A_824], %mul3A_819 {strides = array<i32>} : memref<8192xf32, #tpu.memory_space<vmem>>, vector<16xf32>,
      %mul3A_826 = arith.mulf %add3A_803, %div3A : vector<16xf32>
      %mul3A_827 = arith.constant 64 : i32
      %mul3A_828 = arith.muli %scan3A_93, %mul3A_827 : i32
      %add3A_829 = arith.constant 16 : i32
      %add3A_830 = arith.addi %mul3A_828, %add3A_829 : i32
      %swap3A_831 = arith.index_cast %add3A_830 : i32 to index
      %swap3A_832 = tpu.vector_load %arg20[%swap3A_831] {strides = array<i32>} : memref<8192xf32, #tpu.memory_space<vmem>>, vector<16xf32>,
      tpu.vector_store %arg20[%swap3A_831], %mul3A_826 {strides = array<i32>} : memref<8192xf32, #tpu.memory_space<vmem>>, vector<16xf32>,
      %mul3A_833 = arith.mulf %add3A_809, %div3A : vector<16xf32>
      %mul3A_834 = arith.constant 64 : i32
      %mul3A_835 = arith.muli %scan3A_93, %mul3A_834 : i32
      %add3A_836 = arith.constant 32 : i32
      %add3A_837 = arith.addi %mul3A_835, %add3A_836 : i32
      %swap3A_838 = arith.index_cast %add3A_837 : i32 to index
      %swap3A_839 = tpu.vector_load %arg20[%swap3A_838] {strides = array<i32>} : memref<8192xf32, #tpu.memory_space<vmem>>, vector<16xf32>,
      tpu.vector_store %arg20[%swap3A_838], %mul3A_833 {strides = array<i32>} : memref<8192xf32, #tpu.memory_space<vmem>>, vector<16xf32>,
      %mul3A_840 = arith.mulf %add3A_815, %div3A : vector<16xf32>
      %mul3A_841 = arith.constant 64 : i32
      %mul3A_842 = arith.muli %scan3A_93, %mul3A_841 : i32
      %add3A_843 = arith.constant 48 : i32
      %add3A_844 = arith.addi %mul3A_842, %add3A_843 : i32
      %swap3A_845 = arith.index_cast %add3A_844 : i32 to index
      %swap3A_846 = tpu.vector_load %arg20[%swap3A_845] {strides = array<i32>} : memref<8192xf32, #tpu.memory_space<vmem>>, vector<16xf32>,
      tpu.vector_store %arg20[%swap3A_845], %mul3A_840 {strides = array<i32>} : memref<8192xf32, #tpu.memory_space<vmem>>, vector<16xf32>,
      %add3A_847 = arith.constant 0 : i32
      %add3A_848 = arith.addi %add3A_847, %add3A_96 : i32
      %broadcast_in_dim3A_849 = vector.broadcast %add3A_848 : i32 to vector<16xi32>
      %gather3A_850 = tpu.vector_load_idx %arg19[%broadcast_in_dim3A_849] : memref<1536xf32, #tpu.memory_space<vmem>>[vector<16xi32>], vector<16xf32>,
      %lt3A = arith.cmpf olt, %get3A_23, %gather3A_850 : vector<16xf32>
      %all_reduce_population_count3A = tpu.all_reduce %lt3A {dim = 0 : i64, kind = #tpu.reduction_kind<sum>} : vector<16xi1> -> vector<16xi32>
      %lt3A_851 = arith.cmpf olt, %get3A_25, %gather3A_850 : vector<16xf32>
      %all_reduce_population_count3A_852 = tpu.all_reduce %lt3A_851 {dim = 0 : i64, kind = #tpu.reduction_kind<sum>} : vector<16xi1> -> vector<16xi32>
      %add3A_853 = arith.addi %all_reduce_population_count3A, %all_reduce_population_count3A_852 : vector<16xi32>
      %mul3A_854 = arith.constant 64 : i32
      %mul3A_855 = vector.broadcast %mul3A_854 : i32 to vector<16xi32>
      %mul3A_856 = arith.muli %add3A_853, %mul3A_855 : vector<16xi32>
      %add3A_857 = arith.constant 0 : i32
      %add3A_858 = vector.broadcast %add3A_857 : i32 to vector<16xi32>
      %add3A_859 = arith.addi %mul3A_856, %add3A_858 : vector<16xi32>
      %add3A_860 = arith.constant 0 : i32
      %add3A_861 = vector.broadcast %add3A_860 : i32 to vector<16xi32>
      %add3A_862 = arith.addi %add3A_859, %add3A_861 : vector<16xi32>
      %add3A_863 = arith.addi %add3A_862, %iota3A : vector<16xi32>
      %gather3A_864 = tpu.vector_load_idx %arg17[%add3A_863] : memref<3840xf32, #tpu.memory_space<vmem>>[vector<16xi32>], vector<16xf32>,
      %add3A_865 = arith.addf %broadcast_in_dim3A_15, %gather3A_864 : vector<16xf32>
      %add3A_866 = arith.constant 16 : i32
      %add3A_867 = vector.broadcast %add3A_866 : i32 to vector<16xi32>
      %add3A_868 = arith.addi %add3A_859, %add3A_867 : vector<16xi32>
      %add3A_869 = arith.addi %add3A_868, %iota3A : vector<16xi32>
      %gather3A_870 = tpu.vector_load_idx %arg17[%add3A_869] : memref<3840xf32, #tpu.memory_space<vmem>>[vector<16xi32>], vector<16xf32>,
      %add3A_871 = arith.addf %broadcast_in_dim3A_15, %gather3A_870 : vector<16xf32>
      %add3A_872 = arith.constant 32 : i32
      %add3A_873 = vector.broadcast %add3A_872 : i32 to vector<16xi32>
      %add3A_874 = arith.addi %add3A_859, %add3A_873 : vector<16xi32>
      %add3A_875 = arith.addi %add3A_874, %iota3A : vector<16xi32>
      %gather3A_876 = tpu.vector_load_idx %arg17[%add3A_875] : memref<3840xf32, #tpu.memory_space<vmem>>[vector<16xi32>], vector<16xf32>,
      %add3A_877 = arith.addf %broadcast_in_dim3A_15, %gather3A_876 : vector<16xf32>
      %add3A_878 = arith.constant 48 : i32
      %add3A_879 = vector.broadcast %add3A_878 : i32 to vector<16xi32>
      %add3A_880 = arith.addi %add3A_859, %add3A_879 : vector<16xi32>
      %add3A_881 = arith.addi %add3A_880, %iota3A : vector<16xi32>
      %gather3A_882 = tpu.vector_load_idx %arg17[%add3A_881] : memref<3840xf32, #tpu.memory_space<vmem>>[vector<16xi32>], vector<16xf32>,
      %add3A_883 = arith.addf %broadcast_in_dim3A_15, %gather3A_882 : vector<16xf32>
      %add3A_884 = arith.constant 512 : i32
      %add3A_885 = arith.addi %add3A_884, %add3A_96 : i32
      %broadcast_in_dim3A_886 = vector.broadcast %add3A_885 : i32 to vector<16xi32>
      %gather3A_887 = tpu.vector_load_idx %arg19[%broadcast_in_dim3A_886] : memref<1536xf32, #tpu.memory_space<vmem>>[vector<16xi32>], vector<16xf32>,
      %lt3A_888 = arith.cmpf olt, %get3A_23, %gather3A_887 : vector<16xf32>
      %all_reduce_population_count3A_889 = tpu.all_reduce %lt3A_888 {dim = 0 : i64, kind = #tpu.reduction_kind<sum>} : vector<16xi1> -> vector<16xi32>
      %lt3A_890 = arith.cmpf olt, %get3A_25, %gather3A_887 : vector<16xf32>
      %all_reduce_population_count3A_891 = tpu.all_reduce %lt3A_890 {dim = 0 : i64, kind = #tpu.reduction_kind<sum>} : vector<16xi1> -> vector<16xi32>
      %add3A_892 = arith.addi %all_reduce_population_count3A_889, %all_reduce_population_count3A_891 : vector<16xi32>
      %mul3A_893 = arith.constant 64 : i32
      %mul3A_894 = vector.broadcast %mul3A_893 : i32 to vector<16xi32>
      %mul3A_895 = arith.muli %add3A_892, %mul3A_894 : vector<16xi32>
      %add3A_896 = arith.constant 1280 : i32
      %add3A_897 = vector.broadcast %add3A_896 : i32 to vector<16xi32>
      %add3A_898 = arith.addi %mul3A_895, %add3A_897 : vector<16xi32>
      %add3A_899 = arith.constant 0 : i32
      %add3A_900 = vector.broadcast %add3A_899 : i32 to vector<16xi32>
      %add3A_901 = arith.addi %add3A_898, %add3A_900 : vector<16xi32>
      %add3A_902 = arith.addi %add3A_901, %iota3A : vector<16xi32>
      %gather3A_903 = tpu.vector_load_idx %arg17[%add3A_902] : memref<3840xf32, #tpu.memory_space<vmem>>[vector<16xi32>], vector<16xf32>,
      %add3A_904 = arith.addf %add3A_865, %gather3A_903 : vector<16xf32>
      %add3A_905 = arith.constant 16 : i32
      %add3A_906 = vector.broadcast %add3A_905 : i32 to vector<16xi32>
      %add3A_907 = arith.addi %add3A_898, %add3A_906 : vector<16xi32>
      %add3A_908 = arith.addi %add3A_907, %iota3A : vector<16xi32>
      %gather3A_909 = tpu.vector_load_idx %arg17[%add3A_908] : memref<3840xf32, #tpu.memory_space<vmem>>[vector<16xi32>], vector<16xf32>,
      %add3A_910 = arith.addf %add3A_871, %gather3A_909 : vector<16xf32>
      %add3A_911 = arith.constant 32 : i32
      %add3A_912 = vector.broadcast %add3A_911 : i32 to vector<16xi32>
      %add3A_913 = arith.addi %add3A_898, %add3A_912 : vector<16xi32>
      %add3A_914 = arith.addi %add3A_913, %iota3A : vector<16xi32>
      %gather3A_915 = tpu.vector_load_idx %arg17[%add3A_914] : memref<3840xf32, #tpu.memory_space<vmem>>[vector<16xi32>], vector<16xf32>,
      %add3A_916 = arith.addf %add3A_877, %gather3A_915 : vector<16xf32>
      %add3A_917 = arith.constant 48 : i32
      %add3A_918 = vector.broadcast %add3A_917 : i32 to vector<16xi32>
      %add3A_919 = arith.addi %add3A_898, %add3A_918 : vector<16xi32>
      %add3A_920 = arith.addi %add3A_919, %iota3A : vector<16xi32>
      %gather3A_921 = tpu.vector_load_idx %arg17[%add3A_920] : memref<3840xf32, #tpu.memory_space<vmem>>[vector<16xi32>], vector<16xf32>,
      %add3A_922 = arith.addf %add3A_883, %gather3A_921 : vector<16xf32>
      %add3A_923 = arith.constant 1024 : i32
      %add3A_924 = arith.addi %add3A_923, %add3A_96 : i32
      %broadcast_in_dim3A_925 = vector.broadcast %add3A_924 : i32 to vector<16xi32>
      %gather3A_926 = tpu.vector_load_idx %arg19[%broadcast_in_dim3A_925] : memref<1536xf32, #tpu.memory_space<vmem>>[vector<16xi32>], vector<16xf32>,
      %lt3A_927 = arith.cmpf olt, %get3A_23, %gather3A_926 : vector<16xf32>
      %all_reduce_population_count3A_928 = tpu.all_reduce %lt3A_927 {dim = 0 : i64, kind = #tpu.reduction_kind<sum>} : vector<16xi1> -> vector<16xi32>
      %lt3A_929 = arith.cmpf olt, %get3A_25, %gather3A_926 : vector<16xf32>
      %all_reduce_population_count3A_930 = tpu.all_reduce %lt3A_929 {dim = 0 : i64, kind = #tpu.reduction_kind<sum>} : vector<16xi1> -> vector<16xi32>
      %add3A_931 = arith.addi %all_reduce_population_count3A_928, %all_reduce_population_count3A_930 : vector<16xi32>
      %mul3A_932 = arith.constant 64 : i32
      %mul3A_933 = vector.broadcast %mul3A_932 : i32 to vector<16xi32>
      %mul3A_934 = arith.muli %add3A_931, %mul3A_933 : vector<16xi32>
      %add3A_935 = arith.constant 2560 : i32
      %add3A_936 = vector.broadcast %add3A_935 : i32 to vector<16xi32>
      %add3A_937 = arith.addi %mul3A_934, %add3A_936 : vector<16xi32>
      %add3A_938 = arith.constant 0 : i32
      %add3A_939 = vector.broadcast %add3A_938 : i32 to vector<16xi32>
      %add3A_940 = arith.addi %add3A_937, %add3A_939 : vector<16xi32>
      %add3A_941 = arith.addi %add3A_940, %iota3A : vector<16xi32>
      %gather3A_942 = tpu.vector_load_idx %arg17[%add3A_941] : memref<3840xf32, #tpu.memory_space<vmem>>[vector<16xi32>], vector<16xf32>,
      %add3A_943 = arith.addf %add3A_904, %gather3A_942 : vector<16xf32>
      %add3A_944 = arith.constant 16 : i32
      %add3A_945 = vector.broadcast %add3A_944 : i32 to vector<16xi32>
      %add3A_946 = arith.addi %add3A_937, %add3A_945 : vector<16xi32>
      %add3A_947 = arith.addi %add3A_946, %iota3A : vector<16xi32>
      %gather3A_948 = tpu.vector_load_idx %arg17[%add3A_947] : memref<3840xf32, #tpu.memory_space<vmem>>[vector<16xi32>], vector<16xf32>,
      %add3A_949 = arith.addf %add3A_910, %gather3A_948 : vector<16xf32>
      %add3A_950 = arith.constant 32 : i32
      %add3A_951 = vector.broadcast %add3A_950 : i32 to vector<16xi32>
      %add3A_952 = arith.addi %add3A_937, %add3A_951 : vector<16xi32>
      %add3A_953 = arith.addi %add3A_952, %iota3A : vector<16xi32>
      %gather3A_954 = tpu.vector_load_idx %arg17[%add3A_953] : memref<3840xf32, #tpu.memory_space<vmem>>[vector<16xi32>], vector<16xf32>,
      %add3A_955 = arith.addf %add3A_916, %gather3A_954 : vector<16xf32>
      %add3A_956 = arith.constant 48 : i32
      %add3A_957 = vector.broadcast %add3A_956 : i32 to vector<16xi32>
      %add3A_958 = arith.addi %add3A_937, %add3A_957 : vector<16xi32>
      %add3A_959 = arith.addi %add3A_958, %iota3A : vector<16xi32>
      %gather3A_960 = tpu.vector_load_idx %arg17[%add3A_959] : memref<3840xf32, #tpu.memory_space<vmem>>[vector<16xi32>], vector<16xf32>,
      %add3A_961 = arith.addf %add3A_922, %gather3A_960 : vector<16xf32>
      %mul3A_962 = arith.constant 64 : i32
      %mul3A_963 = arith.muli %scan3A_93, %mul3A_962 : i32
      %add3A_964 = arith.constant 0 : i32
      %add3A_965 = arith.addi %mul3A_963, %add3A_964 : i32
      %swap3A_966 = arith.index_cast %add3A_965 : i32 to index
      %swap3A_967 = tpu.vector_load %arg21[%swap3A_966] {strides = array<i32>} : memref<8192xf32, #tpu.memory_space<vmem>>, vector<16xf32>,
      tpu.vector_store %arg21[%swap3A_966], %add3A_943 {strides = array<i32>} : memref<8192xf32, #tpu.memory_space<vmem>>, vector<16xf32>,
      %mul3A_968 = arith.constant 64 : i32
      %mul3A_969 = arith.muli %scan3A_93, %mul3A_968 : i32
      %add3A_970 = arith.constant 16 : i32
      %add3A_971 = arith.addi %mul3A_969, %add3A_970 : i32
      %swap3A_972 = arith.index_cast %add3A_971 : i32 to index
      %swap3A_973 = tpu.vector_load %arg21[%swap3A_972] {strides = array<i32>} : memref<8192xf32, #tpu.memory_space<vmem>>, vector<16xf32>,
      tpu.vector_store %arg21[%swap3A_972], %add3A_949 {strides = array<i32>} : memref<8192xf32, #tpu.memory_space<vmem>>, vector<16xf32>,
      %mul3A_974 = arith.constant 64 : i32
      %mul3A_975 = arith.muli %scan3A_93, %mul3A_974 : i32
      %add3A_976 = arith.constant 32 : i32
      %add3A_977 = arith.addi %mul3A_975, %add3A_976 : i32
      %swap3A_978 = arith.index_cast %add3A_977 : i32 to index
      %swap3A_979 = tpu.vector_load %arg21[%swap3A_978] {strides = array<i32>} : memref<8192xf32, #tpu.memory_space<vmem>>, vector<16xf32>,
      tpu.vector_store %arg21[%swap3A_978], %add3A_955 {strides = array<i32>} : memref<8192xf32, #tpu.memory_space<vmem>>, vector<16xf32>,
      %mul3A_980 = arith.constant 64 : i32
      %mul3A_981 = arith.muli %scan3A_93, %mul3A_980 : i32
      %add3A_982 = arith.constant 48 : i32
      %add3A_983 = arith.addi %mul3A_981, %add3A_982 : i32
      %swap3A_984 = arith.index_cast %add3A_983 : i32 to index
      %swap3A_985 = tpu.vector_load %arg21[%swap3A_984] {strides = array<i32>} : memref<8192xf32, #tpu.memory_space<vmem>>, vector<16xf32>,
      tpu.vector_store %arg21[%swap3A_984], %add3A_961 {strides = array<i32>} : memref<8192xf32, #tpu.memory_space<vmem>>, vector<16xf32>,
    }
    %scan3A_46 = arith.constant 128 : i32
    %add3A_47 = arith.constant 128 : i32
    %add3A_48 = arith.addi %mul3A_2, %add3A_47 : i32
    %mul3A_49 = arith.constant 64 : i32
    %mul3A_50 = arith.muli %add3A_48, %mul3A_49 : i32
    "tpu.region"() ({
      %run_scoped3A = tpu.sem_alloc : memref<!tpu.dma_semaphore, #tpu.memory_space<semaphore_mem>>
      %dma_start3A_93 = tpu.memref_slice %arg10[%mul3A_50] : memref<1048576xf32, #tpu.memory_space<hbm>> -> memref<8192xf32, #tpu.memory_space<hbm>>
      %dma_start3A_94 = tpu.memref_slice %arg10[%mul3A_50] : memref<1048576xf32, #tpu.memory_space<hbm>> -> memref<8192xf32, #tpu.memory_space<hbm>>
      tpu.enqueue_dma source(%arg20 : memref<8192xf32, #tpu.memory_space<vmem>>) target(%dma_start3A_94 : memref<8192xf32, #tpu.memory_space<hbm>>) target_semaphore(%run_scoped3A : memref<!tpu.dma_semaphore, #tpu.memory_space<semaphore_mem>>)
      %dma_wait3A_95 = tpu.memref_slice %arg10[%mul3A_50] : memref<1048576xf32, #tpu.memory_space<hbm>> -> memref<8192xf32, #tpu.memory_space<hbm>>
      %dma_wait3A_96 = tpu.memref_slice %arg10[%mul3A_50] : memref<1048576xf32, #tpu.memory_space<hbm>> -> memref<8192xf32, #tpu.memory_space<hbm>>
      tpu.wait_dma2 semaphore(%run_scoped3A : memref<!tpu.dma_semaphore, #tpu.memory_space<semaphore_mem>>) src(%arg20 : memref<8192xf32, #tpu.memory_space<vmem>>) dst(%dma_wait3A_96 : memref<8192xf32, #tpu.memory_space<hbm>>)
      tpu.yield
    }) : () -> ()
    %add3A_51 = arith.constant 128 : i32
    %add3A_52 = arith.addi %mul3A_2, %add3A_51 : i32
    %mul3A_53 = arith.constant 64 : i32
    %mul3A_54 = arith.muli %add3A_52, %mul3A_53 : i32
    "tpu.region"() ({
      %run_scoped3A = tpu.sem_alloc : memref<!tpu.dma_semaphore, #tpu.memory_space<semaphore_mem>>
      %dma_start3A_93 = tpu.memref_slice %arg11[%mul3A_54] : memref<1048576xf32, #tpu.memory_space<hbm>> -> memref<8192xf32, #tpu.memory_space<hbm>>
      %dma_start3A_94 = tpu.memref_slice %arg11[%mul3A_54] : memref<1048576xf32, #tpu.memory_space<hbm>> -> memref<8192xf32, #tpu.memory_space<hbm>>
      tpu.enqueue_dma source(%arg21 : memref<8192xf32, #tpu.memory_space<vmem>>) target(%dma_start3A_94 : memref<8192xf32, #tpu.memory_space<hbm>>) target_semaphore(%run_scoped3A : memref<!tpu.dma_semaphore, #tpu.memory_space<semaphore_mem>>)
      %dma_wait3A_95 = tpu.memref_slice %arg11[%mul3A_54] : memref<1048576xf32, #tpu.memory_space<hbm>> -> memref<8192xf32, #tpu.memory_space<hbm>>
      %dma_wait3A_96 = tpu.memref_slice %arg11[%mul3A_54] : memref<1048576xf32, #tpu.memory_space<hbm>> -> memref<8192xf32, #tpu.memory_space<hbm>>
      tpu.wait_dma2 semaphore(%run_scoped3A : memref<!tpu.dma_semaphore, #tpu.memory_space<semaphore_mem>>) src(%arg21 : memref<8192xf32, #tpu.memory_space<vmem>>) dst(%dma_wait3A_96 : memref<8192xf32, #tpu.memory_space<hbm>>)
      tpu.yield
    }) : () -> ()
    %dma_wait3A = arith.constant 0 : i32
    %dma_wait3A_55 = arith.constant 0 : i32
    %dma_wait3A_56 = tpu.memref_slice %arg6[%dma_wait3A, %dma_wait3A_55] : memref<1000000x64xf32, #tpu.memory_space<hbm>> -> memref<1000000x64xf32, #tpu.memory_space<hbm>>
    tpu.wait_indirect_dma semaphore(%arg22 : memref<!tpu.dma_semaphore, #tpu.memory_space<semaphore_mem>>) src(%dma_wait3A_56 : memref<1000000x64xf32, #tpu.memory_space<hbm>>) dst(%arg14 : memref<256x64xf32, #tpu.memory_space<vmem>>)
    "tpu.region"() ({
      %run_scoped3A = tpu.sem_alloc : memref<!tpu.dma_semaphore, #tpu.memory_space<semaphore_mem>>
      %dma_start3A_93 = arith.constant 0 : i32
      %dma_start3A_94 = tpu.memref_slice %arg9[%mul3A_2, %dma_start3A_93] : memref<16384x64xf32, #tpu.memory_space<hbm>> -> memref<256x64xf32, #tpu.memory_space<hbm>>
      %dma_start3A_95 = arith.constant 0 : i32
      %dma_start3A_96 = tpu.memref_slice %arg9[%mul3A_2, %dma_start3A_95] : memref<16384x64xf32, #tpu.memory_space<hbm>> -> memref<256x64xf32, #tpu.memory_space<hbm>>
      tpu.enqueue_dma source(%arg14 : memref<256x64xf32, #tpu.memory_space<vmem>>) target(%dma_start3A_96 : memref<256x64xf32, #tpu.memory_space<hbm>>) target_semaphore(%run_scoped3A : memref<!tpu.dma_semaphore, #tpu.memory_space<semaphore_mem>>)
      %dma_wait3A_97 = arith.constant 0 : i32
      %dma_wait3A_98 = tpu.memref_slice %arg9[%mul3A_2, %dma_wait3A_97] : memref<16384x64xf32, #tpu.memory_space<hbm>> -> memref<256x64xf32, #tpu.memory_space<hbm>>
      %dma_wait3A_99 = arith.constant 0 : i32
      %dma_wait3A_100 = tpu.memref_slice %arg9[%mul3A_2, %dma_wait3A_99] : memref<16384x64xf32, #tpu.memory_space<hbm>> -> memref<256x64xf32, #tpu.memory_space<hbm>>
      tpu.wait_dma2 semaphore(%run_scoped3A : memref<!tpu.dma_semaphore, #tpu.memory_space<semaphore_mem>>) src(%arg14 : memref<256x64xf32, #tpu.memory_space<vmem>>) dst(%dma_wait3A_100 : memref<256x64xf32, #tpu.memory_space<hbm>>)
      tpu.yield
    }) : () -> ()
    %dma_start3A_57 = arith.constant 0 : i32
    %dma_start3A_58 = arith.constant 0 : i32
    %dma_start3A_59 = tpu.memref_slice %arg6[%dma_start3A_57, %dma_start3A_58] : memref<1000000x64xf32, #tpu.memory_space<hbm>> -> memref<1000000x64xf32, #tpu.memory_space<hbm>>
    tpu.enqueue_indirect_dma source(%dma_start3A_59 : memref<1000000x64xf32, #tpu.memory_space<hbm>>) target(%arg14 : memref<256x64xf32, #tpu.memory_space<vmem>>) offsets(%arg13 : memref<256xi32, #tpu.memory_space<vmem>>) semaphore(%arg22 : memref<!tpu.dma_semaphore, #tpu.memory_space<semaphore_mem>>)
    %scan3A_60 = arith.constant 2 : i32
    %scan3A_61 = arith.constant 0 : i32
    %scan3A_62 = arith.constant 128 : i32
    %scan3A_63 = arith.addi %scan3A_61, %scan3A_62 : i32
    %scan3A_64 = arith.constant 1 : i32
    scf.for %scan3A_93 = %scan3A_61 to %scan3A_63 step %scan3A_64  : i32 {
      %mul3A_94 = arith.constant 128 : i32
      %mul3A_95 = arith.muli %scan3A_60, %mul3A_94 : i32
      %add3A_96 = arith.addi %mul3A_95, %scan3A_93 : i32
      %mul3A_97 = arith.constant 20 : i32
      %mul3A_98 = arith.muli %add3A_96, %mul3A_97 : i32
      %add3A_99 = arith.constant 0 : i32
      %add3A_100 = arith.addi %mul3A_98, %add3A_99 : i32
      %broadcast_in_dim3A_101 = vector.broadcast %add3A_100 : i32 to vector<16xi32>
      %gather3A = tpu.vector_load_idx %arg15[%broadcast_in_dim3A_101] : memref<10240xi32, #tpu.memory_space<vmem>>[vector<16xi32>], vector<16xi32>,
      %gt3A = arith.constant 0 : i32
      %gt3A_102 = vector.broadcast %gt3A : i32 to vector<16xi32>
      %gt3A_103 = arith.cmpi sgt, %gather3A, %gt3A_102 : vector<16xi32>
      %select_n3A = arith.select %gt3A_103, %broadcast_in_dim3A_27, %broadcast_in_dim3A_15 : vector<16xi1>, vector<16xf32>
      %add3A_104 = arith.addf %broadcast_in_dim3A_15, %select_n3A : vector<16xf32>
      %mul3A_105 = arith.constant 64 : i32
      %mul3A_106 = vector.broadcast %mul3A_105 : i32 to vector<16xi32>
      %mul3A_107 = arith.muli %gather3A, %mul3A_106 : vector<16xi32>
      %add3A_108 = arith.constant 0 : i32
      %add3A_109 = vector.broadcast %add3A_108 : i32 to vector<16xi32>
      %add3A_110 = arith.addi %mul3A_107, %add3A_109 : vector<16xi32>
      %add3A_111 = arith.addi %add3A_110, %iota3A : vector<16xi32>
      %gather3A_112 = tpu.vector_load_idx %arg16[%add3A_111] : memref<64000xf32, #tpu.memory_space<vmem>>[vector<16xi32>], vector<16xf32>,
      %add3A_113 = arith.addf %broadcast_in_dim3A_15, %gather3A_112 : vector<16xf32>
      %add3A_114 = arith.constant 16 : i32
      %add3A_115 = vector.broadcast %add3A_114 : i32 to vector<16xi32>
      %add3A_116 = arith.addi %mul3A_107, %add3A_115 : vector<16xi32>
      %add3A_117 = arith.addi %add3A_116, %iota3A : vector<16xi32>
      %gather3A_118 = tpu.vector_load_idx %arg16[%add3A_117] : memref<64000xf32, #tpu.memory_space<vmem>>[vector<16xi32>], vector<16xf32>,
      %add3A_119 = arith.addf %broadcast_in_dim3A_15, %gather3A_118 : vector<16xf32>
      %add3A_120 = arith.constant 32 : i32
      %add3A_121 = vector.broadcast %add3A_120 : i32 to vector<16xi32>
      %add3A_122 = arith.addi %mul3A_107, %add3A_121 : vector<16xi32>
      %add3A_123 = arith.addi %add3A_122, %iota3A : vector<16xi32>
      %gather3A_124 = tpu.vector_load_idx %arg16[%add3A_123] : memref<64000xf32, #tpu.memory_space<vmem>>[vector<16xi32>], vector<16xf32>,
      %add3A_125 = arith.addf %broadcast_in_dim3A_15, %gather3A_124 : vector<16xf32>
      %add3A_126 = arith.constant 48 : i32
      %add3A_127 = vector.broadcast %add3A_126 : i32 to vector<16xi32>
      %add3A_128 = arith.addi %mul3A_107, %add3A_127 : vector<16xi32>
      %add3A_129 = arith.addi %add3A_128, %iota3A : vector<16xi32>
      %gather3A_130 = tpu.vector_load_idx %arg16[%add3A_129] : memref<64000xf32, #tpu.memory_space<vmem>>[vector<16xi32>], vector<16xf32>,
      %add3A_131 = arith.addf %broadcast_in_dim3A_15, %gather3A_130 : vector<16xf32>
      %add3A_132 = arith.constant 1 : i32
      %add3A_133 = arith.addi %mul3A_98, %add3A_132 : i32
      %broadcast_in_dim3A_134 = vector.broadcast %add3A_133 : i32 to vector<16xi32>
      %gather3A_135 = tpu.vector_load_idx %arg15[%broadcast_in_dim3A_134] : memref<10240xi32, #tpu.memory_space<vmem>>[vector<16xi32>], vector<16xi32>,
      %gt3A_136 = arith.constant 0 : i32
      %gt3A_137 = vector.broadcast %gt3A_136 : i32 to vector<16xi32>
      %gt3A_138 = arith.cmpi sgt, %gather3A_135, %gt3A_137 : vector<16xi32>
      %select_n3A_139 = arith.select %gt3A_138, %broadcast_in_dim3A_27, %broadcast_in_dim3A_15 : vector<16xi1>, vector<16xf32>
      %add3A_140 = arith.addf %add3A_104, %select_n3A_139 : vector<16xf32>
      %mul3A_141 = arith.constant 64 : i32
      %mul3A_142 = vector.broadcast %mul3A_141 : i32 to vector<16xi32>
      %mul3A_143 = arith.muli %gather3A_135, %mul3A_142 : vector<16xi32>
      %add3A_144 = arith.constant 0 : i32
      %add3A_145 = vector.broadcast %add3A_144 : i32 to vector<16xi32>
      %add3A_146 = arith.addi %mul3A_143, %add3A_145 : vector<16xi32>
      %add3A_147 = arith.addi %add3A_146, %iota3A : vector<16xi32>
      %gather3A_148 = tpu.vector_load_idx %arg16[%add3A_147] : memref<64000xf32, #tpu.memory_space<vmem>>[vector<16xi32>], vector<16xf32>,
      %add3A_149 = arith.addf %add3A_113, %gather3A_148 : vector<16xf32>
      %add3A_150 = arith.constant 16 : i32
      %add3A_151 = vector.broadcast %add3A_150 : i32 to vector<16xi32>
      %add3A_152 = arith.addi %mul3A_143, %add3A_151 : vector<16xi32>
      %add3A_153 = arith.addi %add3A_152, %iota3A : vector<16xi32>
      %gather3A_154 = tpu.vector_load_idx %arg16[%add3A_153] : memref<64000xf32, #tpu.memory_space<vmem>>[vector<16xi32>], vector<16xf32>,
      %add3A_155 = arith.addf %add3A_119, %gather3A_154 : vector<16xf32>
      %add3A_156 = arith.constant 32 : i32
      %add3A_157 = vector.broadcast %add3A_156 : i32 to vector<16xi32>
      %add3A_158 = arith.addi %mul3A_143, %add3A_157 : vector<16xi32>
      %add3A_159 = arith.addi %add3A_158, %iota3A : vector<16xi32>
      %gather3A_160 = tpu.vector_load_idx %arg16[%add3A_159] : memref<64000xf32, #tpu.memory_space<vmem>>[vector<16xi32>], vector<16xf32>,
      %add3A_161 = arith.addf %add3A_125, %gather3A_160 : vector<16xf32>
      %add3A_162 = arith.constant 48 : i32
      %add3A_163 = vector.broadcast %add3A_162 : i32 to vector<16xi32>
      %add3A_164 = arith.addi %mul3A_143, %add3A_163 : vector<16xi32>
      %add3A_165 = arith.addi %add3A_164, %iota3A : vector<16xi32>
      %gather3A_166 = tpu.vector_load_idx %arg16[%add3A_165] : memref<64000xf32, #tpu.memory_space<vmem>>[vector<16xi32>], vector<16xf32>,
      %add3A_167 = arith.addf %add3A_131, %gather3A_166 : vector<16xf32>
      %add3A_168 = arith.constant 2 : i32
      %add3A_169 = arith.addi %mul3A_98, %add3A_168 : i32
      %broadcast_in_dim3A_170 = vector.broadcast %add3A_169 : i32 to vector<16xi32>
      %gather3A_171 = tpu.vector_load_idx %arg15[%broadcast_in_dim3A_170] : memref<10240xi32, #tpu.memory_space<vmem>>[vector<16xi32>], vector<16xi32>,
      %gt3A_172 = arith.constant 0 : i32
      %gt3A_173 = vector.broadcast %gt3A_172 : i32 to vector<16xi32>
      %gt3A_174 = arith.cmpi sgt, %gather3A_171, %gt3A_173 : vector<16xi32>
      %select_n3A_175 = arith.select %gt3A_174, %broadcast_in_dim3A_27, %broadcast_in_dim3A_15 : vector<16xi1>, vector<16xf32>
      %add3A_176 = arith.addf %add3A_140, %select_n3A_175 : vector<16xf32>
      %mul3A_177 = arith.constant 64 : i32
      %mul3A_178 = vector.broadcast %mul3A_177 : i32 to vector<16xi32>
      %mul3A_179 = arith.muli %gather3A_171, %mul3A_178 : vector<16xi32>
      %add3A_180 = arith.constant 0 : i32
      %add3A_181 = vector.broadcast %add3A_180 : i32 to vector<16xi32>
      %add3A_182 = arith.addi %mul3A_179, %add3A_181 : vector<16xi32>
      %add3A_183 = arith.addi %add3A_182, %iota3A : vector<16xi32>
      %gather3A_184 = tpu.vector_load_idx %arg16[%add3A_183] : memref<64000xf32, #tpu.memory_space<vmem>>[vector<16xi32>], vector<16xf32>,
      %add3A_185 = arith.addf %add3A_149, %gather3A_184 : vector<16xf32>
      %add3A_186 = arith.constant 16 : i32
      %add3A_187 = vector.broadcast %add3A_186 : i32 to vector<16xi32>
      %add3A_188 = arith.addi %mul3A_179, %add3A_187 : vector<16xi32>
      %add3A_189 = arith.addi %add3A_188, %iota3A : vector<16xi32>
      %gather3A_190 = tpu.vector_load_idx %arg16[%add3A_189] : memref<64000xf32, #tpu.memory_space<vmem>>[vector<16xi32>], vector<16xf32>,
      %add3A_191 = arith.addf %add3A_155, %gather3A_190 : vector<16xf32>
      %add3A_192 = arith.constant 32 : i32
      %add3A_193 = vector.broadcast %add3A_192 : i32 to vector<16xi32>
      %add3A_194 = arith.addi %mul3A_179, %add3A_193 : vector<16xi32>
      %add3A_195 = arith.addi %add3A_194, %iota3A : vector<16xi32>
      %gather3A_196 = tpu.vector_load_idx %arg16[%add3A_195] : memref<64000xf32, #tpu.memory_space<vmem>>[vector<16xi32>], vector<16xf32>,
      %add3A_197 = arith.addf %add3A_161, %gather3A_196 : vector<16xf32>
      %add3A_198 = arith.constant 48 : i32
      %add3A_199 = vector.broadcast %add3A_198 : i32 to vector<16xi32>
      %add3A_200 = arith.addi %mul3A_179, %add3A_199 : vector<16xi32>
      %add3A_201 = arith.addi %add3A_200, %iota3A : vector<16xi32>
      %gather3A_202 = tpu.vector_load_idx %arg16[%add3A_201] : memref<64000xf32, #tpu.memory_space<vmem>>[vector<16xi32>], vector<16xf32>,
      %add3A_203 = arith.addf %add3A_167, %gather3A_202 : vector<16xf32>
      %add3A_204 = arith.constant 3 : i32
      %add3A_205 = arith.addi %mul3A_98, %add3A_204 : i32
      %broadcast_in_dim3A_206 = vector.broadcast %add3A_205 : i32 to vector<16xi32>
      %gather3A_207 = tpu.vector_load_idx %arg15[%broadcast_in_dim3A_206] : memref<10240xi32, #tpu.memory_space<vmem>>[vector<16xi32>], vector<16xi32>,
      %gt3A_208 = arith.constant 0 : i32
      %gt3A_209 = vector.broadcast %gt3A_208 : i32 to vector<16xi32>
      %gt3A_210 = arith.cmpi sgt, %gather3A_207, %gt3A_209 : vector<16xi32>
      %select_n3A_211 = arith.select %gt3A_210, %broadcast_in_dim3A_27, %broadcast_in_dim3A_15 : vector<16xi1>, vector<16xf32>
      %add3A_212 = arith.addf %add3A_176, %select_n3A_211 : vector<16xf32>
      %mul3A_213 = arith.constant 64 : i32
      %mul3A_214 = vector.broadcast %mul3A_213 : i32 to vector<16xi32>
      %mul3A_215 = arith.muli %gather3A_207, %mul3A_214 : vector<16xi32>
      %add3A_216 = arith.constant 0 : i32
      %add3A_217 = vector.broadcast %add3A_216 : i32 to vector<16xi32>
      %add3A_218 = arith.addi %mul3A_215, %add3A_217 : vector<16xi32>
      %add3A_219 = arith.addi %add3A_218, %iota3A : vector<16xi32>
      %gather3A_220 = tpu.vector_load_idx %arg16[%add3A_219] : memref<64000xf32, #tpu.memory_space<vmem>>[vector<16xi32>], vector<16xf32>,
      %add3A_221 = arith.addf %add3A_185, %gather3A_220 : vector<16xf32>
      %add3A_222 = arith.constant 16 : i32
      %add3A_223 = vector.broadcast %add3A_222 : i32 to vector<16xi32>
      %add3A_224 = arith.addi %mul3A_215, %add3A_223 : vector<16xi32>
      %add3A_225 = arith.addi %add3A_224, %iota3A : vector<16xi32>
      %gather3A_226 = tpu.vector_load_idx %arg16[%add3A_225] : memref<64000xf32, #tpu.memory_space<vmem>>[vector<16xi32>], vector<16xf32>,
      %add3A_227 = arith.addf %add3A_191, %gather3A_226 : vector<16xf32>
      %add3A_228 = arith.constant 32 : i32
      %add3A_229 = vector.broadcast %add3A_228 : i32 to vector<16xi32>
      %add3A_230 = arith.addi %mul3A_215, %add3A_229 : vector<16xi32>
      %add3A_231 = arith.addi %add3A_230, %iota3A : vector<16xi32>
      %gather3A_232 = tpu.vector_load_idx %arg16[%add3A_231] : memref<64000xf32, #tpu.memory_space<vmem>>[vector<16xi32>], vector<16xf32>,
      %add3A_233 = arith.addf %add3A_197, %gather3A_232 : vector<16xf32>
      %add3A_234 = arith.constant 48 : i32
      %add3A_235 = vector.broadcast %add3A_234 : i32 to vector<16xi32>
      %add3A_236 = arith.addi %mul3A_215, %add3A_235 : vector<16xi32>
      %add3A_237 = arith.addi %add3A_236, %iota3A : vector<16xi32>
      %gather3A_238 = tpu.vector_load_idx %arg16[%add3A_237] : memref<64000xf32, #tpu.memory_space<vmem>>[vector<16xi32>], vector<16xf32>,
      %add3A_239 = arith.addf %add3A_203, %gather3A_238 : vector<16xf32>
      %add3A_240 = arith.constant 4 : i32
      %add3A_241 = arith.addi %mul3A_98, %add3A_240 : i32
      %broadcast_in_dim3A_242 = vector.broadcast %add3A_241 : i32 to vector<16xi32>
      %gather3A_243 = tpu.vector_load_idx %arg15[%broadcast_in_dim3A_242] : memref<10240xi32, #tpu.memory_space<vmem>>[vector<16xi32>], vector<16xi32>,
      %gt3A_244 = arith.constant 0 : i32
      %gt3A_245 = vector.broadcast %gt3A_244 : i32 to vector<16xi32>
      %gt3A_246 = arith.cmpi sgt, %gather3A_243, %gt3A_245 : vector<16xi32>
      %select_n3A_247 = arith.select %gt3A_246, %broadcast_in_dim3A_27, %broadcast_in_dim3A_15 : vector<16xi1>, vector<16xf32>
      %add3A_248 = arith.addf %add3A_212, %select_n3A_247 : vector<16xf32>
      %mul3A_249 = arith.constant 64 : i32
      %mul3A_250 = vector.broadcast %mul3A_249 : i32 to vector<16xi32>
      %mul3A_251 = arith.muli %gather3A_243, %mul3A_250 : vector<16xi32>
      %add3A_252 = arith.constant 0 : i32
      %add3A_253 = vector.broadcast %add3A_252 : i32 to vector<16xi32>
      %add3A_254 = arith.addi %mul3A_251, %add3A_253 : vector<16xi32>
      %add3A_255 = arith.addi %add3A_254, %iota3A : vector<16xi32>
      %gather3A_256 = tpu.vector_load_idx %arg16[%add3A_255] : memref<64000xf32, #tpu.memory_space<vmem>>[vector<16xi32>], vector<16xf32>,
      %add3A_257 = arith.addf %add3A_221, %gather3A_256 : vector<16xf32>
      %add3A_258 = arith.constant 16 : i32
      %add3A_259 = vector.broadcast %add3A_258 : i32 to vector<16xi32>
      %add3A_260 = arith.addi %mul3A_251, %add3A_259 : vector<16xi32>
      %add3A_261 = arith.addi %add3A_260, %iota3A : vector<16xi32>
      %gather3A_262 = tpu.vector_load_idx %arg16[%add3A_261] : memref<64000xf32, #tpu.memory_space<vmem>>[vector<16xi32>], vector<16xf32>,
      %add3A_263 = arith.addf %add3A_227, %gather3A_262 : vector<16xf32>
      %add3A_264 = arith.constant 32 : i32
      %add3A_265 = vector.broadcast %add3A_264 : i32 to vector<16xi32>
      %add3A_266 = arith.addi %mul3A_251, %add3A_265 : vector<16xi32>
      %add3A_267 = arith.addi %add3A_266, %iota3A : vector<16xi32>
      %gather3A_268 = tpu.vector_load_idx %arg16[%add3A_267] : memref<64000xf32, #tpu.memory_space<vmem>>[vector<16xi32>], vector<16xf32>,
      %add3A_269 = arith.addf %add3A_233, %gather3A_268 : vector<16xf32>
      %add3A_270 = arith.constant 48 : i32
      %add3A_271 = vector.broadcast %add3A_270 : i32 to vector<16xi32>
      %add3A_272 = arith.addi %mul3A_251, %add3A_271 : vector<16xi32>
      %add3A_273 = arith.addi %add3A_272, %iota3A : vector<16xi32>
      %gather3A_274 = tpu.vector_load_idx %arg16[%add3A_273] : memref<64000xf32, #tpu.memory_space<vmem>>[vector<16xi32>], vector<16xf32>,
      %add3A_275 = arith.addf %add3A_239, %gather3A_274 : vector<16xf32>
      %add3A_276 = arith.constant 5 : i32
      %add3A_277 = arith.addi %mul3A_98, %add3A_276 : i32
      %broadcast_in_dim3A_278 = vector.broadcast %add3A_277 : i32 to vector<16xi32>
      %gather3A_279 = tpu.vector_load_idx %arg15[%broadcast_in_dim3A_278] : memref<10240xi32, #tpu.memory_space<vmem>>[vector<16xi32>], vector<16xi32>,
      %gt3A_280 = arith.constant 0 : i32
      %gt3A_281 = vector.broadcast %gt3A_280 : i32 to vector<16xi32>
      %gt3A_282 = arith.cmpi sgt, %gather3A_279, %gt3A_281 : vector<16xi32>
      %select_n3A_283 = arith.select %gt3A_282, %broadcast_in_dim3A_27, %broadcast_in_dim3A_15 : vector<16xi1>, vector<16xf32>
      %add3A_284 = arith.addf %add3A_248, %select_n3A_283 : vector<16xf32>
      %mul3A_285 = arith.constant 64 : i32
      %mul3A_286 = vector.broadcast %mul3A_285 : i32 to vector<16xi32>
      %mul3A_287 = arith.muli %gather3A_279, %mul3A_286 : vector<16xi32>
      %add3A_288 = arith.constant 0 : i32
      %add3A_289 = vector.broadcast %add3A_288 : i32 to vector<16xi32>
      %add3A_290 = arith.addi %mul3A_287, %add3A_289 : vector<16xi32>
      %add3A_291 = arith.addi %add3A_290, %iota3A : vector<16xi32>
      %gather3A_292 = tpu.vector_load_idx %arg16[%add3A_291] : memref<64000xf32, #tpu.memory_space<vmem>>[vector<16xi32>], vector<16xf32>,
      %add3A_293 = arith.addf %add3A_257, %gather3A_292 : vector<16xf32>
      %add3A_294 = arith.constant 16 : i32
      %add3A_295 = vector.broadcast %add3A_294 : i32 to vector<16xi32>
      %add3A_296 = arith.addi %mul3A_287, %add3A_295 : vector<16xi32>
      %add3A_297 = arith.addi %add3A_296, %iota3A : vector<16xi32>
      %gather3A_298 = tpu.vector_load_idx %arg16[%add3A_297] : memref<64000xf32, #tpu.memory_space<vmem>>[vector<16xi32>], vector<16xf32>,
      %add3A_299 = arith.addf %add3A_263, %gather3A_298 : vector<16xf32>
      %add3A_300 = arith.constant 32 : i32
      %add3A_301 = vector.broadcast %add3A_300 : i32 to vector<16xi32>
      %add3A_302 = arith.addi %mul3A_287, %add3A_301 : vector<16xi32>
      %add3A_303 = arith.addi %add3A_302, %iota3A : vector<16xi32>
      %gather3A_304 = tpu.vector_load_idx %arg16[%add3A_303] : memref<64000xf32, #tpu.memory_space<vmem>>[vector<16xi32>], vector<16xf32>,
      %add3A_305 = arith.addf %add3A_269, %gather3A_304 : vector<16xf32>
      %add3A_306 = arith.constant 48 : i32
      %add3A_307 = vector.broadcast %add3A_306 : i32 to vector<16xi32>
      %add3A_308 = arith.addi %mul3A_287, %add3A_307 : vector<16xi32>
      %add3A_309 = arith.addi %add3A_308, %iota3A : vector<16xi32>
      %gather3A_310 = tpu.vector_load_idx %arg16[%add3A_309] : memref<64000xf32, #tpu.memory_space<vmem>>[vector<16xi32>], vector<16xf32>,
      %add3A_311 = arith.addf %add3A_275, %gather3A_310 : vector<16xf32>
      %add3A_312 = arith.constant 6 : i32
      %add3A_313 = arith.addi %mul3A_98, %add3A_312 : i32
      %broadcast_in_dim3A_314 = vector.broadcast %add3A_313 : i32 to vector<16xi32>
      %gather3A_315 = tpu.vector_load_idx %arg15[%broadcast_in_dim3A_314] : memref<10240xi32, #tpu.memory_space<vmem>>[vector<16xi32>], vector<16xi32>,
      %gt3A_316 = arith.constant 0 : i32
      %gt3A_317 = vector.broadcast %gt3A_316 : i32 to vector<16xi32>
      %gt3A_318 = arith.cmpi sgt, %gather3A_315, %gt3A_317 : vector<16xi32>
      %select_n3A_319 = arith.select %gt3A_318, %broadcast_in_dim3A_27, %broadcast_in_dim3A_15 : vector<16xi1>, vector<16xf32>
      %add3A_320 = arith.addf %add3A_284, %select_n3A_319 : vector<16xf32>
      %mul3A_321 = arith.constant 64 : i32
      %mul3A_322 = vector.broadcast %mul3A_321 : i32 to vector<16xi32>
      %mul3A_323 = arith.muli %gather3A_315, %mul3A_322 : vector<16xi32>
      %add3A_324 = arith.constant 0 : i32
      %add3A_325 = vector.broadcast %add3A_324 : i32 to vector<16xi32>
      %add3A_326 = arith.addi %mul3A_323, %add3A_325 : vector<16xi32>
      %add3A_327 = arith.addi %add3A_326, %iota3A : vector<16xi32>
      %gather3A_328 = tpu.vector_load_idx %arg16[%add3A_327] : memref<64000xf32, #tpu.memory_space<vmem>>[vector<16xi32>], vector<16xf32>,
      %add3A_329 = arith.addf %add3A_293, %gather3A_328 : vector<16xf32>
      %add3A_330 = arith.constant 16 : i32
      %add3A_331 = vector.broadcast %add3A_330 : i32 to vector<16xi32>
      %add3A_332 = arith.addi %mul3A_323, %add3A_331 : vector<16xi32>
      %add3A_333 = arith.addi %add3A_332, %iota3A : vector<16xi32>
      %gather3A_334 = tpu.vector_load_idx %arg16[%add3A_333] : memref<64000xf32, #tpu.memory_space<vmem>>[vector<16xi32>], vector<16xf32>,
      %add3A_335 = arith.addf %add3A_299, %gather3A_334 : vector<16xf32>
      %add3A_336 = arith.constant 32 : i32
      %add3A_337 = vector.broadcast %add3A_336 : i32 to vector<16xi32>
      %add3A_338 = arith.addi %mul3A_323, %add3A_337 : vector<16xi32>
      %add3A_339 = arith.addi %add3A_338, %iota3A : vector<16xi32>
      %gather3A_340 = tpu.vector_load_idx %arg16[%add3A_339] : memref<64000xf32, #tpu.memory_space<vmem>>[vector<16xi32>], vector<16xf32>,
      %add3A_341 = arith.addf %add3A_305, %gather3A_340 : vector<16xf32>
      %add3A_342 = arith.constant 48 : i32
      %add3A_343 = vector.broadcast %add3A_342 : i32 to vector<16xi32>
      %add3A_344 = arith.addi %mul3A_323, %add3A_343 : vector<16xi32>
      %add3A_345 = arith.addi %add3A_344, %iota3A : vector<16xi32>
      %gather3A_346 = tpu.vector_load_idx %arg16[%add3A_345] : memref<64000xf32, #tpu.memory_space<vmem>>[vector<16xi32>], vector<16xf32>,
      %add3A_347 = arith.addf %add3A_311, %gather3A_346 : vector<16xf32>
      %add3A_348 = arith.constant 7 : i32
      %add3A_349 = arith.addi %mul3A_98, %add3A_348 : i32
      %broadcast_in_dim3A_350 = vector.broadcast %add3A_349 : i32 to vector<16xi32>
      %gather3A_351 = tpu.vector_load_idx %arg15[%broadcast_in_dim3A_350] : memref<10240xi32, #tpu.memory_space<vmem>>[vector<16xi32>], vector<16xi32>,
      %gt3A_352 = arith.constant 0 : i32
      %gt3A_353 = vector.broadcast %gt3A_352 : i32 to vector<16xi32>
      %gt3A_354 = arith.cmpi sgt, %gather3A_351, %gt3A_353 : vector<16xi32>
      %select_n3A_355 = arith.select %gt3A_354, %broadcast_in_dim3A_27, %broadcast_in_dim3A_15 : vector<16xi1>, vector<16xf32>
      %add3A_356 = arith.addf %add3A_320, %select_n3A_355 : vector<16xf32>
      %mul3A_357 = arith.constant 64 : i32
      %mul3A_358 = vector.broadcast %mul3A_357 : i32 to vector<16xi32>
      %mul3A_359 = arith.muli %gather3A_351, %mul3A_358 : vector<16xi32>
      %add3A_360 = arith.constant 0 : i32
      %add3A_361 = vector.broadcast %add3A_360 : i32 to vector<16xi32>
      %add3A_362 = arith.addi %mul3A_359, %add3A_361 : vector<16xi32>
      %add3A_363 = arith.addi %add3A_362, %iota3A : vector<16xi32>
      %gather3A_364 = tpu.vector_load_idx %arg16[%add3A_363] : memref<64000xf32, #tpu.memory_space<vmem>>[vector<16xi32>], vector<16xf32>,
      %add3A_365 = arith.addf %add3A_329, %gather3A_364 : vector<16xf32>
      %add3A_366 = arith.constant 16 : i32
      %add3A_367 = vector.broadcast %add3A_366 : i32 to vector<16xi32>
      %add3A_368 = arith.addi %mul3A_359, %add3A_367 : vector<16xi32>
      %add3A_369 = arith.addi %add3A_368, %iota3A : vector<16xi32>
      %gather3A_370 = tpu.vector_load_idx %arg16[%add3A_369] : memref<64000xf32, #tpu.memory_space<vmem>>[vector<16xi32>], vector<16xf32>,
      %add3A_371 = arith.addf %add3A_335, %gather3A_370 : vector<16xf32>
      %add3A_372 = arith.constant 32 : i32
      %add3A_373 = vector.broadcast %add3A_372 : i32 to vector<16xi32>
      %add3A_374 = arith.addi %mul3A_359, %add3A_373 : vector<16xi32>
      %add3A_375 = arith.addi %add3A_374, %iota3A : vector<16xi32>
      %gather3A_376 = tpu.vector_load_idx %arg16[%add3A_375] : memref<64000xf32, #tpu.memory_space<vmem>>[vector<16xi32>], vector<16xf32>,
      %add3A_377 = arith.addf %add3A_341, %gather3A_376 : vector<16xf32>
      %add3A_378 = arith.constant 48 : i32
      %add3A_379 = vector.broadcast %add3A_378 : i32 to vector<16xi32>
      %add3A_380 = arith.addi %mul3A_359, %add3A_379 : vector<16xi32>
      %add3A_381 = arith.addi %add3A_380, %iota3A : vector<16xi32>
      %gather3A_382 = tpu.vector_load_idx %arg16[%add3A_381] : memref<64000xf32, #tpu.memory_space<vmem>>[vector<16xi32>], vector<16xf32>,
      %add3A_383 = arith.addf %add3A_347, %gather3A_382 : vector<16xf32>
      %add3A_384 = arith.constant 8 : i32
      %add3A_385 = arith.addi %mul3A_98, %add3A_384 : i32
      %broadcast_in_dim3A_386 = vector.broadcast %add3A_385 : i32 to vector<16xi32>
      %gather3A_387 = tpu.vector_load_idx %arg15[%broadcast_in_dim3A_386] : memref<10240xi32, #tpu.memory_space<vmem>>[vector<16xi32>], vector<16xi32>,
      %gt3A_388 = arith.constant 0 : i32
      %gt3A_389 = vector.broadcast %gt3A_388 : i32 to vector<16xi32>
      %gt3A_390 = arith.cmpi sgt, %gather3A_387, %gt3A_389 : vector<16xi32>
      %select_n3A_391 = arith.select %gt3A_390, %broadcast_in_dim3A_27, %broadcast_in_dim3A_15 : vector<16xi1>, vector<16xf32>
      %add3A_392 = arith.addf %add3A_356, %select_n3A_391 : vector<16xf32>
      %mul3A_393 = arith.constant 64 : i32
      %mul3A_394 = vector.broadcast %mul3A_393 : i32 to vector<16xi32>
      %mul3A_395 = arith.muli %gather3A_387, %mul3A_394 : vector<16xi32>
      %add3A_396 = arith.constant 0 : i32
      %add3A_397 = vector.broadcast %add3A_396 : i32 to vector<16xi32>
      %add3A_398 = arith.addi %mul3A_395, %add3A_397 : vector<16xi32>
      %add3A_399 = arith.addi %add3A_398, %iota3A : vector<16xi32>
      %gather3A_400 = tpu.vector_load_idx %arg16[%add3A_399] : memref<64000xf32, #tpu.memory_space<vmem>>[vector<16xi32>], vector<16xf32>,
      %add3A_401 = arith.addf %add3A_365, %gather3A_400 : vector<16xf32>
      %add3A_402 = arith.constant 16 : i32
      %add3A_403 = vector.broadcast %add3A_402 : i32 to vector<16xi32>
      %add3A_404 = arith.addi %mul3A_395, %add3A_403 : vector<16xi32>
      %add3A_405 = arith.addi %add3A_404, %iota3A : vector<16xi32>
      %gather3A_406 = tpu.vector_load_idx %arg16[%add3A_405] : memref<64000xf32, #tpu.memory_space<vmem>>[vector<16xi32>], vector<16xf32>,
      %add3A_407 = arith.addf %add3A_371, %gather3A_406 : vector<16xf32>
      %add3A_408 = arith.constant 32 : i32
      %add3A_409 = vector.broadcast %add3A_408 : i32 to vector<16xi32>
      %add3A_410 = arith.addi %mul3A_395, %add3A_409 : vector<16xi32>
      %add3A_411 = arith.addi %add3A_410, %iota3A : vector<16xi32>
      %gather3A_412 = tpu.vector_load_idx %arg16[%add3A_411] : memref<64000xf32, #tpu.memory_space<vmem>>[vector<16xi32>], vector<16xf32>,
      %add3A_413 = arith.addf %add3A_377, %gather3A_412 : vector<16xf32>
      %add3A_414 = arith.constant 48 : i32
      %add3A_415 = vector.broadcast %add3A_414 : i32 to vector<16xi32>
      %add3A_416 = arith.addi %mul3A_395, %add3A_415 : vector<16xi32>
      %add3A_417 = arith.addi %add3A_416, %iota3A : vector<16xi32>
      %gather3A_418 = tpu.vector_load_idx %arg16[%add3A_417] : memref<64000xf32, #tpu.memory_space<vmem>>[vector<16xi32>], vector<16xf32>,
      %add3A_419 = arith.addf %add3A_383, %gather3A_418 : vector<16xf32>
      %add3A_420 = arith.constant 9 : i32
      %add3A_421 = arith.addi %mul3A_98, %add3A_420 : i32
      %broadcast_in_dim3A_422 = vector.broadcast %add3A_421 : i32 to vector<16xi32>
      %gather3A_423 = tpu.vector_load_idx %arg15[%broadcast_in_dim3A_422] : memref<10240xi32, #tpu.memory_space<vmem>>[vector<16xi32>], vector<16xi32>,
      %gt3A_424 = arith.constant 0 : i32
      %gt3A_425 = vector.broadcast %gt3A_424 : i32 to vector<16xi32>
      %gt3A_426 = arith.cmpi sgt, %gather3A_423, %gt3A_425 : vector<16xi32>
      %select_n3A_427 = arith.select %gt3A_426, %broadcast_in_dim3A_27, %broadcast_in_dim3A_15 : vector<16xi1>, vector<16xf32>
      %add3A_428 = arith.addf %add3A_392, %select_n3A_427 : vector<16xf32>
      %mul3A_429 = arith.constant 64 : i32
      %mul3A_430 = vector.broadcast %mul3A_429 : i32 to vector<16xi32>
      %mul3A_431 = arith.muli %gather3A_423, %mul3A_430 : vector<16xi32>
      %add3A_432 = arith.constant 0 : i32
      %add3A_433 = vector.broadcast %add3A_432 : i32 to vector<16xi32>
      %add3A_434 = arith.addi %mul3A_431, %add3A_433 : vector<16xi32>
      %add3A_435 = arith.addi %add3A_434, %iota3A : vector<16xi32>
      %gather3A_436 = tpu.vector_load_idx %arg16[%add3A_435] : memref<64000xf32, #tpu.memory_space<vmem>>[vector<16xi32>], vector<16xf32>,
      %add3A_437 = arith.addf %add3A_401, %gather3A_436 : vector<16xf32>
      %add3A_438 = arith.constant 16 : i32
      %add3A_439 = vector.broadcast %add3A_438 : i32 to vector<16xi32>
      %add3A_440 = arith.addi %mul3A_431, %add3A_439 : vector<16xi32>
      %add3A_441 = arith.addi %add3A_440, %iota3A : vector<16xi32>
      %gather3A_442 = tpu.vector_load_idx %arg16[%add3A_441] : memref<64000xf32, #tpu.memory_space<vmem>>[vector<16xi32>], vector<16xf32>,
      %add3A_443 = arith.addf %add3A_407, %gather3A_442 : vector<16xf32>
      %add3A_444 = arith.constant 32 : i32
      %add3A_445 = vector.broadcast %add3A_444 : i32 to vector<16xi32>
      %add3A_446 = arith.addi %mul3A_431, %add3A_445 : vector<16xi32>
      %add3A_447 = arith.addi %add3A_446, %iota3A : vector<16xi32>
      %gather3A_448 = tpu.vector_load_idx %arg16[%add3A_447] : memref<64000xf32, #tpu.memory_space<vmem>>[vector<16xi32>], vector<16xf32>,
      %add3A_449 = arith.addf %add3A_413, %gather3A_448 : vector<16xf32>
      %add3A_450 = arith.constant 48 : i32
      %add3A_451 = vector.broadcast %add3A_450 : i32 to vector<16xi32>
      %add3A_452 = arith.addi %mul3A_431, %add3A_451 : vector<16xi32>
      %add3A_453 = arith.addi %add3A_452, %iota3A : vector<16xi32>
      %gather3A_454 = tpu.vector_load_idx %arg16[%add3A_453] : memref<64000xf32, #tpu.memory_space<vmem>>[vector<16xi32>], vector<16xf32>,
      %add3A_455 = arith.addf %add3A_419, %gather3A_454 : vector<16xf32>
      %add3A_456 = arith.constant 10 : i32
      %add3A_457 = arith.addi %mul3A_98, %add3A_456 : i32
      %broadcast_in_dim3A_458 = vector.broadcast %add3A_457 : i32 to vector<16xi32>
      %gather3A_459 = tpu.vector_load_idx %arg15[%broadcast_in_dim3A_458] : memref<10240xi32, #tpu.memory_space<vmem>>[vector<16xi32>], vector<16xi32>,
      %gt3A_460 = arith.constant 0 : i32
      %gt3A_461 = vector.broadcast %gt3A_460 : i32 to vector<16xi32>
      %gt3A_462 = arith.cmpi sgt, %gather3A_459, %gt3A_461 : vector<16xi32>
      %select_n3A_463 = arith.select %gt3A_462, %broadcast_in_dim3A_27, %broadcast_in_dim3A_15 : vector<16xi1>, vector<16xf32>
      %add3A_464 = arith.addf %add3A_428, %select_n3A_463 : vector<16xf32>
      %mul3A_465 = arith.constant 64 : i32
      %mul3A_466 = vector.broadcast %mul3A_465 : i32 to vector<16xi32>
      %mul3A_467 = arith.muli %gather3A_459, %mul3A_466 : vector<16xi32>
      %add3A_468 = arith.constant 0 : i32
      %add3A_469 = vector.broadcast %add3A_468 : i32 to vector<16xi32>
      %add3A_470 = arith.addi %mul3A_467, %add3A_469 : vector<16xi32>
      %add3A_471 = arith.addi %add3A_470, %iota3A : vector<16xi32>
      %gather3A_472 = tpu.vector_load_idx %arg16[%add3A_471] : memref<64000xf32, #tpu.memory_space<vmem>>[vector<16xi32>], vector<16xf32>,
      %add3A_473 = arith.addf %add3A_437, %gather3A_472 : vector<16xf32>
      %add3A_474 = arith.constant 16 : i32
      %add3A_475 = vector.broadcast %add3A_474 : i32 to vector<16xi32>
      %add3A_476 = arith.addi %mul3A_467, %add3A_475 : vector<16xi32>
      %add3A_477 = arith.addi %add3A_476, %iota3A : vector<16xi32>
      %gather3A_478 = tpu.vector_load_idx %arg16[%add3A_477] : memref<64000xf32, #tpu.memory_space<vmem>>[vector<16xi32>], vector<16xf32>,
      %add3A_479 = arith.addf %add3A_443, %gather3A_478 : vector<16xf32>
      %add3A_480 = arith.constant 32 : i32
      %add3A_481 = vector.broadcast %add3A_480 : i32 to vector<16xi32>
      %add3A_482 = arith.addi %mul3A_467, %add3A_481 : vector<16xi32>
      %add3A_483 = arith.addi %add3A_482, %iota3A : vector<16xi32>
      %gather3A_484 = tpu.vector_load_idx %arg16[%add3A_483] : memref<64000xf32, #tpu.memory_space<vmem>>[vector<16xi32>], vector<16xf32>,
      %add3A_485 = arith.addf %add3A_449, %gather3A_484 : vector<16xf32>
      %add3A_486 = arith.constant 48 : i32
      %add3A_487 = vector.broadcast %add3A_486 : i32 to vector<16xi32>
      %add3A_488 = arith.addi %mul3A_467, %add3A_487 : vector<16xi32>
      %add3A_489 = arith.addi %add3A_488, %iota3A : vector<16xi32>
      %gather3A_490 = tpu.vector_load_idx %arg16[%add3A_489] : memref<64000xf32, #tpu.memory_space<vmem>>[vector<16xi32>], vector<16xf32>,
      %add3A_491 = arith.addf %add3A_455, %gather3A_490 : vector<16xf32>
      %add3A_492 = arith.constant 11 : i32
      %add3A_493 = arith.addi %mul3A_98, %add3A_492 : i32
      %broadcast_in_dim3A_494 = vector.broadcast %add3A_493 : i32 to vector<16xi32>
      %gather3A_495 = tpu.vector_load_idx %arg15[%broadcast_in_dim3A_494] : memref<10240xi32, #tpu.memory_space<vmem>>[vector<16xi32>], vector<16xi32>,
      %gt3A_496 = arith.constant 0 : i32
      %gt3A_497 = vector.broadcast %gt3A_496 : i32 to vector<16xi32>
      %gt3A_498 = arith.cmpi sgt, %gather3A_495, %gt3A_497 : vector<16xi32>
      %select_n3A_499 = arith.select %gt3A_498, %broadcast_in_dim3A_27, %broadcast_in_dim3A_15 : vector<16xi1>, vector<16xf32>
      %add3A_500 = arith.addf %add3A_464, %select_n3A_499 : vector<16xf32>
      %mul3A_501 = arith.constant 64 : i32
      %mul3A_502 = vector.broadcast %mul3A_501 : i32 to vector<16xi32>
      %mul3A_503 = arith.muli %gather3A_495, %mul3A_502 : vector<16xi32>
      %add3A_504 = arith.constant 0 : i32
      %add3A_505 = vector.broadcast %add3A_504 : i32 to vector<16xi32>
      %add3A_506 = arith.addi %mul3A_503, %add3A_505 : vector<16xi32>
      %add3A_507 = arith.addi %add3A_506, %iota3A : vector<16xi32>
      %gather3A_508 = tpu.vector_load_idx %arg16[%add3A_507] : memref<64000xf32, #tpu.memory_space<vmem>>[vector<16xi32>], vector<16xf32>,
      %add3A_509 = arith.addf %add3A_473, %gather3A_508 : vector<16xf32>
      %add3A_510 = arith.constant 16 : i32
      %add3A_511 = vector.broadcast %add3A_510 : i32 to vector<16xi32>
      %add3A_512 = arith.addi %mul3A_503, %add3A_511 : vector<16xi32>
      %add3A_513 = arith.addi %add3A_512, %iota3A : vector<16xi32>
      %gather3A_514 = tpu.vector_load_idx %arg16[%add3A_513] : memref<64000xf32, #tpu.memory_space<vmem>>[vector<16xi32>], vector<16xf32>,
      %add3A_515 = arith.addf %add3A_479, %gather3A_514 : vector<16xf32>
      %add3A_516 = arith.constant 32 : i32
      %add3A_517 = vector.broadcast %add3A_516 : i32 to vector<16xi32>
      %add3A_518 = arith.addi %mul3A_503, %add3A_517 : vector<16xi32>
      %add3A_519 = arith.addi %add3A_518, %iota3A : vector<16xi32>
      %gather3A_520 = tpu.vector_load_idx %arg16[%add3A_519] : memref<64000xf32, #tpu.memory_space<vmem>>[vector<16xi32>], vector<16xf32>,
      %add3A_521 = arith.addf %add3A_485, %gather3A_520 : vector<16xf32>
      %add3A_522 = arith.constant 48 : i32
      %add3A_523 = vector.broadcast %add3A_522 : i32 to vector<16xi32>
      %add3A_524 = arith.addi %mul3A_503, %add3A_523 : vector<16xi32>
      %add3A_525 = arith.addi %add3A_524, %iota3A : vector<16xi32>
      %gather3A_526 = tpu.vector_load_idx %arg16[%add3A_525] : memref<64000xf32, #tpu.memory_space<vmem>>[vector<16xi32>], vector<16xf32>,
      %add3A_527 = arith.addf %add3A_491, %gather3A_526 : vector<16xf32>
      %add3A_528 = arith.constant 12 : i32
      %add3A_529 = arith.addi %mul3A_98, %add3A_528 : i32
      %broadcast_in_dim3A_530 = vector.broadcast %add3A_529 : i32 to vector<16xi32>
      %gather3A_531 = tpu.vector_load_idx %arg15[%broadcast_in_dim3A_530] : memref<10240xi32, #tpu.memory_space<vmem>>[vector<16xi32>], vector<16xi32>,
      %gt3A_532 = arith.constant 0 : i32
      %gt3A_533 = vector.broadcast %gt3A_532 : i32 to vector<16xi32>
      %gt3A_534 = arith.cmpi sgt, %gather3A_531, %gt3A_533 : vector<16xi32>
      %select_n3A_535 = arith.select %gt3A_534, %broadcast_in_dim3A_27, %broadcast_in_dim3A_15 : vector<16xi1>, vector<16xf32>
      %add3A_536 = arith.addf %add3A_500, %select_n3A_535 : vector<16xf32>
      %mul3A_537 = arith.constant 64 : i32
      %mul3A_538 = vector.broadcast %mul3A_537 : i32 to vector<16xi32>
      %mul3A_539 = arith.muli %gather3A_531, %mul3A_538 : vector<16xi32>
      %add3A_540 = arith.constant 0 : i32
      %add3A_541 = vector.broadcast %add3A_540 : i32 to vector<16xi32>
      %add3A_542 = arith.addi %mul3A_539, %add3A_541 : vector<16xi32>
      %add3A_543 = arith.addi %add3A_542, %iota3A : vector<16xi32>
      %gather3A_544 = tpu.vector_load_idx %arg16[%add3A_543] : memref<64000xf32, #tpu.memory_space<vmem>>[vector<16xi32>], vector<16xf32>,
      %add3A_545 = arith.addf %add3A_509, %gather3A_544 : vector<16xf32>
      %add3A_546 = arith.constant 16 : i32
      %add3A_547 = vector.broadcast %add3A_546 : i32 to vector<16xi32>
      %add3A_548 = arith.addi %mul3A_539, %add3A_547 : vector<16xi32>
      %add3A_549 = arith.addi %add3A_548, %iota3A : vector<16xi32>
      %gather3A_550 = tpu.vector_load_idx %arg16[%add3A_549] : memref<64000xf32, #tpu.memory_space<vmem>>[vector<16xi32>], vector<16xf32>,
      %add3A_551 = arith.addf %add3A_515, %gather3A_550 : vector<16xf32>
      %add3A_552 = arith.constant 32 : i32
      %add3A_553 = vector.broadcast %add3A_552 : i32 to vector<16xi32>
      %add3A_554 = arith.addi %mul3A_539, %add3A_553 : vector<16xi32>
      %add3A_555 = arith.addi %add3A_554, %iota3A : vector<16xi32>
      %gather3A_556 = tpu.vector_load_idx %arg16[%add3A_555] : memref<64000xf32, #tpu.memory_space<vmem>>[vector<16xi32>], vector<16xf32>,
      %add3A_557 = arith.addf %add3A_521, %gather3A_556 : vector<16xf32>
      %add3A_558 = arith.constant 48 : i32
      %add3A_559 = vector.broadcast %add3A_558 : i32 to vector<16xi32>
      %add3A_560 = arith.addi %mul3A_539, %add3A_559 : vector<16xi32>
      %add3A_561 = arith.addi %add3A_560, %iota3A : vector<16xi32>
      %gather3A_562 = tpu.vector_load_idx %arg16[%add3A_561] : memref<64000xf32, #tpu.memory_space<vmem>>[vector<16xi32>], vector<16xf32>,
      %add3A_563 = arith.addf %add3A_527, %gather3A_562 : vector<16xf32>
      %add3A_564 = arith.constant 13 : i32
      %add3A_565 = arith.addi %mul3A_98, %add3A_564 : i32
      %broadcast_in_dim3A_566 = vector.broadcast %add3A_565 : i32 to vector<16xi32>
      %gather3A_567 = tpu.vector_load_idx %arg15[%broadcast_in_dim3A_566] : memref<10240xi32, #tpu.memory_space<vmem>>[vector<16xi32>], vector<16xi32>,
      %gt3A_568 = arith.constant 0 : i32
      %gt3A_569 = vector.broadcast %gt3A_568 : i32 to vector<16xi32>
      %gt3A_570 = arith.cmpi sgt, %gather3A_567, %gt3A_569 : vector<16xi32>
      %select_n3A_571 = arith.select %gt3A_570, %broadcast_in_dim3A_27, %broadcast_in_dim3A_15 : vector<16xi1>, vector<16xf32>
      %add3A_572 = arith.addf %add3A_536, %select_n3A_571 : vector<16xf32>
      %mul3A_573 = arith.constant 64 : i32
      %mul3A_574 = vector.broadcast %mul3A_573 : i32 to vector<16xi32>
      %mul3A_575 = arith.muli %gather3A_567, %mul3A_574 : vector<16xi32>
      %add3A_576 = arith.constant 0 : i32
      %add3A_577 = vector.broadcast %add3A_576 : i32 to vector<16xi32>
      %add3A_578 = arith.addi %mul3A_575, %add3A_577 : vector<16xi32>
      %add3A_579 = arith.addi %add3A_578, %iota3A : vector<16xi32>
      %gather3A_580 = tpu.vector_load_idx %arg16[%add3A_579] : memref<64000xf32, #tpu.memory_space<vmem>>[vector<16xi32>], vector<16xf32>,
      %add3A_581 = arith.addf %add3A_545, %gather3A_580 : vector<16xf32>
      %add3A_582 = arith.constant 16 : i32
      %add3A_583 = vector.broadcast %add3A_582 : i32 to vector<16xi32>
      %add3A_584 = arith.addi %mul3A_575, %add3A_583 : vector<16xi32>
      %add3A_585 = arith.addi %add3A_584, %iota3A : vector<16xi32>
      %gather3A_586 = tpu.vector_load_idx %arg16[%add3A_585] : memref<64000xf32, #tpu.memory_space<vmem>>[vector<16xi32>], vector<16xf32>,
      %add3A_587 = arith.addf %add3A_551, %gather3A_586 : vector<16xf32>
      %add3A_588 = arith.constant 32 : i32
      %add3A_589 = vector.broadcast %add3A_588 : i32 to vector<16xi32>
      %add3A_590 = arith.addi %mul3A_575, %add3A_589 : vector<16xi32>
      %add3A_591 = arith.addi %add3A_590, %iota3A : vector<16xi32>
      %gather3A_592 = tpu.vector_load_idx %arg16[%add3A_591] : memref<64000xf32, #tpu.memory_space<vmem>>[vector<16xi32>], vector<16xf32>,
      %add3A_593 = arith.addf %add3A_557, %gather3A_592 : vector<16xf32>
      %add3A_594 = arith.constant 48 : i32
      %add3A_595 = vector.broadcast %add3A_594 : i32 to vector<16xi32>
      %add3A_596 = arith.addi %mul3A_575, %add3A_595 : vector<16xi32>
      %add3A_597 = arith.addi %add3A_596, %iota3A : vector<16xi32>
      %gather3A_598 = tpu.vector_load_idx %arg16[%add3A_597] : memref<64000xf32, #tpu.memory_space<vmem>>[vector<16xi32>], vector<16xf32>,
      %add3A_599 = arith.addf %add3A_563, %gather3A_598 : vector<16xf32>
      %add3A_600 = arith.constant 14 : i32
      %add3A_601 = arith.addi %mul3A_98, %add3A_600 : i32
      %broadcast_in_dim3A_602 = vector.broadcast %add3A_601 : i32 to vector<16xi32>
      %gather3A_603 = tpu.vector_load_idx %arg15[%broadcast_in_dim3A_602] : memref<10240xi32, #tpu.memory_space<vmem>>[vector<16xi32>], vector<16xi32>,
      %gt3A_604 = arith.constant 0 : i32
      %gt3A_605 = vector.broadcast %gt3A_604 : i32 to vector<16xi32>
      %gt3A_606 = arith.cmpi sgt, %gather3A_603, %gt3A_605 : vector<16xi32>
      %select_n3A_607 = arith.select %gt3A_606, %broadcast_in_dim3A_27, %broadcast_in_dim3A_15 : vector<16xi1>, vector<16xf32>
      %add3A_608 = arith.addf %add3A_572, %select_n3A_607 : vector<16xf32>
      %mul3A_609 = arith.constant 64 : i32
      %mul3A_610 = vector.broadcast %mul3A_609 : i32 to vector<16xi32>
      %mul3A_611 = arith.muli %gather3A_603, %mul3A_610 : vector<16xi32>
      %add3A_612 = arith.constant 0 : i32
      %add3A_613 = vector.broadcast %add3A_612 : i32 to vector<16xi32>
      %add3A_614 = arith.addi %mul3A_611, %add3A_613 : vector<16xi32>
      %add3A_615 = arith.addi %add3A_614, %iota3A : vector<16xi32>
      %gather3A_616 = tpu.vector_load_idx %arg16[%add3A_615] : memref<64000xf32, #tpu.memory_space<vmem>>[vector<16xi32>], vector<16xf32>,
      %add3A_617 = arith.addf %add3A_581, %gather3A_616 : vector<16xf32>
      %add3A_618 = arith.constant 16 : i32
      %add3A_619 = vector.broadcast %add3A_618 : i32 to vector<16xi32>
      %add3A_620 = arith.addi %mul3A_611, %add3A_619 : vector<16xi32>
      %add3A_621 = arith.addi %add3A_620, %iota3A : vector<16xi32>
      %gather3A_622 = tpu.vector_load_idx %arg16[%add3A_621] : memref<64000xf32, #tpu.memory_space<vmem>>[vector<16xi32>], vector<16xf32>,
      %add3A_623 = arith.addf %add3A_587, %gather3A_622 : vector<16xf32>
      %add3A_624 = arith.constant 32 : i32
      %add3A_625 = vector.broadcast %add3A_624 : i32 to vector<16xi32>
      %add3A_626 = arith.addi %mul3A_611, %add3A_625 : vector<16xi32>
      %add3A_627 = arith.addi %add3A_626, %iota3A : vector<16xi32>
      %gather3A_628 = tpu.vector_load_idx %arg16[%add3A_627] : memref<64000xf32, #tpu.memory_space<vmem>>[vector<16xi32>], vector<16xf32>,
      %add3A_629 = arith.addf %add3A_593, %gather3A_628 : vector<16xf32>
      %add3A_630 = arith.constant 48 : i32
      %add3A_631 = vector.broadcast %add3A_630 : i32 to vector<16xi32>
      %add3A_632 = arith.addi %mul3A_611, %add3A_631 : vector<16xi32>
      %add3A_633 = arith.addi %add3A_632, %iota3A : vector<16xi32>
      %gather3A_634 = tpu.vector_load_idx %arg16[%add3A_633] : memref<64000xf32, #tpu.memory_space<vmem>>[vector<16xi32>], vector<16xf32>,
      %add3A_635 = arith.addf %add3A_599, %gather3A_634 : vector<16xf32>
      %add3A_636 = arith.constant 15 : i32
      %add3A_637 = arith.addi %mul3A_98, %add3A_636 : i32
      %broadcast_in_dim3A_638 = vector.broadcast %add3A_637 : i32 to vector<16xi32>
      %gather3A_639 = tpu.vector_load_idx %arg15[%broadcast_in_dim3A_638] : memref<10240xi32, #tpu.memory_space<vmem>>[vector<16xi32>], vector<16xi32>,
      %gt3A_640 = arith.constant 0 : i32
      %gt3A_641 = vector.broadcast %gt3A_640 : i32 to vector<16xi32>
      %gt3A_642 = arith.cmpi sgt, %gather3A_639, %gt3A_641 : vector<16xi32>
      %select_n3A_643 = arith.select %gt3A_642, %broadcast_in_dim3A_27, %broadcast_in_dim3A_15 : vector<16xi1>, vector<16xf32>
      %add3A_644 = arith.addf %add3A_608, %select_n3A_643 : vector<16xf32>
      %mul3A_645 = arith.constant 64 : i32
      %mul3A_646 = vector.broadcast %mul3A_645 : i32 to vector<16xi32>
      %mul3A_647 = arith.muli %gather3A_639, %mul3A_646 : vector<16xi32>
      %add3A_648 = arith.constant 0 : i32
      %add3A_649 = vector.broadcast %add3A_648 : i32 to vector<16xi32>
      %add3A_650 = arith.addi %mul3A_647, %add3A_649 : vector<16xi32>
      %add3A_651 = arith.addi %add3A_650, %iota3A : vector<16xi32>
      %gather3A_652 = tpu.vector_load_idx %arg16[%add3A_651] : memref<64000xf32, #tpu.memory_space<vmem>>[vector<16xi32>], vector<16xf32>,
      %add3A_653 = arith.addf %add3A_617, %gather3A_652 : vector<16xf32>
      %add3A_654 = arith.constant 16 : i32
      %add3A_655 = vector.broadcast %add3A_654 : i32 to vector<16xi32>
      %add3A_656 = arith.addi %mul3A_647, %add3A_655 : vector<16xi32>
      %add3A_657 = arith.addi %add3A_656, %iota3A : vector<16xi32>
      %gather3A_658 = tpu.vector_load_idx %arg16[%add3A_657] : memref<64000xf32, #tpu.memory_space<vmem>>[vector<16xi32>], vector<16xf32>,
      %add3A_659 = arith.addf %add3A_623, %gather3A_658 : vector<16xf32>
      %add3A_660 = arith.constant 32 : i32
      %add3A_661 = vector.broadcast %add3A_660 : i32 to vector<16xi32>
      %add3A_662 = arith.addi %mul3A_647, %add3A_661 : vector<16xi32>
      %add3A_663 = arith.addi %add3A_662, %iota3A : vector<16xi32>
      %gather3A_664 = tpu.vector_load_idx %arg16[%add3A_663] : memref<64000xf32, #tpu.memory_space<vmem>>[vector<16xi32>], vector<16xf32>,
      %add3A_665 = arith.addf %add3A_629, %gather3A_664 : vector<16xf32>
      %add3A_666 = arith.constant 48 : i32
      %add3A_667 = vector.broadcast %add3A_666 : i32 to vector<16xi32>
      %add3A_668 = arith.addi %mul3A_647, %add3A_667 : vector<16xi32>
      %add3A_669 = arith.addi %add3A_668, %iota3A : vector<16xi32>
      %gather3A_670 = tpu.vector_load_idx %arg16[%add3A_669] : memref<64000xf32, #tpu.memory_space<vmem>>[vector<16xi32>], vector<16xf32>,
      %add3A_671 = arith.addf %add3A_635, %gather3A_670 : vector<16xf32>
      %add3A_672 = arith.constant 16 : i32
      %add3A_673 = arith.addi %mul3A_98, %add3A_672 : i32
      %broadcast_in_dim3A_674 = vector.broadcast %add3A_673 : i32 to vector<16xi32>
      %gather3A_675 = tpu.vector_load_idx %arg15[%broadcast_in_dim3A_674] : memref<10240xi32, #tpu.memory_space<vmem>>[vector<16xi32>], vector<16xi32>,
      %gt3A_676 = arith.constant 0 : i32
      %gt3A_677 = vector.broadcast %gt3A_676 : i32 to vector<16xi32>
      %gt3A_678 = arith.cmpi sgt, %gather3A_675, %gt3A_677 : vector<16xi32>
      %select_n3A_679 = arith.select %gt3A_678, %broadcast_in_dim3A_27, %broadcast_in_dim3A_15 : vector<16xi1>, vector<16xf32>
      %add3A_680 = arith.addf %add3A_644, %select_n3A_679 : vector<16xf32>
      %mul3A_681 = arith.constant 64 : i32
      %mul3A_682 = vector.broadcast %mul3A_681 : i32 to vector<16xi32>
      %mul3A_683 = arith.muli %gather3A_675, %mul3A_682 : vector<16xi32>
      %add3A_684 = arith.constant 0 : i32
      %add3A_685 = vector.broadcast %add3A_684 : i32 to vector<16xi32>
      %add3A_686 = arith.addi %mul3A_683, %add3A_685 : vector<16xi32>
      %add3A_687 = arith.addi %add3A_686, %iota3A : vector<16xi32>
      %gather3A_688 = tpu.vector_load_idx %arg16[%add3A_687] : memref<64000xf32, #tpu.memory_space<vmem>>[vector<16xi32>], vector<16xf32>,
      %add3A_689 = arith.addf %add3A_653, %gather3A_688 : vector<16xf32>
      %add3A_690 = arith.constant 16 : i32
      %add3A_691 = vector.broadcast %add3A_690 : i32 to vector<16xi32>
      %add3A_692 = arith.addi %mul3A_683, %add3A_691 : vector<16xi32>
      %add3A_693 = arith.addi %add3A_692, %iota3A : vector<16xi32>
      %gather3A_694 = tpu.vector_load_idx %arg16[%add3A_693] : memref<64000xf32, #tpu.memory_space<vmem>>[vector<16xi32>], vector<16xf32>,
      %add3A_695 = arith.addf %add3A_659, %gather3A_694 : vector<16xf32>
      %add3A_696 = arith.constant 32 : i32
      %add3A_697 = vector.broadcast %add3A_696 : i32 to vector<16xi32>
      %add3A_698 = arith.addi %mul3A_683, %add3A_697 : vector<16xi32>
      %add3A_699 = arith.addi %add3A_698, %iota3A : vector<16xi32>
      %gather3A_700 = tpu.vector_load_idx %arg16[%add3A_699] : memref<64000xf32, #tpu.memory_space<vmem>>[vector<16xi32>], vector<16xf32>,
      %add3A_701 = arith.addf %add3A_665, %gather3A_700 : vector<16xf32>
      %add3A_702 = arith.constant 48 : i32
      %add3A_703 = vector.broadcast %add3A_702 : i32 to vector<16xi32>
      %add3A_704 = arith.addi %mul3A_683, %add3A_703 : vector<16xi32>
      %add3A_705 = arith.addi %add3A_704, %iota3A : vector<16xi32>
      %gather3A_706 = tpu.vector_load_idx %arg16[%add3A_705] : memref<64000xf32, #tpu.memory_space<vmem>>[vector<16xi32>], vector<16xf32>,
      %add3A_707 = arith.addf %add3A_671, %gather3A_706 : vector<16xf32>
      %add3A_708 = arith.constant 17 : i32
      %add3A_709 = arith.addi %mul3A_98, %add3A_708 : i32
      %broadcast_in_dim3A_710 = vector.broadcast %add3A_709 : i32 to vector<16xi32>
      %gather3A_711 = tpu.vector_load_idx %arg15[%broadcast_in_dim3A_710] : memref<10240xi32, #tpu.memory_space<vmem>>[vector<16xi32>], vector<16xi32>,
      %gt3A_712 = arith.constant 0 : i32
      %gt3A_713 = vector.broadcast %gt3A_712 : i32 to vector<16xi32>
      %gt3A_714 = arith.cmpi sgt, %gather3A_711, %gt3A_713 : vector<16xi32>
      %select_n3A_715 = arith.select %gt3A_714, %broadcast_in_dim3A_27, %broadcast_in_dim3A_15 : vector<16xi1>, vector<16xf32>
      %add3A_716 = arith.addf %add3A_680, %select_n3A_715 : vector<16xf32>
      %mul3A_717 = arith.constant 64 : i32
      %mul3A_718 = vector.broadcast %mul3A_717 : i32 to vector<16xi32>
      %mul3A_719 = arith.muli %gather3A_711, %mul3A_718 : vector<16xi32>
      %add3A_720 = arith.constant 0 : i32
      %add3A_721 = vector.broadcast %add3A_720 : i32 to vector<16xi32>
      %add3A_722 = arith.addi %mul3A_719, %add3A_721 : vector<16xi32>
      %add3A_723 = arith.addi %add3A_722, %iota3A : vector<16xi32>
      %gather3A_724 = tpu.vector_load_idx %arg16[%add3A_723] : memref<64000xf32, #tpu.memory_space<vmem>>[vector<16xi32>], vector<16xf32>,
      %add3A_725 = arith.addf %add3A_689, %gather3A_724 : vector<16xf32>
      %add3A_726 = arith.constant 16 : i32
      %add3A_727 = vector.broadcast %add3A_726 : i32 to vector<16xi32>
      %add3A_728 = arith.addi %mul3A_719, %add3A_727 : vector<16xi32>
      %add3A_729 = arith.addi %add3A_728, %iota3A : vector<16xi32>
      %gather3A_730 = tpu.vector_load_idx %arg16[%add3A_729] : memref<64000xf32, #tpu.memory_space<vmem>>[vector<16xi32>], vector<16xf32>,
      %add3A_731 = arith.addf %add3A_695, %gather3A_730 : vector<16xf32>
      %add3A_732 = arith.constant 32 : i32
      %add3A_733 = vector.broadcast %add3A_732 : i32 to vector<16xi32>
      %add3A_734 = arith.addi %mul3A_719, %add3A_733 : vector<16xi32>
      %add3A_735 = arith.addi %add3A_734, %iota3A : vector<16xi32>
      %gather3A_736 = tpu.vector_load_idx %arg16[%add3A_735] : memref<64000xf32, #tpu.memory_space<vmem>>[vector<16xi32>], vector<16xf32>,
      %add3A_737 = arith.addf %add3A_701, %gather3A_736 : vector<16xf32>
      %add3A_738 = arith.constant 48 : i32
      %add3A_739 = vector.broadcast %add3A_738 : i32 to vector<16xi32>
      %add3A_740 = arith.addi %mul3A_719, %add3A_739 : vector<16xi32>
      %add3A_741 = arith.addi %add3A_740, %iota3A : vector<16xi32>
      %gather3A_742 = tpu.vector_load_idx %arg16[%add3A_741] : memref<64000xf32, #tpu.memory_space<vmem>>[vector<16xi32>], vector<16xf32>,
      %add3A_743 = arith.addf %add3A_707, %gather3A_742 : vector<16xf32>
      %add3A_744 = arith.constant 18 : i32
      %add3A_745 = arith.addi %mul3A_98, %add3A_744 : i32
      %broadcast_in_dim3A_746 = vector.broadcast %add3A_745 : i32 to vector<16xi32>
      %gather3A_747 = tpu.vector_load_idx %arg15[%broadcast_in_dim3A_746] : memref<10240xi32, #tpu.memory_space<vmem>>[vector<16xi32>], vector<16xi32>,
      %gt3A_748 = arith.constant 0 : i32
      %gt3A_749 = vector.broadcast %gt3A_748 : i32 to vector<16xi32>
      %gt3A_750 = arith.cmpi sgt, %gather3A_747, %gt3A_749 : vector<16xi32>
      %select_n3A_751 = arith.select %gt3A_750, %broadcast_in_dim3A_27, %broadcast_in_dim3A_15 : vector<16xi1>, vector<16xf32>
      %add3A_752 = arith.addf %add3A_716, %select_n3A_751 : vector<16xf32>
      %mul3A_753 = arith.constant 64 : i32
      %mul3A_754 = vector.broadcast %mul3A_753 : i32 to vector<16xi32>
      %mul3A_755 = arith.muli %gather3A_747, %mul3A_754 : vector<16xi32>
      %add3A_756 = arith.constant 0 : i32
      %add3A_757 = vector.broadcast %add3A_756 : i32 to vector<16xi32>
      %add3A_758 = arith.addi %mul3A_755, %add3A_757 : vector<16xi32>
      %add3A_759 = arith.addi %add3A_758, %iota3A : vector<16xi32>
      %gather3A_760 = tpu.vector_load_idx %arg16[%add3A_759] : memref<64000xf32, #tpu.memory_space<vmem>>[vector<16xi32>], vector<16xf32>,
      %add3A_761 = arith.addf %add3A_725, %gather3A_760 : vector<16xf32>
      %add3A_762 = arith.constant 16 : i32
      %add3A_763 = vector.broadcast %add3A_762 : i32 to vector<16xi32>
      %add3A_764 = arith.addi %mul3A_755, %add3A_763 : vector<16xi32>
      %add3A_765 = arith.addi %add3A_764, %iota3A : vector<16xi32>
      %gather3A_766 = tpu.vector_load_idx %arg16[%add3A_765] : memref<64000xf32, #tpu.memory_space<vmem>>[vector<16xi32>], vector<16xf32>,
      %add3A_767 = arith.addf %add3A_731, %gather3A_766 : vector<16xf32>
      %add3A_768 = arith.constant 32 : i32
      %add3A_769 = vector.broadcast %add3A_768 : i32 to vector<16xi32>
      %add3A_770 = arith.addi %mul3A_755, %add3A_769 : vector<16xi32>
      %add3A_771 = arith.addi %add3A_770, %iota3A : vector<16xi32>
      %gather3A_772 = tpu.vector_load_idx %arg16[%add3A_771] : memref<64000xf32, #tpu.memory_space<vmem>>[vector<16xi32>], vector<16xf32>,
      %add3A_773 = arith.addf %add3A_737, %gather3A_772 : vector<16xf32>
      %add3A_774 = arith.constant 48 : i32
      %add3A_775 = vector.broadcast %add3A_774 : i32 to vector<16xi32>
      %add3A_776 = arith.addi %mul3A_755, %add3A_775 : vector<16xi32>
      %add3A_777 = arith.addi %add3A_776, %iota3A : vector<16xi32>
      %gather3A_778 = tpu.vector_load_idx %arg16[%add3A_777] : memref<64000xf32, #tpu.memory_space<vmem>>[vector<16xi32>], vector<16xf32>,
      %add3A_779 = arith.addf %add3A_743, %gather3A_778 : vector<16xf32>
      %add3A_780 = arith.constant 19 : i32
      %add3A_781 = arith.addi %mul3A_98, %add3A_780 : i32
      %broadcast_in_dim3A_782 = vector.broadcast %add3A_781 : i32 to vector<16xi32>
      %gather3A_783 = tpu.vector_load_idx %arg15[%broadcast_in_dim3A_782] : memref<10240xi32, #tpu.memory_space<vmem>>[vector<16xi32>], vector<16xi32>,
      %gt3A_784 = arith.constant 0 : i32
      %gt3A_785 = vector.broadcast %gt3A_784 : i32 to vector<16xi32>
      %gt3A_786 = arith.cmpi sgt, %gather3A_783, %gt3A_785 : vector<16xi32>
      %select_n3A_787 = arith.select %gt3A_786, %broadcast_in_dim3A_27, %broadcast_in_dim3A_15 : vector<16xi1>, vector<16xf32>
      %add3A_788 = arith.addf %add3A_752, %select_n3A_787 : vector<16xf32>
      %mul3A_789 = arith.constant 64 : i32
      %mul3A_790 = vector.broadcast %mul3A_789 : i32 to vector<16xi32>
      %mul3A_791 = arith.muli %gather3A_783, %mul3A_790 : vector<16xi32>
      %add3A_792 = arith.constant 0 : i32
      %add3A_793 = vector.broadcast %add3A_792 : i32 to vector<16xi32>
      %add3A_794 = arith.addi %mul3A_791, %add3A_793 : vector<16xi32>
      %add3A_795 = arith.addi %add3A_794, %iota3A : vector<16xi32>
      %gather3A_796 = tpu.vector_load_idx %arg16[%add3A_795] : memref<64000xf32, #tpu.memory_space<vmem>>[vector<16xi32>], vector<16xf32>,
      %add3A_797 = arith.addf %add3A_761, %gather3A_796 : vector<16xf32>
      %add3A_798 = arith.constant 16 : i32
      %add3A_799 = vector.broadcast %add3A_798 : i32 to vector<16xi32>
      %add3A_800 = arith.addi %mul3A_791, %add3A_799 : vector<16xi32>
      %add3A_801 = arith.addi %add3A_800, %iota3A : vector<16xi32>
      %gather3A_802 = tpu.vector_load_idx %arg16[%add3A_801] : memref<64000xf32, #tpu.memory_space<vmem>>[vector<16xi32>], vector<16xf32>,
      %add3A_803 = arith.addf %add3A_767, %gather3A_802 : vector<16xf32>
      %add3A_804 = arith.constant 32 : i32
      %add3A_805 = vector.broadcast %add3A_804 : i32 to vector<16xi32>
      %add3A_806 = arith.addi %mul3A_791, %add3A_805 : vector<16xi32>
      %add3A_807 = arith.addi %add3A_806, %iota3A : vector<16xi32>
      %gather3A_808 = tpu.vector_load_idx %arg16[%add3A_807] : memref<64000xf32, #tpu.memory_space<vmem>>[vector<16xi32>], vector<16xf32>,
      %add3A_809 = arith.addf %add3A_773, %gather3A_808 : vector<16xf32>
      %add3A_810 = arith.constant 48 : i32
      %add3A_811 = vector.broadcast %add3A_810 : i32 to vector<16xi32>
      %add3A_812 = arith.addi %mul3A_791, %add3A_811 : vector<16xi32>
      %add3A_813 = arith.addi %add3A_812, %iota3A : vector<16xi32>
      %gather3A_814 = tpu.vector_load_idx %arg16[%add3A_813] : memref<64000xf32, #tpu.memory_space<vmem>>[vector<16xi32>], vector<16xf32>,
      %add3A_815 = arith.addf %add3A_779, %gather3A_814 : vector<16xf32>
      %add3A_816 = arith.constant 9.99999993E-9 : f32
      %add3A_817 = vector.broadcast %add3A_816 : f32 to vector<16xf32>
      %add3A_818 = arith.addf %add3A_788, %add3A_817 : vector<16xf32>
      %div3A = arith.divf %broadcast_in_dim3A_27, %add3A_818 : vector<16xf32>
      %mul3A_819 = arith.mulf %add3A_797, %div3A : vector<16xf32>
      %mul3A_820 = arith.constant 64 : i32
      %mul3A_821 = arith.muli %scan3A_93, %mul3A_820 : i32
      %add3A_822 = arith.constant 0 : i32
      %add3A_823 = arith.addi %mul3A_821, %add3A_822 : i32
      %swap3A_824 = arith.index_cast %add3A_823 : i32 to index
      %swap3A_825 = tpu.vector_load %arg20[%swap3A_824] {strides = array<i32>} : memref<8192xf32, #tpu.memory_space<vmem>>, vector<16xf32>,
      tpu.vector_store %arg20[%swap3A_824], %mul3A_819 {strides = array<i32>} : memref<8192xf32, #tpu.memory_space<vmem>>, vector<16xf32>,
      %mul3A_826 = arith.mulf %add3A_803, %div3A : vector<16xf32>
      %mul3A_827 = arith.constant 64 : i32
      %mul3A_828 = arith.muli %scan3A_93, %mul3A_827 : i32
      %add3A_829 = arith.constant 16 : i32
      %add3A_830 = arith.addi %mul3A_828, %add3A_829 : i32
      %swap3A_831 = arith.index_cast %add3A_830 : i32 to index
      %swap3A_832 = tpu.vector_load %arg20[%swap3A_831] {strides = array<i32>} : memref<8192xf32, #tpu.memory_space<vmem>>, vector<16xf32>,
      tpu.vector_store %arg20[%swap3A_831], %mul3A_826 {strides = array<i32>} : memref<8192xf32, #tpu.memory_space<vmem>>, vector<16xf32>,
      %mul3A_833 = arith.mulf %add3A_809, %div3A : vector<16xf32>
      %mul3A_834 = arith.constant 64 : i32
      %mul3A_835 = arith.muli %scan3A_93, %mul3A_834 : i32
      %add3A_836 = arith.constant 32 : i32
      %add3A_837 = arith.addi %mul3A_835, %add3A_836 : i32
      %swap3A_838 = arith.index_cast %add3A_837 : i32 to index
      %swap3A_839 = tpu.vector_load %arg20[%swap3A_838] {strides = array<i32>} : memref<8192xf32, #tpu.memory_space<vmem>>, vector<16xf32>,
      tpu.vector_store %arg20[%swap3A_838], %mul3A_833 {strides = array<i32>} : memref<8192xf32, #tpu.memory_space<vmem>>, vector<16xf32>,
      %mul3A_840 = arith.mulf %add3A_815, %div3A : vector<16xf32>
      %mul3A_841 = arith.constant 64 : i32
      %mul3A_842 = arith.muli %scan3A_93, %mul3A_841 : i32
      %add3A_843 = arith.constant 48 : i32
      %add3A_844 = arith.addi %mul3A_842, %add3A_843 : i32
      %swap3A_845 = arith.index_cast %add3A_844 : i32 to index
      %swap3A_846 = tpu.vector_load %arg20[%swap3A_845] {strides = array<i32>} : memref<8192xf32, #tpu.memory_space<vmem>>, vector<16xf32>,
      tpu.vector_store %arg20[%swap3A_845], %mul3A_840 {strides = array<i32>} : memref<8192xf32, #tpu.memory_space<vmem>>, vector<16xf32>,
      %add3A_847 = arith.constant 0 : i32
      %add3A_848 = arith.addi %add3A_847, %add3A_96 : i32
      %broadcast_in_dim3A_849 = vector.broadcast %add3A_848 : i32 to vector<16xi32>
      %gather3A_850 = tpu.vector_load_idx %arg19[%broadcast_in_dim3A_849] : memref<1536xf32, #tpu.memory_space<vmem>>[vector<16xi32>], vector<16xf32>,
      %lt3A = arith.cmpf olt, %get3A_23, %gather3A_850 : vector<16xf32>
      %all_reduce_population_count3A = tpu.all_reduce %lt3A {dim = 0 : i64, kind = #tpu.reduction_kind<sum>} : vector<16xi1> -> vector<16xi32>
      %lt3A_851 = arith.cmpf olt, %get3A_25, %gather3A_850 : vector<16xf32>
      %all_reduce_population_count3A_852 = tpu.all_reduce %lt3A_851 {dim = 0 : i64, kind = #tpu.reduction_kind<sum>} : vector<16xi1> -> vector<16xi32>
      %add3A_853 = arith.addi %all_reduce_population_count3A, %all_reduce_population_count3A_852 : vector<16xi32>
      %mul3A_854 = arith.constant 64 : i32
      %mul3A_855 = vector.broadcast %mul3A_854 : i32 to vector<16xi32>
      %mul3A_856 = arith.muli %add3A_853, %mul3A_855 : vector<16xi32>
      %add3A_857 = arith.constant 0 : i32
      %add3A_858 = vector.broadcast %add3A_857 : i32 to vector<16xi32>
      %add3A_859 = arith.addi %mul3A_856, %add3A_858 : vector<16xi32>
      %add3A_860 = arith.constant 0 : i32
      %add3A_861 = vector.broadcast %add3A_860 : i32 to vector<16xi32>
      %add3A_862 = arith.addi %add3A_859, %add3A_861 : vector<16xi32>
      %add3A_863 = arith.addi %add3A_862, %iota3A : vector<16xi32>
      %gather3A_864 = tpu.vector_load_idx %arg17[%add3A_863] : memref<3840xf32, #tpu.memory_space<vmem>>[vector<16xi32>], vector<16xf32>,
      %add3A_865 = arith.addf %broadcast_in_dim3A_15, %gather3A_864 : vector<16xf32>
      %add3A_866 = arith.constant 16 : i32
      %add3A_867 = vector.broadcast %add3A_866 : i32 to vector<16xi32>
      %add3A_868 = arith.addi %add3A_859, %add3A_867 : vector<16xi32>
      %add3A_869 = arith.addi %add3A_868, %iota3A : vector<16xi32>
      %gather3A_870 = tpu.vector_load_idx %arg17[%add3A_869] : memref<3840xf32, #tpu.memory_space<vmem>>[vector<16xi32>], vector<16xf32>,
      %add3A_871 = arith.addf %broadcast_in_dim3A_15, %gather3A_870 : vector<16xf32>
      %add3A_872 = arith.constant 32 : i32
      %add3A_873 = vector.broadcast %add3A_872 : i32 to vector<16xi32>
      %add3A_874 = arith.addi %add3A_859, %add3A_873 : vector<16xi32>
      %add3A_875 = arith.addi %add3A_874, %iota3A : vector<16xi32>
      %gather3A_876 = tpu.vector_load_idx %arg17[%add3A_875] : memref<3840xf32, #tpu.memory_space<vmem>>[vector<16xi32>], vector<16xf32>,
      %add3A_877 = arith.addf %broadcast_in_dim3A_15, %gather3A_876 : vector<16xf32>
      %add3A_878 = arith.constant 48 : i32
      %add3A_879 = vector.broadcast %add3A_878 : i32 to vector<16xi32>
      %add3A_880 = arith.addi %add3A_859, %add3A_879 : vector<16xi32>
      %add3A_881 = arith.addi %add3A_880, %iota3A : vector<16xi32>
      %gather3A_882 = tpu.vector_load_idx %arg17[%add3A_881] : memref<3840xf32, #tpu.memory_space<vmem>>[vector<16xi32>], vector<16xf32>,
      %add3A_883 = arith.addf %broadcast_in_dim3A_15, %gather3A_882 : vector<16xf32>
      %add3A_884 = arith.constant 512 : i32
      %add3A_885 = arith.addi %add3A_884, %add3A_96 : i32
      %broadcast_in_dim3A_886 = vector.broadcast %add3A_885 : i32 to vector<16xi32>
      %gather3A_887 = tpu.vector_load_idx %arg19[%broadcast_in_dim3A_886] : memref<1536xf32, #tpu.memory_space<vmem>>[vector<16xi32>], vector<16xf32>,
      %lt3A_888 = arith.cmpf olt, %get3A_23, %gather3A_887 : vector<16xf32>
      %all_reduce_population_count3A_889 = tpu.all_reduce %lt3A_888 {dim = 0 : i64, kind = #tpu.reduction_kind<sum>} : vector<16xi1> -> vector<16xi32>
      %lt3A_890 = arith.cmpf olt, %get3A_25, %gather3A_887 : vector<16xf32>
      %all_reduce_population_count3A_891 = tpu.all_reduce %lt3A_890 {dim = 0 : i64, kind = #tpu.reduction_kind<sum>} : vector<16xi1> -> vector<16xi32>
      %add3A_892 = arith.addi %all_reduce_population_count3A_889, %all_reduce_population_count3A_891 : vector<16xi32>
      %mul3A_893 = arith.constant 64 : i32
      %mul3A_894 = vector.broadcast %mul3A_893 : i32 to vector<16xi32>
      %mul3A_895 = arith.muli %add3A_892, %mul3A_894 : vector<16xi32>
      %add3A_896 = arith.constant 1280 : i32
      %add3A_897 = vector.broadcast %add3A_896 : i32 to vector<16xi32>
      %add3A_898 = arith.addi %mul3A_895, %add3A_897 : vector<16xi32>
      %add3A_899 = arith.constant 0 : i32
      %add3A_900 = vector.broadcast %add3A_899 : i32 to vector<16xi32>
      %add3A_901 = arith.addi %add3A_898, %add3A_900 : vector<16xi32>
      %add3A_902 = arith.addi %add3A_901, %iota3A : vector<16xi32>
      %gather3A_903 = tpu.vector_load_idx %arg17[%add3A_902] : memref<3840xf32, #tpu.memory_space<vmem>>[vector<16xi32>], vector<16xf32>,
      %add3A_904 = arith.addf %add3A_865, %gather3A_903 : vector<16xf32>
      %add3A_905 = arith.constant 16 : i32
      %add3A_906 = vector.broadcast %add3A_905 : i32 to vector<16xi32>
      %add3A_907 = arith.addi %add3A_898, %add3A_906 : vector<16xi32>
      %add3A_908 = arith.addi %add3A_907, %iota3A : vector<16xi32>
      %gather3A_909 = tpu.vector_load_idx %arg17[%add3A_908] : memref<3840xf32, #tpu.memory_space<vmem>>[vector<16xi32>], vector<16xf32>,
      %add3A_910 = arith.addf %add3A_871, %gather3A_909 : vector<16xf32>
      %add3A_911 = arith.constant 32 : i32
      %add3A_912 = vector.broadcast %add3A_911 : i32 to vector<16xi32>
      %add3A_913 = arith.addi %add3A_898, %add3A_912 : vector<16xi32>
      %add3A_914 = arith.addi %add3A_913, %iota3A : vector<16xi32>
      %gather3A_915 = tpu.vector_load_idx %arg17[%add3A_914] : memref<3840xf32, #tpu.memory_space<vmem>>[vector<16xi32>], vector<16xf32>,
      %add3A_916 = arith.addf %add3A_877, %gather3A_915 : vector<16xf32>
      %add3A_917 = arith.constant 48 : i32
      %add3A_918 = vector.broadcast %add3A_917 : i32 to vector<16xi32>
      %add3A_919 = arith.addi %add3A_898, %add3A_918 : vector<16xi32>
      %add3A_920 = arith.addi %add3A_919, %iota3A : vector<16xi32>
      %gather3A_921 = tpu.vector_load_idx %arg17[%add3A_920] : memref<3840xf32, #tpu.memory_space<vmem>>[vector<16xi32>], vector<16xf32>,
      %add3A_922 = arith.addf %add3A_883, %gather3A_921 : vector<16xf32>
      %add3A_923 = arith.constant 1024 : i32
      %add3A_924 = arith.addi %add3A_923, %add3A_96 : i32
      %broadcast_in_dim3A_925 = vector.broadcast %add3A_924 : i32 to vector<16xi32>
      %gather3A_926 = tpu.vector_load_idx %arg19[%broadcast_in_dim3A_925] : memref<1536xf32, #tpu.memory_space<vmem>>[vector<16xi32>], vector<16xf32>,
      %lt3A_927 = arith.cmpf olt, %get3A_23, %gather3A_926 : vector<16xf32>
      %all_reduce_population_count3A_928 = tpu.all_reduce %lt3A_927 {dim = 0 : i64, kind = #tpu.reduction_kind<sum>} : vector<16xi1> -> vector<16xi32>
      %lt3A_929 = arith.cmpf olt, %get3A_25, %gather3A_926 : vector<16xf32>
      %all_reduce_population_count3A_930 = tpu.all_reduce %lt3A_929 {dim = 0 : i64, kind = #tpu.reduction_kind<sum>} : vector<16xi1> -> vector<16xi32>
      %add3A_931 = arith.addi %all_reduce_population_count3A_928, %all_reduce_population_count3A_930 : vector<16xi32>
      %mul3A_932 = arith.constant 64 : i32
      %mul3A_933 = vector.broadcast %mul3A_932 : i32 to vector<16xi32>
      %mul3A_934 = arith.muli %add3A_931, %mul3A_933 : vector<16xi32>
      %add3A_935 = arith.constant 2560 : i32
      %add3A_936 = vector.broadcast %add3A_935 : i32 to vector<16xi32>
      %add3A_937 = arith.addi %mul3A_934, %add3A_936 : vector<16xi32>
      %add3A_938 = arith.constant 0 : i32
      %add3A_939 = vector.broadcast %add3A_938 : i32 to vector<16xi32>
      %add3A_940 = arith.addi %add3A_937, %add3A_939 : vector<16xi32>
      %add3A_941 = arith.addi %add3A_940, %iota3A : vector<16xi32>
      %gather3A_942 = tpu.vector_load_idx %arg17[%add3A_941] : memref<3840xf32, #tpu.memory_space<vmem>>[vector<16xi32>], vector<16xf32>,
      %add3A_943 = arith.addf %add3A_904, %gather3A_942 : vector<16xf32>
      %add3A_944 = arith.constant 16 : i32
      %add3A_945 = vector.broadcast %add3A_944 : i32 to vector<16xi32>
      %add3A_946 = arith.addi %add3A_937, %add3A_945 : vector<16xi32>
      %add3A_947 = arith.addi %add3A_946, %iota3A : vector<16xi32>
      %gather3A_948 = tpu.vector_load_idx %arg17[%add3A_947] : memref<3840xf32, #tpu.memory_space<vmem>>[vector<16xi32>], vector<16xf32>,
      %add3A_949 = arith.addf %add3A_910, %gather3A_948 : vector<16xf32>
      %add3A_950 = arith.constant 32 : i32
      %add3A_951 = vector.broadcast %add3A_950 : i32 to vector<16xi32>
      %add3A_952 = arith.addi %add3A_937, %add3A_951 : vector<16xi32>
      %add3A_953 = arith.addi %add3A_952, %iota3A : vector<16xi32>
      %gather3A_954 = tpu.vector_load_idx %arg17[%add3A_953] : memref<3840xf32, #tpu.memory_space<vmem>>[vector<16xi32>], vector<16xf32>,
      %add3A_955 = arith.addf %add3A_916, %gather3A_954 : vector<16xf32>
      %add3A_956 = arith.constant 48 : i32
      %add3A_957 = vector.broadcast %add3A_956 : i32 to vector<16xi32>
      %add3A_958 = arith.addi %add3A_937, %add3A_957 : vector<16xi32>
      %add3A_959 = arith.addi %add3A_958, %iota3A : vector<16xi32>
      %gather3A_960 = tpu.vector_load_idx %arg17[%add3A_959] : memref<3840xf32, #tpu.memory_space<vmem>>[vector<16xi32>], vector<16xf32>,
      %add3A_961 = arith.addf %add3A_922, %gather3A_960 : vector<16xf32>
      %mul3A_962 = arith.constant 64 : i32
      %mul3A_963 = arith.muli %scan3A_93, %mul3A_962 : i32
      %add3A_964 = arith.constant 0 : i32
      %add3A_965 = arith.addi %mul3A_963, %add3A_964 : i32
      %swap3A_966 = arith.index_cast %add3A_965 : i32 to index
      %swap3A_967 = tpu.vector_load %arg21[%swap3A_966] {strides = array<i32>} : memref<8192xf32, #tpu.memory_space<vmem>>, vector<16xf32>,
      tpu.vector_store %arg21[%swap3A_966], %add3A_943 {strides = array<i32>} : memref<8192xf32, #tpu.memory_space<vmem>>, vector<16xf32>,
      %mul3A_968 = arith.constant 64 : i32
      %mul3A_969 = arith.muli %scan3A_93, %mul3A_968 : i32
      %add3A_970 = arith.constant 16 : i32
      %add3A_971 = arith.addi %mul3A_969, %add3A_970 : i32
      %swap3A_972 = arith.index_cast %add3A_971 : i32 to index
      %swap3A_973 = tpu.vector_load %arg21[%swap3A_972] {strides = array<i32>} : memref<8192xf32, #tpu.memory_space<vmem>>, vector<16xf32>,
      tpu.vector_store %arg21[%swap3A_972], %add3A_949 {strides = array<i32>} : memref<8192xf32, #tpu.memory_space<vmem>>, vector<16xf32>,
      %mul3A_974 = arith.constant 64 : i32
      %mul3A_975 = arith.muli %scan3A_93, %mul3A_974 : i32
      %add3A_976 = arith.constant 32 : i32
      %add3A_977 = arith.addi %mul3A_975, %add3A_976 : i32
      %swap3A_978 = arith.index_cast %add3A_977 : i32 to index
      %swap3A_979 = tpu.vector_load %arg21[%swap3A_978] {strides = array<i32>} : memref<8192xf32, #tpu.memory_space<vmem>>, vector<16xf32>,
      tpu.vector_store %arg21[%swap3A_978], %add3A_955 {strides = array<i32>} : memref<8192xf32, #tpu.memory_space<vmem>>, vector<16xf32>,
      %mul3A_980 = arith.constant 64 : i32
      %mul3A_981 = arith.muli %scan3A_93, %mul3A_980 : i32
      %add3A_982 = arith.constant 48 : i32
      %add3A_983 = arith.addi %mul3A_981, %add3A_982 : i32
      %swap3A_984 = arith.index_cast %add3A_983 : i32 to index
      %swap3A_985 = tpu.vector_load %arg21[%swap3A_984] {strides = array<i32>} : memref<8192xf32, #tpu.memory_space<vmem>>, vector<16xf32>,
      tpu.vector_store %arg21[%swap3A_984], %add3A_961 {strides = array<i32>} : memref<8192xf32, #tpu.memory_space<vmem>>, vector<16xf32>,
    }
    %scan3A_65 = arith.constant 128 : i32
    %add3A_66 = arith.constant 256 : i32
    %add3A_67 = arith.addi %mul3A_2, %add3A_66 : i32
    %mul3A_68 = arith.constant 64 : i32
    %mul3A_69 = arith.muli %add3A_67, %mul3A_68 : i32
    "tpu.region"() ({
      %run_scoped3A = tpu.sem_alloc : memref<!tpu.dma_semaphore, #tpu.memory_space<semaphore_mem>>
      %dma_start3A_93 = tpu.memref_slice %arg10[%mul3A_69] : memref<1048576xf32, #tpu.memory_space<hbm>> -> memref<8192xf32, #tpu.memory_space<hbm>>
      %dma_start3A_94 = tpu.memref_slice %arg10[%mul3A_69] : memref<1048576xf32, #tpu.memory_space<hbm>> -> memref<8192xf32, #tpu.memory_space<hbm>>
      tpu.enqueue_dma source(%arg20 : memref<8192xf32, #tpu.memory_space<vmem>>) target(%dma_start3A_94 : memref<8192xf32, #tpu.memory_space<hbm>>) target_semaphore(%run_scoped3A : memref<!tpu.dma_semaphore, #tpu.memory_space<semaphore_mem>>)
      %dma_wait3A_95 = tpu.memref_slice %arg10[%mul3A_69] : memref<1048576xf32, #tpu.memory_space<hbm>> -> memref<8192xf32, #tpu.memory_space<hbm>>
      %dma_wait3A_96 = tpu.memref_slice %arg10[%mul3A_69] : memref<1048576xf32, #tpu.memory_space<hbm>> -> memref<8192xf32, #tpu.memory_space<hbm>>
      tpu.wait_dma2 semaphore(%run_scoped3A : memref<!tpu.dma_semaphore, #tpu.memory_space<semaphore_mem>>) src(%arg20 : memref<8192xf32, #tpu.memory_space<vmem>>) dst(%dma_wait3A_96 : memref<8192xf32, #tpu.memory_space<hbm>>)
      tpu.yield
    }) : () -> ()
    %add3A_70 = arith.constant 256 : i32
    %add3A_71 = arith.addi %mul3A_2, %add3A_70 : i32
    %mul3A_72 = arith.constant 64 : i32
    %mul3A_73 = arith.muli %add3A_71, %mul3A_72 : i32
    "tpu.region"() ({
      %run_scoped3A = tpu.sem_alloc : memref<!tpu.dma_semaphore, #tpu.memory_space<semaphore_mem>>
      %dma_start3A_93 = tpu.memref_slice %arg11[%mul3A_73] : memref<1048576xf32, #tpu.memory_space<hbm>> -> memref<8192xf32, #tpu.memory_space<hbm>>
      %dma_start3A_94 = tpu.memref_slice %arg11[%mul3A_73] : memref<1048576xf32, #tpu.memory_space<hbm>> -> memref<8192xf32, #tpu.memory_space<hbm>>
      tpu.enqueue_dma source(%arg21 : memref<8192xf32, #tpu.memory_space<vmem>>) target(%dma_start3A_94 : memref<8192xf32, #tpu.memory_space<hbm>>) target_semaphore(%run_scoped3A : memref<!tpu.dma_semaphore, #tpu.memory_space<semaphore_mem>>)
      %dma_wait3A_95 = tpu.memref_slice %arg11[%mul3A_73] : memref<1048576xf32, #tpu.memory_space<hbm>> -> memref<8192xf32, #tpu.memory_space<hbm>>
      %dma_wait3A_96 = tpu.memref_slice %arg11[%mul3A_73] : memref<1048576xf32, #tpu.memory_space<hbm>> -> memref<8192xf32, #tpu.memory_space<hbm>>
      tpu.wait_dma2 semaphore(%run_scoped3A : memref<!tpu.dma_semaphore, #tpu.memory_space<semaphore_mem>>) src(%arg21 : memref<8192xf32, #tpu.memory_space<vmem>>) dst(%dma_wait3A_96 : memref<8192xf32, #tpu.memory_space<hbm>>)
      tpu.yield
    }) : () -> ()
    %scan3A_74 = arith.constant 3 : i32
    %scan3A_75 = arith.constant 0 : i32
    %scan3A_76 = arith.constant 128 : i32
    %scan3A_77 = arith.addi %scan3A_75, %scan3A_76 : i32
    %scan3A_78 = arith.constant 1 : i32
    scf.for %scan3A_93 = %scan3A_75 to %scan3A_77 step %scan3A_78  : i32 {
      %mul3A_94 = arith.constant 128 : i32
      %mul3A_95 = arith.muli %scan3A_74, %mul3A_94 : i32
      %add3A_96 = arith.addi %mul3A_95, %scan3A_93 : i32
      %mul3A_97 = arith.constant 20 : i32
      %mul3A_98 = arith.muli %add3A_96, %mul3A_97 : i32
      %add3A_99 = arith.constant 0 : i32
      %add3A_100 = arith.addi %mul3A_98, %add3A_99 : i32
      %broadcast_in_dim3A_101 = vector.broadcast %add3A_100 : i32 to vector<16xi32>
      %gather3A = tpu.vector_load_idx %arg15[%broadcast_in_dim3A_101] : memref<10240xi32, #tpu.memory_space<vmem>>[vector<16xi32>], vector<16xi32>,
      %gt3A = arith.constant 0 : i32
      %gt3A_102 = vector.broadcast %gt3A : i32 to vector<16xi32>
      %gt3A_103 = arith.cmpi sgt, %gather3A, %gt3A_102 : vector<16xi32>
      %select_n3A = arith.select %gt3A_103, %broadcast_in_dim3A_27, %broadcast_in_dim3A_15 : vector<16xi1>, vector<16xf32>
      %add3A_104 = arith.addf %broadcast_in_dim3A_15, %select_n3A : vector<16xf32>
      %mul3A_105 = arith.constant 64 : i32
      %mul3A_106 = vector.broadcast %mul3A_105 : i32 to vector<16xi32>
      %mul3A_107 = arith.muli %gather3A, %mul3A_106 : vector<16xi32>
      %add3A_108 = arith.constant 0 : i32
      %add3A_109 = vector.broadcast %add3A_108 : i32 to vector<16xi32>
      %add3A_110 = arith.addi %mul3A_107, %add3A_109 : vector<16xi32>
      %add3A_111 = arith.addi %add3A_110, %iota3A : vector<16xi32>
      %gather3A_112 = tpu.vector_load_idx %arg16[%add3A_111] : memref<64000xf32, #tpu.memory_space<vmem>>[vector<16xi32>], vector<16xf32>,
      %add3A_113 = arith.addf %broadcast_in_dim3A_15, %gather3A_112 : vector<16xf32>
      %add3A_114 = arith.constant 16 : i32
      %add3A_115 = vector.broadcast %add3A_114 : i32 to vector<16xi32>
      %add3A_116 = arith.addi %mul3A_107, %add3A_115 : vector<16xi32>
      %add3A_117 = arith.addi %add3A_116, %iota3A : vector<16xi32>
      %gather3A_118 = tpu.vector_load_idx %arg16[%add3A_117] : memref<64000xf32, #tpu.memory_space<vmem>>[vector<16xi32>], vector<16xf32>,
      %add3A_119 = arith.addf %broadcast_in_dim3A_15, %gather3A_118 : vector<16xf32>
      %add3A_120 = arith.constant 32 : i32
      %add3A_121 = vector.broadcast %add3A_120 : i32 to vector<16xi32>
      %add3A_122 = arith.addi %mul3A_107, %add3A_121 : vector<16xi32>
      %add3A_123 = arith.addi %add3A_122, %iota3A : vector<16xi32>
      %gather3A_124 = tpu.vector_load_idx %arg16[%add3A_123] : memref<64000xf32, #tpu.memory_space<vmem>>[vector<16xi32>], vector<16xf32>,
      %add3A_125 = arith.addf %broadcast_in_dim3A_15, %gather3A_124 : vector<16xf32>
      %add3A_126 = arith.constant 48 : i32
      %add3A_127 = vector.broadcast %add3A_126 : i32 to vector<16xi32>
      %add3A_128 = arith.addi %mul3A_107, %add3A_127 : vector<16xi32>
      %add3A_129 = arith.addi %add3A_128, %iota3A : vector<16xi32>
      %gather3A_130 = tpu.vector_load_idx %arg16[%add3A_129] : memref<64000xf32, #tpu.memory_space<vmem>>[vector<16xi32>], vector<16xf32>,
      %add3A_131 = arith.addf %broadcast_in_dim3A_15, %gather3A_130 : vector<16xf32>
      %add3A_132 = arith.constant 1 : i32
      %add3A_133 = arith.addi %mul3A_98, %add3A_132 : i32
      %broadcast_in_dim3A_134 = vector.broadcast %add3A_133 : i32 to vector<16xi32>
      %gather3A_135 = tpu.vector_load_idx %arg15[%broadcast_in_dim3A_134] : memref<10240xi32, #tpu.memory_space<vmem>>[vector<16xi32>], vector<16xi32>,
      %gt3A_136 = arith.constant 0 : i32
      %gt3A_137 = vector.broadcast %gt3A_136 : i32 to vector<16xi32>
      %gt3A_138 = arith.cmpi sgt, %gather3A_135, %gt3A_137 : vector<16xi32>
      %select_n3A_139 = arith.select %gt3A_138, %broadcast_in_dim3A_27, %broadcast_in_dim3A_15 : vector<16xi1>, vector<16xf32>
      %add3A_140 = arith.addf %add3A_104, %select_n3A_139 : vector<16xf32>
      %mul3A_141 = arith.constant 64 : i32
      %mul3A_142 = vector.broadcast %mul3A_141 : i32 to vector<16xi32>
      %mul3A_143 = arith.muli %gather3A_135, %mul3A_142 : vector<16xi32>
      %add3A_144 = arith.constant 0 : i32
      %add3A_145 = vector.broadcast %add3A_144 : i32 to vector<16xi32>
      %add3A_146 = arith.addi %mul3A_143, %add3A_145 : vector<16xi32>
      %add3A_147 = arith.addi %add3A_146, %iota3A : vector<16xi32>
      %gather3A_148 = tpu.vector_load_idx %arg16[%add3A_147] : memref<64000xf32, #tpu.memory_space<vmem>>[vector<16xi32>], vector<16xf32>,
      %add3A_149 = arith.addf %add3A_113, %gather3A_148 : vector<16xf32>
      %add3A_150 = arith.constant 16 : i32
      %add3A_151 = vector.broadcast %add3A_150 : i32 to vector<16xi32>
      %add3A_152 = arith.addi %mul3A_143, %add3A_151 : vector<16xi32>
      %add3A_153 = arith.addi %add3A_152, %iota3A : vector<16xi32>
      %gather3A_154 = tpu.vector_load_idx %arg16[%add3A_153] : memref<64000xf32, #tpu.memory_space<vmem>>[vector<16xi32>], vector<16xf32>,
      %add3A_155 = arith.addf %add3A_119, %gather3A_154 : vector<16xf32>
      %add3A_156 = arith.constant 32 : i32
      %add3A_157 = vector.broadcast %add3A_156 : i32 to vector<16xi32>
      %add3A_158 = arith.addi %mul3A_143, %add3A_157 : vector<16xi32>
      %add3A_159 = arith.addi %add3A_158, %iota3A : vector<16xi32>
      %gather3A_160 = tpu.vector_load_idx %arg16[%add3A_159] : memref<64000xf32, #tpu.memory_space<vmem>>[vector<16xi32>], vector<16xf32>,
      %add3A_161 = arith.addf %add3A_125, %gather3A_160 : vector<16xf32>
      %add3A_162 = arith.constant 48 : i32
      %add3A_163 = vector.broadcast %add3A_162 : i32 to vector<16xi32>
      %add3A_164 = arith.addi %mul3A_143, %add3A_163 : vector<16xi32>
      %add3A_165 = arith.addi %add3A_164, %iota3A : vector<16xi32>
      %gather3A_166 = tpu.vector_load_idx %arg16[%add3A_165] : memref<64000xf32, #tpu.memory_space<vmem>>[vector<16xi32>], vector<16xf32>,
      %add3A_167 = arith.addf %add3A_131, %gather3A_166 : vector<16xf32>
      %add3A_168 = arith.constant 2 : i32
      %add3A_169 = arith.addi %mul3A_98, %add3A_168 : i32
      %broadcast_in_dim3A_170 = vector.broadcast %add3A_169 : i32 to vector<16xi32>
      %gather3A_171 = tpu.vector_load_idx %arg15[%broadcast_in_dim3A_170] : memref<10240xi32, #tpu.memory_space<vmem>>[vector<16xi32>], vector<16xi32>,
      %gt3A_172 = arith.constant 0 : i32
      %gt3A_173 = vector.broadcast %gt3A_172 : i32 to vector<16xi32>
      %gt3A_174 = arith.cmpi sgt, %gather3A_171, %gt3A_173 : vector<16xi32>
      %select_n3A_175 = arith.select %gt3A_174, %broadcast_in_dim3A_27, %broadcast_in_dim3A_15 : vector<16xi1>, vector<16xf32>
      %add3A_176 = arith.addf %add3A_140, %select_n3A_175 : vector<16xf32>
      %mul3A_177 = arith.constant 64 : i32
      %mul3A_178 = vector.broadcast %mul3A_177 : i32 to vector<16xi32>
      %mul3A_179 = arith.muli %gather3A_171, %mul3A_178 : vector<16xi32>
      %add3A_180 = arith.constant 0 : i32
      %add3A_181 = vector.broadcast %add3A_180 : i32 to vector<16xi32>
      %add3A_182 = arith.addi %mul3A_179, %add3A_181 : vector<16xi32>
      %add3A_183 = arith.addi %add3A_182, %iota3A : vector<16xi32>
      %gather3A_184 = tpu.vector_load_idx %arg16[%add3A_183] : memref<64000xf32, #tpu.memory_space<vmem>>[vector<16xi32>], vector<16xf32>,
      %add3A_185 = arith.addf %add3A_149, %gather3A_184 : vector<16xf32>
      %add3A_186 = arith.constant 16 : i32
      %add3A_187 = vector.broadcast %add3A_186 : i32 to vector<16xi32>
      %add3A_188 = arith.addi %mul3A_179, %add3A_187 : vector<16xi32>
      %add3A_189 = arith.addi %add3A_188, %iota3A : vector<16xi32>
      %gather3A_190 = tpu.vector_load_idx %arg16[%add3A_189] : memref<64000xf32, #tpu.memory_space<vmem>>[vector<16xi32>], vector<16xf32>,
      %add3A_191 = arith.addf %add3A_155, %gather3A_190 : vector<16xf32>
      %add3A_192 = arith.constant 32 : i32
      %add3A_193 = vector.broadcast %add3A_192 : i32 to vector<16xi32>
      %add3A_194 = arith.addi %mul3A_179, %add3A_193 : vector<16xi32>
      %add3A_195 = arith.addi %add3A_194, %iota3A : vector<16xi32>
      %gather3A_196 = tpu.vector_load_idx %arg16[%add3A_195] : memref<64000xf32, #tpu.memory_space<vmem>>[vector<16xi32>], vector<16xf32>,
      %add3A_197 = arith.addf %add3A_161, %gather3A_196 : vector<16xf32>
      %add3A_198 = arith.constant 48 : i32
      %add3A_199 = vector.broadcast %add3A_198 : i32 to vector<16xi32>
      %add3A_200 = arith.addi %mul3A_179, %add3A_199 : vector<16xi32>
      %add3A_201 = arith.addi %add3A_200, %iota3A : vector<16xi32>
      %gather3A_202 = tpu.vector_load_idx %arg16[%add3A_201] : memref<64000xf32, #tpu.memory_space<vmem>>[vector<16xi32>], vector<16xf32>,
      %add3A_203 = arith.addf %add3A_167, %gather3A_202 : vector<16xf32>
      %add3A_204 = arith.constant 3 : i32
      %add3A_205 = arith.addi %mul3A_98, %add3A_204 : i32
      %broadcast_in_dim3A_206 = vector.broadcast %add3A_205 : i32 to vector<16xi32>
      %gather3A_207 = tpu.vector_load_idx %arg15[%broadcast_in_dim3A_206] : memref<10240xi32, #tpu.memory_space<vmem>>[vector<16xi32>], vector<16xi32>,
      %gt3A_208 = arith.constant 0 : i32
      %gt3A_209 = vector.broadcast %gt3A_208 : i32 to vector<16xi32>
      %gt3A_210 = arith.cmpi sgt, %gather3A_207, %gt3A_209 : vector<16xi32>
      %select_n3A_211 = arith.select %gt3A_210, %broadcast_in_dim3A_27, %broadcast_in_dim3A_15 : vector<16xi1>, vector<16xf32>
      %add3A_212 = arith.addf %add3A_176, %select_n3A_211 : vector<16xf32>
      %mul3A_213 = arith.constant 64 : i32
      %mul3A_214 = vector.broadcast %mul3A_213 : i32 to vector<16xi32>
      %mul3A_215 = arith.muli %gather3A_207, %mul3A_214 : vector<16xi32>
      %add3A_216 = arith.constant 0 : i32
      %add3A_217 = vector.broadcast %add3A_216 : i32 to vector<16xi32>
      %add3A_218 = arith.addi %mul3A_215, %add3A_217 : vector<16xi32>
      %add3A_219 = arith.addi %add3A_218, %iota3A : vector<16xi32>
      %gather3A_220 = tpu.vector_load_idx %arg16[%add3A_219] : memref<64000xf32, #tpu.memory_space<vmem>>[vector<16xi32>], vector<16xf32>,
      %add3A_221 = arith.addf %add3A_185, %gather3A_220 : vector<16xf32>
      %add3A_222 = arith.constant 16 : i32
      %add3A_223 = vector.broadcast %add3A_222 : i32 to vector<16xi32>
      %add3A_224 = arith.addi %mul3A_215, %add3A_223 : vector<16xi32>
      %add3A_225 = arith.addi %add3A_224, %iota3A : vector<16xi32>
      %gather3A_226 = tpu.vector_load_idx %arg16[%add3A_225] : memref<64000xf32, #tpu.memory_space<vmem>>[vector<16xi32>], vector<16xf32>,
      %add3A_227 = arith.addf %add3A_191, %gather3A_226 : vector<16xf32>
      %add3A_228 = arith.constant 32 : i32
      %add3A_229 = vector.broadcast %add3A_228 : i32 to vector<16xi32>
      %add3A_230 = arith.addi %mul3A_215, %add3A_229 : vector<16xi32>
      %add3A_231 = arith.addi %add3A_230, %iota3A : vector<16xi32>
      %gather3A_232 = tpu.vector_load_idx %arg16[%add3A_231] : memref<64000xf32, #tpu.memory_space<vmem>>[vector<16xi32>], vector<16xf32>,
      %add3A_233 = arith.addf %add3A_197, %gather3A_232 : vector<16xf32>
      %add3A_234 = arith.constant 48 : i32
      %add3A_235 = vector.broadcast %add3A_234 : i32 to vector<16xi32>
      %add3A_236 = arith.addi %mul3A_215, %add3A_235 : vector<16xi32>
      %add3A_237 = arith.addi %add3A_236, %iota3A : vector<16xi32>
      %gather3A_238 = tpu.vector_load_idx %arg16[%add3A_237] : memref<64000xf32, #tpu.memory_space<vmem>>[vector<16xi32>], vector<16xf32>,
      %add3A_239 = arith.addf %add3A_203, %gather3A_238 : vector<16xf32>
      %add3A_240 = arith.constant 4 : i32
      %add3A_241 = arith.addi %mul3A_98, %add3A_240 : i32
      %broadcast_in_dim3A_242 = vector.broadcast %add3A_241 : i32 to vector<16xi32>
      %gather3A_243 = tpu.vector_load_idx %arg15[%broadcast_in_dim3A_242] : memref<10240xi32, #tpu.memory_space<vmem>>[vector<16xi32>], vector<16xi32>,
      %gt3A_244 = arith.constant 0 : i32
      %gt3A_245 = vector.broadcast %gt3A_244 : i32 to vector<16xi32>
      %gt3A_246 = arith.cmpi sgt, %gather3A_243, %gt3A_245 : vector<16xi32>
      %select_n3A_247 = arith.select %gt3A_246, %broadcast_in_dim3A_27, %broadcast_in_dim3A_15 : vector<16xi1>, vector<16xf32>
      %add3A_248 = arith.addf %add3A_212, %select_n3A_247 : vector<16xf32>
      %mul3A_249 = arith.constant 64 : i32
      %mul3A_250 = vector.broadcast %mul3A_249 : i32 to vector<16xi32>
      %mul3A_251 = arith.muli %gather3A_243, %mul3A_250 : vector<16xi32>
      %add3A_252 = arith.constant 0 : i32
      %add3A_253 = vector.broadcast %add3A_252 : i32 to vector<16xi32>
      %add3A_254 = arith.addi %mul3A_251, %add3A_253 : vector<16xi32>
      %add3A_255 = arith.addi %add3A_254, %iota3A : vector<16xi32>
      %gather3A_256 = tpu.vector_load_idx %arg16[%add3A_255] : memref<64000xf32, #tpu.memory_space<vmem>>[vector<16xi32>], vector<16xf32>,
      %add3A_257 = arith.addf %add3A_221, %gather3A_256 : vector<16xf32>
      %add3A_258 = arith.constant 16 : i32
      %add3A_259 = vector.broadcast %add3A_258 : i32 to vector<16xi32>
      %add3A_260 = arith.addi %mul3A_251, %add3A_259 : vector<16xi32>
      %add3A_261 = arith.addi %add3A_260, %iota3A : vector<16xi32>
      %gather3A_262 = tpu.vector_load_idx %arg16[%add3A_261] : memref<64000xf32, #tpu.memory_space<vmem>>[vector<16xi32>], vector<16xf32>,
      %add3A_263 = arith.addf %add3A_227, %gather3A_262 : vector<16xf32>
      %add3A_264 = arith.constant 32 : i32
      %add3A_265 = vector.broadcast %add3A_264 : i32 to vector<16xi32>
      %add3A_266 = arith.addi %mul3A_251, %add3A_265 : vector<16xi32>
      %add3A_267 = arith.addi %add3A_266, %iota3A : vector<16xi32>
      %gather3A_268 = tpu.vector_load_idx %arg16[%add3A_267] : memref<64000xf32, #tpu.memory_space<vmem>>[vector<16xi32>], vector<16xf32>,
      %add3A_269 = arith.addf %add3A_233, %gather3A_268 : vector<16xf32>
      %add3A_270 = arith.constant 48 : i32
      %add3A_271 = vector.broadcast %add3A_270 : i32 to vector<16xi32>
      %add3A_272 = arith.addi %mul3A_251, %add3A_271 : vector<16xi32>
      %add3A_273 = arith.addi %add3A_272, %iota3A : vector<16xi32>
      %gather3A_274 = tpu.vector_load_idx %arg16[%add3A_273] : memref<64000xf32, #tpu.memory_space<vmem>>[vector<16xi32>], vector<16xf32>,
      %add3A_275 = arith.addf %add3A_239, %gather3A_274 : vector<16xf32>
      %add3A_276 = arith.constant 5 : i32
      %add3A_277 = arith.addi %mul3A_98, %add3A_276 : i32
      %broadcast_in_dim3A_278 = vector.broadcast %add3A_277 : i32 to vector<16xi32>
      %gather3A_279 = tpu.vector_load_idx %arg15[%broadcast_in_dim3A_278] : memref<10240xi32, #tpu.memory_space<vmem>>[vector<16xi32>], vector<16xi32>,
      %gt3A_280 = arith.constant 0 : i32
      %gt3A_281 = vector.broadcast %gt3A_280 : i32 to vector<16xi32>
      %gt3A_282 = arith.cmpi sgt, %gather3A_279, %gt3A_281 : vector<16xi32>
      %select_n3A_283 = arith.select %gt3A_282, %broadcast_in_dim3A_27, %broadcast_in_dim3A_15 : vector<16xi1>, vector<16xf32>
      %add3A_284 = arith.addf %add3A_248, %select_n3A_283 : vector<16xf32>
      %mul3A_285 = arith.constant 64 : i32
      %mul3A_286 = vector.broadcast %mul3A_285 : i32 to vector<16xi32>
      %mul3A_287 = arith.muli %gather3A_279, %mul3A_286 : vector<16xi32>
      %add3A_288 = arith.constant 0 : i32
      %add3A_289 = vector.broadcast %add3A_288 : i32 to vector<16xi32>
      %add3A_290 = arith.addi %mul3A_287, %add3A_289 : vector<16xi32>
      %add3A_291 = arith.addi %add3A_290, %iota3A : vector<16xi32>
      %gather3A_292 = tpu.vector_load_idx %arg16[%add3A_291] : memref<64000xf32, #tpu.memory_space<vmem>>[vector<16xi32>], vector<16xf32>,
      %add3A_293 = arith.addf %add3A_257, %gather3A_292 : vector<16xf32>
      %add3A_294 = arith.constant 16 : i32
      %add3A_295 = vector.broadcast %add3A_294 : i32 to vector<16xi32>
      %add3A_296 = arith.addi %mul3A_287, %add3A_295 : vector<16xi32>
      %add3A_297 = arith.addi %add3A_296, %iota3A : vector<16xi32>
      %gather3A_298 = tpu.vector_load_idx %arg16[%add3A_297] : memref<64000xf32, #tpu.memory_space<vmem>>[vector<16xi32>], vector<16xf32>,
      %add3A_299 = arith.addf %add3A_263, %gather3A_298 : vector<16xf32>
      %add3A_300 = arith.constant 32 : i32
      %add3A_301 = vector.broadcast %add3A_300 : i32 to vector<16xi32>
      %add3A_302 = arith.addi %mul3A_287, %add3A_301 : vector<16xi32>
      %add3A_303 = arith.addi %add3A_302, %iota3A : vector<16xi32>
      %gather3A_304 = tpu.vector_load_idx %arg16[%add3A_303] : memref<64000xf32, #tpu.memory_space<vmem>>[vector<16xi32>], vector<16xf32>,
      %add3A_305 = arith.addf %add3A_269, %gather3A_304 : vector<16xf32>
      %add3A_306 = arith.constant 48 : i32
      %add3A_307 = vector.broadcast %add3A_306 : i32 to vector<16xi32>
      %add3A_308 = arith.addi %mul3A_287, %add3A_307 : vector<16xi32>
      %add3A_309 = arith.addi %add3A_308, %iota3A : vector<16xi32>
      %gather3A_310 = tpu.vector_load_idx %arg16[%add3A_309] : memref<64000xf32, #tpu.memory_space<vmem>>[vector<16xi32>], vector<16xf32>,
      %add3A_311 = arith.addf %add3A_275, %gather3A_310 : vector<16xf32>
      %add3A_312 = arith.constant 6 : i32
      %add3A_313 = arith.addi %mul3A_98, %add3A_312 : i32
      %broadcast_in_dim3A_314 = vector.broadcast %add3A_313 : i32 to vector<16xi32>
      %gather3A_315 = tpu.vector_load_idx %arg15[%broadcast_in_dim3A_314] : memref<10240xi32, #tpu.memory_space<vmem>>[vector<16xi32>], vector<16xi32>,
      %gt3A_316 = arith.constant 0 : i32
      %gt3A_317 = vector.broadcast %gt3A_316 : i32 to vector<16xi32>
      %gt3A_318 = arith.cmpi sgt, %gather3A_315, %gt3A_317 : vector<16xi32>
      %select_n3A_319 = arith.select %gt3A_318, %broadcast_in_dim3A_27, %broadcast_in_dim3A_15 : vector<16xi1>, vector<16xf32>
      %add3A_320 = arith.addf %add3A_284, %select_n3A_319 : vector<16xf32>
      %mul3A_321 = arith.constant 64 : i32
      %mul3A_322 = vector.broadcast %mul3A_321 : i32 to vector<16xi32>
      %mul3A_323 = arith.muli %gather3A_315, %mul3A_322 : vector<16xi32>
      %add3A_324 = arith.constant 0 : i32
      %add3A_325 = vector.broadcast %add3A_324 : i32 to vector<16xi32>
      %add3A_326 = arith.addi %mul3A_323, %add3A_325 : vector<16xi32>
      %add3A_327 = arith.addi %add3A_326, %iota3A : vector<16xi32>
      %gather3A_328 = tpu.vector_load_idx %arg16[%add3A_327] : memref<64000xf32, #tpu.memory_space<vmem>>[vector<16xi32>], vector<16xf32>,
      %add3A_329 = arith.addf %add3A_293, %gather3A_328 : vector<16xf32>
      %add3A_330 = arith.constant 16 : i32
      %add3A_331 = vector.broadcast %add3A_330 : i32 to vector<16xi32>
      %add3A_332 = arith.addi %mul3A_323, %add3A_331 : vector<16xi32>
      %add3A_333 = arith.addi %add3A_332, %iota3A : vector<16xi32>
      %gather3A_334 = tpu.vector_load_idx %arg16[%add3A_333] : memref<64000xf32, #tpu.memory_space<vmem>>[vector<16xi32>], vector<16xf32>,
      %add3A_335 = arith.addf %add3A_299, %gather3A_334 : vector<16xf32>
      %add3A_336 = arith.constant 32 : i32
      %add3A_337 = vector.broadcast %add3A_336 : i32 to vector<16xi32>
      %add3A_338 = arith.addi %mul3A_323, %add3A_337 : vector<16xi32>
      %add3A_339 = arith.addi %add3A_338, %iota3A : vector<16xi32>
      %gather3A_340 = tpu.vector_load_idx %arg16[%add3A_339] : memref<64000xf32, #tpu.memory_space<vmem>>[vector<16xi32>], vector<16xf32>,
      %add3A_341 = arith.addf %add3A_305, %gather3A_340 : vector<16xf32>
      %add3A_342 = arith.constant 48 : i32
      %add3A_343 = vector.broadcast %add3A_342 : i32 to vector<16xi32>
      %add3A_344 = arith.addi %mul3A_323, %add3A_343 : vector<16xi32>
      %add3A_345 = arith.addi %add3A_344, %iota3A : vector<16xi32>
      %gather3A_346 = tpu.vector_load_idx %arg16[%add3A_345] : memref<64000xf32, #tpu.memory_space<vmem>>[vector<16xi32>], vector<16xf32>,
      %add3A_347 = arith.addf %add3A_311, %gather3A_346 : vector<16xf32>
      %add3A_348 = arith.constant 7 : i32
      %add3A_349 = arith.addi %mul3A_98, %add3A_348 : i32
      %broadcast_in_dim3A_350 = vector.broadcast %add3A_349 : i32 to vector<16xi32>
      %gather3A_351 = tpu.vector_load_idx %arg15[%broadcast_in_dim3A_350] : memref<10240xi32, #tpu.memory_space<vmem>>[vector<16xi32>], vector<16xi32>,
      %gt3A_352 = arith.constant 0 : i32
      %gt3A_353 = vector.broadcast %gt3A_352 : i32 to vector<16xi32>
      %gt3A_354 = arith.cmpi sgt, %gather3A_351, %gt3A_353 : vector<16xi32>
      %select_n3A_355 = arith.select %gt3A_354, %broadcast_in_dim3A_27, %broadcast_in_dim3A_15 : vector<16xi1>, vector<16xf32>
      %add3A_356 = arith.addf %add3A_320, %select_n3A_355 : vector<16xf32>
      %mul3A_357 = arith.constant 64 : i32
      %mul3A_358 = vector.broadcast %mul3A_357 : i32 to vector<16xi32>
      %mul3A_359 = arith.muli %gather3A_351, %mul3A_358 : vector<16xi32>
      %add3A_360 = arith.constant 0 : i32
      %add3A_361 = vector.broadcast %add3A_360 : i32 to vector<16xi32>
      %add3A_362 = arith.addi %mul3A_359, %add3A_361 : vector<16xi32>
      %add3A_363 = arith.addi %add3A_362, %iota3A : vector<16xi32>
      %gather3A_364 = tpu.vector_load_idx %arg16[%add3A_363] : memref<64000xf32, #tpu.memory_space<vmem>>[vector<16xi32>], vector<16xf32>,
      %add3A_365 = arith.addf %add3A_329, %gather3A_364 : vector<16xf32>
      %add3A_366 = arith.constant 16 : i32
      %add3A_367 = vector.broadcast %add3A_366 : i32 to vector<16xi32>
      %add3A_368 = arith.addi %mul3A_359, %add3A_367 : vector<16xi32>
      %add3A_369 = arith.addi %add3A_368, %iota3A : vector<16xi32>
      %gather3A_370 = tpu.vector_load_idx %arg16[%add3A_369] : memref<64000xf32, #tpu.memory_space<vmem>>[vector<16xi32>], vector<16xf32>,
      %add3A_371 = arith.addf %add3A_335, %gather3A_370 : vector<16xf32>
      %add3A_372 = arith.constant 32 : i32
      %add3A_373 = vector.broadcast %add3A_372 : i32 to vector<16xi32>
      %add3A_374 = arith.addi %mul3A_359, %add3A_373 : vector<16xi32>
      %add3A_375 = arith.addi %add3A_374, %iota3A : vector<16xi32>
      %gather3A_376 = tpu.vector_load_idx %arg16[%add3A_375] : memref<64000xf32, #tpu.memory_space<vmem>>[vector<16xi32>], vector<16xf32>,
      %add3A_377 = arith.addf %add3A_341, %gather3A_376 : vector<16xf32>
      %add3A_378 = arith.constant 48 : i32
      %add3A_379 = vector.broadcast %add3A_378 : i32 to vector<16xi32>
      %add3A_380 = arith.addi %mul3A_359, %add3A_379 : vector<16xi32>
      %add3A_381 = arith.addi %add3A_380, %iota3A : vector<16xi32>
      %gather3A_382 = tpu.vector_load_idx %arg16[%add3A_381] : memref<64000xf32, #tpu.memory_space<vmem>>[vector<16xi32>], vector<16xf32>,
      %add3A_383 = arith.addf %add3A_347, %gather3A_382 : vector<16xf32>
      %add3A_384 = arith.constant 8 : i32
      %add3A_385 = arith.addi %mul3A_98, %add3A_384 : i32
      %broadcast_in_dim3A_386 = vector.broadcast %add3A_385 : i32 to vector<16xi32>
      %gather3A_387 = tpu.vector_load_idx %arg15[%broadcast_in_dim3A_386] : memref<10240xi32, #tpu.memory_space<vmem>>[vector<16xi32>], vector<16xi32>,
      %gt3A_388 = arith.constant 0 : i32
      %gt3A_389 = vector.broadcast %gt3A_388 : i32 to vector<16xi32>
      %gt3A_390 = arith.cmpi sgt, %gather3A_387, %gt3A_389 : vector<16xi32>
      %select_n3A_391 = arith.select %gt3A_390, %broadcast_in_dim3A_27, %broadcast_in_dim3A_15 : vector<16xi1>, vector<16xf32>
      %add3A_392 = arith.addf %add3A_356, %select_n3A_391 : vector<16xf32>
      %mul3A_393 = arith.constant 64 : i32
      %mul3A_394 = vector.broadcast %mul3A_393 : i32 to vector<16xi32>
      %mul3A_395 = arith.muli %gather3A_387, %mul3A_394 : vector<16xi32>
      %add3A_396 = arith.constant 0 : i32
      %add3A_397 = vector.broadcast %add3A_396 : i32 to vector<16xi32>
      %add3A_398 = arith.addi %mul3A_395, %add3A_397 : vector<16xi32>
      %add3A_399 = arith.addi %add3A_398, %iota3A : vector<16xi32>
      %gather3A_400 = tpu.vector_load_idx %arg16[%add3A_399] : memref<64000xf32, #tpu.memory_space<vmem>>[vector<16xi32>], vector<16xf32>,
      %add3A_401 = arith.addf %add3A_365, %gather3A_400 : vector<16xf32>
      %add3A_402 = arith.constant 16 : i32
      %add3A_403 = vector.broadcast %add3A_402 : i32 to vector<16xi32>
      %add3A_404 = arith.addi %mul3A_395, %add3A_403 : vector<16xi32>
      %add3A_405 = arith.addi %add3A_404, %iota3A : vector<16xi32>
      %gather3A_406 = tpu.vector_load_idx %arg16[%add3A_405] : memref<64000xf32, #tpu.memory_space<vmem>>[vector<16xi32>], vector<16xf32>,
      %add3A_407 = arith.addf %add3A_371, %gather3A_406 : vector<16xf32>
      %add3A_408 = arith.constant 32 : i32
      %add3A_409 = vector.broadcast %add3A_408 : i32 to vector<16xi32>
      %add3A_410 = arith.addi %mul3A_395, %add3A_409 : vector<16xi32>
      %add3A_411 = arith.addi %add3A_410, %iota3A : vector<16xi32>
      %gather3A_412 = tpu.vector_load_idx %arg16[%add3A_411] : memref<64000xf32, #tpu.memory_space<vmem>>[vector<16xi32>], vector<16xf32>,
      %add3A_413 = arith.addf %add3A_377, %gather3A_412 : vector<16xf32>
      %add3A_414 = arith.constant 48 : i32
      %add3A_415 = vector.broadcast %add3A_414 : i32 to vector<16xi32>
      %add3A_416 = arith.addi %mul3A_395, %add3A_415 : vector<16xi32>
      %add3A_417 = arith.addi %add3A_416, %iota3A : vector<16xi32>
      %gather3A_418 = tpu.vector_load_idx %arg16[%add3A_417] : memref<64000xf32, #tpu.memory_space<vmem>>[vector<16xi32>], vector<16xf32>,
      %add3A_419 = arith.addf %add3A_383, %gather3A_418 : vector<16xf32>
      %add3A_420 = arith.constant 9 : i32
      %add3A_421 = arith.addi %mul3A_98, %add3A_420 : i32
      %broadcast_in_dim3A_422 = vector.broadcast %add3A_421 : i32 to vector<16xi32>
      %gather3A_423 = tpu.vector_load_idx %arg15[%broadcast_in_dim3A_422] : memref<10240xi32, #tpu.memory_space<vmem>>[vector<16xi32>], vector<16xi32>,
      %gt3A_424 = arith.constant 0 : i32
      %gt3A_425 = vector.broadcast %gt3A_424 : i32 to vector<16xi32>
      %gt3A_426 = arith.cmpi sgt, %gather3A_423, %gt3A_425 : vector<16xi32>
      %select_n3A_427 = arith.select %gt3A_426, %broadcast_in_dim3A_27, %broadcast_in_dim3A_15 : vector<16xi1>, vector<16xf32>
      %add3A_428 = arith.addf %add3A_392, %select_n3A_427 : vector<16xf32>
      %mul3A_429 = arith.constant 64 : i32
      %mul3A_430 = vector.broadcast %mul3A_429 : i32 to vector<16xi32>
      %mul3A_431 = arith.muli %gather3A_423, %mul3A_430 : vector<16xi32>
      %add3A_432 = arith.constant 0 : i32
      %add3A_433 = vector.broadcast %add3A_432 : i32 to vector<16xi32>
      %add3A_434 = arith.addi %mul3A_431, %add3A_433 : vector<16xi32>
      %add3A_435 = arith.addi %add3A_434, %iota3A : vector<16xi32>
      %gather3A_436 = tpu.vector_load_idx %arg16[%add3A_435] : memref<64000xf32, #tpu.memory_space<vmem>>[vector<16xi32>], vector<16xf32>,
      %add3A_437 = arith.addf %add3A_401, %gather3A_436 : vector<16xf32>
      %add3A_438 = arith.constant 16 : i32
      %add3A_439 = vector.broadcast %add3A_438 : i32 to vector<16xi32>
      %add3A_440 = arith.addi %mul3A_431, %add3A_439 : vector<16xi32>
      %add3A_441 = arith.addi %add3A_440, %iota3A : vector<16xi32>
      %gather3A_442 = tpu.vector_load_idx %arg16[%add3A_441] : memref<64000xf32, #tpu.memory_space<vmem>>[vector<16xi32>], vector<16xf32>,
      %add3A_443 = arith.addf %add3A_407, %gather3A_442 : vector<16xf32>
      %add3A_444 = arith.constant 32 : i32
      %add3A_445 = vector.broadcast %add3A_444 : i32 to vector<16xi32>
      %add3A_446 = arith.addi %mul3A_431, %add3A_445 : vector<16xi32>
      %add3A_447 = arith.addi %add3A_446, %iota3A : vector<16xi32>
      %gather3A_448 = tpu.vector_load_idx %arg16[%add3A_447] : memref<64000xf32, #tpu.memory_space<vmem>>[vector<16xi32>], vector<16xf32>,
      %add3A_449 = arith.addf %add3A_413, %gather3A_448 : vector<16xf32>
      %add3A_450 = arith.constant 48 : i32
      %add3A_451 = vector.broadcast %add3A_450 : i32 to vector<16xi32>
      %add3A_452 = arith.addi %mul3A_431, %add3A_451 : vector<16xi32>
      %add3A_453 = arith.addi %add3A_452, %iota3A : vector<16xi32>
      %gather3A_454 = tpu.vector_load_idx %arg16[%add3A_453] : memref<64000xf32, #tpu.memory_space<vmem>>[vector<16xi32>], vector<16xf32>,
      %add3A_455 = arith.addf %add3A_419, %gather3A_454 : vector<16xf32>
      %add3A_456 = arith.constant 10 : i32
      %add3A_457 = arith.addi %mul3A_98, %add3A_456 : i32
      %broadcast_in_dim3A_458 = vector.broadcast %add3A_457 : i32 to vector<16xi32>
      %gather3A_459 = tpu.vector_load_idx %arg15[%broadcast_in_dim3A_458] : memref<10240xi32, #tpu.memory_space<vmem>>[vector<16xi32>], vector<16xi32>,
      %gt3A_460 = arith.constant 0 : i32
      %gt3A_461 = vector.broadcast %gt3A_460 : i32 to vector<16xi32>
      %gt3A_462 = arith.cmpi sgt, %gather3A_459, %gt3A_461 : vector<16xi32>
      %select_n3A_463 = arith.select %gt3A_462, %broadcast_in_dim3A_27, %broadcast_in_dim3A_15 : vector<16xi1>, vector<16xf32>
      %add3A_464 = arith.addf %add3A_428, %select_n3A_463 : vector<16xf32>
      %mul3A_465 = arith.constant 64 : i32
      %mul3A_466 = vector.broadcast %mul3A_465 : i32 to vector<16xi32>
      %mul3A_467 = arith.muli %gather3A_459, %mul3A_466 : vector<16xi32>
      %add3A_468 = arith.constant 0 : i32
      %add3A_469 = vector.broadcast %add3A_468 : i32 to vector<16xi32>
      %add3A_470 = arith.addi %mul3A_467, %add3A_469 : vector<16xi32>
      %add3A_471 = arith.addi %add3A_470, %iota3A : vector<16xi32>
      %gather3A_472 = tpu.vector_load_idx %arg16[%add3A_471] : memref<64000xf32, #tpu.memory_space<vmem>>[vector<16xi32>], vector<16xf32>,
      %add3A_473 = arith.addf %add3A_437, %gather3A_472 : vector<16xf32>
      %add3A_474 = arith.constant 16 : i32
      %add3A_475 = vector.broadcast %add3A_474 : i32 to vector<16xi32>
      %add3A_476 = arith.addi %mul3A_467, %add3A_475 : vector<16xi32>
      %add3A_477 = arith.addi %add3A_476, %iota3A : vector<16xi32>
      %gather3A_478 = tpu.vector_load_idx %arg16[%add3A_477] : memref<64000xf32, #tpu.memory_space<vmem>>[vector<16xi32>], vector<16xf32>,
      %add3A_479 = arith.addf %add3A_443, %gather3A_478 : vector<16xf32>
      %add3A_480 = arith.constant 32 : i32
      %add3A_481 = vector.broadcast %add3A_480 : i32 to vector<16xi32>
      %add3A_482 = arith.addi %mul3A_467, %add3A_481 : vector<16xi32>
      %add3A_483 = arith.addi %add3A_482, %iota3A : vector<16xi32>
      %gather3A_484 = tpu.vector_load_idx %arg16[%add3A_483] : memref<64000xf32, #tpu.memory_space<vmem>>[vector<16xi32>], vector<16xf32>,
      %add3A_485 = arith.addf %add3A_449, %gather3A_484 : vector<16xf32>
      %add3A_486 = arith.constant 48 : i32
      %add3A_487 = vector.broadcast %add3A_486 : i32 to vector<16xi32>
      %add3A_488 = arith.addi %mul3A_467, %add3A_487 : vector<16xi32>
      %add3A_489 = arith.addi %add3A_488, %iota3A : vector<16xi32>
      %gather3A_490 = tpu.vector_load_idx %arg16[%add3A_489] : memref<64000xf32, #tpu.memory_space<vmem>>[vector<16xi32>], vector<16xf32>,
      %add3A_491 = arith.addf %add3A_455, %gather3A_490 : vector<16xf32>
      %add3A_492 = arith.constant 11 : i32
      %add3A_493 = arith.addi %mul3A_98, %add3A_492 : i32
      %broadcast_in_dim3A_494 = vector.broadcast %add3A_493 : i32 to vector<16xi32>
      %gather3A_495 = tpu.vector_load_idx %arg15[%broadcast_in_dim3A_494] : memref<10240xi32, #tpu.memory_space<vmem>>[vector<16xi32>], vector<16xi32>,
      %gt3A_496 = arith.constant 0 : i32
      %gt3A_497 = vector.broadcast %gt3A_496 : i32 to vector<16xi32>
      %gt3A_498 = arith.cmpi sgt, %gather3A_495, %gt3A_497 : vector<16xi32>
      %select_n3A_499 = arith.select %gt3A_498, %broadcast_in_dim3A_27, %broadcast_in_dim3A_15 : vector<16xi1>, vector<16xf32>
      %add3A_500 = arith.addf %add3A_464, %select_n3A_499 : vector<16xf32>
      %mul3A_501 = arith.constant 64 : i32
      %mul3A_502 = vector.broadcast %mul3A_501 : i32 to vector<16xi32>
      %mul3A_503 = arith.muli %gather3A_495, %mul3A_502 : vector<16xi32>
      %add3A_504 = arith.constant 0 : i32
      %add3A_505 = vector.broadcast %add3A_504 : i32 to vector<16xi32>
      %add3A_506 = arith.addi %mul3A_503, %add3A_505 : vector<16xi32>
      %add3A_507 = arith.addi %add3A_506, %iota3A : vector<16xi32>
      %gather3A_508 = tpu.vector_load_idx %arg16[%add3A_507] : memref<64000xf32, #tpu.memory_space<vmem>>[vector<16xi32>], vector<16xf32>,
      %add3A_509 = arith.addf %add3A_473, %gather3A_508 : vector<16xf32>
      %add3A_510 = arith.constant 16 : i32
      %add3A_511 = vector.broadcast %add3A_510 : i32 to vector<16xi32>
      %add3A_512 = arith.addi %mul3A_503, %add3A_511 : vector<16xi32>
      %add3A_513 = arith.addi %add3A_512, %iota3A : vector<16xi32>
      %gather3A_514 = tpu.vector_load_idx %arg16[%add3A_513] : memref<64000xf32, #tpu.memory_space<vmem>>[vector<16xi32>], vector<16xf32>,
      %add3A_515 = arith.addf %add3A_479, %gather3A_514 : vector<16xf32>
      %add3A_516 = arith.constant 32 : i32
      %add3A_517 = vector.broadcast %add3A_516 : i32 to vector<16xi32>
      %add3A_518 = arith.addi %mul3A_503, %add3A_517 : vector<16xi32>
      %add3A_519 = arith.addi %add3A_518, %iota3A : vector<16xi32>
      %gather3A_520 = tpu.vector_load_idx %arg16[%add3A_519] : memref<64000xf32, #tpu.memory_space<vmem>>[vector<16xi32>], vector<16xf32>,
      %add3A_521 = arith.addf %add3A_485, %gather3A_520 : vector<16xf32>
      %add3A_522 = arith.constant 48 : i32
      %add3A_523 = vector.broadcast %add3A_522 : i32 to vector<16xi32>
      %add3A_524 = arith.addi %mul3A_503, %add3A_523 : vector<16xi32>
      %add3A_525 = arith.addi %add3A_524, %iota3A : vector<16xi32>
      %gather3A_526 = tpu.vector_load_idx %arg16[%add3A_525] : memref<64000xf32, #tpu.memory_space<vmem>>[vector<16xi32>], vector<16xf32>,
      %add3A_527 = arith.addf %add3A_491, %gather3A_526 : vector<16xf32>
      %add3A_528 = arith.constant 12 : i32
      %add3A_529 = arith.addi %mul3A_98, %add3A_528 : i32
      %broadcast_in_dim3A_530 = vector.broadcast %add3A_529 : i32 to vector<16xi32>
      %gather3A_531 = tpu.vector_load_idx %arg15[%broadcast_in_dim3A_530] : memref<10240xi32, #tpu.memory_space<vmem>>[vector<16xi32>], vector<16xi32>,
      %gt3A_532 = arith.constant 0 : i32
      %gt3A_533 = vector.broadcast %gt3A_532 : i32 to vector<16xi32>
      %gt3A_534 = arith.cmpi sgt, %gather3A_531, %gt3A_533 : vector<16xi32>
      %select_n3A_535 = arith.select %gt3A_534, %broadcast_in_dim3A_27, %broadcast_in_dim3A_15 : vector<16xi1>, vector<16xf32>
      %add3A_536 = arith.addf %add3A_500, %select_n3A_535 : vector<16xf32>
      %mul3A_537 = arith.constant 64 : i32
      %mul3A_538 = vector.broadcast %mul3A_537 : i32 to vector<16xi32>
      %mul3A_539 = arith.muli %gather3A_531, %mul3A_538 : vector<16xi32>
      %add3A_540 = arith.constant 0 : i32
      %add3A_541 = vector.broadcast %add3A_540 : i32 to vector<16xi32>
      %add3A_542 = arith.addi %mul3A_539, %add3A_541 : vector<16xi32>
      %add3A_543 = arith.addi %add3A_542, %iota3A : vector<16xi32>
      %gather3A_544 = tpu.vector_load_idx %arg16[%add3A_543] : memref<64000xf32, #tpu.memory_space<vmem>>[vector<16xi32>], vector<16xf32>,
      %add3A_545 = arith.addf %add3A_509, %gather3A_544 : vector<16xf32>
      %add3A_546 = arith.constant 16 : i32
      %add3A_547 = vector.broadcast %add3A_546 : i32 to vector<16xi32>
      %add3A_548 = arith.addi %mul3A_539, %add3A_547 : vector<16xi32>
      %add3A_549 = arith.addi %add3A_548, %iota3A : vector<16xi32>
      %gather3A_550 = tpu.vector_load_idx %arg16[%add3A_549] : memref<64000xf32, #tpu.memory_space<vmem>>[vector<16xi32>], vector<16xf32>,
      %add3A_551 = arith.addf %add3A_515, %gather3A_550 : vector<16xf32>
      %add3A_552 = arith.constant 32 : i32
      %add3A_553 = vector.broadcast %add3A_552 : i32 to vector<16xi32>
      %add3A_554 = arith.addi %mul3A_539, %add3A_553 : vector<16xi32>
      %add3A_555 = arith.addi %add3A_554, %iota3A : vector<16xi32>
      %gather3A_556 = tpu.vector_load_idx %arg16[%add3A_555] : memref<64000xf32, #tpu.memory_space<vmem>>[vector<16xi32>], vector<16xf32>,
      %add3A_557 = arith.addf %add3A_521, %gather3A_556 : vector<16xf32>
      %add3A_558 = arith.constant 48 : i32
      %add3A_559 = vector.broadcast %add3A_558 : i32 to vector<16xi32>
      %add3A_560 = arith.addi %mul3A_539, %add3A_559 : vector<16xi32>
      %add3A_561 = arith.addi %add3A_560, %iota3A : vector<16xi32>
      %gather3A_562 = tpu.vector_load_idx %arg16[%add3A_561] : memref<64000xf32, #tpu.memory_space<vmem>>[vector<16xi32>], vector<16xf32>,
      %add3A_563 = arith.addf %add3A_527, %gather3A_562 : vector<16xf32>
      %add3A_564 = arith.constant 13 : i32
      %add3A_565 = arith.addi %mul3A_98, %add3A_564 : i32
      %broadcast_in_dim3A_566 = vector.broadcast %add3A_565 : i32 to vector<16xi32>
      %gather3A_567 = tpu.vector_load_idx %arg15[%broadcast_in_dim3A_566] : memref<10240xi32, #tpu.memory_space<vmem>>[vector<16xi32>], vector<16xi32>,
      %gt3A_568 = arith.constant 0 : i32
      %gt3A_569 = vector.broadcast %gt3A_568 : i32 to vector<16xi32>
      %gt3A_570 = arith.cmpi sgt, %gather3A_567, %gt3A_569 : vector<16xi32>
      %select_n3A_571 = arith.select %gt3A_570, %broadcast_in_dim3A_27, %broadcast_in_dim3A_15 : vector<16xi1>, vector<16xf32>
      %add3A_572 = arith.addf %add3A_536, %select_n3A_571 : vector<16xf32>
      %mul3A_573 = arith.constant 64 : i32
      %mul3A_574 = vector.broadcast %mul3A_573 : i32 to vector<16xi32>
      %mul3A_575 = arith.muli %gather3A_567, %mul3A_574 : vector<16xi32>
      %add3A_576 = arith.constant 0 : i32
      %add3A_577 = vector.broadcast %add3A_576 : i32 to vector<16xi32>
      %add3A_578 = arith.addi %mul3A_575, %add3A_577 : vector<16xi32>
      %add3A_579 = arith.addi %add3A_578, %iota3A : vector<16xi32>
      %gather3A_580 = tpu.vector_load_idx %arg16[%add3A_579] : memref<64000xf32, #tpu.memory_space<vmem>>[vector<16xi32>], vector<16xf32>,
      %add3A_581 = arith.addf %add3A_545, %gather3A_580 : vector<16xf32>
      %add3A_582 = arith.constant 16 : i32
      %add3A_583 = vector.broadcast %add3A_582 : i32 to vector<16xi32>
      %add3A_584 = arith.addi %mul3A_575, %add3A_583 : vector<16xi32>
      %add3A_585 = arith.addi %add3A_584, %iota3A : vector<16xi32>
      %gather3A_586 = tpu.vector_load_idx %arg16[%add3A_585] : memref<64000xf32, #tpu.memory_space<vmem>>[vector<16xi32>], vector<16xf32>,
      %add3A_587 = arith.addf %add3A_551, %gather3A_586 : vector<16xf32>
      %add3A_588 = arith.constant 32 : i32
      %add3A_589 = vector.broadcast %add3A_588 : i32 to vector<16xi32>
      %add3A_590 = arith.addi %mul3A_575, %add3A_589 : vector<16xi32>
      %add3A_591 = arith.addi %add3A_590, %iota3A : vector<16xi32>
      %gather3A_592 = tpu.vector_load_idx %arg16[%add3A_591] : memref<64000xf32, #tpu.memory_space<vmem>>[vector<16xi32>], vector<16xf32>,
      %add3A_593 = arith.addf %add3A_557, %gather3A_592 : vector<16xf32>
      %add3A_594 = arith.constant 48 : i32
      %add3A_595 = vector.broadcast %add3A_594 : i32 to vector<16xi32>
      %add3A_596 = arith.addi %mul3A_575, %add3A_595 : vector<16xi32>
      %add3A_597 = arith.addi %add3A_596, %iota3A : vector<16xi32>
      %gather3A_598 = tpu.vector_load_idx %arg16[%add3A_597] : memref<64000xf32, #tpu.memory_space<vmem>>[vector<16xi32>], vector<16xf32>,
      %add3A_599 = arith.addf %add3A_563, %gather3A_598 : vector<16xf32>
      %add3A_600 = arith.constant 14 : i32
      %add3A_601 = arith.addi %mul3A_98, %add3A_600 : i32
      %broadcast_in_dim3A_602 = vector.broadcast %add3A_601 : i32 to vector<16xi32>
      %gather3A_603 = tpu.vector_load_idx %arg15[%broadcast_in_dim3A_602] : memref<10240xi32, #tpu.memory_space<vmem>>[vector<16xi32>], vector<16xi32>,
      %gt3A_604 = arith.constant 0 : i32
      %gt3A_605 = vector.broadcast %gt3A_604 : i32 to vector<16xi32>
      %gt3A_606 = arith.cmpi sgt, %gather3A_603, %gt3A_605 : vector<16xi32>
      %select_n3A_607 = arith.select %gt3A_606, %broadcast_in_dim3A_27, %broadcast_in_dim3A_15 : vector<16xi1>, vector<16xf32>
      %add3A_608 = arith.addf %add3A_572, %select_n3A_607 : vector<16xf32>
      %mul3A_609 = arith.constant 64 : i32
      %mul3A_610 = vector.broadcast %mul3A_609 : i32 to vector<16xi32>
      %mul3A_611 = arith.muli %gather3A_603, %mul3A_610 : vector<16xi32>
      %add3A_612 = arith.constant 0 : i32
      %add3A_613 = vector.broadcast %add3A_612 : i32 to vector<16xi32>
      %add3A_614 = arith.addi %mul3A_611, %add3A_613 : vector<16xi32>
      %add3A_615 = arith.addi %add3A_614, %iota3A : vector<16xi32>
      %gather3A_616 = tpu.vector_load_idx %arg16[%add3A_615] : memref<64000xf32, #tpu.memory_space<vmem>>[vector<16xi32>], vector<16xf32>,
      %add3A_617 = arith.addf %add3A_581, %gather3A_616 : vector<16xf32>
      %add3A_618 = arith.constant 16 : i32
      %add3A_619 = vector.broadcast %add3A_618 : i32 to vector<16xi32>
      %add3A_620 = arith.addi %mul3A_611, %add3A_619 : vector<16xi32>
      %add3A_621 = arith.addi %add3A_620, %iota3A : vector<16xi32>
      %gather3A_622 = tpu.vector_load_idx %arg16[%add3A_621] : memref<64000xf32, #tpu.memory_space<vmem>>[vector<16xi32>], vector<16xf32>,
      %add3A_623 = arith.addf %add3A_587, %gather3A_622 : vector<16xf32>
      %add3A_624 = arith.constant 32 : i32
      %add3A_625 = vector.broadcast %add3A_624 : i32 to vector<16xi32>
      %add3A_626 = arith.addi %mul3A_611, %add3A_625 : vector<16xi32>
      %add3A_627 = arith.addi %add3A_626, %iota3A : vector<16xi32>
      %gather3A_628 = tpu.vector_load_idx %arg16[%add3A_627] : memref<64000xf32, #tpu.memory_space<vmem>>[vector<16xi32>], vector<16xf32>,
      %add3A_629 = arith.addf %add3A_593, %gather3A_628 : vector<16xf32>
      %add3A_630 = arith.constant 48 : i32
      %add3A_631 = vector.broadcast %add3A_630 : i32 to vector<16xi32>
      %add3A_632 = arith.addi %mul3A_611, %add3A_631 : vector<16xi32>
      %add3A_633 = arith.addi %add3A_632, %iota3A : vector<16xi32>
      %gather3A_634 = tpu.vector_load_idx %arg16[%add3A_633] : memref<64000xf32, #tpu.memory_space<vmem>>[vector<16xi32>], vector<16xf32>,
      %add3A_635 = arith.addf %add3A_599, %gather3A_634 : vector<16xf32>
      %add3A_636 = arith.constant 15 : i32
      %add3A_637 = arith.addi %mul3A_98, %add3A_636 : i32
      %broadcast_in_dim3A_638 = vector.broadcast %add3A_637 : i32 to vector<16xi32>
      %gather3A_639 = tpu.vector_load_idx %arg15[%broadcast_in_dim3A_638] : memref<10240xi32, #tpu.memory_space<vmem>>[vector<16xi32>], vector<16xi32>,
      %gt3A_640 = arith.constant 0 : i32
      %gt3A_641 = vector.broadcast %gt3A_640 : i32 to vector<16xi32>
      %gt3A_642 = arith.cmpi sgt, %gather3A_639, %gt3A_641 : vector<16xi32>
      %select_n3A_643 = arith.select %gt3A_642, %broadcast_in_dim3A_27, %broadcast_in_dim3A_15 : vector<16xi1>, vector<16xf32>
      %add3A_644 = arith.addf %add3A_608, %select_n3A_643 : vector<16xf32>
      %mul3A_645 = arith.constant 64 : i32
      %mul3A_646 = vector.broadcast %mul3A_645 : i32 to vector<16xi32>
      %mul3A_647 = arith.muli %gather3A_639, %mul3A_646 : vector<16xi32>
      %add3A_648 = arith.constant 0 : i32
      %add3A_649 = vector.broadcast %add3A_648 : i32 to vector<16xi32>
      %add3A_650 = arith.addi %mul3A_647, %add3A_649 : vector<16xi32>
      %add3A_651 = arith.addi %add3A_650, %iota3A : vector<16xi32>
      %gather3A_652 = tpu.vector_load_idx %arg16[%add3A_651] : memref<64000xf32, #tpu.memory_space<vmem>>[vector<16xi32>], vector<16xf32>,
      %add3A_653 = arith.addf %add3A_617, %gather3A_652 : vector<16xf32>
      %add3A_654 = arith.constant 16 : i32
      %add3A_655 = vector.broadcast %add3A_654 : i32 to vector<16xi32>
      %add3A_656 = arith.addi %mul3A_647, %add3A_655 : vector<16xi32>
      %add3A_657 = arith.addi %add3A_656, %iota3A : vector<16xi32>
      %gather3A_658 = tpu.vector_load_idx %arg16[%add3A_657] : memref<64000xf32, #tpu.memory_space<vmem>>[vector<16xi32>], vector<16xf32>,
      %add3A_659 = arith.addf %add3A_623, %gather3A_658 : vector<16xf32>
      %add3A_660 = arith.constant 32 : i32
      %add3A_661 = vector.broadcast %add3A_660 : i32 to vector<16xi32>
      %add3A_662 = arith.addi %mul3A_647, %add3A_661 : vector<16xi32>
      %add3A_663 = arith.addi %add3A_662, %iota3A : vector<16xi32>
      %gather3A_664 = tpu.vector_load_idx %arg16[%add3A_663] : memref<64000xf32, #tpu.memory_space<vmem>>[vector<16xi32>], vector<16xf32>,
      %add3A_665 = arith.addf %add3A_629, %gather3A_664 : vector<16xf32>
      %add3A_666 = arith.constant 48 : i32
      %add3A_667 = vector.broadcast %add3A_666 : i32 to vector<16xi32>
      %add3A_668 = arith.addi %mul3A_647, %add3A_667 : vector<16xi32>
      %add3A_669 = arith.addi %add3A_668, %iota3A : vector<16xi32>
      %gather3A_670 = tpu.vector_load_idx %arg16[%add3A_669] : memref<64000xf32, #tpu.memory_space<vmem>>[vector<16xi32>], vector<16xf32>,
      %add3A_671 = arith.addf %add3A_635, %gather3A_670 : vector<16xf32>
      %add3A_672 = arith.constant 16 : i32
      %add3A_673 = arith.addi %mul3A_98, %add3A_672 : i32
      %broadcast_in_dim3A_674 = vector.broadcast %add3A_673 : i32 to vector<16xi32>
      %gather3A_675 = tpu.vector_load_idx %arg15[%broadcast_in_dim3A_674] : memref<10240xi32, #tpu.memory_space<vmem>>[vector<16xi32>], vector<16xi32>,
      %gt3A_676 = arith.constant 0 : i32
      %gt3A_677 = vector.broadcast %gt3A_676 : i32 to vector<16xi32>
      %gt3A_678 = arith.cmpi sgt, %gather3A_675, %gt3A_677 : vector<16xi32>
      %select_n3A_679 = arith.select %gt3A_678, %broadcast_in_dim3A_27, %broadcast_in_dim3A_15 : vector<16xi1>, vector<16xf32>
      %add3A_680 = arith.addf %add3A_644, %select_n3A_679 : vector<16xf32>
      %mul3A_681 = arith.constant 64 : i32
      %mul3A_682 = vector.broadcast %mul3A_681 : i32 to vector<16xi32>
      %mul3A_683 = arith.muli %gather3A_675, %mul3A_682 : vector<16xi32>
      %add3A_684 = arith.constant 0 : i32
      %add3A_685 = vector.broadcast %add3A_684 : i32 to vector<16xi32>
      %add3A_686 = arith.addi %mul3A_683, %add3A_685 : vector<16xi32>
      %add3A_687 = arith.addi %add3A_686, %iota3A : vector<16xi32>
      %gather3A_688 = tpu.vector_load_idx %arg16[%add3A_687] : memref<64000xf32, #tpu.memory_space<vmem>>[vector<16xi32>], vector<16xf32>,
      %add3A_689 = arith.addf %add3A_653, %gather3A_688 : vector<16xf32>
      %add3A_690 = arith.constant 16 : i32
      %add3A_691 = vector.broadcast %add3A_690 : i32 to vector<16xi32>
      %add3A_692 = arith.addi %mul3A_683, %add3A_691 : vector<16xi32>
      %add3A_693 = arith.addi %add3A_692, %iota3A : vector<16xi32>
      %gather3A_694 = tpu.vector_load_idx %arg16[%add3A_693] : memref<64000xf32, #tpu.memory_space<vmem>>[vector<16xi32>], vector<16xf32>,
      %add3A_695 = arith.addf %add3A_659, %gather3A_694 : vector<16xf32>
      %add3A_696 = arith.constant 32 : i32
      %add3A_697 = vector.broadcast %add3A_696 : i32 to vector<16xi32>
      %add3A_698 = arith.addi %mul3A_683, %add3A_697 : vector<16xi32>
      %add3A_699 = arith.addi %add3A_698, %iota3A : vector<16xi32>
      %gather3A_700 = tpu.vector_load_idx %arg16[%add3A_699] : memref<64000xf32, #tpu.memory_space<vmem>>[vector<16xi32>], vector<16xf32>,
      %add3A_701 = arith.addf %add3A_665, %gather3A_700 : vector<16xf32>
      %add3A_702 = arith.constant 48 : i32
      %add3A_703 = vector.broadcast %add3A_702 : i32 to vector<16xi32>
      %add3A_704 = arith.addi %mul3A_683, %add3A_703 : vector<16xi32>
      %add3A_705 = arith.addi %add3A_704, %iota3A : vector<16xi32>
      %gather3A_706 = tpu.vector_load_idx %arg16[%add3A_705] : memref<64000xf32, #tpu.memory_space<vmem>>[vector<16xi32>], vector<16xf32>,
      %add3A_707 = arith.addf %add3A_671, %gather3A_706 : vector<16xf32>
      %add3A_708 = arith.constant 17 : i32
      %add3A_709 = arith.addi %mul3A_98, %add3A_708 : i32
      %broadcast_in_dim3A_710 = vector.broadcast %add3A_709 : i32 to vector<16xi32>
      %gather3A_711 = tpu.vector_load_idx %arg15[%broadcast_in_dim3A_710] : memref<10240xi32, #tpu.memory_space<vmem>>[vector<16xi32>], vector<16xi32>,
      %gt3A_712 = arith.constant 0 : i32
      %gt3A_713 = vector.broadcast %gt3A_712 : i32 to vector<16xi32>
      %gt3A_714 = arith.cmpi sgt, %gather3A_711, %gt3A_713 : vector<16xi32>
      %select_n3A_715 = arith.select %gt3A_714, %broadcast_in_dim3A_27, %broadcast_in_dim3A_15 : vector<16xi1>, vector<16xf32>
      %add3A_716 = arith.addf %add3A_680, %select_n3A_715 : vector<16xf32>
      %mul3A_717 = arith.constant 64 : i32
      %mul3A_718 = vector.broadcast %mul3A_717 : i32 to vector<16xi32>
      %mul3A_719 = arith.muli %gather3A_711, %mul3A_718 : vector<16xi32>
      %add3A_720 = arith.constant 0 : i32
      %add3A_721 = vector.broadcast %add3A_720 : i32 to vector<16xi32>
      %add3A_722 = arith.addi %mul3A_719, %add3A_721 : vector<16xi32>
      %add3A_723 = arith.addi %add3A_722, %iota3A : vector<16xi32>
      %gather3A_724 = tpu.vector_load_idx %arg16[%add3A_723] : memref<64000xf32, #tpu.memory_space<vmem>>[vector<16xi32>], vector<16xf32>,
      %add3A_725 = arith.addf %add3A_689, %gather3A_724 : vector<16xf32>
      %add3A_726 = arith.constant 16 : i32
      %add3A_727 = vector.broadcast %add3A_726 : i32 to vector<16xi32>
      %add3A_728 = arith.addi %mul3A_719, %add3A_727 : vector<16xi32>
      %add3A_729 = arith.addi %add3A_728, %iota3A : vector<16xi32>
      %gather3A_730 = tpu.vector_load_idx %arg16[%add3A_729] : memref<64000xf32, #tpu.memory_space<vmem>>[vector<16xi32>], vector<16xf32>,
      %add3A_731 = arith.addf %add3A_695, %gather3A_730 : vector<16xf32>
      %add3A_732 = arith.constant 32 : i32
      %add3A_733 = vector.broadcast %add3A_732 : i32 to vector<16xi32>
      %add3A_734 = arith.addi %mul3A_719, %add3A_733 : vector<16xi32>
      %add3A_735 = arith.addi %add3A_734, %iota3A : vector<16xi32>
      %gather3A_736 = tpu.vector_load_idx %arg16[%add3A_735] : memref<64000xf32, #tpu.memory_space<vmem>>[vector<16xi32>], vector<16xf32>,
      %add3A_737 = arith.addf %add3A_701, %gather3A_736 : vector<16xf32>
      %add3A_738 = arith.constant 48 : i32
      %add3A_739 = vector.broadcast %add3A_738 : i32 to vector<16xi32>
      %add3A_740 = arith.addi %mul3A_719, %add3A_739 : vector<16xi32>
      %add3A_741 = arith.addi %add3A_740, %iota3A : vector<16xi32>
      %gather3A_742 = tpu.vector_load_idx %arg16[%add3A_741] : memref<64000xf32, #tpu.memory_space<vmem>>[vector<16xi32>], vector<16xf32>,
      %add3A_743 = arith.addf %add3A_707, %gather3A_742 : vector<16xf32>
      %add3A_744 = arith.constant 18 : i32
      %add3A_745 = arith.addi %mul3A_98, %add3A_744 : i32
      %broadcast_in_dim3A_746 = vector.broadcast %add3A_745 : i32 to vector<16xi32>
      %gather3A_747 = tpu.vector_load_idx %arg15[%broadcast_in_dim3A_746] : memref<10240xi32, #tpu.memory_space<vmem>>[vector<16xi32>], vector<16xi32>,
      %gt3A_748 = arith.constant 0 : i32
      %gt3A_749 = vector.broadcast %gt3A_748 : i32 to vector<16xi32>
      %gt3A_750 = arith.cmpi sgt, %gather3A_747, %gt3A_749 : vector<16xi32>
      %select_n3A_751 = arith.select %gt3A_750, %broadcast_in_dim3A_27, %broadcast_in_dim3A_15 : vector<16xi1>, vector<16xf32>
      %add3A_752 = arith.addf %add3A_716, %select_n3A_751 : vector<16xf32>
      %mul3A_753 = arith.constant 64 : i32
      %mul3A_754 = vector.broadcast %mul3A_753 : i32 to vector<16xi32>
      %mul3A_755 = arith.muli %gather3A_747, %mul3A_754 : vector<16xi32>
      %add3A_756 = arith.constant 0 : i32
      %add3A_757 = vector.broadcast %add3A_756 : i32 to vector<16xi32>
      %add3A_758 = arith.addi %mul3A_755, %add3A_757 : vector<16xi32>
      %add3A_759 = arith.addi %add3A_758, %iota3A : vector<16xi32>
      %gather3A_760 = tpu.vector_load_idx %arg16[%add3A_759] : memref<64000xf32, #tpu.memory_space<vmem>>[vector<16xi32>], vector<16xf32>,
      %add3A_761 = arith.addf %add3A_725, %gather3A_760 : vector<16xf32>
      %add3A_762 = arith.constant 16 : i32
      %add3A_763 = vector.broadcast %add3A_762 : i32 to vector<16xi32>
      %add3A_764 = arith.addi %mul3A_755, %add3A_763 : vector<16xi32>
      %add3A_765 = arith.addi %add3A_764, %iota3A : vector<16xi32>
      %gather3A_766 = tpu.vector_load_idx %arg16[%add3A_765] : memref<64000xf32, #tpu.memory_space<vmem>>[vector<16xi32>], vector<16xf32>,
      %add3A_767 = arith.addf %add3A_731, %gather3A_766 : vector<16xf32>
      %add3A_768 = arith.constant 32 : i32
      %add3A_769 = vector.broadcast %add3A_768 : i32 to vector<16xi32>
      %add3A_770 = arith.addi %mul3A_755, %add3A_769 : vector<16xi32>
      %add3A_771 = arith.addi %add3A_770, %iota3A : vector<16xi32>
      %gather3A_772 = tpu.vector_load_idx %arg16[%add3A_771] : memref<64000xf32, #tpu.memory_space<vmem>>[vector<16xi32>], vector<16xf32>,
      %add3A_773 = arith.addf %add3A_737, %gather3A_772 : vector<16xf32>
      %add3A_774 = arith.constant 48 : i32
      %add3A_775 = vector.broadcast %add3A_774 : i32 to vector<16xi32>
      %add3A_776 = arith.addi %mul3A_755, %add3A_775 : vector<16xi32>
      %add3A_777 = arith.addi %add3A_776, %iota3A : vector<16xi32>
      %gather3A_778 = tpu.vector_load_idx %arg16[%add3A_777] : memref<64000xf32, #tpu.memory_space<vmem>>[vector<16xi32>], vector<16xf32>,
      %add3A_779 = arith.addf %add3A_743, %gather3A_778 : vector<16xf32>
      %add3A_780 = arith.constant 19 : i32
      %add3A_781 = arith.addi %mul3A_98, %add3A_780 : i32
      %broadcast_in_dim3A_782 = vector.broadcast %add3A_781 : i32 to vector<16xi32>
      %gather3A_783 = tpu.vector_load_idx %arg15[%broadcast_in_dim3A_782] : memref<10240xi32, #tpu.memory_space<vmem>>[vector<16xi32>], vector<16xi32>,
      %gt3A_784 = arith.constant 0 : i32
      %gt3A_785 = vector.broadcast %gt3A_784 : i32 to vector<16xi32>
      %gt3A_786 = arith.cmpi sgt, %gather3A_783, %gt3A_785 : vector<16xi32>
      %select_n3A_787 = arith.select %gt3A_786, %broadcast_in_dim3A_27, %broadcast_in_dim3A_15 : vector<16xi1>, vector<16xf32>
      %add3A_788 = arith.addf %add3A_752, %select_n3A_787 : vector<16xf32>
      %mul3A_789 = arith.constant 64 : i32
      %mul3A_790 = vector.broadcast %mul3A_789 : i32 to vector<16xi32>
      %mul3A_791 = arith.muli %gather3A_783, %mul3A_790 : vector<16xi32>
      %add3A_792 = arith.constant 0 : i32
      %add3A_793 = vector.broadcast %add3A_792 : i32 to vector<16xi32>
      %add3A_794 = arith.addi %mul3A_791, %add3A_793 : vector<16xi32>
      %add3A_795 = arith.addi %add3A_794, %iota3A : vector<16xi32>
      %gather3A_796 = tpu.vector_load_idx %arg16[%add3A_795] : memref<64000xf32, #tpu.memory_space<vmem>>[vector<16xi32>], vector<16xf32>,
      %add3A_797 = arith.addf %add3A_761, %gather3A_796 : vector<16xf32>
      %add3A_798 = arith.constant 16 : i32
      %add3A_799 = vector.broadcast %add3A_798 : i32 to vector<16xi32>
      %add3A_800 = arith.addi %mul3A_791, %add3A_799 : vector<16xi32>
      %add3A_801 = arith.addi %add3A_800, %iota3A : vector<16xi32>
      %gather3A_802 = tpu.vector_load_idx %arg16[%add3A_801] : memref<64000xf32, #tpu.memory_space<vmem>>[vector<16xi32>], vector<16xf32>,
      %add3A_803 = arith.addf %add3A_767, %gather3A_802 : vector<16xf32>
      %add3A_804 = arith.constant 32 : i32
      %add3A_805 = vector.broadcast %add3A_804 : i32 to vector<16xi32>
      %add3A_806 = arith.addi %mul3A_791, %add3A_805 : vector<16xi32>
      %add3A_807 = arith.addi %add3A_806, %iota3A : vector<16xi32>
      %gather3A_808 = tpu.vector_load_idx %arg16[%add3A_807] : memref<64000xf32, #tpu.memory_space<vmem>>[vector<16xi32>], vector<16xf32>,
      %add3A_809 = arith.addf %add3A_773, %gather3A_808 : vector<16xf32>
      %add3A_810 = arith.constant 48 : i32
      %add3A_811 = vector.broadcast %add3A_810 : i32 to vector<16xi32>
      %add3A_812 = arith.addi %mul3A_791, %add3A_811 : vector<16xi32>
      %add3A_813 = arith.addi %add3A_812, %iota3A : vector<16xi32>
      %gather3A_814 = tpu.vector_load_idx %arg16[%add3A_813] : memref<64000xf32, #tpu.memory_space<vmem>>[vector<16xi32>], vector<16xf32>,
      %add3A_815 = arith.addf %add3A_779, %gather3A_814 : vector<16xf32>
      %add3A_816 = arith.constant 9.99999993E-9 : f32
      %add3A_817 = vector.broadcast %add3A_816 : f32 to vector<16xf32>
      %add3A_818 = arith.addf %add3A_788, %add3A_817 : vector<16xf32>
      %div3A = arith.divf %broadcast_in_dim3A_27, %add3A_818 : vector<16xf32>
      %mul3A_819 = arith.mulf %add3A_797, %div3A : vector<16xf32>
      %mul3A_820 = arith.constant 64 : i32
      %mul3A_821 = arith.muli %scan3A_93, %mul3A_820 : i32
      %add3A_822 = arith.constant 0 : i32
      %add3A_823 = arith.addi %mul3A_821, %add3A_822 : i32
      %swap3A_824 = arith.index_cast %add3A_823 : i32 to index
      %swap3A_825 = tpu.vector_load %arg20[%swap3A_824] {strides = array<i32>} : memref<8192xf32, #tpu.memory_space<vmem>>, vector<16xf32>,
      tpu.vector_store %arg20[%swap3A_824], %mul3A_819 {strides = array<i32>} : memref<8192xf32, #tpu.memory_space<vmem>>, vector<16xf32>,
      %mul3A_826 = arith.mulf %add3A_803, %div3A : vector<16xf32>
      %mul3A_827 = arith.constant 64 : i32
      %mul3A_828 = arith.muli %scan3A_93, %mul3A_827 : i32
      %add3A_829 = arith.constant 16 : i32
      %add3A_830 = arith.addi %mul3A_828, %add3A_829 : i32
      %swap3A_831 = arith.index_cast %add3A_830 : i32 to index
      %swap3A_832 = tpu.vector_load %arg20[%swap3A_831] {strides = array<i32>} : memref<8192xf32, #tpu.memory_space<vmem>>, vector<16xf32>,
      tpu.vector_store %arg20[%swap3A_831], %mul3A_826 {strides = array<i32>} : memref<8192xf32, #tpu.memory_space<vmem>>, vector<16xf32>,
      %mul3A_833 = arith.mulf %add3A_809, %div3A : vector<16xf32>
      %mul3A_834 = arith.constant 64 : i32
      %mul3A_835 = arith.muli %scan3A_93, %mul3A_834 : i32
      %add3A_836 = arith.constant 32 : i32
      %add3A_837 = arith.addi %mul3A_835, %add3A_836 : i32
      %swap3A_838 = arith.index_cast %add3A_837 : i32 to index
      %swap3A_839 = tpu.vector_load %arg20[%swap3A_838] {strides = array<i32>} : memref<8192xf32, #tpu.memory_space<vmem>>, vector<16xf32>,
      tpu.vector_store %arg20[%swap3A_838], %mul3A_833 {strides = array<i32>} : memref<8192xf32, #tpu.memory_space<vmem>>, vector<16xf32>,
      %mul3A_840 = arith.mulf %add3A_815, %div3A : vector<16xf32>
      %mul3A_841 = arith.constant 64 : i32
      %mul3A_842 = arith.muli %scan3A_93, %mul3A_841 : i32
      %add3A_843 = arith.constant 48 : i32
      %add3A_844 = arith.addi %mul3A_842, %add3A_843 : i32
      %swap3A_845 = arith.index_cast %add3A_844 : i32 to index
      %swap3A_846 = tpu.vector_load %arg20[%swap3A_845] {strides = array<i32>} : memref<8192xf32, #tpu.memory_space<vmem>>, vector<16xf32>,
      tpu.vector_store %arg20[%swap3A_845], %mul3A_840 {strides = array<i32>} : memref<8192xf32, #tpu.memory_space<vmem>>, vector<16xf32>,
      %add3A_847 = arith.constant 0 : i32
      %add3A_848 = arith.addi %add3A_847, %add3A_96 : i32
      %broadcast_in_dim3A_849 = vector.broadcast %add3A_848 : i32 to vector<16xi32>
      %gather3A_850 = tpu.vector_load_idx %arg19[%broadcast_in_dim3A_849] : memref<1536xf32, #tpu.memory_space<vmem>>[vector<16xi32>], vector<16xf32>,
      %lt3A = arith.cmpf olt, %get3A_23, %gather3A_850 : vector<16xf32>
      %all_reduce_population_count3A = tpu.all_reduce %lt3A {dim = 0 : i64, kind = #tpu.reduction_kind<sum>} : vector<16xi1> -> vector<16xi32>
      %lt3A_851 = arith.cmpf olt, %get3A_25, %gather3A_850 : vector<16xf32>
      %all_reduce_population_count3A_852 = tpu.all_reduce %lt3A_851 {dim = 0 : i64, kind = #tpu.reduction_kind<sum>} : vector<16xi1> -> vector<16xi32>
      %add3A_853 = arith.addi %all_reduce_population_count3A, %all_reduce_population_count3A_852 : vector<16xi32>
      %mul3A_854 = arith.constant 64 : i32
      %mul3A_855 = vector.broadcast %mul3A_854 : i32 to vector<16xi32>
      %mul3A_856 = arith.muli %add3A_853, %mul3A_855 : vector<16xi32>
      %add3A_857 = arith.constant 0 : i32
      %add3A_858 = vector.broadcast %add3A_857 : i32 to vector<16xi32>
      %add3A_859 = arith.addi %mul3A_856, %add3A_858 : vector<16xi32>
      %add3A_860 = arith.constant 0 : i32
      %add3A_861 = vector.broadcast %add3A_860 : i32 to vector<16xi32>
      %add3A_862 = arith.addi %add3A_859, %add3A_861 : vector<16xi32>
      %add3A_863 = arith.addi %add3A_862, %iota3A : vector<16xi32>
      %gather3A_864 = tpu.vector_load_idx %arg17[%add3A_863] : memref<3840xf32, #tpu.memory_space<vmem>>[vector<16xi32>], vector<16xf32>,
      %add3A_865 = arith.addf %broadcast_in_dim3A_15, %gather3A_864 : vector<16xf32>
      %add3A_866 = arith.constant 16 : i32
      %add3A_867 = vector.broadcast %add3A_866 : i32 to vector<16xi32>
      %add3A_868 = arith.addi %add3A_859, %add3A_867 : vector<16xi32>
      %add3A_869 = arith.addi %add3A_868, %iota3A : vector<16xi32>
      %gather3A_870 = tpu.vector_load_idx %arg17[%add3A_869] : memref<3840xf32, #tpu.memory_space<vmem>>[vector<16xi32>], vector<16xf32>,
      %add3A_871 = arith.addf %broadcast_in_dim3A_15, %gather3A_870 : vector<16xf32>
      %add3A_872 = arith.constant 32 : i32
      %add3A_873 = vector.broadcast %add3A_872 : i32 to vector<16xi32>
      %add3A_874 = arith.addi %add3A_859, %add3A_873 : vector<16xi32>
      %add3A_875 = arith.addi %add3A_874, %iota3A : vector<16xi32>
      %gather3A_876 = tpu.vector_load_idx %arg17[%add3A_875] : memref<3840xf32, #tpu.memory_space<vmem>>[vector<16xi32>], vector<16xf32>,
      %add3A_877 = arith.addf %broadcast_in_dim3A_15, %gather3A_876 : vector<16xf32>
      %add3A_878 = arith.constant 48 : i32
      %add3A_879 = vector.broadcast %add3A_878 : i32 to vector<16xi32>
      %add3A_880 = arith.addi %add3A_859, %add3A_879 : vector<16xi32>
      %add3A_881 = arith.addi %add3A_880, %iota3A : vector<16xi32>
      %gather3A_882 = tpu.vector_load_idx %arg17[%add3A_881] : memref<3840xf32, #tpu.memory_space<vmem>>[vector<16xi32>], vector<16xf32>,
      %add3A_883 = arith.addf %broadcast_in_dim3A_15, %gather3A_882 : vector<16xf32>
      %add3A_884 = arith.constant 512 : i32
      %add3A_885 = arith.addi %add3A_884, %add3A_96 : i32
      %broadcast_in_dim3A_886 = vector.broadcast %add3A_885 : i32 to vector<16xi32>
      %gather3A_887 = tpu.vector_load_idx %arg19[%broadcast_in_dim3A_886] : memref<1536xf32, #tpu.memory_space<vmem>>[vector<16xi32>], vector<16xf32>,
      %lt3A_888 = arith.cmpf olt, %get3A_23, %gather3A_887 : vector<16xf32>
      %all_reduce_population_count3A_889 = tpu.all_reduce %lt3A_888 {dim = 0 : i64, kind = #tpu.reduction_kind<sum>} : vector<16xi1> -> vector<16xi32>
      %lt3A_890 = arith.cmpf olt, %get3A_25, %gather3A_887 : vector<16xf32>
      %all_reduce_population_count3A_891 = tpu.all_reduce %lt3A_890 {dim = 0 : i64, kind = #tpu.reduction_kind<sum>} : vector<16xi1> -> vector<16xi32>
      %add3A_892 = arith.addi %all_reduce_population_count3A_889, %all_reduce_population_count3A_891 : vector<16xi32>
      %mul3A_893 = arith.constant 64 : i32
      %mul3A_894 = vector.broadcast %mul3A_893 : i32 to vector<16xi32>
      %mul3A_895 = arith.muli %add3A_892, %mul3A_894 : vector<16xi32>
      %add3A_896 = arith.constant 1280 : i32
      %add3A_897 = vector.broadcast %add3A_896 : i32 to vector<16xi32>
      %add3A_898 = arith.addi %mul3A_895, %add3A_897 : vector<16xi32>
      %add3A_899 = arith.constant 0 : i32
      %add3A_900 = vector.broadcast %add3A_899 : i32 to vector<16xi32>
      %add3A_901 = arith.addi %add3A_898, %add3A_900 : vector<16xi32>
      %add3A_902 = arith.addi %add3A_901, %iota3A : vector<16xi32>
      %gather3A_903 = tpu.vector_load_idx %arg17[%add3A_902] : memref<3840xf32, #tpu.memory_space<vmem>>[vector<16xi32>], vector<16xf32>,
      %add3A_904 = arith.addf %add3A_865, %gather3A_903 : vector<16xf32>
      %add3A_905 = arith.constant 16 : i32
      %add3A_906 = vector.broadcast %add3A_905 : i32 to vector<16xi32>
      %add3A_907 = arith.addi %add3A_898, %add3A_906 : vector<16xi32>
      %add3A_908 = arith.addi %add3A_907, %iota3A : vector<16xi32>
      %gather3A_909 = tpu.vector_load_idx %arg17[%add3A_908] : memref<3840xf32, #tpu.memory_space<vmem>>[vector<16xi32>], vector<16xf32>,
      %add3A_910 = arith.addf %add3A_871, %gather3A_909 : vector<16xf32>
      %add3A_911 = arith.constant 32 : i32
      %add3A_912 = vector.broadcast %add3A_911 : i32 to vector<16xi32>
      %add3A_913 = arith.addi %add3A_898, %add3A_912 : vector<16xi32>
      %add3A_914 = arith.addi %add3A_913, %iota3A : vector<16xi32>
      %gather3A_915 = tpu.vector_load_idx %arg17[%add3A_914] : memref<3840xf32, #tpu.memory_space<vmem>>[vector<16xi32>], vector<16xf32>,
      %add3A_916 = arith.addf %add3A_877, %gather3A_915 : vector<16xf32>
      %add3A_917 = arith.constant 48 : i32
      %add3A_918 = vector.broadcast %add3A_917 : i32 to vector<16xi32>
      %add3A_919 = arith.addi %add3A_898, %add3A_918 : vector<16xi32>
      %add3A_920 = arith.addi %add3A_919, %iota3A : vector<16xi32>
      %gather3A_921 = tpu.vector_load_idx %arg17[%add3A_920] : memref<3840xf32, #tpu.memory_space<vmem>>[vector<16xi32>], vector<16xf32>,
      %add3A_922 = arith.addf %add3A_883, %gather3A_921 : vector<16xf32>
      %add3A_923 = arith.constant 1024 : i32
      %add3A_924 = arith.addi %add3A_923, %add3A_96 : i32
      %broadcast_in_dim3A_925 = vector.broadcast %add3A_924 : i32 to vector<16xi32>
      %gather3A_926 = tpu.vector_load_idx %arg19[%broadcast_in_dim3A_925] : memref<1536xf32, #tpu.memory_space<vmem>>[vector<16xi32>], vector<16xf32>,
      %lt3A_927 = arith.cmpf olt, %get3A_23, %gather3A_926 : vector<16xf32>
      %all_reduce_population_count3A_928 = tpu.all_reduce %lt3A_927 {dim = 0 : i64, kind = #tpu.reduction_kind<sum>} : vector<16xi1> -> vector<16xi32>
      %lt3A_929 = arith.cmpf olt, %get3A_25, %gather3A_926 : vector<16xf32>
      %all_reduce_population_count3A_930 = tpu.all_reduce %lt3A_929 {dim = 0 : i64, kind = #tpu.reduction_kind<sum>} : vector<16xi1> -> vector<16xi32>
      %add3A_931 = arith.addi %all_reduce_population_count3A_928, %all_reduce_population_count3A_930 : vector<16xi32>
      %mul3A_932 = arith.constant 64 : i32
      %mul3A_933 = vector.broadcast %mul3A_932 : i32 to vector<16xi32>
      %mul3A_934 = arith.muli %add3A_931, %mul3A_933 : vector<16xi32>
      %add3A_935 = arith.constant 2560 : i32
      %add3A_936 = vector.broadcast %add3A_935 : i32 to vector<16xi32>
      %add3A_937 = arith.addi %mul3A_934, %add3A_936 : vector<16xi32>
      %add3A_938 = arith.constant 0 : i32
      %add3A_939 = vector.broadcast %add3A_938 : i32 to vector<16xi32>
      %add3A_940 = arith.addi %add3A_937, %add3A_939 : vector<16xi32>
      %add3A_941 = arith.addi %add3A_940, %iota3A : vector<16xi32>
      %gather3A_942 = tpu.vector_load_idx %arg17[%add3A_941] : memref<3840xf32, #tpu.memory_space<vmem>>[vector<16xi32>], vector<16xf32>,
      %add3A_943 = arith.addf %add3A_904, %gather3A_942 : vector<16xf32>
      %add3A_944 = arith.constant 16 : i32
      %add3A_945 = vector.broadcast %add3A_944 : i32 to vector<16xi32>
      %add3A_946 = arith.addi %add3A_937, %add3A_945 : vector<16xi32>
      %add3A_947 = arith.addi %add3A_946, %iota3A : vector<16xi32>
      %gather3A_948 = tpu.vector_load_idx %arg17[%add3A_947] : memref<3840xf32, #tpu.memory_space<vmem>>[vector<16xi32>], vector<16xf32>,
      %add3A_949 = arith.addf %add3A_910, %gather3A_948 : vector<16xf32>
      %add3A_950 = arith.constant 32 : i32
      %add3A_951 = vector.broadcast %add3A_950 : i32 to vector<16xi32>
      %add3A_952 = arith.addi %add3A_937, %add3A_951 : vector<16xi32>
      %add3A_953 = arith.addi %add3A_952, %iota3A : vector<16xi32>
      %gather3A_954 = tpu.vector_load_idx %arg17[%add3A_953] : memref<3840xf32, #tpu.memory_space<vmem>>[vector<16xi32>], vector<16xf32>,
      %add3A_955 = arith.addf %add3A_916, %gather3A_954 : vector<16xf32>
      %add3A_956 = arith.constant 48 : i32
      %add3A_957 = vector.broadcast %add3A_956 : i32 to vector<16xi32>
      %add3A_958 = arith.addi %add3A_937, %add3A_957 : vector<16xi32>
      %add3A_959 = arith.addi %add3A_958, %iota3A : vector<16xi32>
      %gather3A_960 = tpu.vector_load_idx %arg17[%add3A_959] : memref<3840xf32, #tpu.memory_space<vmem>>[vector<16xi32>], vector<16xf32>,
      %add3A_961 = arith.addf %add3A_922, %gather3A_960 : vector<16xf32>
      %mul3A_962 = arith.constant 64 : i32
      %mul3A_963 = arith.muli %scan3A_93, %mul3A_962 : i32
      %add3A_964 = arith.constant 0 : i32
      %add3A_965 = arith.addi %mul3A_963, %add3A_964 : i32
      %swap3A_966 = arith.index_cast %add3A_965 : i32 to index
      %swap3A_967 = tpu.vector_load %arg21[%swap3A_966] {strides = array<i32>} : memref<8192xf32, #tpu.memory_space<vmem>>, vector<16xf32>,
      tpu.vector_store %arg21[%swap3A_966], %add3A_943 {strides = array<i32>} : memref<8192xf32, #tpu.memory_space<vmem>>, vector<16xf32>,
      %mul3A_968 = arith.constant 64 : i32
      %mul3A_969 = arith.muli %scan3A_93, %mul3A_968 : i32
      %add3A_970 = arith.constant 16 : i32
      %add3A_971 = arith.addi %mul3A_969, %add3A_970 : i32
      %swap3A_972 = arith.index_cast %add3A_971 : i32 to index
      %swap3A_973 = tpu.vector_load %arg21[%swap3A_972] {strides = array<i32>} : memref<8192xf32, #tpu.memory_space<vmem>>, vector<16xf32>,
      tpu.vector_store %arg21[%swap3A_972], %add3A_949 {strides = array<i32>} : memref<8192xf32, #tpu.memory_space<vmem>>, vector<16xf32>,
      %mul3A_974 = arith.constant 64 : i32
      %mul3A_975 = arith.muli %scan3A_93, %mul3A_974 : i32
      %add3A_976 = arith.constant 32 : i32
      %add3A_977 = arith.addi %mul3A_975, %add3A_976 : i32
      %swap3A_978 = arith.index_cast %add3A_977 : i32 to index
      %swap3A_979 = tpu.vector_load %arg21[%swap3A_978] {strides = array<i32>} : memref<8192xf32, #tpu.memory_space<vmem>>, vector<16xf32>,
      tpu.vector_store %arg21[%swap3A_978], %add3A_955 {strides = array<i32>} : memref<8192xf32, #tpu.memory_space<vmem>>, vector<16xf32>,
      %mul3A_980 = arith.constant 64 : i32
      %mul3A_981 = arith.muli %scan3A_93, %mul3A_980 : i32
      %add3A_982 = arith.constant 48 : i32
      %add3A_983 = arith.addi %mul3A_981, %add3A_982 : i32
      %swap3A_984 = arith.index_cast %add3A_983 : i32 to index
      %swap3A_985 = tpu.vector_load %arg21[%swap3A_984] {strides = array<i32>} : memref<8192xf32, #tpu.memory_space<vmem>>, vector<16xf32>,
      tpu.vector_store %arg21[%swap3A_984], %add3A_961 {strides = array<i32>} : memref<8192xf32, #tpu.memory_space<vmem>>, vector<16xf32>,
    }
    %scan3A_79 = arith.constant 128 : i32
    %add3A_80 = arith.constant 384 : i32
    %add3A_81 = arith.addi %mul3A_2, %add3A_80 : i32
    %mul3A_82 = arith.constant 64 : i32
    %mul3A_83 = arith.muli %add3A_81, %mul3A_82 : i32
    "tpu.region"() ({
      %run_scoped3A = tpu.sem_alloc : memref<!tpu.dma_semaphore, #tpu.memory_space<semaphore_mem>>
      %dma_start3A_93 = tpu.memref_slice %arg10[%mul3A_83] : memref<1048576xf32, #tpu.memory_space<hbm>> -> memref<8192xf32, #tpu.memory_space<hbm>>
      %dma_start3A_94 = tpu.memref_slice %arg10[%mul3A_83] : memref<1048576xf32, #tpu.memory_space<hbm>> -> memref<8192xf32, #tpu.memory_space<hbm>>
      tpu.enqueue_dma source(%arg20 : memref<8192xf32, #tpu.memory_space<vmem>>) target(%dma_start3A_94 : memref<8192xf32, #tpu.memory_space<hbm>>) target_semaphore(%run_scoped3A : memref<!tpu.dma_semaphore, #tpu.memory_space<semaphore_mem>>)
      %dma_wait3A_95 = tpu.memref_slice %arg10[%mul3A_83] : memref<1048576xf32, #tpu.memory_space<hbm>> -> memref<8192xf32, #tpu.memory_space<hbm>>
      %dma_wait3A_96 = tpu.memref_slice %arg10[%mul3A_83] : memref<1048576xf32, #tpu.memory_space<hbm>> -> memref<8192xf32, #tpu.memory_space<hbm>>
      tpu.wait_dma2 semaphore(%run_scoped3A : memref<!tpu.dma_semaphore, #tpu.memory_space<semaphore_mem>>) src(%arg20 : memref<8192xf32, #tpu.memory_space<vmem>>) dst(%dma_wait3A_96 : memref<8192xf32, #tpu.memory_space<hbm>>)
      tpu.yield
    }) : () -> ()
    %add3A_84 = arith.constant 384 : i32
    %add3A_85 = arith.addi %mul3A_2, %add3A_84 : i32
    %mul3A_86 = arith.constant 64 : i32
    %mul3A_87 = arith.muli %add3A_85, %mul3A_86 : i32
    "tpu.region"() ({
      %run_scoped3A = tpu.sem_alloc : memref<!tpu.dma_semaphore, #tpu.memory_space<semaphore_mem>>
      %dma_start3A_93 = tpu.memref_slice %arg11[%mul3A_87] : memref<1048576xf32, #tpu.memory_space<hbm>> -> memref<8192xf32, #tpu.memory_space<hbm>>
      %dma_start3A_94 = tpu.memref_slice %arg11[%mul3A_87] : memref<1048576xf32, #tpu.memory_space<hbm>> -> memref<8192xf32, #tpu.memory_space<hbm>>
      tpu.enqueue_dma source(%arg21 : memref<8192xf32, #tpu.memory_space<vmem>>) target(%dma_start3A_94 : memref<8192xf32, #tpu.memory_space<hbm>>) target_semaphore(%run_scoped3A : memref<!tpu.dma_semaphore, #tpu.memory_space<semaphore_mem>>)
      %dma_wait3A_95 = tpu.memref_slice %arg11[%mul3A_87] : memref<1048576xf32, #tpu.memory_space<hbm>> -> memref<8192xf32, #tpu.memory_space<hbm>>
      %dma_wait3A_96 = tpu.memref_slice %arg11[%mul3A_87] : memref<1048576xf32, #tpu.memory_space<hbm>> -> memref<8192xf32, #tpu.memory_space<hbm>>
      tpu.wait_dma2 semaphore(%run_scoped3A : memref<!tpu.dma_semaphore, #tpu.memory_space<semaphore_mem>>) src(%arg21 : memref<8192xf32, #tpu.memory_space<vmem>>) dst(%dma_wait3A_96 : memref<8192xf32, #tpu.memory_space<hbm>>)
      tpu.yield
    }) : () -> ()
    %dma_wait3A_88 = arith.constant 0 : i32
    %dma_wait3A_89 = arith.constant 0 : i32
    %dma_wait3A_90 = tpu.memref_slice %arg6[%dma_wait3A_88, %dma_wait3A_89] : memref<1000000x64xf32, #tpu.memory_space<hbm>> -> memref<1000000x64xf32, #tpu.memory_space<hbm>>
    tpu.wait_indirect_dma semaphore(%arg22 : memref<!tpu.dma_semaphore, #tpu.memory_space<semaphore_mem>>) src(%dma_wait3A_90 : memref<1000000x64xf32, #tpu.memory_space<hbm>>) dst(%arg14 : memref<256x64xf32, #tpu.memory_space<vmem>>)
    %add3A_91 = arith.constant 256 : i32
    %add3A_92 = arith.addi %mul3A_2, %add3A_91 : i32
    "tpu.region"() ({
      %run_scoped3A = tpu.sem_alloc : memref<!tpu.dma_semaphore, #tpu.memory_space<semaphore_mem>>
      %dma_start3A_93 = arith.constant 0 : i32
      %dma_start3A_94 = tpu.memref_slice %arg9[%add3A_92, %dma_start3A_93] : memref<16384x64xf32, #tpu.memory_space<hbm>> -> memref<256x64xf32, #tpu.memory_space<hbm>>
      %dma_start3A_95 = arith.constant 0 : i32
      %dma_start3A_96 = tpu.memref_slice %arg9[%add3A_92, %dma_start3A_95] : memref<16384x64xf32, #tpu.memory_space<hbm>> -> memref<256x64xf32, #tpu.memory_space<hbm>>
      tpu.enqueue_dma source(%arg14 : memref<256x64xf32, #tpu.memory_space<vmem>>) target(%dma_start3A_96 : memref<256x64xf32, #tpu.memory_space<hbm>>) target_semaphore(%run_scoped3A : memref<!tpu.dma_semaphore, #tpu.memory_space<semaphore_mem>>)
      %dma_wait3A_97 = arith.constant 0 : i32
      %dma_wait3A_98 = tpu.memref_slice %arg9[%add3A_92, %dma_wait3A_97] : memref<16384x64xf32, #tpu.memory_space<hbm>> -> memref<256x64xf32, #tpu.memory_space<hbm>>
      %dma_wait3A_99 = arith.constant 0 : i32
      %dma_wait3A_100 = tpu.memref_slice %arg9[%add3A_92, %dma_wait3A_99] : memref<16384x64xf32, #tpu.memory_space<hbm>> -> memref<256x64xf32, #tpu.memory_space<hbm>>
      tpu.wait_dma2 semaphore(%run_scoped3A : memref<!tpu.dma_semaphore, #tpu.memory_space<semaphore_mem>>) src(%arg14 : memref<256x64xf32, #tpu.memory_space<vmem>>) dst(%dma_wait3A_100 : memref<256x64xf32, #tpu.memory_space<hbm>>)
      tpu.yield
    }) : () -> ()
    return
  }
}

module attributes {stable_mosaic.version = 14 : i64} {
  func.func @body(%arg0: i32, %arg1: memref<2048x64xf32, #tpu.memory_space<vmem>>, %arg2: memref<2048x64xf32, #tpu.memory_space<vmem>>, %arg3: memref<2048x64xf32, #tpu.memory_space<vmem>>, %arg4: memref<192x128xf32, #tpu.memory_space<vmem>>, %arg5: memref<4x128xf32, #tpu.memory_space<vmem>>, %arg6: memref<128x64xf32, #tpu.memory_space<vmem>>, %arg7: memref<1x64xf32, #tpu.memory_space<vmem>>, %arg8: memref<2048x64xf32, #tpu.memory_space<vmem>>) attributes {dimension_semantics = [#tpu.dimension_semantics<arbitrary>], iteration_bounds = array<i64: 8>, scalar_prefetch = 0 : i64, scratch_operands = 0 : i64, tpu.core_type = #tpu.core_type<tc>, window_params = [{transform_indices = @transform_0, window_bounds = array<i64: 2048, 64>}, {transform_indices = @transform_1, window_bounds = array<i64: 2048, 64>}, {transform_indices = @transform_2, window_bounds = array<i64: 2048, 64>}, {pipeline_mode = #tpu.pipeline_mode<synchronous>, transform_indices = @transform_3, window_bounds = array<i64: 192, 128>}, {pipeline_mode = #tpu.pipeline_mode<synchronous>, transform_indices = @transform_4, window_bounds = array<i64: 4, 128>}, {pipeline_mode = #tpu.pipeline_mode<synchronous>, transform_indices = @transform_5, window_bounds = array<i64: 128, 64>}, {pipeline_mode = #tpu.pipeline_mode<synchronous>, transform_indices = @transform_6, window_bounds = array<i64: 1, 64>}, {transform_indices = @transform_7, window_bounds = array<i64: 2048, 64>}]} {
    %get3A = arith.constant 0 : index
    %get3A_0 = arith.constant 0 : index
    %get3A_1 = vector.load %arg1[%get3A, %get3A_0] : memref<2048x64xf32, #tpu.memory_space<vmem>>, vector<2048x64xf32>
    %get3A_2 = arith.constant 0 : index
    %get3A_3 = arith.constant 0 : index
    %get3A_4 = vector.load %arg4[%get3A_2, %get3A_3] : memref<192x128xf32, #tpu.memory_space<vmem>>, vector<64x128xf32>
    %dot_general3A = arith.constant dense<0.000000e+00> : vector<2048x128xf32>
    %dot_general3A_5 = tpu.matmul %get3A_1, %get3A_4, %dot_general3A {dimension_numbers = #tpu.dot_dimension_numbers<[1], [0], [0], [1], [0, 0, 1, 1], [], []>, transpose_lhs_hint = false} : vector<2048x64xf32>, vector<64x128xf32>, vector<2048x128xf32> -> vector<2048x128xf32>
    %get3A_6 = arith.constant 0 : index
    %get3A_7 = arith.constant 0 : index
    %get3A_8 = vector.load %arg2[%get3A_6, %get3A_7] : memref<2048x64xf32, #tpu.memory_space<vmem>>, vector<2048x64xf32>
    %get3A_9 = arith.constant 64 : index
    %get3A_10 = arith.constant 0 : index
    %get3A_11 = vector.load %arg4[%get3A_9, %get3A_10] : memref<192x128xf32, #tpu.memory_space<vmem>>, vector<64x128xf32>
    %dot_general3A_12 = arith.constant dense<0.000000e+00> : vector<2048x128xf32>
    %dot_general3A_13 = tpu.matmul %get3A_8, %get3A_11, %dot_general3A_12 {dimension_numbers = #tpu.dot_dimension_numbers<[1], [0], [0], [1], [0, 0, 1, 1], [], []>, transpose_lhs_hint = false} : vector<2048x64xf32>, vector<64x128xf32>, vector<2048x128xf32> -> vector<2048x128xf32>
    %add3A = arith.addf %dot_general3A_5, %dot_general3A_13 : vector<2048x128xf32>
    %get3A_14 = arith.constant 0 : index
    %get3A_15 = arith.constant 0 : index
    %get3A_16 = vector.load %arg3[%get3A_14, %get3A_15] : memref<2048x64xf32, #tpu.memory_space<vmem>>, vector<2048x64xf32>
    %get3A_17 = arith.constant 128 : index
    %get3A_18 = arith.constant 0 : index
    %get3A_19 = vector.load %arg4[%get3A_17, %get3A_18] : memref<192x128xf32, #tpu.memory_space<vmem>>, vector<64x128xf32>
    %dot_general3A_20 = arith.constant dense<0.000000e+00> : vector<2048x128xf32>
    %dot_general3A_21 = tpu.matmul %get3A_16, %get3A_19, %dot_general3A_20 {dimension_numbers = #tpu.dot_dimension_numbers<[1], [0], [0], [1], [0, 0, 1, 1], [], []>, transpose_lhs_hint = false} : vector<2048x64xf32>, vector<64x128xf32>, vector<2048x128xf32> -> vector<2048x128xf32>
    %add3A_22 = arith.addf %add3A, %dot_general3A_21 : vector<2048x128xf32>
    %get3A_23 = arith.constant 0 : index
    %get3A_24 = arith.constant 0 : index
    %get3A_25 = vector.load %arg5[%get3A_23, %get3A_24] : memref<4x128xf32, #tpu.memory_space<vmem>>, vector<1x128xf32>
    %add3A_26 = vector.broadcast %get3A_25 : vector<1x128xf32> to vector<2048x128xf32>
    %add3A_27 = arith.addf %add3A_22, %add3A_26 : vector<2048x128xf32>
    %reduce_sum3A = arith.constant dense<0.000000e+00> : vector<2048xf32>
    %reduce_sum3A_28 = vector.multi_reduction <add>, %add3A_27, %reduce_sum3A [1] : vector<2048x128xf32> to vector<2048xf32>
    %broadcast_in_dim3A = vector.shape_cast %reduce_sum3A_28 : vector<2048xf32> to vector<2048x1xf32>
    %div3A = arith.constant 1.280000e+02 : f32
    %div3A_29 = vector.broadcast %div3A : f32 to vector<2048x1xf32>
    %div3A_30 = arith.divf %broadcast_in_dim3A, %div3A_29 : vector<2048x1xf32>
    %sub3A = vector.broadcast %div3A_30 : vector<2048x1xf32> to vector<2048x128xf32>
    %sub3A_31 = arith.subf %add3A_27, %sub3A : vector<2048x128xf32>
    %mul3A = arith.mulf %sub3A_31, %sub3A_31 : vector<2048x128xf32>
    %reduce_sum3A_32 = arith.constant dense<0.000000e+00> : vector<2048xf32>
    %reduce_sum3A_33 = vector.multi_reduction <add>, %mul3A, %reduce_sum3A_32 [1] : vector<2048x128xf32> to vector<2048xf32>
    %broadcast_in_dim3A_34 = vector.shape_cast %reduce_sum3A_33 : vector<2048xf32> to vector<2048x1xf32>
    %div3A_35 = arith.constant 1.280000e+02 : f32
    %div3A_36 = vector.broadcast %div3A_35 : f32 to vector<2048x1xf32>
    %div3A_37 = arith.divf %broadcast_in_dim3A_34, %div3A_36 : vector<2048x1xf32>
    %add3A_38 = arith.constant 9.99999974E-6 : f32
    %add3A_39 = vector.broadcast %add3A_38 : f32 to vector<2048x1xf32>
    %add3A_40 = arith.addf %div3A_37, %add3A_39 : vector<2048x1xf32>
    %rsqrt3A = math.rsqrt %add3A_40 : vector<2048x1xf32>
    %mul3A_41 = vector.broadcast %rsqrt3A : vector<2048x1xf32> to vector<2048x128xf32>
    %mul3A_42 = arith.mulf %sub3A_31, %mul3A_41 : vector<2048x128xf32>
    %get3A_43 = arith.constant 1 : index
    %get3A_44 = arith.constant 0 : index
    %get3A_45 = vector.load %arg5[%get3A_43, %get3A_44] : memref<4x128xf32, #tpu.memory_space<vmem>>, vector<1x128xf32>
    %mul3A_46 = vector.broadcast %get3A_45 : vector<1x128xf32> to vector<2048x128xf32>
    %mul3A_47 = arith.mulf %mul3A_42, %mul3A_46 : vector<2048x128xf32>
    %get3A_48 = arith.constant 2 : index
    %get3A_49 = arith.constant 0 : index
    %get3A_50 = vector.load %arg5[%get3A_48, %get3A_49] : memref<4x128xf32, #tpu.memory_space<vmem>>, vector<1x128xf32>
    %add3A_51 = vector.broadcast %get3A_50 : vector<1x128xf32> to vector<2048x128xf32>
    %add3A_52 = arith.addf %mul3A_47, %add3A_51 : vector<2048x128xf32>
    %max3A = arith.constant 0.000000e+00 : f32
    %max3A_53 = vector.broadcast %max3A : f32 to vector<2048x128xf32>
    %max3A_54 = arith.maximumf %add3A_52, %max3A_53 : vector<2048x128xf32>
    %get3A_55 = arith.constant 0 : index
    %get3A_56 = arith.constant 0 : index
    %get3A_57 = vector.load %arg6[%get3A_55, %get3A_56] : memref<128x64xf32, #tpu.memory_space<vmem>>, vector<128x64xf32>
    %dot_general3A_58 = arith.constant dense<0.000000e+00> : vector<2048x64xf32>
    %dot_general3A_59 = tpu.matmul %max3A_54, %get3A_57, %dot_general3A_58 {dimension_numbers = #tpu.dot_dimension_numbers<[1], [0], [0], [1], [0, 0, 1, 1], [], []>, transpose_lhs_hint = false} : vector<2048x128xf32>, vector<128x64xf32>, vector<2048x64xf32> -> vector<2048x64xf32>
    %get3A_60 = arith.constant 0 : index
    %get3A_61 = arith.constant 0 : index
    %get3A_62 = vector.load %arg7[%get3A_60, %get3A_61] : memref<1x64xf32, #tpu.memory_space<vmem>>, vector<1x64xf32>
    %add3A_63 = vector.broadcast %get3A_62 : vector<1x64xf32> to vector<2048x64xf32>
    %add3A_64 = arith.addf %dot_general3A_59, %add3A_63 : vector<2048x64xf32>
    %mul3A_65 = arith.mulf %add3A_64, %add3A_64 : vector<2048x64xf32>
    %reduce_sum3A_66 = arith.constant dense<0.000000e+00> : vector<2048xf32>
    %reduce_sum3A_67 = vector.multi_reduction <add>, %mul3A_65, %reduce_sum3A_66 [1] : vector<2048x64xf32> to vector<2048xf32>
    %broadcast_in_dim3A_68 = vector.shape_cast %reduce_sum3A_67 : vector<2048xf32> to vector<2048x1xf32>
    %sqrt3A = math.sqrt %broadcast_in_dim3A_68 : vector<2048x1xf32>
    %max3A_69 = arith.constant 9.99999996E-13 : f32
    %max3A_70 = vector.broadcast %max3A_69 : f32 to vector<2048x1xf32>
    %max3A_71 = arith.maximumf %sqrt3A, %max3A_70 : vector<2048x1xf32>
    %div3A_72 = vector.broadcast %max3A_71 : vector<2048x1xf32> to vector<2048x64xf32>
    %div3A_73 = arith.divf %add3A_64, %div3A_72 : vector<2048x64xf32>
    %swap3A = arith.constant 0 : index
    %swap3A_74 = arith.constant 0 : index
    %swap3A_75 = vector.load %arg8[%swap3A, %swap3A_74] : memref<2048x64xf32, #tpu.memory_space<vmem>>, vector<2048x64xf32>
    tpu.vector_store %arg8[%swap3A, %swap3A_74], %div3A_73 {strides = array<i32>} : memref<2048x64xf32, #tpu.memory_space<vmem>>, vector<2048x64xf32>,
    return
  }
  func.func @transform_0(%arg0: i32) -> (i32, i32) {
    %c0_i32 = arith.constant 0 : i32
    %c0_i32_0 = arith.constant 0 : i32
    return %arg0, %c0_i32 : i32, i32
  }
  func.func @transform_1(%arg0: i32) -> (i32, i32) {
    %c0_i32 = arith.constant 0 : i32
    %c0_i32_0 = arith.constant 0 : i32
    return %arg0, %c0_i32 : i32, i32
  }
  func.func @transform_2(%arg0: i32) -> (i32, i32) {
    %c0_i32 = arith.constant 0 : i32
    %c0_i32_0 = arith.constant 0 : i32
    return %arg0, %c0_i32 : i32, i32
  }
  func.func @transform_3(%arg0: i32) -> (i32, i32) {
    %c0_i32 = arith.constant 0 : i32
    %c0_i32_0 = arith.constant 0 : i32
    %c0_i32_1 = arith.constant 0 : i32
    return %c0_i32, %c0_i32_0 : i32, i32
  }
  func.func @transform_4(%arg0: i32) -> (i32, i32) {
    %c0_i32 = arith.constant 0 : i32
    %c0_i32_0 = arith.constant 0 : i32
    %c0_i32_1 = arith.constant 0 : i32
    return %c0_i32, %c0_i32_0 : i32, i32
  }
  func.func @transform_5(%arg0: i32) -> (i32, i32) {
    %c0_i32 = arith.constant 0 : i32
    %c0_i32_0 = arith.constant 0 : i32
    %c0_i32_1 = arith.constant 0 : i32
    return %c0_i32, %c0_i32_0 : i32, i32
  }
  func.func @transform_6(%arg0: i32) -> (i32, i32) {
    %c0_i32 = arith.constant 0 : i32
    %c0_i32_0 = arith.constant 0 : i32
    %c0_i32_1 = arith.constant 0 : i32
    return %c0_i32, %c0_i32_0 : i32, i32
  }
  func.func @transform_7(%arg0: i32) -> (i32, i32) {
    %c0_i32 = arith.constant 0 : i32
    %c0_i32_0 = arith.constant 0 : i32
    return %arg0, %c0_i32 : i32, i32
  }
}

</mosaic_0001>

<sc_bundles>
// kernel: kernel.4.cloned.1.call-start
scs
__scs_entry_jumppad:
0x0: {  	(pc) =	sbr.rel $0x88, $3  }
0x1: {  	(tag) =	ssettag $0x0;
	lr =	simm.s32 $0x1  }
0x2: {  	[smem:$0x3F90] =	sst lr;
	_ =	strace $0xD0000000  }
0x3: {  	_ = 	snop  }
0x4: {  	_ = 	snop  }
0x5: {  	_ = 	snop  }
0x6: {  	_ = 	snop  }
0x7: {  	_ = 	snop  }
__scs_overlays_trampoline_lowered:
0x8: {  	[smem:$0x3F9F] =	sst s0  }
0x9: {  	[smem:$0x3FA0] =	sst s1  }
0xa: {  	[smem:$0x3FA1] =	sst s2  }
0xb: {  	[smem:$0x3FA2] =	sst s3  }
0xc: {  	[smem:$0x3FA3] =	sst s4  }
0xd: {  	[smem:$0x3FA4] =	sst s5  }
0xe: {  	[smem:$0x3FA5] =	sst s6  }
0xf: {  	[smem:$0x3FA6] =	sst s7  }
0x10: {  	[smem:$0x3FA7] =	sst s8  }
0x11: {  	[smem:$0x3FA8] =	sst s9;
	s0 =	simm.s32 @!p0 $0x0  }
0x12: {  	s1 =	sld [smem:$0x3F8E];
	s0 =	simm.s32 @p0 $0x1  }
0x13: {  	[smem:$0x3FA9] =	sst s0;
	s0 =	simm.s32 @!p1 $0x0  }
0x14: {  	s2 =	sld [smem:$0x3F8D];
	s0 =	simm.s32 @p1 $0x1  }
0x15: {  	[smem:$0x3FAA] =	sst s0;
	s0 =	simm.s32 @!p2 $0x0  }
0x16: {  	s3 =	sld [smem:$0x3FDB];
	s0 =	simm.s32 @p2 $0x1  }
0x17: {  	s4 =	simm.s32 $0x1BF5;
	[smem:$0x3FAC] =	sst s0  }
0x18: {  	s0 =	sld [smem:$0x3F8F];
	_ =	swait.ge [sflag:s4], $0x0  }
0x19: {  	s7 =	sld [smem:$0x3F90]  }
0x1a: {  	s8 =	sadd.s32 $0xFFFFE003, lr  }
0x1b: {  	s9 =	sadd.s32 $0xFFFFFEF7, lr;
	s5 =	simm.s32 $0xFFFFFFFF;
	p2 =	slt.u32 s8, $0xFFFFF086  }
0x1c: {  	p1 =	slt.u32 s9, $0xF7A;
	s5 =	simm.s32 @!p2 $0x0  }
0x1d: {  	s5 =	simm.s32 @p1 $0x1;
	p0 =	seq.s32 s7, s2  }
0x1e: {  	s7 =	smul.u32 @!p0 $0xF7A, s2;
	p2 =	seq.s32 @!p0 s5, $0x0  }
0x1f: {  	s9 =	smul.u32 $0xF7A, s1;
	s8 =	simm.s32 @!p0 $0x1BF5;
	p2 =	por !p2, p0  }
0x20: {  	[sflag:s8] =	ssyncset.s32 @!p0 $0xFFFFF086;
	s6 =	sadd.s32 @!p0 s3, s7;
	s7 =	simm.s32 @!p0 $0x108  }
0x21: {  	s3 =	sadd.s32 s3, s9;
	s6 =	sadd.s32 @!p0 $0x88, s6;
	s7 =	simm.s32 @p2 $0x1082  }
0x22: {  	[simem:s7], [sflag:s8] =	dma.local @!p0 [hbm:s6], $0xF7A  }
0x23: {  	s9 =	sor.u32 $0xD0000000, s2;
	s6 =	simm.s32 $0x108;
	_ =	swait.ge @!p0 [sflag:s8], $0x0  }
0x24: {  	s3 =	sadd.s32 $0x88, s3;
	s6 =	simm.s32 @!p1 $0x1082;
	[sflag:s4] =	ssyncset.s32 $0xFFFFF086  }
0x25: {  	[simem:s6], [sflag:s4] =	dma.local [hbm:s3], $0xF7A  }
0x26: {  	[smem:$0x3F90] =	sst s1;
	(tag) =	ssettag s2;
	_ =	strace s9  }
0x27: {  	s1 =	sld [smem:$0x3FA0]  }
0x28: {  	s2 =	sld [smem:$0x3FA1]  }
0x29: {  	s4 =	sld [smem:$0x3FA3]  }
0x2a: {  	p0 =	seq.s32 s5, $0x0;
	s5 =	sld [smem:$0x3FA4]  }
0x2b: {  	s6 =	sld [smem:$0x3FA5]  }
0x2c: {  	s7 =	sld [smem:$0x3FA6]  }
0x2d: {  	s3 =	simm.s32 $0x108;
	s8 =	sld [smem:$0x3FA7]  }
0x2e: {  	s3 =	simm.s32 @!p0 $0x1082;
	s9 =	sld [smem:$0x3FA8]  }
0x2f: {  	lr =	sadd.s32 s0, s3;
	s0 =	sld [smem:$0x3F9F]  }
0x30: {  	s3 =	sld [smem:$0x3FA2]  }
0x31: {  	[smem:$0x3FAB] =	sst s10  }
0x32: {  	s10 =	sld [smem:$0x3FA9];
	_ =	sdelay $0x3  }
0x33: {  	p0 =	seq.s32 s10, $0x1;
	s10 =	sld [smem:$0x3FAB];
	_ =	sdelay $0x3  }
0x34: {  	[smem:$0x3FAB] =	sst s10  }
0x35: {  	s10 =	sld [smem:$0x3FAA];
	_ =	sdelay $0x3  }
0x36: {  	p1 =	seq.s32 s10, $0x1;
	s10 =	sld [smem:$0x3FAB];
	_ =	sdelay $0x3  }
0x37: {  	[smem:$0x3FAB] =	sst s10  }
0x38: {  	s10 =	sld [smem:$0x3FAC]  }
0x39: {  	_ = 	snop;
	(pc) =	sbr.ind lr, $3  }
0x3a: {  	_ = 	snop  }
0x3b: {  	_ = 	snop  }
0x3c: {  	p2 =	seq.s32 s10, $0x1;
	s10 =	sld [smem:$0x3FAB]  }
0x3d: {  	_ =	shalt  }
0x3e: {  	_ =	shalt  }
0x3f: {  	_ =	shalt  }
0x40: {  	_ =	shalt  }
0x41: {  	_ =	shalt  }
0x42: {  	_ =	shalt  }
0x43: {  	_ =	shalt  }
0x44: {  	_ =	shalt  }
0x45: {  	_ =	shalt  }
0x46: {  	_ =	shalt  }
0x47: {  	_ =	shalt  }
0x48: {  	_ =	shalt  }
0x49: {  	_ =	shalt  }
0x4a: {  	_ =	shalt  }
0x4b: {  	_ =	shalt  }
0x4c: {  	_ =	shalt  }
0x4d: {  	_ =	shalt  }
0x4e: {  	_ =	shalt  }
0x4f: {  	_ =	shalt  }
0x50: {  	_ =	shalt  }
0x51: {  	_ =	shalt  }
0x52: {  	_ =	shalt  }
0x53: {  	_ =	shalt  }
0x54: {  	_ =	shalt  }
0x55: {  	_ =	shalt  }
0x56: {  	_ =	shalt  }
0x57: {  	_ =	shalt  }
0x58: {  	_ =	shalt  }
0x59: {  	_ =	shalt  }
0x5a: {  	_ =	shalt  }
0x5b: {  	_ =	shalt  }
0x5c: {  	_ =	shalt  }
0x5d: {  	_ =	shalt  }
0x5e: {  	_ =	shalt  }
0x5f: {  	_ =	shalt  }
0x60: {  	_ =	shalt  }
0x61: {  	_ =	shalt  }
0x62: {  	_ =	shalt  }
0x63: {  	_ =	shalt  }
0x64: {  	_ =	shalt  }
0x65: {  	_ =	shalt  }
0x66: {  	_ =	shalt  }
0x67: {  	_ =	shalt  }
0x68: {  	_ =	shalt  }
0x69: {  	_ =	shalt  }
0x6a: {  	_ =	shalt  }
0x6b: {  	_ =	shalt  }
0x6c: {  	_ =	shalt  }
0x6d: {  	_ =	shalt  }
0x6e: {  	_ =	shalt  }
0x6f: {  	_ =	shalt  }
0x70: {  	_ =	shalt  }
0x71: {  	_ =	shalt  }
0x72: {  	_ =	shalt  }
0x73: {  	_ =	shalt  }
0x74: {  	_ =	shalt  }
0x75: {  	_ =	shalt  }
0x76: {  	_ =	shalt  }
0x77: {  	_ =	shalt  }
0x78: {  	_ =	shalt  }
0x79: {  	_ =	shalt  }
0x7a: {  	_ =	shalt  }
0x7b: {  	_ =	shalt  }
0x7c: {  	_ =	shalt  }
0x7d: {  	_ =	shalt  }
0x7e: {  	_ =	shalt  }
0x7f: {  	_ =	shalt  }
0x80: {  	_ =	shalt  }
0x81: {  	_ =	shalt  }
0x82: {  	_ =	shalt  }
0x83: {  	_ =	shalt  }
0x84: {  	_ =	shalt  }
0x85: {  	_ =	shalt  }
0x86: {  	_ =	shalt  }
0x87: {  	_ =	shalt  }
.Lfunc_end0:
.L_simem_size_0:
called_computation_lowered:
.L_overlay_start_0:
0x88: {  	s2 =	sld [smem:$0x3FD9]  }
0x89: {  	s3 =	sld [smem:$0x3FFE];
	_ =	sdelay $0x1  }
0x8a: {  	s1 =	srdreg.scid  }
0x8b: {  	s0 =	sand.u32 $0x1, s1  }
0x8c: {  	s17 =	sshll.u32 s0, $0xA;
	s2 =	sadd.s32 s3, s2  }
0x8d: {  	s2 =	sadd.s32 s2, s17  }
0x8e: {  	[smem:$0x3FB7] =	sst s2  }
0x8f: {  	_ = 	snop  }
0x90: {  	s2 =	sld [smem:$0x3FC9]  }
0x91: {  	s18 =	sld [smem:$0x3FD0];
	(tm) =	ssettm $0x1  }
0x92: {  	s4 =	sld [smem:$0x3FFB];
	_ =	sdelay $0x3  }
0x93: {  	_ =	strace s4  }
0x94: {  	s4 =	sld [smem:$0x3FFC];
	_ =	sdelay $0x3  }
0x95: {  	_ =	strace s4  }
0x96: {  	s4 =	sld [smem:$0x3FFD];
	_ =	sdelay $0x3  }
0x97: {  	_ =	strace s4  }
0x98: {  	_ =	strace $0x8FFFFFFF  }
0x99: {  	s19 =	sld [smem:$0x3FDB];
	_ =	sdelay $0x1  }
0x9a: {  	s5 =	simm.s32 $_scs_section_size  }
0x9b: {  	s6 =	simm.s32 $_size__tile_overlayer_lowered;
	s7 =	simm.s32 $_tile_overlayer_lowered  }
0x9c: {  	s22 =	simm.s32 $0x1BFF;
	s21 =	sshll.u32 s7, $0x1;
	s4 =	sadd.s32 s5, s19  }
0x9d: {  	s8 =	simm.s32 $0x0;
	s20 =	sshll.u32 s6, $0x1;
	s6 =	sadd.s32 s21, s4  }
0x9e: {  	[timem:s8], [sflag:s22] =	dma.local [hbm:s6], s20  }
0x9f: {  	_ =	swait.ge [sflag:s22], s20  }
0xa0: {  	s5 =	ssub.s32 $0x0, s20;
	[sflag:s22] =	ssyncset.done $0x0  }
0xa1: {  	[sflag:s22] =	ssyncadd.s32 s5;
	_ =	sdelay $0x1  }
0xa2: {  	s23 =	simm.s32 $0x1B8B  }
0xa3: {  	_ =	swait.ge [sflag:s23], $0x1  }
0xa4: {  	[sflag:s23] =	ssyncset.done $0x0  }
0xa5: {  	s25 =	simm.s32 $0x1B8E;
	s24 =	sld [smem:$0x3FFE];
	[sflag:s23] =	ssyncadd.s32 $0xFFFFFFFF  }
0xa6: {  	s26 =	simm.s32 $execute0_lowered;
	[smem:$0x3FD2] =	sst s25  }
0xa7: {  	s6 =	sshll.u32 s26, $0x1;
	_ =	strace $0x80000046;
	[dreg:$0x1] =	wrdreg $0xFFFFFFFF  }
0xa8: {  	s28 =	simm.s32 $_size_execute0_lowered;
	s4 =	sadd.s32 s4, s6;
	[dreg:$0x0] =	wrdreg $0x0  }
0xa9: {  	s6 =	sshll.u32 s28, $0x1;
	[dreg:$0x2] =	wrdreg s4  }
0xaa: {  	[dreg:$0x3] =	wrdreg s6  }
0xab: {  	[dreg:$0x4] =	wrdreg $0xC0  }
0xac: {  	_ =	task [dreg:s8], $0x5FFFF  }
0xad: {  	[dreg:$0x1] =	wrdreg $0xFFFFFFFF  }
0xae: {  	[dreg:$0x0] =	wrdreg $0x60  }
0xaf: {  	[dreg:$0x2] =	wrdreg s2  }
0xb0: {  	[dreg:$0x3] =	wrdreg s24  }
0xb1: {  	[dreg:$0x4] =	wrdreg s18  }
0xb2: {  	[dreg:$0x5] =	wrdreg $0x9  }
0xb3: {  	_ =	task.clear_ibuf [dreg:s8], $0x6FFFF;
	_ =	strace $0x90000046  }
0xb4: {  	s29 =	simm.s32 $0x9;
	_ =	strace $0x80000048  }
0xb5: {  	_ =	swait.ge [sflag:s29], $0x1  }
0xb6: {  	[sflag:s29] =	ssyncadd.s32 $0xFFFFFFFF  }
0xb7: {  	_ =	strace $0x90000048  }
0xb8: {  	_ =	sfence  }
0xb9: {  	s30 =	sld [smem:$0x0];
	_ =	sdelay $0x2  }
0xba: {  	s31 =	sshll.u32 s1, $0xD;
	s1 =	sshrl.u32 s1, $0x2  }
0xbb: {  	s3 =	sand.u32 $0x4000, s31;
	s1 =	sadd.s32 s1, s30  }
0xbc: {  	s0 =	sor.u32 s3, s0;
	s1 =	sshll.u32 s1, $0x11  }
0xbd: {  	s0 =	sor.u32 s1, s0  }
0xbe: {  	s0 =	sadd.s32 $0x8F2B, s0  }
0xbf: {  	[sflag:s0] =	ssyncadd.remote.s32 $0x1  }
0xc0: {  	_ =	sfence.sel $0xFFFF  }
0xc1: {  	[dreg:$0x0] =	wrdreg $0xFFFFFFFF;
	(pc) =	sbr.abs _section_cstart, $3  }
0xc2: {  	[dreg:$0x1] =	wrdreg $0xFFFFFFFF  }
0xc3: {  	_ =	task.clear_ibuf [dreg:s8], $0x2FFFF;
	_ =	strace $0x9FFFFFFF  }
0xc4: {  	(tm) =	ssettm $0x7FFFFFFF  }
0xc5: {  	_ =	shalt  }
tec
execute0_lowered:
.L_overlay_start_1:
0x0: {  	(tag) =	ssettag $0x1  }
0x1: {  	s0 =	rddreg [dreg:$0x0]  }
0x2: {  	s1 =	srdreg.scid;
	s3 =	rddreg [dreg:$0x1]  }
0x3: {  	s2 =	stileid.u32;
	s5 =	rddreg [dreg:$0x2];
	s28 =	simm.s32 $0x4200  }
0x4: {  	s29 =	simm.s32 $0x6A00;
	s30 =	simm.s32 $0x16400;
	s31 =	simm.s32 $0x19920  }
0x5: {  	s1 =	sand.u32 $0x1, s1;
	s2 =	sshll.u32 s2, $0x1;
	s19 =	sadd.s32 $0xEA00, s3  }
0x6: {  	s10 =	sadd.s32 $0xCA00, s3;
	s20 =	sadd.s32 $0x10400, s3;
	s6 =	sor.u32 s1, s2  }
0x7: {  	s2 =	simm.s32 $0x0;
	s1 =	ssub.s32 $0x2, s1;
	s4 =	smul.u32 $0x500, s6  }
0x8: {  	[smem:$0x7FF] =	sst s2;
	s8 =	sshll.u32 s6, $0x6;
	s21 =	sshll.u32 s6, $0x9  }
0x9: {  	s22 =	sshrl.u32 s1, $0x1;
	_ =	strace $0x80000047;
	[dreg:$0x4] =	wrdreg s19  }
0xa: {  	s25 =	sshll.u32 s6, $0xC;
	s9 =	sadd.s32 s8, s3;
	[dreg:$0x5] =	wrdreg s10  }
0xb: {  	[dreg:$0x6] =	wrdreg s20;
	s20 =	sadd.s32 $0x10600, s3;
	s18 =	sor.u32 $0x100, s21  }
0xc: {  	s1 =	ssub.s32 s1, s22;
	s8 =	sadd.s32 s0, s8;
	s6 =	sor.u32 $0x400, s25  }
0xd: {  	s17 =	sadd.s32 s5, s25;
	s7 =	sadd.s32 s4, s3;
	s4 =	sadd.s32 $0xF44E00, s3  }
0xe: {  	s3 =	sadd.s32 $0x30600, s3;
	s11 =	sshrl.u32 s18, $0x3;
	[dreg:$0x7] =	wrdreg s8  }
0xf: {  	s24 =	sadd.s32 $0xEC00, s9;
	s12 =	sadd.s32 $0xFC00, s9;
	s13 =	sadd.s32 s20, s25  }
0x10: {  	s15 =	sadd.s32 s20, s6;
	s26 =	sshll.u32 s18, $0x3;
	s0 =	sadd.s32 s0, s11  }
0x11: {  	s23 =	sadd.s32 $0x2A00, s7;
	[dreg:$0xa] =	wrdreg s24;
	s11 =	sadd.s32 $0xF400, s9  }
0x12: {  	s14 =	sadd.s32 s3, s25;
	s16 =	sadd.s32 s3, s6;
	s18 =	sadd.s32 s20, s26  }
0x13: {  	v0 =	vimm.f32 $0.0e+00;
	v1 =	vlaneseq.u32;
	s19 =	sadd.s32 s3, s26;
	s22 =	sadd.s32 s5, s26;
	s24 =	simm.s32 $0x2  }
0x14: {  	v2 =	vor.u32 $0x10, v1;
	v3 =	vor.u32 $0x20, v1;
	v4 =	vor.u32 $0x30, v1;
	s26 =	simm.s32 $0x200;
	s5 =	simm.s32 $0x0;
	[dreg:$0x8] =	wrdreg s0  }
0x15: {  	v5 =	vor.u32 $0x500, v1;
	v6 =	vand.u32 $0x7, v1;
	v7 =	vor.u32 $0x510, v1;
	[dreg:$0x9] =	wrdreg s23;
	s0 =	sor.u32 $0xC00, s25;
	s23 =	smax.u32 s1, $0x1  }
0x16: {  	v8 =	vor.u32 $0x520, v1;
	v9 =	vor.u32 $0x530, v1;
	v10 =	vor.u32 $0xA00, v1;
	s25 =	simm.s32 $0x100;
	s1 =	simm.s32 $0x17320;
	s20 =	sadd.s32 s20, s0  }
0x17: {  	v11 =	vor.u32 $0xA10, v1;
	v12 =	vor.u32 $0xA20, v1;
	v13 =	vor.u32 $0xA30, v1;
	s21 =	sadd.s32 s3, s0;
	s0 =	simm.s32 $0x17920;
	s3 =	simm.s32 $0x1  }
.LBB2_1:
0x18: {  	s6 =	rddreg [dreg:$0x7]  }
0x19: {  	[tilespmem:s2], [sflag:$0x2] =	stream.linear.gather [hbm4b:s6+s2], $0x100, $0x38;
	[tilespmem:$0x1B920] =	vst v63  }
0x1a: {  	_ =	swait.ge [sflag:s24], $0x100  }
0x1b: {  	[sflag:s24] =	ssyncset.done $0x0  }
0x1c: {  	[sflag:s24] =	ssyncadd.s32 $0xFFFFFF00  }
0x1d: {  	[tilespmem:s26], [sflag:$0x1] =	stream.indirect.gather [hbm4b:s4+s25], $0x40, s2, s25, $0xb8;
	[tilespmem:$0x1B920] =	vst v63  }
0x1e: {  	s10 =	rddreg [dreg:$0x8]  }
0x1f: {  	[tilespmem:s25], [sflag:$0x2] =	stream.linear.gather [hbm4b:s10+s2], $0x100, $0x38;
	[tilespmem:$0x1B920] =	vst v63  }
0x20: {  	_ =	swait.ge [sflag:s24], $0x100  }
0x21: {  	[sflag:s24] =	ssyncset.done $0x0  }
0x22: {  	s7 =	rddreg [dreg:$0x9];
	[sflag:s24] =	ssyncadd.s32 $0xFFFFFF00  }
0x23: {  	[tilespmem:s28], [sflag:$0x2] =	stream.linear.gather [hbm4b:s7+s2], $0x2800, $0x38;
	[tilespmem:$0x1B920] =	vst v63  }
0x24: {  	_ =	swait.ge [sflag:s24], $0x2800  }
0x25: {  	[sflag:s24] =	ssyncset.done $0x0  }
0x26: {  	s8 =	rddreg [dreg:$0x5];
	[sflag:s24] =	ssyncadd.s32 $0xFFFFD800  }
0x27: {  	[tilespmem:s29], [sflag:$0x2] =	stream.linear.gather [hbm4b:s8+s2], $0xFA00, $0x38;
	[tilespmem:$0x1B920] =	vst v63  }
0x28: {  	_ =	swait.ge [sflag:s24], $0xFA00  }
0x29: {  	[sflag:s24] =	ssyncset.done $0x0  }
0x2a: {  	s9 =	rddreg [dreg:$0x6];
	[sflag:s24] =	ssyncadd.s32 $0xFFFF0600  }
0x2b: {  	[tilespmem:s30], [sflag:$0x2] =	stream.linear.gather [hbm4b:s9+s2], $0xF00, $0x38;
	[tilespmem:$0x1B920] =	vst v63  }
0x2c: {  	_ =	swait.ge [sflag:s24], $0xF00  }
0x2d: {  	[sflag:s24] =	ssyncset.done $0x0  }
0x2e: {  	s7 =	simm.s32 $0x17300;
	s10 =	rddreg [dreg:$0x4];
	[sflag:s24] =	ssyncadd.s32 $0xFFFFF100  }
0x2f: {  	[tilespmem:s7], [sflag:$0x2] =	stream.linear.gather [hbm4b:s10+s2], $0x20, $0x38;
	[tilespmem:$0x1B920] =	vst v63  }
0x30: {  	_ =	swait.ge [sflag:s24], $0x20  }
0x31: {  	[sflag:s24] =	ssyncset.done $0x0  }
0x32: {  	s8 =	rddreg [dreg:$0xa];
	[sflag:s24] =	ssyncadd.s32 $0xFFFFFFE0  }
0x33: {  	[tilespmem:s1], [sflag:$0x2] =	stream.linear.gather [hbm4b:s8+s2], $0x200, $0x38;
	[tilespmem:$0x1B920] =	vst v63  }
0x34: {  	_ =	swait.ge [sflag:s24], $0x200  }
0x35: {  	[sflag:s24] =	ssyncset.done $0x0  }
0x36: {  	s9 =	simm.s32 $0x17520;
	[sflag:s24] =	ssyncadd.s32 $0xFFFFFE00  }
0x37: {  	[tilespmem:s9], [sflag:$0x2] =	stream.linear.gather [hbm4b:s11+s2], $0x200, $0x38;
	[tilespmem:$0x1B920] =	vst v63  }
0x38: {  	_ =	swait.ge [sflag:s24], $0x200  }
0x39: {  	[sflag:s24] =	ssyncset.done $0x0  }
0x3a: {  	s10 =	simm.s32 $0x17720;
	[sflag:s24] =	ssyncadd.s32 $0xFFFFFE00  }
0x3b: {  	[tilespmem:s10], [sflag:$0x2] =	stream.linear.gather [hbm4b:s12+s2], $0x200, $0x38;
	[tilespmem:$0x1B920] =	vst v63  }
0x3c: {  	_ =	swait.ge [sflag:s24], $0x200  }
0x3d: {  	[sflag:s24] =	ssyncset.done $0x0  }
0x3e: {  	[sflag:s24] =	ssyncadd.s32 $0xFFFFFE00  }
0x3f: {  	[tilespmem:$0x6A00] =	vst v0  }
0x40: {  	[tilespmem:$0x6A10] =	vst v0  }
0x41: {  	s6 =	simm.s32 $0x13;
	[tilespmem:$0x6A20] =	vst v0;
	v14 =	vld [tilespmem:$0x17300]  }
0x42: {  	s7 =	simm.s32 $0x17940;
	s8 =	simm.s32 $0x19940;
	s9 =	simm.s32 $0x0;
	[tilespmem:$0x6A30] =	vst v0;
	v15 =	vld [tilespmem:$0x17310]  }
.LBB2_2:
0x43: {  	s10 =	sadd.s32 $0xFFFFFFED, s6  }
0x44: {  	v16 =	vmov s10  }
0x45: {  	v16 =	vand.u32 $0xFFFFFFFC, v16  }
0x46: {  	v16 =	vbroadcast v16, $0x0;
	_ =	sdelay $0x1  }
0x47: {  	s10 =	sadd.s32 $0xFFFFFFEE, s6  }
0x48: {  	v17 =	vmov s10;
	s10 =	sadd.s32 $0xFFFFFFEF, s6  }
0x49: {  	v18 =	vmov s10;
	s10 =	sadd.s32 $0xFFFFFFF0, s6  }
0x4a: {  	v24 =	vmov s10  }
0x4b: {  	v17 =	vand.u32 $0xFFFFFFFD, v17;
	s10 =	sadd.s32 $0xFFFFFFF1, s6;
	v16 =	vld.idx.msk [tilespmem:v16+s28+$0x0], $0xffff  }
0x4c: {  	v17 =	vbroadcast v17, $0x0;
	v18 =	vand.u32 $0xFFFFFFFE, v18;
	v27 =	vmov s10;
	s10 =	sadd.s32 $0xFFFFFFF2, s6  }
0x4d: {  	v18 =	vbroadcast v18, $0x0;
	v27 =	vand.u32 $0xFFFFFFFC, v27;
	v32 =	vmov s10  }
0x4e: {  	v27 =	vbroadcast v27, $0x0;
	v32 =	vand.u32 $0xFFFFFFFD, v32  }
0x4f: {  	v32 =	vbroadcast v32, $0x0;
	v24 =	vld.idx.msk [tilespmem:v24+s28+$0x0], $0xffff  }
0x50: {  	v19 =	vshll.u32 v16, $0x6  }
0x51: {  	v20 =	vor.u32 v1, v19  }
0x52: {  	v17 =	vld.idx.msk [tilespmem:v17+s28+$0x0], $0xffff;
	v21 =	vor.u32 v2, v19  }
0x53: {  	v18 =	vld.idx.msk [tilespmem:v18+s28+$0x0], $0xffff;
	v22 =	vor.u32 v3, v19  }
0x54: {  	v27 =	vld.idx.msk [tilespmem:v27+s28+$0x0], $0xffff;
	v34 =	vshll.u32 v24, $0x6;
	v19 =	vor.u32 v4, v19  }
0x55: {  	v32 =	vld.idx.msk [tilespmem:v32+s28+$0x0], $0xffff;
	v35 =	vor.u32 v1, v34  }
0x56: {  	v36 =	vor.u32 v2, v34;
	v20 =	vld.idx.msk [tilespmem:v20+s29+$0x0], $0xffff  }
0x57: {  	v38 =	vor.u32 v3, v34;
	v21 =	vld.idx.msk [tilespmem:v21+s29+$0x0], $0xffff  }
0x58: {  	v23 =	vshll.u32 v17, $0x6;
	v56 =	vor.u32 v4, v34;
	v22 =	vld.idx.msk [tilespmem:v22+s29+$0x0], $0xffff  }
0x59: {  	v25 =	vor.u32 v1, v23;
	v19 =	vld.idx.msk [tilespmem:v19+s29+$0x0], $0xffff  }
0x5a: {  	vm4 =	vgt.s32 v17, $0x0;
	v26 =	vor.u32 v2, v23;
	v17 =	vld.idx.msk [tilespmem:v35+s29+$0x0], $0xffff  }
0x5b: {  	v28 =	vor.u32 v3, v23;
	v36 =	vld.idx.msk [tilespmem:v36+s29+$0x0], $0xffff  }
0x5c: {  	v23 =	vor.u32 v4, v23;
	v29 =	vshll.u32 v18, $0x6;
	v38 =	vld.idx.msk [tilespmem:v38+s29+$0x0], $0xffff  }
0x5d: {  	s10 =	sadd.s32 $0xFFFFFFF3, s6;
	v30 =	vor.u32 v1, v29;
	v61 =	vld.idx.msk [tilespmem:v56+s29+$0x0], $0xffff  }
0x5e: {  	v37 =	vmov s10;
	v31 =	vor.u32 v2, v29;
	v25 =	vld.idx.msk [tilespmem:v25+s29+$0x0], $0xffff  }
0x5f: {  	s10 =	sadd.s32 $0xFFFFFFF4, s6;
	v37 =	vand.u32 $0xFFFFFFFE, v37;
	v33 =	vor.u32 v3, v29;
	v26 =	vld.idx.msk [tilespmem:v26+s29+$0x0], $0xffff  }
0x60: {  	v45 =	vmov s10;
	s10 =	sadd.s32 $0xFFFFFFF5, s6;
	v57 =	vbroadcast v37, $0x0;
	v29 =	vor.u32 v4, v29;
	v28 =	vld.idx.msk [tilespmem:v28+s29+$0x0], $0xffff  }
0x61: {  	v42 =	vmov s10;
	vm0 =	vgt.s32 v16, $0x0;
	v39 =	vshll.u32 v27, $0x6;
	v23 =	vld.idx.msk [tilespmem:v23+s29+$0x0], $0xffff  }
0x62: {  	v42 =	vand.u32 $0xFFFFFFFC, v42;
	v58 =	vsel vm0, $0x3F800000, v0;
	v59 =	vor.u32 v1, v39;
	v30 =	vld.idx.msk [tilespmem:v30+s29+$0x0], $0xffff  }
0x63: {  	v40 =	vsel vm4, $0x3F800000, v0;
	vm5 =	vgt.s32 v18, $0x0;
	v41 =	vor.u32 v2, v39;
	v31 =	vld.idx.msk [tilespmem:v31+s29+$0x0], $0xffff  }
0x64: {  	s10 =	sadd.s32 $0xFFFFFFF6, s6;
	v37 =	vadd.f32 v40, v58;
	v60 =	vor.u32 v3, v39;
	v63 =	vshll.u32 v32, $0x6;
	v33 =	vld.idx.msk [tilespmem:v33+s29+$0x0], $0xffff  }
0x65: {  	v55 =	vmov s10;
	v47 =	vsel vm5, $0x3F800000, v0;
	v48 =	vor.u32 v2, v63;
	v16 =	vld.idx.msk [tilespmem:v29+s29+$0x0], $0xffff  }
0x66: {  	vm6 =	vgt.s32 v24, $0x0;
	v35 =	vadd.f32 v47, v37;
	v49 =	vor.u32 v3, v63;
	v29 =	vld.idx.msk [tilespmem:v57+s28+$0x0], $0xffff  }
0x67: {  	v50 =	vbroadcast v42, $0x0;
	v24 =	vsel vm6, $0x3F800000, v0;
	v62 =	vor.u32 v4, v39;
	v18 =	vld.idx.msk [tilespmem:v59+s29+$0x0], $0xffff  }
0x68: {  	v42 =	vand.u32 $0xFFFFFFFD, v55;
	vm7 =	vgt.s32 v27, $0x0;
	v24 =	vadd.f32 v24, v35;
	v39 =	vld.idx.msk [tilespmem:v41+s29+$0x0], $0xffff  }
0x69: {  	v46 =	vor.u32 v1, v63;
	v37 =	vld.idx.msk [tilespmem:v60+s29+$0x0], $0xffff;
	v21 =	vadd.f32 $0.0e+00, v21;
	v22 =	vadd.f32 $0.0e+00, v22  }
0x6a: {  	v59 =	vbroadcast v42, $0x0;
	v20 =	vadd.f32 $0.0e+00, v20;
	v19 =	vadd.f32 $0.0e+00, v19;
	v53 =	vld.idx.msk [tilespmem:v48+s29+$0x0], $0xffff  }
0x6b: {  	v27 =	vsel vm7, $0x3F800000, v0;
	v56 =	vld.idx.msk [tilespmem:v49+s29+$0x0], $0xffff;
	v21 =	vadd.f32 v26, v21;
	v22 =	vadd.f32 v28, v22  }
0x6c: {  	v19 =	vadd.f32 v23, v19;
	v26 =	vld.idx.msk [tilespmem:v62+s29+$0x0], $0xffff;
	v28 =	vor.u32 v4, v63;
	v51 =	vshll.u32 v29, $0x6  }
0x6d: {  	s10 =	sadd.s32 $0xFFFFFFF7, s6;
	v20 =	vadd.f32 v25, v20;
	v57 =	vor.u32 v3, v51;
	v22 =	vadd.f32 v33, v22;
	v33 =	vld.idx.msk [tilespmem:v45+s28+$0x0], $0xffff  }
0x6e: {  	v63 =	vmov s10;
	v52 =	vor.u32 v1, v51;
	v16 =	vadd.f32 v16, v19;
	v19 =	vld.idx.msk [tilespmem:v46+s29+$0x0], $0xffff  }
0x6f: {  	v54 =	vor.u32 v2, v51;
	v42 =	vand.u32 $0xFFFFFFFE, v63;
	v20 =	vadd.f32 v30, v20;
	v30 =	vld.idx.msk [tilespmem:v50+s28+$0x0], $0xffff  }
0x70: {  	v58 =	vor.u32 v4, v51;
	v21 =	vadd.f32 v31, v21;
	v47 =	vbroadcast v42, $0x0;
	v31 =	vld.idx.msk [tilespmem:v59+s28+$0x0], $0xffff  }
0x71: {  	vm8 =	vgt.s32 v32, $0x0;
	v24 =	vadd.f32 v27, v24;
	s10 =	sadd.s32 $0xFFFFFFF8, s6;
	v17 =	vadd.f32 v17, v20;
	v20 =	vld.idx.msk [tilespmem:v28+s29+$0x0], $0xffff  }
0x72: {  	v49 =	vsel vm8, $0x3F800000, v0;
	v27 =	vld.idx.msk [tilespmem:v57+s29+$0x0], $0xffff;
	v57 =	vmov s10;
	v60 =	vshll.u32 v33, $0x6  }
0x73: {  	v24 =	vadd.f32 v49, v24;
	v16 =	vadd.f32 v61, v16;
	v23 =	vld.idx.msk [tilespmem:v52+s29+$0x0], $0xffff;
	v61 =	vor.u32 v1, v60  }
0x74: {  	vm9 =	vgt.s32 v29, $0x0;
	v22 =	vadd.f32 v38, v22;
	v38 =	vld.idx.msk [tilespmem:v54+s29+$0x0], $0xffff;
	v62 =	vor.u32 v2, v60  }
0x75: {  	v21 =	vadd.f32 v36, v21;
	v17 =	vadd.f32 v18, v17;
	v18 =	vld.idx.msk [tilespmem:v58+s29+$0x0], $0xffff;
	v45 =	vor.u32 v3, v60  }
0x76: {  	v55 =	vsel vm9, $0x3F800000, v0;
	v48 =	vshll.u32 v30, $0x6;
	v46 =	vor.u32 v4, v60;
	v36 =	vld.idx.msk [tilespmem:v47+s28+$0x0], $0xffff  }
0x77: {  	v21 =	vadd.f32 v39, v21;
	v22 =	vadd.f32 v37, v22;
	v50 =	vor.u32 v1, v48;
	v40 =	vld.idx.msk [tilespmem:v57+s28+$0x0], $0xffff  }
0x78: {  	v16 =	vadd.f32 v26, v16;
	v58 =	vadd.f32 v55, v24;
	v51 =	vor.u32 v2, v48;
	v25 =	vld.idx.msk [tilespmem:v61+s29+$0x0], $0xffff  }
0x79: {  	vm10 =	vgt.s32 v33, $0x0;
	v52 =	vadd.f32 v53, v21;
	v53 =	vor.u32 v3, v48;
	v26 =	vld.idx.msk [tilespmem:v62+s29+$0x0], $0xffff  }
0x7a: {  	v22 =	vadd.f32 v56, v22;
	v54 =	vor.u32 v4, v48;
	v56 =	vshll.u32 v31, $0x6;
	v21 =	vld.idx.msk [tilespmem:v45+s29+$0x0], $0xffff  }
0x7b: {  	vm11 =	vgt.s32 v30, $0x0;
	v17 =	vadd.f32 v19, v17;
	v59 =	vor.u32 v1, v56;
	v28 =	vld.idx.msk [tilespmem:v46+s29+$0x0], $0xffff  }
0x7c: {  	vm12 =	vgt.s32 v31, $0x0;
	v60 =	vor.u32 v2, v56;
	v16 =	vadd.f32 v20, v16;
	v24 =	vld.idx.msk [tilespmem:v50+s29+$0x0], $0xffff  }
0x7d: {  	s10 =	sadd.s32 $0xFFFFFFF9, s6;
	v63 =	vor.u32 v4, v56;
	v17 =	vadd.f32 v23, v17;
	v19 =	vadd.f32 v38, v52;
	v23 =	vld.idx.msk [tilespmem:v51+s29+$0x0], $0xffff  }
0x7e: {  	v61 =	vmov s10;
	v34 =	vld.idx.msk [tilespmem:v53+s29+$0x0], $0xffff;
	v62 =	vor.u32 v3, v56;
	v46 =	vshll.u32 v36, $0x6  }
0x7f: {  	v22 =	vadd.f32 v27, v22;
	v29 =	vld.idx.msk [tilespmem:v54+s29+$0x0], $0xffff;
	v39 =	vand.u32 $0xFFFFFFFC, v61;
	v49 =	vor.u32 v1, v46  }
0x80: {  	v45 =	vsel vm10, $0x3F800000, v0;
	v48 =	vld.idx.msk [tilespmem:v59+s29+$0x0], $0xffff;
	v51 =	vor.u32 v2, v46;
	v44 =	vbroadcast v39, $0x0  }
0x81: {  	v31 =	vsel vm12, $0x3F800000, v0;
	v16 =	vadd.f32 v18, v16;
	s10 =	sadd.s32 $0xFFFFFFFA, s6;
	v47 =	vadd.f32 v45, v58;
	v50 =	vld.idx.msk [tilespmem:v60+s29+$0x0], $0xffff  }
0x82: {  	v52 =	vmov s10;
	v54 =	vor.u32 v3, v46;
	v55 =	vld.idx.msk [tilespmem:v63+s29+$0x0], $0xffff;
	v57 =	vshll.u32 v40, $0x6  }
0x83: {  	v56 =	vor.u32 v4, v46;
	s10 =	sadd.s32 $0xFFFFFFFB, s6;
	v37 =	vand.u32 $0xFFFFFFFD, v52;
	v61 =	vor.u32 v2, v57;
	v53 =	vld.idx.msk [tilespmem:v62+s29+$0x0], $0xffff  }
0x84: {  	v58 =	vsel vm11, $0x3F800000, v0;
	v60 =	vmov s10;
	v37 =	vbroadcast v37, $0x0;
	v27 =	vld.idx.msk [tilespmem:v49+s29+$0x0], $0xffff  }
0x85: {  	vm13 =	vgt.s32 v36, $0x0;
	v18 =	vadd.f32 v58, v47;
	v41 =	vand.u32 $0xFFFFFFFE, v60;
	v32 =	vld.idx.msk [tilespmem:v51+s29+$0x0], $0xffff  }
0x86: {  	s10 =	sadd.s32 $0xFFFFFFFC, s6;
	vm14 =	vgt.s32 v40, $0x0;
	v59 =	vor.u32 v1, v57;
	v63 =	vor.u32 v3, v57;
	v30 =	vld.idx.msk [tilespmem:v44+s28+$0x0], $0xffff  }
0x87: {  	v41 =	vbroadcast v41, $0x0;
	v17 =	vadd.f32 v25, v17;
	v62 =	vld.idx.msk [tilespmem:v54+s29+$0x0], $0xffff;
	v54 =	vmov s10;
	s10 =	sadd.s32 $0xFFFFFFFD, s6  }
0x88: {  	v19 =	vadd.f32 v26, v19;
	v21 =	vadd.f32 v21, v22;
	v47 =	vld.idx.msk [tilespmem:v61+s29+$0x0], $0xffff;
	v61 =	vmov s10  }
0x89: {  	v16 =	vadd.f32 v28, v16;
	v28 =	vor.u32 v4, v57;
	v43 =	vld.idx.msk [tilespmem:v56+s29+$0x0], $0xffff;
	v35 =	vand.u32 $0xFFFFFFFC, v61  }
0x8a: {  	v18 =	vadd.f32 v31, v18;
	v21 =	vadd.f32 v34, v21;
	v34 =	vld.idx.msk [tilespmem:v37+s28+$0x0], $0xffff;
	v35 =	vbroadcast v35, $0x0  }
0x8b: {  	v51 =	vsel vm13, $0x3F800000, v0;
	v17 =	vadd.f32 v24, v17;
	v45 =	vld.idx.msk [tilespmem:v59+s29+$0x0], $0xffff;
	v44 =	vshll.u32 v30, $0x6  }
0x8c: {  	v19 =	vadd.f32 v23, v19;
	v16 =	vadd.f32 v29, v16;
	v49 =	vld.idx.msk [tilespmem:v63+s29+$0x0], $0xffff;
	v46 =	vor.u32 v1, v44  }
0x8d: {  	v18 =	vadd.f32 v51, v18;
	v17 =	vadd.f32 v48, v17;
	v36 =	vld.idx.msk [tilespmem:v41+s28+$0x0], $0xffff;
	v48 =	vor.u32 v2, v44  }
0x8e: {  	v19 =	vadd.f32 v50, v19;
	v63 =	vsel vm14, $0x3F800000, v0;
	v52 =	vld.idx.msk [tilespmem:v28+s29+$0x0], $0xffff;
	v50 =	vor.u32 v3, v44  }
0x8f: {  	v21 =	vadd.f32 v53, v21;
	v37 =	vld.idx.msk [tilespmem:v54+s28+$0x0], $0xffff;
	v33 =	vor.u32 v4, v44;
	v53 =	vshll.u32 v34, $0x6  }
0x90: {  	v16 =	vadd.f32 v55, v16;
	v18 =	vadd.f32 v63, v18;
	v56 =	vor.u32 v1, v53;
	v35 =	vld.idx.msk [tilespmem:v35+s28+$0x0], $0xffff  }
0x91: {  	v17 =	vadd.f32 v27, v17;
	v19 =	vadd.f32 v32, v19;
	v58 =	vor.u32 v2, v53;
	v55 =	vld.idx.msk [tilespmem:v46+s29+$0x0], $0xffff  }
0x92: {  	v16 =	vadd.f32 v43, v16;
	v21 =	vadd.f32 v62, v21;
	v60 =	vor.u32 v3, v53;
	v57 =	vld.idx.msk [tilespmem:v48+s29+$0x0], $0xffff  }
0x93: {  	vm15 =	vgt.s32 v30, $0x0;
	v28 =	vor.u32 v4, v53;
	v62 =	vshll.u32 v36, $0x6;
	v59 =	vld.idx.msk [tilespmem:v50+s29+$0x0], $0xffff  }
0x94: {  	s10 =	sadd.s32 $0xFFFFFFFE, s6;
	v17 =	vadd.f32 v45, v17;
	v19 =	vadd.f32 v47, v19;
	v44 =	vor.u32 v1, v62;
	v33 =	vld.idx.msk [tilespmem:v33+s29+$0x0], $0xffff  }
0x95: {  	v21 =	vadd.f32 v49, v21;
	v45 =	vor.u32 v2, v62;
	v46 =	vmov s10;
	v29 =	vld.idx.msk [tilespmem:v56+s29+$0x0], $0xffff  }
0x96: {  	v47 =	vor.u32 v3, v62;
	v49 =	vshll.u32 v37, $0x6;
	v20 =	vld.idx.msk [tilespmem:v58+s29+$0x0], $0xffff;
	v31 =	vand.u32 $0xFFFFFFFD, v46  }
0x97: {  	v16 =	vadd.f32 v52, v16;
	v52 =	vor.u32 v1, v49;
	s10 =	sadd.s32 $0xFFFFFFFF, s6;
	v26 =	vld.idx.msk [tilespmem:v60+s29+$0x0], $0xffff;
	v31 =	vbroadcast v31, $0x0  }
0x98: {  	v51 =	vsel vm15, $0x3F800000, v0;
	vm4 =	vgt.s32 v34, $0x0;
	v22 =	vld.idx.msk [tilespmem:v28+s29+$0x0], $0xffff;
	v50 =	vmov s10  }
0x99: {  	v18 =	vadd.f32 v51, v18;
	v53 =	vor.u32 v2, v49;
	v30 =	vld.idx.msk [tilespmem:v44+s29+$0x0], $0xffff;
	v39 =	vand.u32 $0xFFFFFFFE, v50  }
0x9a: {  	v54 =	vsel vm4, $0x3F800000, v0;
	v48 =	vor.u32 v4, v62;
	v24 =	vld.idx.msk [tilespmem:v45+s29+$0x0], $0xffff;
	v39 =	vbroadcast v39, $0x0  }
0x9b: {  	vm5 =	vgt.s32 v36, $0x0;
	v18 =	vadd.f32 v54, v18;
	v23 =	vld.idx.msk [tilespmem:v47+s29+$0x0], $0xffff;
	v60 =	vshll.u32 v35, $0x6  }
0x9c: {  	vm6 =	vgt.s32 v37, $0x0;
	v58 =	vsel vm5, $0x3F800000, v0;
	v34 =	vld.idx.msk [tilespmem:v52+s29+$0x0], $0xffff;
	v61 =	vor.u32 v1, v60  }
0x9d: {  	v18 =	vadd.f32 v58, v18;
	v19 =	vadd.f32 v57, v19;
	v57 =	vmov s6;
	v56 =	vld.idx.msk [tilespmem:v31+s28+$0x0], $0xffff  }
0x9e: {  	v62 =	vsel vm6, $0x3F800000, v0;
	v32 =	vld.idx.msk [tilespmem:v53+s29+$0x0], $0xffff;
	v63 =	vor.u32 v2, v60  }
0x9f: {  	vm7 =	vgt.s32 v35, $0x0;
	v18 =	vadd.f32 v62, v18;
	v44 =	vor.u32 v3, v60;
	v27 =	vld.idx.msk [tilespmem:v48+s29+$0x0], $0xffff  }
0xa0: {  	v35 =	vsel vm7, $0x3F800000, v0;
	v38 =	vor.u32 v4, v60;
	v17 =	vadd.f32 v55, v17;
	v39 =	vld.idx.msk [tilespmem:v39+s28+$0x0], $0xffff  }
0xa1: {  	v21 =	vadd.f32 v59, v21;
	v55 =	vor.u32 v3, v49;
	v59 =	vor.u32 v4, v49;
	v47 =	vld.idx.msk [tilespmem:v61+s29+$0x0], $0xffff  }
0xa2: {  	v16 =	vadd.f32 v33, v16;
	v18 =	vadd.f32 v35, v18;
	v31 =	vld.idx.msk [tilespmem:v57+s28+$0x0], $0xffff;
	v45 =	vshll.u32 v56, $0x6  }
0xa3: {  	v17 =	vadd.f32 v29, v17;
	v40 =	vld.idx.msk [tilespmem:v63+s29+$0x0], $0xffff;
	vm8 =	vgt.s32 v56, $0x0;
	v46 =	vor.u32 v1, v45  }
0xa4: {  	v19 =	vadd.f32 v20, v19;
	v33 =	vld.idx.msk [tilespmem:v44+s29+$0x0], $0xffff;
	v48 =	vsel vm8, $0x3F800000, v0;
	v49 =	vor.u32 v2, v45  }
0xa5: {  	v38 =	vld.idx.msk [tilespmem:v38+s29+$0x0], $0xffff;
	v50 =	vor.u32 v3, v45;
	vm9 =	vgt.s32 v39, $0x0;
	v18 =	vadd.f32 v48, v18  }
0xa6: {  	v28 =	vld.idx.msk [tilespmem:v55+s29+$0x0], $0xffff;
	v41 =	vor.u32 v4, v45;
	v39 =	vshll.u32 v39, $0x6;
	v51 =	vsel vm9, $0x3F800000, v0  }
0xa7: {  	v36 =	vld.idx.msk [tilespmem:v59+s29+$0x0], $0xffff;
	v52 =	vor.u32 v1, v39;
	vm10 =	vgt.s32 v31, $0x0;
	v18 =	vadd.f32 v51, v18  }
0xa8: {  	v21 =	vadd.f32 v26, v21;
	v54 =	vor.u32 v2, v39;
	v43 =	vsel vm10, $0x3F800000, v0;
	v53 =	vld.idx.msk [tilespmem:v46+s29+$0x0], $0xffff  }
0xa9: {  	v16 =	vadd.f32 v22, v16;
	v56 =	vor.u32 v3, v39;
	v55 =	vld.idx.msk [tilespmem:v49+s29+$0x0], $0xffff;
	v18 =	vadd.f32 v43, v18  }
0xaa: {  	v17 =	vadd.f32 v30, v17;
	v58 =	vor.u32 v4, v39;
	v31 =	vshll.u32 v31, $0x6;
	v57 =	vld.idx.msk [tilespmem:v50+s29+$0x0], $0xffff  }
0xab: {  	v19 =	vadd.f32 v24, v19;
	v60 =	vor.u32 v1, v31;
	v59 =	vld.idx.msk [tilespmem:v41+s29+$0x0], $0xffff;
	v18 =	vadd.f32 $9.999999930e-09, v18  }
0xac: {  	v16 =	vadd.f32 v27, v16;
	v17 =	vadd.f32 v34, v17;
	v62 =	vor.u32 v2, v31;
	v61 =	vld.idx.msk [tilespmem:v52+s29+$0x0], $0xffff  }
0xad: {  	v63 =	vor.u32 v3, v31;
	v31 =	vor.u32 v4, v31;
	v25 =	vld.idx.msk [tilespmem:v54+s29+$0x0], $0xffff;
	(erf) = vrcp.f32 v18  }
0xae: {  	v21 =	vadd.f32 v23, v21;
	v19 =	vadd.f32 v32, v19;
	v34 =	vld.idx.msk [tilespmem:v56+s29+$0x0], $0xffff  }
0xaf: {  	v17 =	vadd.f32 v47, v17;
	v16 =	vadd.f32 v36, v16;
	v37 =	vld.idx.msk [tilespmem:v58+s29+$0x0], $0xffff  }
0xb0: {  	v19 =	vadd.f32 v40, v19;
	v21 =	vadd.f32 v28, v21;
	v41 =	vld.idx.msk [tilespmem:v60+s29+$0x0], $0xffff  }
0xb1: {  	v16 =	vadd.f32 v38, v16;
	v42 =	vld.idx.msk [tilespmem:v62+s29+$0x0], $0xffff;
	v17 =	vadd.f32 v53, v17  }
0xb2: {  	v21 =	vadd.f32 v33, v21;
	v43 =	vld.idx.msk [tilespmem:v31+s29+$0x0], $0xffff;
	v19 =	vadd.f32 v55, v19  }
0xb3: {  	v18 =	vld.idx.msk [tilespmem:v63+s29+$0x0], $0xffff;
	v16 =	vadd.f32 v59, v16;
	v17 =	vadd.f32 v61, v17  }
0xb4: {  	v21 =	vadd.f32 v57, v21;
	v19 =	vadd.f32 v25, v19  }
0xb5: {  	v16 =	vadd.f32 v37, v16;
	v17 =	vadd.f32 v41, v17  }
0xb6: {  	v21 =	vadd.f32 v34, v21;
	v19 =	vadd.f32 v42, v19;
	v44 =	vpop (erf)  }
0xb7: {  	v16 =	vadd.f32 v43, v16;
	v17 =	vmul.f32 v44, v17  }
0xb8: {  	s10 =	sadd.s32 $0x200, s9;
	v45 =	vmov s9;
	v18 =	vadd.f32 v18, v21;
	v19 =	vmul.f32 v44, v19  }
0xb9: {  	v46 =	vmov s10;
	v16 =	vmul.f32 v44, v16;
	[tilespmem:s7+$0xFFFFFFE0] =	vst v17  }
0xba: {  	v17 =	vmul.f32 v44, v18;
	[tilespmem:s7+$0xFFFFFFF0] =	vst v19  }
0xbb: {  	[tilespmem:s7+$0x10] =	vst v16  }
0xbc: {  	[tilespmem:s7+$0x0] =	vst v17  }
0xbd: {  	s10 =	sadd.s32 $0x400, s9;
	v16 =	vld.idx.msk [tilespmem:v45+s1+$0x0], $0xffff  }
0xbe: {  	v17 =	vmov s10;
	v18 =	vld.idx.msk [tilespmem:v46+s1+$0x0], $0xffff;
	_ =	sdelay $0x4  }
0xbf: {  	v17 =	vld.idx.msk [tilespmem:v17+s1+$0x0], $0xffff;
	vm11 =	vlt.f32 v14, v16;
	vm1 =	vlt.f32 v15, v16;
	vm12 =	vlt.f32 v14, v18  }
0xc0: {  	vm13 =	vlt.f32 v15, v18;
	v16 =	vmpcnt.ones.xlane vm11;
	v47 =	vmpcnt.ones.xlane vm1  }
0xc1: {  	v48 =	vmpcnt.ones.xlane vm12;
	v49 =	vmpcnt.ones.xlane vm13;
	_ =	sdelay $0x1  }
0xc2: {  	v16 =	vadd.s32 v16, v47;
	v18 =	vadd.s32 v48, v49  }
0xc3: {  	v16 =	vshll.u32 v16, $0x6;
	v18 =	vshll.u32 v18, $0x6;
	vm14 =	vlt.f32 v14, v17  }
0xc4: {  	vm15 =	vlt.f32 v15, v17;
	v50 =	vor.u32 v1, v16;
	v51 =	vor.u32 v2, v16  }
0xc5: {  	v52 =	vor.u32 v3, v16;
	v53 =	vadd.s32 v5, v18;
	v54 =	vmpcnt.ones.xlane vm14  }
0xc6: {  	v55 =	vadd.s32 v7, v18;
	v56 =	vmpcnt.ones.xlane vm15;
	v16 =	vor.u32 v4, v16  }
0xc7: {  	v57 =	vadd.s32 v8, v18;
	v18 =	vadd.s32 v9, v18;
	v17 =	vand.u32 $0xFFFFFFC8, v53  }
0xc8: {  	v22 =	vand.u32 $0xFFFFFFD8, v55;
	v17 =	vor.u32 v6, v17;
	v23 =	vadd.s32 v54, v56  }
0xc9: {  	v58 =	vand.u32 $0xFFFFFFE8, v57;
	v22 =	vor.u32 v6, v22;
	v23 =	vshll.u32 v23, $0x6;
	v20 =	vld.idx.msk [tilespmem:v50+s30+$0x0], $0xffff  }
0xca: {  	v18 =	vand.u32 $0xFFFFFFF8, v18;
	v24 =	vor.u32 v6, v58;
	v59 =	vadd.s32 v10, v23;
	v21 =	vld.idx.msk [tilespmem:v51+s30+$0x0], $0xffff  }
0xcb: {  	v18 =	vor.u32 v6, v18;
	v60 =	vadd.s32 v11, v23;
	v19 =	vld.idx.msk [tilespmem:v52+s30+$0x0], $0xffff;
	v25 =	vand.u32 $0xFFFFFFC8, v59  }
0xcc: {  	v61 =	vadd.s32 v12, v23;
	v16 =	vld.idx.msk [tilespmem:v16+s30+$0x0], $0xffff;
	v26 =	vand.u32 $0xFFFFFFD8, v60;
	v25 =	vor.u32 v6, v25  }
0xcd: {  	v23 =	vadd.s32 v13, v23;
	v27 =	vand.u32 $0xFFFFFFE8, v61;
	v26 =	vor.u32 v6, v26;
	v17 =	vld.idx.msk [tilespmem:v17+s30+$0x0], $0xffff  }
0xce: {  	v23 =	vand.u32 $0xFFFFFFF8, v23;
	v27 =	vor.u32 v6, v27;
	v22 =	vld.idx.msk [tilespmem:v22+s30+$0x0], $0xffff  }
0xcf: {  	v23 =	vor.u32 v6, v23;
	v24 =	vld.idx.msk [tilespmem:v24+s30+$0x0], $0xffff  }
0xd0: {  	v18 =	vld.idx.msk [tilespmem:v18+s30+$0x0], $0xffff  }
0xd1: {  	v25 =	vld.idx.msk [tilespmem:v25+s30+$0x0], $0xffff  }
0xd2: {  	v20 =	vadd.f32 $0.0e+00, v20;
	v26 =	vld.idx.msk [tilespmem:v26+s30+$0x0], $0xffff  }
0xd3: {  	v21 =	vadd.f32 $0.0e+00, v21;
	v27 =	vld.idx.msk [tilespmem:v27+s30+$0x0], $0xffff  }
0xd4: {  	v19 =	vadd.f32 $0.0e+00, v19;
	v62 =	vld.idx.msk [tilespmem:v23+s30+$0x0], $0xffff;
	v17 =	vadd.f32 v17, v20  }
0xd5: {  	v16 =	vadd.f32 $0.0e+00, v16;
	v21 =	vadd.f32 v22, v21  }
0xd6: {  	p0 =	sne.s32 s9, $0x7F;
	v19 =	vadd.f32 v24, v19;
	v17 =	vadd.f32 v25, v17  }
.Ltmp0:
0xd7: {  	v16 =	vadd.f32 v18, v16;
	v63 =	vadd.f32 v26, v21;
	(pc) =	sbr.rel @p0 .LBB2_2-.Ltmp0, $4  }
0xd8: {  	v19 =	vadd.f32 v27, v19;
	[tilespmem:s8+$0xFFFFFFE0] =	vst v17  }
0xd9: {  	v16 =	vadd.f32 v62, v16;
	[tilespmem:s8+$0xFFFFFFF0] =	vst v63  }
0xda: {  	s6 =	sadd.s32 $0x14, s6;
	[tilespmem:s8+$0x0] =	vst v19  }
0xdb: {  	s9 =	sadd.s32 $0x1, s9;
	s7 =	sadd.s32 $0x40, s7;
	[tilespmem:s8+$0x10] =	vst v16;
	s8 =	sadd.s32 $0x40, s8  }
0xdc: {  	[hbm4b:s13+s2] =	stream.linear.scatter [tilespmem:s0], [sflag:$0x2], $0x2000, $0x38;
	[tilespmem:$0x1B920] =	vst v63  }
0xdd: {  	_ =	swait.ge [sflag:s24], $0x2000  }
0xde: {  	[sflag:s24] =	ssyncset.done $0x0  }
0xdf: {  	[sflag:s24] =	ssyncadd.s32 $0xFFFFE000  }
0xe0: {  	[hbm4b:s14+s2] =	stream.linear.scatter [tilespmem:s31], [sflag:$0x2], $0x2000, $0x38;
	[tilespmem:$0x1B920] =	vst v63  }
0xe1: {  	_ =	swait.ge [sflag:s24], $0x2000  }
0xe2: {  	s6 =	simm.s32 $0xA13;
	s7 =	simm.s32 $0x480;
	[sflag:s24] =	ssyncset.done $0x0  }
0xe3: {  	s8 =	simm.s32 $0x17940;
	s9 =	simm.s32 $0x19940;
	[sflag:s24] =	ssyncadd.s32 $0xFFFFE000  }
.LBB2_4:
0xe4: {  	s10 =	sadd.s32 $0xFFFFFFED, s6  }
0xe5: {  	v16 =	vmov s10  }
0xe6: {  	v16 =	vand.u32 $0xFFFFFFFC, v16  }
0xe7: {  	v16 =	vbroadcast v16, $0x0;
	_ =	sdelay $0x1  }
0xe8: {  	s10 =	sadd.s32 $0xFFFFFFEE, s6  }
0xe9: {  	v17 =	vmov s10;
	s10 =	sadd.s32 $0xFFFFFFEF, s6  }
0xea: {  	v18 =	vmov s10;
	s10 =	sadd.s32 $0xFFFFFFF0, s6  }
0xeb: {  	v24 =	vmov s10  }
0xec: {  	v17 =	vand.u32 $0xFFFFFFFD, v17;
	s10 =	sadd.s32 $0xFFFFFFF1, s6;
	v16 =	vld.idx.msk [tilespmem:v16+s28+$0x0], $0xffff  }
0xed: {  	v17 =	vbroadcast v17, $0x0;
	v18 =	vand.u32 $0xFFFFFFFE, v18;
	v27 =	vmov s10;
	s10 =	sadd.s32 $0xFFFFFFF2, s6  }
0xee: {  	v18 =	vbroadcast v18, $0x0;
	v27 =	vand.u32 $0xFFFFFFFC, v27;
	v32 =	vmov s10  }
0xef: {  	v27 =	vbroadcast v27, $0x0;
	v32 =	vand.u32 $0xFFFFFFFD, v32  }
0xf0: {  	v32 =	vbroadcast v32, $0x0;
	v24 =	vld.idx.msk [tilespmem:v24+s28+$0x0], $0xffff  }
0xf1: {  	v19 =	vshll.u32 v16, $0x6  }
0xf2: {  	v20 =	vor.u32 v1, v19  }
0xf3: {  	v17 =	vld.idx.msk [tilespmem:v17+s28+$0x0], $0xffff;
	v21 =	vor.u32 v2, v19  }
0xf4: {  	v18 =	vld.idx.msk [tilespmem:v18+s28+$0x0], $0xffff;
	v22 =	vor.u32 v3, v19  }
0xf5: {  	v27 =	vld.idx.msk [tilespmem:v27+s28+$0x0], $0xffff;
	v34 =	vshll.u32 v24, $0x6;
	v19 =	vor.u32 v4, v19  }
0xf6: {  	v32 =	vld.idx.msk [tilespmem:v32+s28+$0x0], $0xffff;
	v35 =	vor.u32 v1, v34  }
0xf7: {  	v36 =	vor.u32 v2, v34;
	v20 =	vld.idx.msk [tilespmem:v20+s29+$0x0], $0xffff  }
0xf8: {  	v38 =	vor.u32 v3, v34;
	v21 =	vld.idx.msk [tilespmem:v21+s29+$0x0], $0xffff  }
0xf9: {  	v23 =	vshll.u32 v17, $0x6;
	v56 =	vor.u32 v4, v34;
	v22 =	vld.idx.msk [tilespmem:v22+s29+$0x0], $0xffff  }
0xfa: {  	v25 =	vor.u32 v1, v23;
	v19 =	vld.idx.msk [tilespmem:v19+s29+$0x0], $0xffff  }
0xfb: {  	vm4 =	vgt.s32 v17, $0x0;
	v26 =	vor.u32 v2, v23;
	v17 =	vld.idx.msk [tilespmem:v35+s29+$0x0], $0xffff  }
0xfc: {  	v28 =	vor.u32 v3, v23;
	v36 =	vld.idx.msk [tilespmem:v36+s29+$0x0], $0xffff  }
0xfd: {  	v23 =	vor.u32 v4, v23;
	v29 =	vshll.u32 v18, $0x6;
	v38 =	vld.idx.msk [tilespmem:v38+s29+$0x0], $0xffff  }
0xfe: {  	s10 =	sadd.s32 $0xFFFFFFF3, s6;
	v30 =	vor.u32 v1, v29;
	v61 =	vld.idx.msk [tilespmem:v56+s29+$0x0], $0xffff  }
0xff: {  	v37 =	vmov s10;
	v31 =	vor.u32 v2, v29;
	v25 =	vld.idx.msk [tilespmem:v25+s29+$0x0], $0xffff  }
0x100: {  	s10 =	sadd.s32 $0xFFFFFFF4, s6;
	v37 =	vand.u32 $0xFFFFFFFE, v37;
	v33 =	vor.u32 v3, v29;
	v26 =	vld.idx.msk [tilespmem:v26+s29+$0x0], $0xffff  }
0x101: {  	v45 =	vmov s10;
	s10 =	sadd.s32 $0xFFFFFFF5, s6;
	v57 =	vbroadcast v37, $0x0;
	v29 =	vor.u32 v4, v29;
	v28 =	vld.idx.msk [tilespmem:v28+s29+$0x0], $0xffff  }
0x102: {  	v42 =	vmov s10;
	vm0 =	vgt.s32 v16, $0x0;
	v39 =	vshll.u32 v27, $0x6;
	v23 =	vld.idx.msk [tilespmem:v23+s29+$0x0], $0xffff  }
0x103: {  	v42 =	vand.u32 $0xFFFFFFFC, v42;
	v58 =	vsel vm0, $0x3F800000, v0;
	v59 =	vor.u32 v1, v39;
	v30 =	vld.idx.msk [tilespmem:v30+s29+$0x0], $0xffff  }
0x104: {  	v40 =	vsel vm4, $0x3F800000, v0;
	vm5 =	vgt.s32 v18, $0x0;
	v41 =	vor.u32 v2, v39;
	v31 =	vld.idx.msk [tilespmem:v31+s29+$0x0], $0xffff  }
0x105: {  	s10 =	sadd.s32 $0xFFFFFFF6, s6;
	v37 =	vadd.f32 v40, v58;
	v60 =	vor.u32 v3, v39;
	v63 =	vshll.u32 v32, $0x6;
	v33 =	vld.idx.msk [tilespmem:v33+s29+$0x0], $0xffff  }
0x106: {  	v55 =	vmov s10;
	v47 =	vsel vm5, $0x3F800000, v0;
	v48 =	vor.u32 v2, v63;
	v16 =	vld.idx.msk [tilespmem:v29+s29+$0x0], $0xffff  }
0x107: {  	vm6 =	vgt.s32 v24, $0x0;
	v35 =	vadd.f32 v47, v37;
	v49 =	vor.u32 v3, v63;
	v29 =	vld.idx.msk [tilespmem:v57+s28+$0x0], $0xffff  }
0x108: {  	v50 =	vbroadcast v42, $0x0;
	v24 =	vsel vm6, $0x3F800000, v0;
	v62 =	vor.u32 v4, v39;
	v18 =	vld.idx.msk [tilespmem:v59+s29+$0x0], $0xffff  }
0x109: {  	v42 =	vand.u32 $0xFFFFFFFD, v55;
	vm7 =	vgt.s32 v27, $0x0;
	v24 =	vadd.f32 v24, v35;
	v39 =	vld.idx.msk [tilespmem:v41+s29+$0x0], $0xffff  }
0x10a: {  	v46 =	vor.u32 v1, v63;
	v37 =	vld.idx.msk [tilespmem:v60+s29+$0x0], $0xffff;
	v21 =	vadd.f32 $0.0e+00, v21;
	v22 =	vadd.f32 $0.0e+00, v22  }
0x10b: {  	v59 =	vbroadcast v42, $0x0;
	v20 =	vadd.f32 $0.0e+00, v20;
	v19 =	vadd.f32 $0.0e+00, v19;
	v53 =	vld.idx.msk [tilespmem:v48+s29+$0x0], $0xffff  }
0x10c: {  	v27 =	vsel vm7, $0x3F800000, v0;
	v56 =	vld.idx.msk [tilespmem:v49+s29+$0x0], $0xffff;
	v21 =	vadd.f32 v26, v21;
	v22 =	vadd.f32 v28, v22  }
0x10d: {  	v19 =	vadd.f32 v23, v19;
	v26 =	vld.idx.msk [tilespmem:v62+s29+$0x0], $0xffff;
	v28 =	vor.u32 v4, v63;
	v51 =	vshll.u32 v29, $0x6  }
0x10e: {  	s10 =	sadd.s32 $0xFFFFFFF7, s6;
	v20 =	vadd.f32 v25, v20;
	v57 =	vor.u32 v3, v51;
	v22 =	vadd.f32 v33, v22;
	v33 =	vld.idx.msk [tilespmem:v45+s28+$0x0], $0xffff  }
0x10f: {  	v63 =	vmov s10;
	v52 =	vor.u32 v1, v51;
	v16 =	vadd.f32 v16, v19;
	v19 =	vld.idx.msk [tilespmem:v46+s29+$0x0], $0xffff  }
0x110: {  	v54 =	vor.u32 v2, v51;
	v42 =	vand.u32 $0xFFFFFFFE, v63;
	v20 =	vadd.f32 v30, v20;
	v30 =	vld.idx.msk [tilespmem:v50+s28+$0x0], $0xffff  }
0x111: {  	v58 =	vor.u32 v4, v51;
	v21 =	vadd.f32 v31, v21;
	v47 =	vbroadcast v42, $0x0;
	v31 =	vld.idx.msk [tilespmem:v59+s28+$0x0], $0xffff  }
0x112: {  	vm8 =	vgt.s32 v32, $0x0;
	v24 =	vadd.f32 v27, v24;
	s10 =	sadd.s32 $0xFFFFFFF8, s6;
	v17 =	vadd.f32 v17, v20;
	v20 =	vld.idx.msk [tilespmem:v28+s29+$0x0], $0xffff  }
0x113: {  	v49 =	vsel vm8, $0x3F800000, v0;
	v27 =	vld.idx.msk [tilespmem:v57+s29+$0x0], $0xffff;
	v57 =	vmov s10;
	v60 =	vshll.u32 v33, $0x6  }
0x114: {  	v24 =	vadd.f32 v49, v24;
	v16 =	vadd.f32 v61, v16;
	v23 =	vld.idx.msk [tilespmem:v52+s29+$0x0], $0xffff;
	v61 =	vor.u32 v1, v60  }
0x115: {  	vm9 =	vgt.s32 v29, $0x0;
	v22 =	vadd.f32 v38, v22;
	v38 =	vld.idx.msk [tilespmem:v54+s29+$0x0], $0xffff;
	v62 =	vor.u32 v2, v60  }
0x116: {  	v21 =	vadd.f32 v36, v21;
	v17 =	vadd.f32 v18, v17;
	v18 =	vld.idx.msk [tilespmem:v58+s29+$0x0], $0xffff;
	v45 =	vor.u32 v3, v60  }
0x117: {  	v55 =	vsel vm9, $0x3F800000, v0;
	v48 =	vshll.u32 v30, $0x6;
	v46 =	vor.u32 v4, v60;
	v36 =	vld.idx.msk [tilespmem:v47+s28+$0x0], $0xffff  }
0x118: {  	v21 =	vadd.f32 v39, v21;
	v22 =	vadd.f32 v37, v22;
	v50 =	vor.u32 v1, v48;
	v40 =	vld.idx.msk [tilespmem:v57+s28+$0x0], $0xffff  }
0x119: {  	v16 =	vadd.f32 v26, v16;
	v58 =	vadd.f32 v55, v24;
	v51 =	vor.u32 v2, v48;
	v25 =	vld.idx.msk [tilespmem:v61+s29+$0x0], $0xffff  }
0x11a: {  	vm10 =	vgt.s32 v33, $0x0;
	v52 =	vadd.f32 v53, v21;
	v53 =	vor.u32 v3, v48;
	v26 =	vld.idx.msk [tilespmem:v62+s29+$0x0], $0xffff  }
0x11b: {  	v22 =	vadd.f32 v56, v22;
	v54 =	vor.u32 v4, v48;
	v56 =	vshll.u32 v31, $0x6;
	v21 =	vld.idx.msk [tilespmem:v45+s29+$0x0], $0xffff  }
0x11c: {  	vm11 =	vgt.s32 v30, $0x0;
	v17 =	vadd.f32 v19, v17;
	v59 =	vor.u32 v1, v56;
	v28 =	vld.idx.msk [tilespmem:v46+s29+$0x0], $0xffff  }
0x11d: {  	vm12 =	vgt.s32 v31, $0x0;
	v60 =	vor.u32 v2, v56;
	v16 =	vadd.f32 v20, v16;
	v24 =	vld.idx.msk [tilespmem:v50+s29+$0x0], $0xffff  }
0x11e: {  	s10 =	sadd.s32 $0xFFFFFFF9, s6;
	v63 =	vor.u32 v4, v56;
	v17 =	vadd.f32 v23, v17;
	v19 =	vadd.f32 v38, v52;
	v23 =	vld.idx.msk [tilespmem:v51+s29+$0x0], $0xffff  }
0x11f: {  	v61 =	vmov s10;
	v34 =	vld.idx.msk [tilespmem:v53+s29+$0x0], $0xffff;
	v62 =	vor.u32 v3, v56;
	v46 =	vshll.u32 v36, $0x6  }
0x120: {  	v22 =	vadd.f32 v27, v22;
	v29 =	vld.idx.msk [tilespmem:v54+s29+$0x0], $0xffff;
	v39 =	vand.u32 $0xFFFFFFFC, v61;
	v49 =	vor.u32 v1, v46  }
0x121: {  	v45 =	vsel vm10, $0x3F800000, v0;
	v48 =	vld.idx.msk [tilespmem:v59+s29+$0x0], $0xffff;
	v51 =	vor.u32 v2, v46;
	v44 =	vbroadcast v39, $0x0  }
0x122: {  	v31 =	vsel vm12, $0x3F800000, v0;
	v16 =	vadd.f32 v18, v16;
	s10 =	sadd.s32 $0xFFFFFFFA, s6;
	v47 =	vadd.f32 v45, v58;
	v50 =	vld.idx.msk [tilespmem:v60+s29+$0x0], $0xffff  }
0x123: {  	v52 =	vmov s10;
	v54 =	vor.u32 v3, v46;
	v55 =	vld.idx.msk [tilespmem:v63+s29+$0x0], $0xffff;
	v57 =	vshll.u32 v40, $0x6  }
0x124: {  	v56 =	vor.u32 v4, v46;
	s10 =	sadd.s32 $0xFFFFFFFB, s6;
	v37 =	vand.u32 $0xFFFFFFFD, v52;
	v61 =	vor.u32 v2, v57;
	v53 =	vld.idx.msk [tilespmem:v62+s29+$0x0], $0xffff  }
0x125: {  	v58 =	vsel vm11, $0x3F800000, v0;
	v60 =	vmov s10;
	v37 =	vbroadcast v37, $0x0;
	v27 =	vld.idx.msk [tilespmem:v49+s29+$0x0], $0xffff  }
0x126: {  	vm13 =	vgt.s32 v36, $0x0;
	v18 =	vadd.f32 v58, v47;
	v41 =	vand.u32 $0xFFFFFFFE, v60;
	v32 =	vld.idx.msk [tilespmem:v51+s29+$0x0], $0xffff  }
0x127: {  	s10 =	sadd.s32 $0xFFFFFFFC, s6;
	vm14 =	vgt.s32 v40, $0x0;
	v59 =	vor.u32 v1, v57;
	v63 =	vor.u32 v3, v57;
	v30 =	vld.idx.msk [tilespmem:v44+s28+$0x0], $0xffff  }
0x128: {  	v41 =	vbroadcast v41, $0x0;
	v17 =	vadd.f32 v25, v17;
	v62 =	vld.idx.msk [tilespmem:v54+s29+$0x0], $0xffff;
	v54 =	vmov s10;
	s10 =	sadd.s32 $0xFFFFFFFD, s6  }
0x129: {  	v19 =	vadd.f32 v26, v19;
	v21 =	vadd.f32 v21, v22;
	v47 =	vld.idx.msk [tilespmem:v61+s29+$0x0], $0xffff;
	v61 =	vmov s10  }
0x12a: {  	v16 =	vadd.f32 v28, v16;
	v28 =	vor.u32 v4, v57;
	v43 =	vld.idx.msk [tilespmem:v56+s29+$0x0], $0xffff;
	v35 =	vand.u32 $0xFFFFFFFC, v61  }
0x12b: {  	v18 =	vadd.f32 v31, v18;
	v21 =	vadd.f32 v34, v21;
	v34 =	vld.idx.msk [tilespmem:v37+s28+$0x0], $0xffff;
	v35 =	vbroadcast v35, $0x0  }
0x12c: {  	v51 =	vsel vm13, $0x3F800000, v0;
	v17 =	vadd.f32 v24, v17;
	v45 =	vld.idx.msk [tilespmem:v59+s29+$0x0], $0xffff;
	v44 =	vshll.u32 v30, $0x6  }
0x12d: {  	v19 =	vadd.f32 v23, v19;
	v16 =	vadd.f32 v29, v16;
	v49 =	vld.idx.msk [tilespmem:v63+s29+$0x0], $0xffff;
	v46 =	vor.u32 v1, v44  }
0x12e: {  	v18 =	vadd.f32 v51, v18;
	v17 =	vadd.f32 v48, v17;
	v36 =	vld.idx.msk [tilespmem:v41+s28+$0x0], $0xffff;
	v48 =	vor.u32 v2, v44  }
0x12f: {  	v19 =	vadd.f32 v50, v19;
	v63 =	vsel vm14, $0x3F800000, v0;
	v52 =	vld.idx.msk [tilespmem:v28+s29+$0x0], $0xffff;
	v50 =	vor.u32 v3, v44  }
0x130: {  	v21 =	vadd.f32 v53, v21;
	v37 =	vld.idx.msk [tilespmem:v54+s28+$0x0], $0xffff;
	v33 =	vor.u32 v4, v44;
	v53 =	vshll.u32 v34, $0x6  }
0x131: {  	v16 =	vadd.f32 v55, v16;
	v18 =	vadd.f32 v63, v18;
	v56 =	vor.u32 v1, v53;
	v35 =	vld.idx.msk [tilespmem:v35+s28+$0x0], $0xffff  }
0x132: {  	v17 =	vadd.f32 v27, v17;
	v19 =	vadd.f32 v32, v19;
	v58 =	vor.u32 v2, v53;
	v55 =	vld.idx.msk [tilespmem:v46+s29+$0x0], $0xffff  }
0x133: {  	v16 =	vadd.f32 v43, v16;
	v21 =	vadd.f32 v62, v21;
	v60 =	vor.u32 v3, v53;
	v57 =	vld.idx.msk [tilespmem:v48+s29+$0x0], $0xffff  }
0x134: {  	vm15 =	vgt.s32 v30, $0x0;
	v28 =	vor.u32 v4, v53;
	v62 =	vshll.u32 v36, $0x6;
	v59 =	vld.idx.msk [tilespmem:v50+s29+$0x0], $0xffff  }
0x135: {  	s10 =	sadd.s32 $0xFFFFFFFE, s6;
	v17 =	vadd.f32 v45, v17;
	v19 =	vadd.f32 v47, v19;
	v44 =	vor.u32 v1, v62;
	v33 =	vld.idx.msk [tilespmem:v33+s29+$0x0], $0xffff  }
0x136: {  	v21 =	vadd.f32 v49, v21;
	v45 =	vor.u32 v2, v62;
	v46 =	vmov s10;
	v29 =	vld.idx.msk [tilespmem:v56+s29+$0x0], $0xffff  }
0x137: {  	v47 =	vor.u32 v3, v62;
	v49 =	vshll.u32 v37, $0x6;
	v20 =	vld.idx.msk [tilespmem:v58+s29+$0x0], $0xffff;
	v31 =	vand.u32 $0xFFFFFFFD, v46  }
0x138: {  	v16 =	vadd.f32 v52, v16;
	v52 =	vor.u32 v1, v49;
	s10 =	sadd.s32 $0xFFFFFFFF, s6;
	v26 =	vld.idx.msk [tilespmem:v60+s29+$0x0], $0xffff;
	v31 =	vbroadcast v31, $0x0  }
0x139: {  	v51 =	vsel vm15, $0x3F800000, v0;
	vm4 =	vgt.s32 v34, $0x0;
	v22 =	vld.idx.msk [tilespmem:v28+s29+$0x0], $0xffff;
	v50 =	vmov s10  }
0x13a: {  	v18 =	vadd.f32 v51, v18;
	v53 =	vor.u32 v2, v49;
	v30 =	vld.idx.msk [tilespmem:v44+s29+$0x0], $0xffff;
	v39 =	vand.u32 $0xFFFFFFFE, v50  }
0x13b: {  	v54 =	vsel vm4, $0x3F800000, v0;
	v48 =	vor.u32 v4, v62;
	v24 =	vld.idx.msk [tilespmem:v45+s29+$0x0], $0xffff;
	v39 =	vbroadcast v39, $0x0  }
0x13c: {  	vm5 =	vgt.s32 v36, $0x0;
	v18 =	vadd.f32 v54, v18;
	v23 =	vld.idx.msk [tilespmem:v47+s29+$0x0], $0xffff;
	v60 =	vshll.u32 v35, $0x6  }
0x13d: {  	vm6 =	vgt.s32 v37, $0x0;
	v58 =	vsel vm5, $0x3F800000, v0;
	v34 =	vld.idx.msk [tilespmem:v52+s29+$0x0], $0xffff;
	v61 =	vor.u32 v1, v60  }
0x13e: {  	v18 =	vadd.f32 v58, v18;
	v19 =	vadd.f32 v57, v19;
	v57 =	vmov s6;
	v56 =	vld.idx.msk [tilespmem:v31+s28+$0x0], $0xffff  }
0x13f: {  	v62 =	vsel vm6, $0x3F800000, v0;
	v32 =	vld.idx.msk [tilespmem:v53+s29+$0x0], $0xffff;
	v63 =	vor.u32 v2, v60  }
0x140: {  	vm7 =	vgt.s32 v35, $0x0;
	v18 =	vadd.f32 v62, v18;
	v44 =	vor.u32 v3, v60;
	v27 =	vld.idx.msk [tilespmem:v48+s29+$0x0], $0xffff  }
0x141: {  	v35 =	vsel vm7, $0x3F800000, v0;
	v38 =	vor.u32 v4, v60;
	v17 =	vadd.f32 v55, v17;
	v39 =	vld.idx.msk [tilespmem:v39+s28+$0x0], $0xffff  }
0x142: {  	v21 =	vadd.f32 v59, v21;
	v55 =	vor.u32 v3, v49;
	v59 =	vor.u32 v4, v49;
	v47 =	vld.idx.msk [tilespmem:v61+s29+$0x0], $0xffff  }
0x143: {  	v16 =	vadd.f32 v33, v16;
	v18 =	vadd.f32 v35, v18;
	v31 =	vld.idx.msk [tilespmem:v57+s28+$0x0], $0xffff;
	v45 =	vshll.u32 v56, $0x6  }
0x144: {  	v17 =	vadd.f32 v29, v17;
	v40 =	vld.idx.msk [tilespmem:v63+s29+$0x0], $0xffff;
	vm8 =	vgt.s32 v56, $0x0;
	v46 =	vor.u32 v1, v45  }
0x145: {  	v19 =	vadd.f32 v20, v19;
	v33 =	vld.idx.msk [tilespmem:v44+s29+$0x0], $0xffff;
	v48 =	vsel vm8, $0x3F800000, v0;
	v49 =	vor.u32 v2, v45  }
0x146: {  	v38 =	vld.idx.msk [tilespmem:v38+s29+$0x0], $0xffff;
	v50 =	vor.u32 v3, v45;
	vm9 =	vgt.s32 v39, $0x0;
	v18 =	vadd.f32 v48, v18  }
0x147: {  	v28 =	vld.idx.msk [tilespmem:v55+s29+$0x0], $0xffff;
	v41 =	vor.u32 v4, v45;
	v39 =	vshll.u32 v39, $0x6;
	v51 =	vsel vm9, $0x3F800000, v0  }
0x148: {  	v36 =	vld.idx.msk [tilespmem:v59+s29+$0x0], $0xffff;
	v52 =	vor.u32 v1, v39;
	vm10 =	vgt.s32 v31, $0x0;
	v18 =	vadd.f32 v51, v18  }
0x149: {  	v21 =	vadd.f32 v26, v21;
	v54 =	vor.u32 v2, v39;
	v43 =	vsel vm10, $0x3F800000, v0;
	v53 =	vld.idx.msk [tilespmem:v46+s29+$0x0], $0xffff  }
0x14a: {  	v16 =	vadd.f32 v22, v16;
	v56 =	vor.u32 v3, v39;
	v55 =	vld.idx.msk [tilespmem:v49+s29+$0x0], $0xffff;
	v18 =	vadd.f32 v43, v18  }
0x14b: {  	v17 =	vadd.f32 v30, v17;
	v58 =	vor.u32 v4, v39;
	v31 =	vshll.u32 v31, $0x6;
	v57 =	vld.idx.msk [tilespmem:v50+s29+$0x0], $0xffff  }
0x14c: {  	v19 =	vadd.f32 v24, v19;
	v60 =	vor.u32 v1, v31;
	v59 =	vld.idx.msk [tilespmem:v41+s29+$0x0], $0xffff;
	v18 =	vadd.f32 $9.999999930e-09, v18  }
0x14d: {  	v16 =	vadd.f32 v27, v16;
	v17 =	vadd.f32 v34, v17;
	v62 =	vor.u32 v2, v31;
	v61 =	vld.idx.msk [tilespmem:v52+s29+$0x0], $0xffff  }
0x14e: {  	v63 =	vor.u32 v3, v31;
	v31 =	vor.u32 v4, v31;
	v25 =	vld.idx.msk [tilespmem:v54+s29+$0x0], $0xffff;
	(erf) = vrcp.f32 v18  }
0x14f: {  	v21 =	vadd.f32 v23, v21;
	v19 =	vadd.f32 v32, v19;
	v34 =	vld.idx.msk [tilespmem:v56+s29+$0x0], $0xffff  }
0x150: {  	v17 =	vadd.f32 v47, v17;
	v16 =	vadd.f32 v36, v16;
	v37 =	vld.idx.msk [tilespmem:v58+s29+$0x0], $0xffff  }
0x151: {  	v19 =	vadd.f32 v40, v19;
	v21 =	vadd.f32 v28, v21;
	v41 =	vld.idx.msk [tilespmem:v60+s29+$0x0], $0xffff  }
0x152: {  	v16 =	vadd.f32 v38, v16;
	v42 =	vld.idx.msk [tilespmem:v62+s29+$0x0], $0xffff;
	v17 =	vadd.f32 v53, v17  }
0x153: {  	v21 =	vadd.f32 v33, v21;
	v43 =	vld.idx.msk [tilespmem:v31+s29+$0x0], $0xffff;
	v19 =	vadd.f32 v55, v19  }
0x154: {  	v18 =	vld.idx.msk [tilespmem:v63+s29+$0x0], $0xffff;
	v16 =	vadd.f32 v59, v16;
	v17 =	vadd.f32 v61, v17  }
0x155: {  	v21 =	vadd.f32 v57, v21;
	v19 =	vadd.f32 v25, v19  }
0x156: {  	v16 =	vadd.f32 v37, v16;
	v17 =	vadd.f32 v41, v17  }
0x157: {  	v21 =	vadd.f32 v34, v21;
	v19 =	vadd.f32 v42, v19;
	v44 =	vpop (erf)  }
0x158: {  	s10 =	sadd.s32 $0xFFFFFC00, s7;
	v16 =	vadd.f32 v43, v16;
	v17 =	vmul.f32 v44, v17  }
0x159: {  	v45 =	vmov s10;
	s10 =	sadd.s32 $0xFFFFFE00, s7;
	v18 =	vadd.f32 v18, v21;
	v19 =	vmul.f32 v44, v19  }
0x15a: {  	v46 =	vmov s10;
	v16 =	vmul.f32 v44, v16;
	[tilespmem:s8+$0xFFFFFFE0] =	vst v17  }
0x15b: {  	v17 =	vmul.f32 v44, v18;
	[tilespmem:s8+$0xFFFFFFF0] =	vst v19  }
0x15c: {  	[tilespmem:s8+$0x10] =	vst v16  }
0x15d: {  	[tilespmem:s8+$0x0] =	vst v17  }
0x15e: {  	v16 =	vld.idx.msk [tilespmem:v45+s1+$0x0], $0xffff  }
0x15f: {  	v17 =	vmov s7;
	v18 =	vld.idx.msk [tilespmem:v46+s1+$0x0], $0xffff;
	_ =	sdelay $0x4  }
0x160: {  	v17 =	vld.idx.msk [tilespmem:v17+s1+$0x0], $0xffff;
	vm11 =	vlt.f32 v14, v16;
	vm1 =	vlt.f32 v15, v16;
	vm12 =	vlt.f32 v14, v18  }
0x161: {  	vm13 =	vlt.f32 v15, v18;
	v16 =	vmpcnt.ones.xlane vm11;
	v47 =	vmpcnt.ones.xlane vm1  }
0x162: {  	v48 =	vmpcnt.ones.xlane vm12;
	v49 =	vmpcnt.ones.xlane vm13;
	_ =	sdelay $0x1  }
0x163: {  	v16 =	vadd.s32 v16, v47;
	v18 =	vadd.s32 v48, v49  }
0x164: {  	v16 =	vshll.u32 v16, $0x6;
	v18 =	vshll.u32 v18, $0x6;
	vm14 =	vlt.f32 v14, v17  }
0x165: {  	vm15 =	vlt.f32 v15, v17;
	v50 =	vor.u32 v1, v16;
	v51 =	vor.u32 v2, v16  }
0x166: {  	v52 =	vor.u32 v3, v16;
	v53 =	vadd.s32 v5, v18;
	v54 =	vmpcnt.ones.xlane vm14  }
0x167: {  	v55 =	vadd.s32 v7, v18;
	v56 =	vmpcnt.ones.xlane vm15;
	v16 =	vor.u32 v4, v16  }
0x168: {  	v57 =	vadd.s32 v8, v18;
	v18 =	vadd.s32 v9, v18;
	v17 =	vand.u32 $0xFFFFFFC8, v53  }
0x169: {  	v22 =	vand.u32 $0xFFFFFFD8, v55;
	v17 =	vor.u32 v6, v17;
	v23 =	vadd.s32 v54, v56  }
0x16a: {  	v58 =	vand.u32 $0xFFFFFFE8, v57;
	v22 =	vor.u32 v6, v22;
	v23 =	vshll.u32 v23, $0x6;
	v20 =	vld.idx.msk [tilespmem:v50+s30+$0x0], $0xffff  }
0x16b: {  	v18 =	vand.u32 $0xFFFFFFF8, v18;
	v24 =	vor.u32 v6, v58;
	v59 =	vadd.s32 v10, v23;
	v21 =	vld.idx.msk [tilespmem:v51+s30+$0x0], $0xffff  }
0x16c: {  	v18 =	vor.u32 v6, v18;
	v60 =	vadd.s32 v11, v23;
	v19 =	vld.idx.msk [tilespmem:v52+s30+$0x0], $0xffff;
	v25 =	vand.u32 $0xFFFFFFC8, v59  }
0x16d: {  	v61 =	vadd.s32 v12, v23;
	v16 =	vld.idx.msk [tilespmem:v16+s30+$0x0], $0xffff;
	v26 =	vand.u32 $0xFFFFFFD8, v60;
	v25 =	vor.u32 v6, v25  }
0x16e: {  	v23 =	vadd.s32 v13, v23;
	v27 =	vand.u32 $0xFFFFFFE8, v61;
	v26 =	vor.u32 v6, v26;
	v17 =	vld.idx.msk [tilespmem:v17+s30+$0x0], $0xffff  }
0x16f: {  	v23 =	vand.u32 $0xFFFFFFF8, v23;
	v27 =	vor.u32 v6, v27;
	v22 =	vld.idx.msk [tilespmem:v22+s30+$0x0], $0xffff  }
0x170: {  	v23 =	vor.u32 v6, v23;
	v24 =	vld.idx.msk [tilespmem:v24+s30+$0x0], $0xffff  }
0x171: {  	v18 =	vld.idx.msk [tilespmem:v18+s30+$0x0], $0xffff  }
0x172: {  	v25 =	vld.idx.msk [tilespmem:v25+s30+$0x0], $0xffff  }
0x173: {  	v20 =	vadd.f32 $0.0e+00, v20;
	v26 =	vld.idx.msk [tilespmem:v26+s30+$0x0], $0xffff  }
0x174: {  	v21 =	vadd.f32 $0.0e+00, v21;
	v27 =	vld.idx.msk [tilespmem:v27+s30+$0x0], $0xffff  }
0x175: {  	v19 =	vadd.f32 $0.0e+00, v19;
	v62 =	vld.idx.msk [tilespmem:v23+s30+$0x0], $0xffff;
	v17 =	vadd.f32 v17, v20  }
0x176: {  	v16 =	vadd.f32 $0.0e+00, v16;
	v21 =	vadd.f32 v22, v21  }
0x177: {  	p0 =	sne.s32 s6, $0x13FF;
	v19 =	vadd.f32 v24, v19;
	v17 =	vadd.f32 v25, v17  }
.Ltmp1:
0x178: {  	v16 =	vadd.f32 v18, v16;
	v63 =	vadd.f32 v26, v21;
	(pc) =	sbr.rel @p0 .LBB2_4-.Ltmp1, $4  }
0x179: {  	v19 =	vadd.f32 v27, v19;
	[tilespmem:s9+$0xFFFFFFE0] =	vst v17  }
0x17a: {  	v16 =	vadd.f32 v62, v16;
	[tilespmem:s9+$0xFFFFFFF0] =	vst v63  }
0x17b: {  	s6 =	sadd.s32 $0x14, s6;
	[tilespmem:s9+$0x0] =	vst v19  }
0x17c: {  	s7 =	sadd.s32 $0x1, s7;
	s8 =	sadd.s32 $0x40, s8;
	[tilespmem:s9+$0x10] =	vst v16;
	s9 =	sadd.s32 $0x40, s9  }
0x17d: {  	[hbm4b:s15+s2] =	stream.linear.scatter [tilespmem:s0], [sflag:$0x2], $0x2000, $0x38;
	[tilespmem:$0x1B920] =	vst v63  }
0x17e: {  	_ =	swait.ge [sflag:s24], $0x2000  }
0x17f: {  	[sflag:s24] =	ssyncset.done $0x0  }
0x180: {  	[sflag:s24] =	ssyncadd.s32 $0xFFFFE000  }
0x181: {  	[hbm4b:s16+s2] =	stream.linear.scatter [tilespmem:s31], [sflag:$0x2], $0x2000, $0x38;
	[tilespmem:$0x1B920] =	vst v63  }
0x182: {  	_ =	swait.ge [sflag:s24], $0x2000  }
0x183: {  	[sflag:s24] =	ssyncset.done $0x0  }
0x184: {  	[sflag:s24] =	ssyncadd.s32 $0xFFFFE000  }
0x185: {  	_ =	swait.ge [sflag:s3], $0x4000  }
0x186: {  	[sflag:s3] =	ssyncset.done $0x0  }
0x187: {  	[sflag:s3] =	ssyncadd.s32 $0xFFFFC000  }
0x188: {  	[hbm4b:s17+s2] =	stream.linear.scatter [tilespmem:s26], [sflag:$0x2], $0x4000, $0x38;
	[tilespmem:$0x1B920] =	vst v63  }
0x189: {  	_ =	swait.ge [sflag:s24], $0x4000  }
0x18a: {  	s6 =	simm.s32 $0x1413;
	s7 =	simm.s32 $0x500;
	[sflag:s24] =	ssyncset.done $0x0  }
0x18b: {  	s8 =	simm.s32 $0x17940;
	s9 =	simm.s32 $0x19940;
	[sflag:s24] =	ssyncadd.s32 $0xFFFFC000  }
0x18c: {  	[tilespmem:s26], [sflag:$0x1] =	stream.indirect.gather [hbm4b:s4+s25], $0x40, s25, s25, $0xb8;
	[tilespmem:$0x1B920] =	vst v63  }
.LBB2_6:
0x18d: {  	s10 =	sadd.s32 $0xFFFFFFED, s6  }
0x18e: {  	v16 =	vmov s10  }
0x18f: {  	v16 =	vand.u32 $0xFFFFFFFC, v16  }
0x190: {  	v16 =	vbroadcast v16, $0x0;
	_ =	sdelay $0x1  }
0x191: {  	s10 =	sadd.s32 $0xFFFFFFEE, s6  }
0x192: {  	v17 =	vmov s10;
	s10 =	sadd.s32 $0xFFFFFFEF, s6  }
0x193: {  	v18 =	vmov s10;
	s10 =	sadd.s32 $0xFFFFFFF0, s6  }
0x194: {  	v24 =	vmov s10  }
0x195: {  	v17 =	vand.u32 $0xFFFFFFFD, v17;
	s10 =	sadd.s32 $0xFFFFFFF1, s6;
	v16 =	vld.idx.msk [tilespmem:v16+s28+$0x0], $0xffff  }
0x196: {  	v17 =	vbroadcast v17, $0x0;
	v18 =	vand.u32 $0xFFFFFFFE, v18;
	v27 =	vmov s10;
	s10 =	sadd.s32 $0xFFFFFFF2, s6  }
0x197: {  	v18 =	vbroadcast v18, $0x0;
	v27 =	vand.u32 $0xFFFFFFFC, v27;
	v32 =	vmov s10  }
0x198: {  	v27 =	vbroadcast v27, $0x0;
	v32 =	vand.u32 $0xFFFFFFFD, v32  }
0x199: {  	v32 =	vbroadcast v32, $0x0;
	v24 =	vld.idx.msk [tilespmem:v24+s28+$0x0], $0xffff  }
0x19a: {  	v19 =	vshll.u32 v16, $0x6  }
0x19b: {  	v20 =	vor.u32 v1, v19  }
0x19c: {  	v17 =	vld.idx.msk [tilespmem:v17+s28+$0x0], $0xffff;
	v21 =	vor.u32 v2, v19  }
0x19d: {  	v18 =	vld.idx.msk [tilespmem:v18+s28+$0x0], $0xffff;
	v22 =	vor.u32 v3, v19  }
0x19e: {  	v27 =	vld.idx.msk [tilespmem:v27+s28+$0x0], $0xffff;
	v34 =	vshll.u32 v24, $0x6;
	v19 =	vor.u32 v4, v19  }
0x19f: {  	v32 =	vld.idx.msk [tilespmem:v32+s28+$0x0], $0xffff;
	v35 =	vor.u32 v1, v34  }
0x1a0: {  	v36 =	vor.u32 v2, v34;
	v20 =	vld.idx.msk [tilespmem:v20+s29+$0x0], $0xffff  }
0x1a1: {  	v38 =	vor.u32 v3, v34;
	v21 =	vld.idx.msk [tilespmem:v21+s29+$0x0], $0xffff  }
0x1a2: {  	v23 =	vshll.u32 v17, $0x6;
	v56 =	vor.u32 v4, v34;
	v22 =	vld.idx.msk [tilespmem:v22+s29+$0x0], $0xffff  }
0x1a3: {  	v25 =	vor.u32 v1, v23;
	v19 =	vld.idx.msk [tilespmem:v19+s29+$0x0], $0xffff  }
0x1a4: {  	vm4 =	vgt.s32 v17, $0x0;
	v26 =	vor.u32 v2, v23;
	v17 =	vld.idx.msk [tilespmem:v35+s29+$0x0], $0xffff  }
0x1a5: {  	v28 =	vor.u32 v3, v23;
	v36 =	vld.idx.msk [tilespmem:v36+s29+$0x0], $0xffff  }
0x1a6: {  	v23 =	vor.u32 v4, v23;
	v29 =	vshll.u32 v18, $0x6;
	v38 =	vld.idx.msk [tilespmem:v38+s29+$0x0], $0xffff  }
0x1a7: {  	s10 =	sadd.s32 $0xFFFFFFF3, s6;
	v30 =	vor.u32 v1, v29;
	v61 =	vld.idx.msk [tilespmem:v56+s29+$0x0], $0xffff  }
0x1a8: {  	v37 =	vmov s10;
	v31 =	vor.u32 v2, v29;
	v25 =	vld.idx.msk [tilespmem:v25+s29+$0x0], $0xffff  }
0x1a9: {  	s10 =	sadd.s32 $0xFFFFFFF4, s6;
	v37 =	vand.u32 $0xFFFFFFFE, v37;
	v33 =	vor.u32 v3, v29;
	v26 =	vld.idx.msk [tilespmem:v26+s29+$0x0], $0xffff  }
0x1aa: {  	v45 =	vmov s10;
	s10 =	sadd.s32 $0xFFFFFFF5, s6;
	v57 =	vbroadcast v37, $0x0;
	v29 =	vor.u32 v4, v29;
	v28 =	vld.idx.msk [tilespmem:v28+s29+$0x0], $0xffff  }
0x1ab: {  	v42 =	vmov s10;
	vm0 =	vgt.s32 v16, $0x0;
	v39 =	vshll.u32 v27, $0x6;
	v23 =	vld.idx.msk [tilespmem:v23+s29+$0x0], $0xffff  }
0x1ac: {  	v42 =	vand.u32 $0xFFFFFFFC, v42;
	v58 =	vsel vm0, $0x3F800000, v0;
	v59 =	vor.u32 v1, v39;
	v30 =	vld.idx.msk [tilespmem:v30+s29+$0x0], $0xffff  }
0x1ad: {  	v40 =	vsel vm4, $0x3F800000, v0;
	vm5 =	vgt.s32 v18, $0x0;
	v41 =	vor.u32 v2, v39;
	v31 =	vld.idx.msk [tilespmem:v31+s29+$0x0], $0xffff  }
0x1ae: {  	s10 =	sadd.s32 $0xFFFFFFF6, s6;
	v37 =	vadd.f32 v40, v58;
	v60 =	vor.u32 v3, v39;
	v63 =	vshll.u32 v32, $0x6;
	v33 =	vld.idx.msk [tilespmem:v33+s29+$0x0], $0xffff  }
0x1af: {  	v55 =	vmov s10;
	v47 =	vsel vm5, $0x3F800000, v0;
	v48 =	vor.u32 v2, v63;
	v16 =	vld.idx.msk [tilespmem:v29+s29+$0x0], $0xffff  }
0x1b0: {  	vm6 =	vgt.s32 v24, $0x0;
	v35 =	vadd.f32 v47, v37;
	v49 =	vor.u32 v3, v63;
	v29 =	vld.idx.msk [tilespmem:v57+s28+$0x0], $0xffff  }
0x1b1: {  	v50 =	vbroadcast v42, $0x0;
	v24 =	vsel vm6, $0x3F800000, v0;
	v62 =	vor.u32 v4, v39;
	v18 =	vld.idx.msk [tilespmem:v59+s29+$0x0], $0xffff  }
0x1b2: {  	v42 =	vand.u32 $0xFFFFFFFD, v55;
	vm7 =	vgt.s32 v27, $0x0;
	v24 =	vadd.f32 v24, v35;
	v39 =	vld.idx.msk [tilespmem:v41+s29+$0x0], $0xffff  }
0x1b3: {  	v46 =	vor.u32 v1, v63;
	v37 =	vld.idx.msk [tilespmem:v60+s29+$0x0], $0xffff;
	v21 =	vadd.f32 $0.0e+00, v21;
	v22 =	vadd.f32 $0.0e+00, v22  }
0x1b4: {  	v59 =	vbroadcast v42, $0x0;
	v20 =	vadd.f32 $0.0e+00, v20;
	v19 =	vadd.f32 $0.0e+00, v19;
	v53 =	vld.idx.msk [tilespmem:v48+s29+$0x0], $0xffff  }
0x1b5: {  	v27 =	vsel vm7, $0x3F800000, v0;
	v56 =	vld.idx.msk [tilespmem:v49+s29+$0x0], $0xffff;
	v21 =	vadd.f32 v26, v21;
	v22 =	vadd.f32 v28, v22  }
0x1b6: {  	v19 =	vadd.f32 v23, v19;
	v26 =	vld.idx.msk [tilespmem:v62+s29+$0x0], $0xffff;
	v28 =	vor.u32 v4, v63;
	v51 =	vshll.u32 v29, $0x6  }
0x1b7: {  	s10 =	sadd.s32 $0xFFFFFFF7, s6;
	v20 =	vadd.f32 v25, v20;
	v57 =	vor.u32 v3, v51;
	v22 =	vadd.f32 v33, v22;
	v33 =	vld.idx.msk [tilespmem:v45+s28+$0x0], $0xffff  }
0x1b8: {  	v63 =	vmov s10;
	v52 =	vor.u32 v1, v51;
	v16 =	vadd.f32 v16, v19;
	v19 =	vld.idx.msk [tilespmem:v46+s29+$0x0], $0xffff  }
0x1b9: {  	v54 =	vor.u32 v2, v51;
	v42 =	vand.u32 $0xFFFFFFFE, v63;
	v20 =	vadd.f32 v30, v20;
	v30 =	vld.idx.msk [tilespmem:v50+s28+$0x0], $0xffff  }
0x1ba: {  	v58 =	vor.u32 v4, v51;
	v21 =	vadd.f32 v31, v21;
	v47 =	vbroadcast v42, $0x0;
	v31 =	vld.idx.msk [tilespmem:v59+s28+$0x0], $0xffff  }
0x1bb: {  	vm8 =	vgt.s32 v32, $0x0;
	v24 =	vadd.f32 v27, v24;
	s10 =	sadd.s32 $0xFFFFFFF8, s6;
	v17 =	vadd.f32 v17, v20;
	v20 =	vld.idx.msk [tilespmem:v28+s29+$0x0], $0xffff  }
0x1bc: {  	v49 =	vsel vm8, $0x3F800000, v0;
	v27 =	vld.idx.msk [tilespmem:v57+s29+$0x0], $0xffff;
	v57 =	vmov s10;
	v60 =	vshll.u32 v33, $0x6  }
0x1bd: {  	v24 =	vadd.f32 v49, v24;
	v16 =	vadd.f32 v61, v16;
	v23 =	vld.idx.msk [tilespmem:v52+s29+$0x0], $0xffff;
	v61 =	vor.u32 v1, v60  }
0x1be: {  	vm9 =	vgt.s32 v29, $0x0;
	v22 =	vadd.f32 v38, v22;
	v38 =	vld.idx.msk [tilespmem:v54+s29+$0x0], $0xffff;
	v62 =	vor.u32 v2, v60  }
0x1bf: {  	v21 =	vadd.f32 v36, v21;
	v17 =	vadd.f32 v18, v17;
	v18 =	vld.idx.msk [tilespmem:v58+s29+$0x0], $0xffff;
	v45 =	vor.u32 v3, v60  }
0x1c0: {  	v55 =	vsel vm9, $0x3F800000, v0;
	v48 =	vshll.u32 v30, $0x6;
	v46 =	vor.u32 v4, v60;
	v36 =	vld.idx.msk [tilespmem:v47+s28+$0x0], $0xffff  }
0x1c1: {  	v21 =	vadd.f32 v39, v21;
	v22 =	vadd.f32 v37, v22;
	v50 =	vor.u32 v1, v48;
	v40 =	vld.idx.msk [tilespmem:v57+s28+$0x0], $0xffff  }
0x1c2: {  	v16 =	vadd.f32 v26, v16;
	v58 =	vadd.f32 v55, v24;
	v51 =	vor.u32 v2, v48;
	v25 =	vld.idx.msk [tilespmem:v61+s29+$0x0], $0xffff  }
0x1c3: {  	vm10 =	vgt.s32 v33, $0x0;
	v52 =	vadd.f32 v53, v21;
	v53 =	vor.u32 v3, v48;
	v26 =	vld.idx.msk [tilespmem:v62+s29+$0x0], $0xffff  }
0x1c4: {  	v22 =	vadd.f32 v56, v22;
	v54 =	vor.u32 v4, v48;
	v56 =	vshll.u32 v31, $0x6;
	v21 =	vld.idx.msk [tilespmem:v45+s29+$0x0], $0xffff  }
0x1c5: {  	vm11 =	vgt.s32 v30, $0x0;
	v17 =	vadd.f32 v19, v17;
	v59 =	vor.u32 v1, v56;
	v28 =	vld.idx.msk [tilespmem:v46+s29+$0x0], $0xffff  }
0x1c6: {  	vm12 =	vgt.s32 v31, $0x0;
	v60 =	vor.u32 v2, v56;
	v16 =	vadd.f32 v20, v16;
	v24 =	vld.idx.msk [tilespmem:v50+s29+$0x0], $0xffff  }
0x1c7: {  	s10 =	sadd.s32 $0xFFFFFFF9, s6;
	v63 =	vor.u32 v4, v56;
	v17 =	vadd.f32 v23, v17;
	v19 =	vadd.f32 v38, v52;
	v23 =	vld.idx.msk [tilespmem:v51+s29+$0x0], $0xffff  }
0x1c8: {  	v61 =	vmov s10;
	v34 =	vld.idx.msk [tilespmem:v53+s29+$0x0], $0xffff;
	v62 =	vor.u32 v3, v56;
	v46 =	vshll.u32 v36, $0x6  }
0x1c9: {  	v22 =	vadd.f32 v27, v22;
	v29 =	vld.idx.msk [tilespmem:v54+s29+$0x0], $0xffff;
	v39 =	vand.u32 $0xFFFFFFFC, v61;
	v49 =	vor.u32 v1, v46  }
0x1ca: {  	v45 =	vsel vm10, $0x3F800000, v0;
	v48 =	vld.idx.msk [tilespmem:v59+s29+$0x0], $0xffff;
	v51 =	vor.u32 v2, v46;
	v44 =	vbroadcast v39, $0x0  }
0x1cb: {  	v31 =	vsel vm12, $0x3F800000, v0;
	v16 =	vadd.f32 v18, v16;
	s10 =	sadd.s32 $0xFFFFFFFA, s6;
	v47 =	vadd.f32 v45, v58;
	v50 =	vld.idx.msk [tilespmem:v60+s29+$0x0], $0xffff  }
0x1cc: {  	v52 =	vmov s10;
	v54 =	vor.u32 v3, v46;
	v55 =	vld.idx.msk [tilespmem:v63+s29+$0x0], $0xffff;
	v57 =	vshll.u32 v40, $0x6  }
0x1cd: {  	v56 =	vor.u32 v4, v46;
	s10 =	sadd.s32 $0xFFFFFFFB, s6;
	v37 =	vand.u32 $0xFFFFFFFD, v52;
	v61 =	vor.u32 v2, v57;
	v53 =	vld.idx.msk [tilespmem:v62+s29+$0x0], $0xffff  }
0x1ce: {  	v58 =	vsel vm11, $0x3F800000, v0;
	v60 =	vmov s10;
	v37 =	vbroadcast v37, $0x0;
	v27 =	vld.idx.msk [tilespmem:v49+s29+$0x0], $0xffff  }
0x1cf: {  	vm13 =	vgt.s32 v36, $0x0;
	v18 =	vadd.f32 v58, v47;
	v41 =	vand.u32 $0xFFFFFFFE, v60;
	v32 =	vld.idx.msk [tilespmem:v51+s29+$0x0], $0xffff  }
0x1d0: {  	s10 =	sadd.s32 $0xFFFFFFFC, s6;
	vm14 =	vgt.s32 v40, $0x0;
	v59 =	vor.u32 v1, v57;
	v63 =	vor.u32 v3, v57;
	v30 =	vld.idx.msk [tilespmem:v44+s28+$0x0], $0xffff  }
0x1d1: {  	v41 =	vbroadcast v41, $0x0;
	v17 =	vadd.f32 v25, v17;
	v62 =	vld.idx.msk [tilespmem:v54+s29+$0x0], $0xffff;
	v54 =	vmov s10;
	s10 =	sadd.s32 $0xFFFFFFFD, s6  }
0x1d2: {  	v19 =	vadd.f32 v26, v19;
	v21 =	vadd.f32 v21, v22;
	v47 =	vld.idx.msk [tilespmem:v61+s29+$0x0], $0xffff;
	v61 =	vmov s10  }
0x1d3: {  	v16 =	vadd.f32 v28, v16;
	v28 =	vor.u32 v4, v57;
	v43 =	vld.idx.msk [tilespmem:v56+s29+$0x0], $0xffff;
	v35 =	vand.u32 $0xFFFFFFFC, v61  }
0x1d4: {  	v18 =	vadd.f32 v31, v18;
	v21 =	vadd.f32 v34, v21;
	v34 =	vld.idx.msk [tilespmem:v37+s28+$0x0], $0xffff;
	v35 =	vbroadcast v35, $0x0  }
0x1d5: {  	v51 =	vsel vm13, $0x3F800000, v0;
	v17 =	vadd.f32 v24, v17;
	v45 =	vld.idx.msk [tilespmem:v59+s29+$0x0], $0xffff;
	v44 =	vshll.u32 v30, $0x6  }
0x1d6: {  	v19 =	vadd.f32 v23, v19;
	v16 =	vadd.f32 v29, v16;
	v49 =	vld.idx.msk [tilespmem:v63+s29+$0x0], $0xffff;
	v46 =	vor.u32 v1, v44  }
0x1d7: {  	v18 =	vadd.f32 v51, v18;
	v17 =	vadd.f32 v48, v17;
	v36 =	vld.idx.msk [tilespmem:v41+s28+$0x0], $0xffff;
	v48 =	vor.u32 v2, v44  }
0x1d8: {  	v19 =	vadd.f32 v50, v19;
	v63 =	vsel vm14, $0x3F800000, v0;
	v52 =	vld.idx.msk [tilespmem:v28+s29+$0x0], $0xffff;
	v50 =	vor.u32 v3, v44  }
0x1d9: {  	v21 =	vadd.f32 v53, v21;
	v37 =	vld.idx.msk [tilespmem:v54+s28+$0x0], $0xffff;
	v33 =	vor.u32 v4, v44;
	v53 =	vshll.u32 v34, $0x6  }
0x1da: {  	v16 =	vadd.f32 v55, v16;
	v18 =	vadd.f32 v63, v18;
	v56 =	vor.u32 v1, v53;
	v35 =	vld.idx.msk [tilespmem:v35+s28+$0x0], $0xffff  }
0x1db: {  	v17 =	vadd.f32 v27, v17;
	v19 =	vadd.f32 v32, v19;
	v58 =	vor.u32 v2, v53;
	v55 =	vld.idx.msk [tilespmem:v46+s29+$0x0], $0xffff  }
0x1dc: {  	v16 =	vadd.f32 v43, v16;
	v21 =	vadd.f32 v62, v21;
	v60 =	vor.u32 v3, v53;
	v57 =	vld.idx.msk [tilespmem:v48+s29+$0x0], $0xffff  }
0x1dd: {  	vm15 =	vgt.s32 v30, $0x0;
	v28 =	vor.u32 v4, v53;
	v62 =	vshll.u32 v36, $0x6;
	v59 =	vld.idx.msk [tilespmem:v50+s29+$0x0], $0xffff  }
0x1de: {  	s10 =	sadd.s32 $0xFFFFFFFE, s6;
	v17 =	vadd.f32 v45, v17;
	v19 =	vadd.f32 v47, v19;
	v44 =	vor.u32 v1, v62;
	v33 =	vld.idx.msk [tilespmem:v33+s29+$0x0], $0xffff  }
0x1df: {  	v21 =	vadd.f32 v49, v21;
	v45 =	vor.u32 v2, v62;
	v46 =	vmov s10;
	v29 =	vld.idx.msk [tilespmem:v56+s29+$0x0], $0xffff  }
0x1e0: {  	v47 =	vor.u32 v3, v62;
	v49 =	vshll.u32 v37, $0x6;
	v20 =	vld.idx.msk [tilespmem:v58+s29+$0x0], $0xffff;
	v31 =	vand.u32 $0xFFFFFFFD, v46  }
0x1e1: {  	v16 =	vadd.f32 v52, v16;
	v52 =	vor.u32 v1, v49;
	s10 =	sadd.s32 $0xFFFFFFFF, s6;
	v26 =	vld.idx.msk [tilespmem:v60+s29+$0x0], $0xffff;
	v31 =	vbroadcast v31, $0x0  }
0x1e2: {  	v51 =	vsel vm15, $0x3F800000, v0;
	vm4 =	vgt.s32 v34, $0x0;
	v22 =	vld.idx.msk [tilespmem:v28+s29+$0x0], $0xffff;
	v50 =	vmov s10  }
0x1e3: {  	v18 =	vadd.f32 v51, v18;
	v53 =	vor.u32 v2, v49;
	v30 =	vld.idx.msk [tilespmem:v44+s29+$0x0], $0xffff;
	v39 =	vand.u32 $0xFFFFFFFE, v50  }
0x1e4: {  	v54 =	vsel vm4, $0x3F800000, v0;
	v48 =	vor.u32 v4, v62;
	v24 =	vld.idx.msk [tilespmem:v45+s29+$0x0], $0xffff;
	v39 =	vbroadcast v39, $0x0  }
0x1e5: {  	vm5 =	vgt.s32 v36, $0x0;
	v18 =	vadd.f32 v54, v18;
	v23 =	vld.idx.msk [tilespmem:v47+s29+$0x0], $0xffff;
	v60 =	vshll.u32 v35, $0x6  }
0x1e6: {  	vm6 =	vgt.s32 v37, $0x0;
	v58 =	vsel vm5, $0x3F800000, v0;
	v34 =	vld.idx.msk [tilespmem:v52+s29+$0x0], $0xffff;
	v61 =	vor.u32 v1, v60  }
0x1e7: {  	v18 =	vadd.f32 v58, v18;
	v19 =	vadd.f32 v57, v19;
	v57 =	vmov s6;
	v56 =	vld.idx.msk [tilespmem:v31+s28+$0x0], $0xffff  }
0x1e8: {  	v62 =	vsel vm6, $0x3F800000, v0;
	v32 =	vld.idx.msk [tilespmem:v53+s29+$0x0], $0xffff;
	v63 =	vor.u32 v2, v60  }
0x1e9: {  	vm7 =	vgt.s32 v35, $0x0;
	v18 =	vadd.f32 v62, v18;
	v44 =	vor.u32 v3, v60;
	v27 =	vld.idx.msk [tilespmem:v48+s29+$0x0], $0xffff  }
0x1ea: {  	v35 =	vsel vm7, $0x3F800000, v0;
	v38 =	vor.u32 v4, v60;
	v17 =	vadd.f32 v55, v17;
	v39 =	vld.idx.msk [tilespmem:v39+s28+$0x0], $0xffff  }
0x1eb: {  	v21 =	vadd.f32 v59, v21;
	v55 =	vor.u32 v3, v49;
	v59 =	vor.u32 v4, v49;
	v47 =	vld.idx.msk [tilespmem:v61+s29+$0x0], $0xffff  }
0x1ec: {  	v16 =	vadd.f32 v33, v16;
	v18 =	vadd.f32 v35, v18;
	v31 =	vld.idx.msk [tilespmem:v57+s28+$0x0], $0xffff;
	v45 =	vshll.u32 v56, $0x6  }
0x1ed: {  	v17 =	vadd.f32 v29, v17;
	v40 =	vld.idx.msk [tilespmem:v63+s29+$0x0], $0xffff;
	vm8 =	vgt.s32 v56, $0x0;
	v46 =	vor.u32 v1, v45  }
0x1ee: {  	v19 =	vadd.f32 v20, v19;
	v33 =	vld.idx.msk [tilespmem:v44+s29+$0x0], $0xffff;
	v48 =	vsel vm8, $0x3F800000, v0;
	v49 =	vor.u32 v2, v45  }
0x1ef: {  	v38 =	vld.idx.msk [tilespmem:v38+s29+$0x0], $0xffff;
	v50 =	vor.u32 v3, v45;
	vm9 =	vgt.s32 v39, $0x0;
	v18 =	vadd.f32 v48, v18  }
0x1f0: {  	v28 =	vld.idx.msk [tilespmem:v55+s29+$0x0], $0xffff;
	v41 =	vor.u32 v4, v45;
	v39 =	vshll.u32 v39, $0x6;
	v51 =	vsel vm9, $0x3F800000, v0  }
0x1f1: {  	v36 =	vld.idx.msk [tilespmem:v59+s29+$0x0], $0xffff;
	v52 =	vor.u32 v1, v39;
	vm10 =	vgt.s32 v31, $0x0;
	v18 =	vadd.f32 v51, v18  }
0x1f2: {  	v21 =	vadd.f32 v26, v21;
	v54 =	vor.u32 v2, v39;
	v43 =	vsel vm10, $0x3F800000, v0;
	v53 =	vld.idx.msk [tilespmem:v46+s29+$0x0], $0xffff  }
0x1f3: {  	v16 =	vadd.f32 v22, v16;
	v56 =	vor.u32 v3, v39;
	v55 =	vld.idx.msk [tilespmem:v49+s29+$0x0], $0xffff;
	v18 =	vadd.f32 v43, v18  }
0x1f4: {  	v17 =	vadd.f32 v30, v17;
	v58 =	vor.u32 v4, v39;
	v31 =	vshll.u32 v31, $0x6;
	v57 =	vld.idx.msk [tilespmem:v50+s29+$0x0], $0xffff  }
0x1f5: {  	v19 =	vadd.f32 v24, v19;
	v60 =	vor.u32 v1, v31;
	v59 =	vld.idx.msk [tilespmem:v41+s29+$0x0], $0xffff;
	v18 =	vadd.f32 $9.999999930e-09, v18  }
0x1f6: {  	v16 =	vadd.f32 v27, v16;
	v17 =	vadd.f32 v34, v17;
	v62 =	vor.u32 v2, v31;
	v61 =	vld.idx.msk [tilespmem:v52+s29+$0x0], $0xffff  }
0x1f7: {  	v63 =	vor.u32 v3, v31;
	v31 =	vor.u32 v4, v31;
	v25 =	vld.idx.msk [tilespmem:v54+s29+$0x0], $0xffff;
	(erf) = vrcp.f32 v18  }
0x1f8: {  	v21 =	vadd.f32 v23, v21;
	v19 =	vadd.f32 v32, v19;
	v34 =	vld.idx.msk [tilespmem:v56+s29+$0x0], $0xffff  }
0x1f9: {  	v17 =	vadd.f32 v47, v17;
	v16 =	vadd.f32 v36, v16;
	v37 =	vld.idx.msk [tilespmem:v58+s29+$0x0], $0xffff  }
0x1fa: {  	v19 =	vadd.f32 v40, v19;
	v21 =	vadd.f32 v28, v21;
	v41 =	vld.idx.msk [tilespmem:v60+s29+$0x0], $0xffff  }
0x1fb: {  	v16 =	vadd.f32 v38, v16;
	v42 =	vld.idx.msk [tilespmem:v62+s29+$0x0], $0xffff;
	v17 =	vadd.f32 v53, v17  }
0x1fc: {  	v21 =	vadd.f32 v33, v21;
	v43 =	vld.idx.msk [tilespmem:v31+s29+$0x0], $0xffff;
	v19 =	vadd.f32 v55, v19  }
0x1fd: {  	v18 =	vld.idx.msk [tilespmem:v63+s29+$0x0], $0xffff;
	v16 =	vadd.f32 v59, v16;
	v17 =	vadd.f32 v61, v17  }
0x1fe: {  	v21 =	vadd.f32 v57, v21;
	v19 =	vadd.f32 v25, v19  }
0x1ff: {  	v16 =	vadd.f32 v37, v16;
	v17 =	vadd.f32 v41, v17  }
0x200: {  	v21 =	vadd.f32 v34, v21;
	v19 =	vadd.f32 v42, v19;
	v44 =	vpop (erf)  }
0x201: {  	s10 =	sadd.s32 $0xFFFFFC00, s7;
	v16 =	vadd.f32 v43, v16;
	v17 =	vmul.f32 v44, v17  }
0x202: {  	v45 =	vmov s10;
	s10 =	sadd.s32 $0xFFFFFE00, s7;
	v18 =	vadd.f32 v18, v21;
	v19 =	vmul.f32 v44, v19  }
0x203: {  	v46 =	vmov s10;
	v16 =	vmul.f32 v44, v16;
	[tilespmem:s8+$0xFFFFFFE0] =	vst v17  }
0x204: {  	v17 =	vmul.f32 v44, v18;
	[tilespmem:s8+$0xFFFFFFF0] =	vst v19  }
0x205: {  	[tilespmem:s8+$0x10] =	vst v16  }
0x206: {  	[tilespmem:s8+$0x0] =	vst v17  }
0x207: {  	v16 =	vld.idx.msk [tilespmem:v45+s1+$0x0], $0xffff  }
0x208: {  	v17 =	vmov s7;
	v18 =	vld.idx.msk [tilespmem:v46+s1+$0x0], $0xffff;
	_ =	sdelay $0x4  }
0x209: {  	v17 =	vld.idx.msk [tilespmem:v17+s1+$0x0], $0xffff;
	vm11 =	vlt.f32 v14, v16;
	vm1 =	vlt.f32 v15, v16;
	vm12 =	vlt.f32 v14, v18  }
0x20a: {  	vm13 =	vlt.f32 v15, v18;
	v16 =	vmpcnt.ones.xlane vm11;
	v47 =	vmpcnt.ones.xlane vm1  }
0x20b: {  	v48 =	vmpcnt.ones.xlane vm12;
	v49 =	vmpcnt.ones.xlane vm13;
	_ =	sdelay $0x1  }
0x20c: {  	v16 =	vadd.s32 v16, v47;
	v18 =	vadd.s32 v48, v49  }
0x20d: {  	v16 =	vshll.u32 v16, $0x6;
	v18 =	vshll.u32 v18, $0x6;
	vm14 =	vlt.f32 v14, v17  }
0x20e: {  	vm15 =	vlt.f32 v15, v17;
	v50 =	vor.u32 v1, v16;
	v51 =	vor.u32 v2, v16  }
0x20f: {  	v52 =	vor.u32 v3, v16;
	v53 =	vadd.s32 v5, v18;
	v54 =	vmpcnt.ones.xlane vm14  }
0x210: {  	v55 =	vadd.s32 v7, v18;
	v56 =	vmpcnt.ones.xlane vm15;
	v16 =	vor.u32 v4, v16  }
0x211: {  	v57 =	vadd.s32 v8, v18;
	v18 =	vadd.s32 v9, v18;
	v17 =	vand.u32 $0xFFFFFFC8, v53  }
0x212: {  	v22 =	vand.u32 $0xFFFFFFD8, v55;
	v17 =	vor.u32 v6, v17;
	v23 =	vadd.s32 v54, v56  }
0x213: {  	v58 =	vand.u32 $0xFFFFFFE8, v57;
	v22 =	vor.u32 v6, v22;
	v23 =	vshll.u32 v23, $0x6;
	v20 =	vld.idx.msk [tilespmem:v50+s30+$0x0], $0xffff  }
0x214: {  	v18 =	vand.u32 $0xFFFFFFF8, v18;
	v24 =	vor.u32 v6, v58;
	v59 =	vadd.s32 v10, v23;
	v21 =	vld.idx.msk [tilespmem:v51+s30+$0x0], $0xffff  }
0x215: {  	v18 =	vor.u32 v6, v18;
	v60 =	vadd.s32 v11, v23;
	v19 =	vld.idx.msk [tilespmem:v52+s30+$0x0], $0xffff;
	v25 =	vand.u32 $0xFFFFFFC8, v59  }
0x216: {  	v61 =	vadd.s32 v12, v23;
	v16 =	vld.idx.msk [tilespmem:v16+s30+$0x0], $0xffff;
	v26 =	vand.u32 $0xFFFFFFD8, v60;
	v25 =	vor.u32 v6, v25  }
0x217: {  	v23 =	vadd.s32 v13, v23;
	v27 =	vand.u32 $0xFFFFFFE8, v61;
	v26 =	vor.u32 v6, v26;
	v17 =	vld.idx.msk [tilespmem:v17+s30+$0x0], $0xffff  }
0x218: {  	v23 =	vand.u32 $0xFFFFFFF8, v23;
	v27 =	vor.u32 v6, v27;
	v22 =	vld.idx.msk [tilespmem:v22+s30+$0x0], $0xffff  }
0x219: {  	v23 =	vor.u32 v6, v23;
	v24 =	vld.idx.msk [tilespmem:v24+s30+$0x0], $0xffff  }
0x21a: {  	v18 =	vld.idx.msk [tilespmem:v18+s30+$0x0], $0xffff  }
0x21b: {  	v25 =	vld.idx.msk [tilespmem:v25+s30+$0x0], $0xffff  }
0x21c: {  	v20 =	vadd.f32 $0.0e+00, v20;
	v26 =	vld.idx.msk [tilespmem:v26+s30+$0x0], $0xffff  }
0x21d: {  	v21 =	vadd.f32 $0.0e+00, v21;
	v27 =	vld.idx.msk [tilespmem:v27+s30+$0x0], $0xffff  }
0x21e: {  	v19 =	vadd.f32 $0.0e+00, v19;
	v62 =	vld.idx.msk [tilespmem:v23+s30+$0x0], $0xffff;
	v17 =	vadd.f32 v17, v20  }
0x21f: {  	v16 =	vadd.f32 $0.0e+00, v16;
	v21 =	vadd.f32 v22, v21  }
0x220: {  	p0 =	sne.s32 s6, $0x1DFF;
	v19 =	vadd.f32 v24, v19;
	v17 =	vadd.f32 v25, v17  }
.Ltmp2:
0x221: {  	v16 =	vadd.f32 v18, v16;
	v63 =	vadd.f32 v26, v21;
	(pc) =	sbr.rel @p0 .LBB2_6-.Ltmp2, $4  }
0x222: {  	v19 =	vadd.f32 v27, v19;
	[tilespmem:s9+$0xFFFFFFE0] =	vst v17  }
0x223: {  	v16 =	vadd.f32 v62, v16;
	[tilespmem:s9+$0xFFFFFFF0] =	vst v63  }
0x224: {  	s6 =	sadd.s32 $0x14, s6;
	[tilespmem:s9+$0x0] =	vst v19  }
0x225: {  	s7 =	sadd.s32 $0x1, s7;
	s8 =	sadd.s32 $0x40, s8;
	[tilespmem:s9+$0x10] =	vst v16;
	s9 =	sadd.s32 $0x40, s9  }
0x226: {  	[hbm4b:s18+s2] =	stream.linear.scatter [tilespmem:s0], [sflag:$0x2], $0x2000, $0x38;
	[tilespmem:$0x1B920] =	vst v63  }
0x227: {  	_ =	swait.ge [sflag:s24], $0x2000  }
0x228: {  	[sflag:s24] =	ssyncset.done $0x0  }
0x229: {  	[sflag:s24] =	ssyncadd.s32 $0xFFFFE000  }
0x22a: {  	[hbm4b:s19+s2] =	stream.linear.scatter [tilespmem:s31], [sflag:$0x2], $0x2000, $0x38;
	[tilespmem:$0x1B920] =	vst v63  }
0x22b: {  	_ =	swait.ge [sflag:s24], $0x2000  }
0x22c: {  	s6 =	simm.s32 $0x1E13;
	s7 =	simm.s32 $0x580;
	[sflag:s24] =	ssyncset.done $0x0  }
0x22d: {  	s8 =	simm.s32 $0x17940;
	s9 =	simm.s32 $0x19940;
	[sflag:s24] =	ssyncadd.s32 $0xFFFFE000  }
.LBB2_8:
0x22e: {  	s10 =	sadd.s32 $0xFFFFFFED, s6  }
0x22f: {  	v16 =	vmov s10  }
0x230: {  	v16 =	vand.u32 $0xFFFFFFFC, v16  }
0x231: {  	v16 =	vbroadcast v16, $0x0;
	_ =	sdelay $0x1  }
0x232: {  	s10 =	sadd.s32 $0xFFFFFFEE, s6  }
0x233: {  	v17 =	vmov s10;
	s10 =	sadd.s32 $0xFFFFFFEF, s6  }
0x234: {  	v18 =	vmov s10;
	s10 =	sadd.s32 $0xFFFFFFF0, s6  }
0x235: {  	v24 =	vmov s10  }
0x236: {  	v17 =	vand.u32 $0xFFFFFFFD, v17;
	s10 =	sadd.s32 $0xFFFFFFF1, s6;
	v16 =	vld.idx.msk [tilespmem:v16+s28+$0x0], $0xffff  }
0x237: {  	v17 =	vbroadcast v17, $0x0;
	v18 =	vand.u32 $0xFFFFFFFE, v18;
	v27 =	vmov s10;
	s10 =	sadd.s32 $0xFFFFFFF2, s6  }
0x238: {  	v18 =	vbroadcast v18, $0x0;
	v27 =	vand.u32 $0xFFFFFFFC, v27;
	v32 =	vmov s10  }
0x239: {  	v27 =	vbroadcast v27, $0x0;
	v32 =	vand.u32 $0xFFFFFFFD, v32  }
0x23a: {  	v32 =	vbroadcast v32, $0x0;
	v24 =	vld.idx.msk [tilespmem:v24+s28+$0x0], $0xffff  }
0x23b: {  	v19 =	vshll.u32 v16, $0x6  }
0x23c: {  	v20 =	vor.u32 v1, v19  }
0x23d: {  	v17 =	vld.idx.msk [tilespmem:v17+s28+$0x0], $0xffff;
	v21 =	vor.u32 v2, v19  }
0x23e: {  	v18 =	vld.idx.msk [tilespmem:v18+s28+$0x0], $0xffff;
	v22 =	vor.u32 v3, v19  }
0x23f: {  	v27 =	vld.idx.msk [tilespmem:v27+s28+$0x0], $0xffff;
	v34 =	vshll.u32 v24, $0x6;
	v19 =	vor.u32 v4, v19  }
0x240: {  	v32 =	vld.idx.msk [tilespmem:v32+s28+$0x0], $0xffff;
	v35 =	vor.u32 v1, v34  }
0x241: {  	v36 =	vor.u32 v2, v34;
	v20 =	vld.idx.msk [tilespmem:v20+s29+$0x0], $0xffff  }
0x242: {  	v38 =	vor.u32 v3, v34;
	v21 =	vld.idx.msk [tilespmem:v21+s29+$0x0], $0xffff  }
0x243: {  	v23 =	vshll.u32 v17, $0x6;
	v56 =	vor.u32 v4, v34;
	v22 =	vld.idx.msk [tilespmem:v22+s29+$0x0], $0xffff  }
0x244: {  	v25 =	vor.u32 v1, v23;
	v19 =	vld.idx.msk [tilespmem:v19+s29+$0x0], $0xffff  }
0x245: {  	vm4 =	vgt.s32 v17, $0x0;
	v26 =	vor.u32 v2, v23;
	v17 =	vld.idx.msk [tilespmem:v35+s29+$0x0], $0xffff  }
0x246: {  	v28 =	vor.u32 v3, v23;
	v36 =	vld.idx.msk [tilespmem:v36+s29+$0x0], $0xffff  }
0x247: {  	v23 =	vor.u32 v4, v23;
	v29 =	vshll.u32 v18, $0x6;
	v38 =	vld.idx.msk [tilespmem:v38+s29+$0x0], $0xffff  }
0x248: {  	s10 =	sadd.s32 $0xFFFFFFF3, s6;
	v30 =	vor.u32 v1, v29;
	v61 =	vld.idx.msk [tilespmem:v56+s29+$0x0], $0xffff  }
0x249: {  	v37 =	vmov s10;
	v31 =	vor.u32 v2, v29;
	v25 =	vld.idx.msk [tilespmem:v25+s29+$0x0], $0xffff  }
0x24a: {  	s10 =	sadd.s32 $0xFFFFFFF4, s6;
	v37 =	vand.u32 $0xFFFFFFFE, v37;
	v33 =	vor.u32 v3, v29;
	v26 =	vld.idx.msk [tilespmem:v26+s29+$0x0], $0xffff  }
0x24b: {  	v45 =	vmov s10;
	s10 =	sadd.s32 $0xFFFFFFF5, s6;
	v57 =	vbroadcast v37, $0x0;
	v29 =	vor.u32 v4, v29;
	v28 =	vld.idx.msk [tilespmem:v28+s29+$0x0], $0xffff  }
0x24c: {  	v42 =	vmov s10;
	vm0 =	vgt.s32 v16, $0x0;
	v39 =	vshll.u32 v27, $0x6;
	v23 =	vld.idx.msk [tilespmem:v23+s29+$0x0], $0xffff  }
0x24d: {  	v42 =	vand.u32 $0xFFFFFFFC, v42;
	v58 =	vsel vm0, $0x3F800000, v0;
	v59 =	vor.u32 v1, v39;
	v30 =	vld.idx.msk [tilespmem:v30+s29+$0x0], $0xffff  }
0x24e: {  	v40 =	vsel vm4, $0x3F800000, v0;
	vm5 =	vgt.s32 v18, $0x0;
	v41 =	vor.u32 v2, v39;
	v31 =	vld.idx.msk [tilespmem:v31+s29+$0x0], $0xffff  }
0x24f: {  	s10 =	sadd.s32 $0xFFFFFFF6, s6;
	v37 =	vadd.f32 v40, v58;
	v60 =	vor.u32 v3, v39;
	v63 =	vshll.u32 v32, $0x6;
	v33 =	vld.idx.msk [tilespmem:v33+s29+$0x0], $0xffff  }
0x250: {  	v55 =	vmov s10;
	v47 =	vsel vm5, $0x3F800000, v0;
	v48 =	vor.u32 v2, v63;
	v16 =	vld.idx.msk [tilespmem:v29+s29+$0x0], $0xffff  }
0x251: {  	vm6 =	vgt.s32 v24, $0x0;
	v35 =	vadd.f32 v47, v37;
	v49 =	vor.u32 v3, v63;
	v29 =	vld.idx.msk [tilespmem:v57+s28+$0x0], $0xffff  }
0x252: {  	v50 =	vbroadcast v42, $0x0;
	v24 =	vsel vm6, $0x3F800000, v0;
	v62 =	vor.u32 v4, v39;
	v18 =	vld.idx.msk [tilespmem:v59+s29+$0x0], $0xffff  }
0x253: {  	v42 =	vand.u32 $0xFFFFFFFD, v55;
	vm7 =	vgt.s32 v27, $0x0;
	v24 =	vadd.f32 v24, v35;
	v39 =	vld.idx.msk [tilespmem:v41+s29+$0x0], $0xffff  }
0x254: {  	v46 =	vor.u32 v1, v63;
	v37 =	vld.idx.msk [tilespmem:v60+s29+$0x0], $0xffff;
	v21 =	vadd.f32 $0.0e+00, v21;
	v22 =	vadd.f32 $0.0e+00, v22  }
0x255: {  	v59 =	vbroadcast v42, $0x0;
	v20 =	vadd.f32 $0.0e+00, v20;
	v19 =	vadd.f32 $0.0e+00, v19;
	v53 =	vld.idx.msk [tilespmem:v48+s29+$0x0], $0xffff  }
0x256: {  	v27 =	vsel vm7, $0x3F800000, v0;
	v56 =	vld.idx.msk [tilespmem:v49+s29+$0x0], $0xffff;
	v21 =	vadd.f32 v26, v21;
	v22 =	vadd.f32 v28, v22  }
0x257: {  	v19 =	vadd.f32 v23, v19;
	v26 =	vld.idx.msk [tilespmem:v62+s29+$0x0], $0xffff;
	v28 =	vor.u32 v4, v63;
	v51 =	vshll.u32 v29, $0x6  }
0x258: {  	s10 =	sadd.s32 $0xFFFFFFF7, s6;
	v20 =	vadd.f32 v25, v20;
	v57 =	vor.u32 v3, v51;
	v22 =	vadd.f32 v33, v22;
	v33 =	vld.idx.msk [tilespmem:v45+s28+$0x0], $0xffff  }
0x259: {  	v63 =	vmov s10;
	v52 =	vor.u32 v1, v51;
	v16 =	vadd.f32 v16, v19;
	v19 =	vld.idx.msk [tilespmem:v46+s29+$0x0], $0xffff  }
0x25a: {  	v54 =	vor.u32 v2, v51;
	v42 =	vand.u32 $0xFFFFFFFE, v63;
	v20 =	vadd.f32 v30, v20;
	v30 =	vld.idx.msk [tilespmem:v50+s28+$0x0], $0xffff  }
0x25b: {  	v58 =	vor.u32 v4, v51;
	v21 =	vadd.f32 v31, v21;
	v47 =	vbroadcast v42, $0x0;
	v31 =	vld.idx.msk [tilespmem:v59+s28+$0x0], $0xffff  }
0x25c: {  	vm8 =	vgt.s32 v32, $0x0;
	v24 =	vadd.f32 v27, v24;
	s10 =	sadd.s32 $0xFFFFFFF8, s6;
	v17 =	vadd.f32 v17, v20;
	v20 =	vld.idx.msk [tilespmem:v28+s29+$0x0], $0xffff  }
0x25d: {  	v49 =	vsel vm8, $0x3F800000, v0;
	v27 =	vld.idx.msk [tilespmem:v57+s29+$0x0], $0xffff;
	v57 =	vmov s10;
	v60 =	vshll.u32 v33, $0x6  }
0x25e: {  	v24 =	vadd.f32 v49, v24;
	v16 =	vadd.f32 v61, v16;
	v23 =	vld.idx.msk [tilespmem:v52+s29+$0x0], $0xffff;
	v61 =	vor.u32 v1, v60  }
0x25f: {  	vm9 =	vgt.s32 v29, $0x0;
	v22 =	vadd.f32 v38, v22;
	v38 =	vld.idx.msk [tilespmem:v54+s29+$0x0], $0xffff;
	v62 =	vor.u32 v2, v60  }
0x260: {  	v21 =	vadd.f32 v36, v21;
	v17 =	vadd.f32 v18, v17;
	v18 =	vld.idx.msk [tilespmem:v58+s29+$0x0], $0xffff;
	v45 =	vor.u32 v3, v60  }
0x261: {  	v55 =	vsel vm9, $0x3F800000, v0;
	v48 =	vshll.u32 v30, $0x6;
	v46 =	vor.u32 v4, v60;
	v36 =	vld.idx.msk [tilespmem:v47+s28+$0x0], $0xffff  }
0x262: {  	v21 =	vadd.f32 v39, v21;
	v22 =	vadd.f32 v37, v22;
	v50 =	vor.u32 v1, v48;
	v40 =	vld.idx.msk [tilespmem:v57+s28+$0x0], $0xffff  }
0x263: {  	v16 =	vadd.f32 v26, v16;
	v58 =	vadd.f32 v55, v24;
	v51 =	vor.u32 v2, v48;
	v25 =	vld.idx.msk [tilespmem:v61+s29+$0x0], $0xffff  }
0x264: {  	vm10 =	vgt.s32 v33, $0x0;
	v52 =	vadd.f32 v53, v21;
	v53 =	vor.u32 v3, v48;
	v26 =	vld.idx.msk [tilespmem:v62+s29+$0x0], $0xffff  }
0x265: {  	v22 =	vadd.f32 v56, v22;
	v54 =	vor.u32 v4, v48;
	v56 =	vshll.u32 v31, $0x6;
	v21 =	vld.idx.msk [tilespmem:v45+s29+$0x0], $0xffff  }
0x266: {  	vm11 =	vgt.s32 v30, $0x0;
	v17 =	vadd.f32 v19, v17;
	v59 =	vor.u32 v1, v56;
	v28 =	vld.idx.msk [tilespmem:v46+s29+$0x0], $0xffff  }
0x267: {  	vm12 =	vgt.s32 v31, $0x0;
	v60 =	vor.u32 v2, v56;
	v16 =	vadd.f32 v20, v16;
	v24 =	vld.idx.msk [tilespmem:v50+s29+$0x0], $0xffff  }
0x268: {  	s10 =	sadd.s32 $0xFFFFFFF9, s6;
	v63 =	vor.u32 v4, v56;
	v17 =	vadd.f32 v23, v17;
	v19 =	vadd.f32 v38, v52;
	v23 =	vld.idx.msk [tilespmem:v51+s29+$0x0], $0xffff  }
0x269: {  	v61 =	vmov s10;
	v34 =	vld.idx.msk [tilespmem:v53+s29+$0x0], $0xffff;
	v62 =	vor.u32 v3, v56;
	v46 =	vshll.u32 v36, $0x6  }
0x26a: {  	v22 =	vadd.f32 v27, v22;
	v29 =	vld.idx.msk [tilespmem:v54+s29+$0x0], $0xffff;
	v39 =	vand.u32 $0xFFFFFFFC, v61;
	v49 =	vor.u32 v1, v46  }
0x26b: {  	v45 =	vsel vm10, $0x3F800000, v0;
	v48 =	vld.idx.msk [tilespmem:v59+s29+$0x0], $0xffff;
	v51 =	vor.u32 v2, v46;
	v44 =	vbroadcast v39, $0x0  }
0x26c: {  	v31 =	vsel vm12, $0x3F800000, v0;
	v16 =	vadd.f32 v18, v16;
	s10 =	sadd.s32 $0xFFFFFFFA, s6;
	v47 =	vadd.f32 v45, v58;
	v50 =	vld.idx.msk [tilespmem:v60+s29+$0x0], $0xffff  }
0x26d: {  	v52 =	vmov s10;
	v54 =	vor.u32 v3, v46;
	v55 =	vld.idx.msk [tilespmem:v63+s29+$0x0], $0xffff;
	v57 =	vshll.u32 v40, $0x6  }
0x26e: {  	v56 =	vor.u32 v4, v46;
	s10 =	sadd.s32 $0xFFFFFFFB, s6;
	v37 =	vand.u32 $0xFFFFFFFD, v52;
	v61 =	vor.u32 v2, v57;
	v53 =	vld.idx.msk [tilespmem:v62+s29+$0x0], $0xffff  }
0x26f: {  	v58 =	vsel vm11, $0x3F800000, v0;
	v60 =	vmov s10;
	v37 =	vbroadcast v37, $0x0;
	v27 =	vld.idx.msk [tilespmem:v49+s29+$0x0], $0xffff  }
0x270: {  	vm13 =	vgt.s32 v36, $0x0;
	v18 =	vadd.f32 v58, v47;
	v41 =	vand.u32 $0xFFFFFFFE, v60;
	v32 =	vld.idx.msk [tilespmem:v51+s29+$0x0], $0xffff  }
0x271: {  	s10 =	sadd.s32 $0xFFFFFFFC, s6;
	vm14 =	vgt.s32 v40, $0x0;
	v59 =	vor.u32 v1, v57;
	v63 =	vor.u32 v3, v57;
	v30 =	vld.idx.msk [tilespmem:v44+s28+$0x0], $0xffff  }
0x272: {  	v41 =	vbroadcast v41, $0x0;
	v17 =	vadd.f32 v25, v17;
	v62 =	vld.idx.msk [tilespmem:v54+s29+$0x0], $0xffff;
	v54 =	vmov s10;
	s10 =	sadd.s32 $0xFFFFFFFD, s6  }
0x273: {  	v19 =	vadd.f32 v26, v19;
	v21 =	vadd.f32 v21, v22;
	v47 =	vld.idx.msk [tilespmem:v61+s29+$0x0], $0xffff;
	v61 =	vmov s10  }
0x274: {  	v16 =	vadd.f32 v28, v16;
	v28 =	vor.u32 v4, v57;
	v43 =	vld.idx.msk [tilespmem:v56+s29+$0x0], $0xffff;
	v35 =	vand.u32 $0xFFFFFFFC, v61  }
0x275: {  	v18 =	vadd.f32 v31, v18;
	v21 =	vadd.f32 v34, v21;
	v34 =	vld.idx.msk [tilespmem:v37+s28+$0x0], $0xffff;
	v35 =	vbroadcast v35, $0x0  }
0x276: {  	v51 =	vsel vm13, $0x3F800000, v0;
	v17 =	vadd.f32 v24, v17;
	v45 =	vld.idx.msk [tilespmem:v59+s29+$0x0], $0xffff;
	v44 =	vshll.u32 v30, $0x6  }
0x277: {  	v19 =	vadd.f32 v23, v19;
	v16 =	vadd.f32 v29, v16;
	v49 =	vld.idx.msk [tilespmem:v63+s29+$0x0], $0xffff;
	v46 =	vor.u32 v1, v44  }
0x278: {  	v18 =	vadd.f32 v51, v18;
	v17 =	vadd.f32 v48, v17;
	v36 =	vld.idx.msk [tilespmem:v41+s28+$0x0], $0xffff;
	v48 =	vor.u32 v2, v44  }
0x279: {  	v19 =	vadd.f32 v50, v19;
	v63 =	vsel vm14, $0x3F800000, v0;
	v52 =	vld.idx.msk [tilespmem:v28+s29+$0x0], $0xffff;
	v50 =	vor.u32 v3, v44  }
0x27a: {  	v21 =	vadd.f32 v53, v21;
	v37 =	vld.idx.msk [tilespmem:v54+s28+$0x0], $0xffff;
	v33 =	vor.u32 v4, v44;
	v53 =	vshll.u32 v34, $0x6  }
0x27b: {  	v16 =	vadd.f32 v55, v16;
	v18 =	vadd.f32 v63, v18;
	v56 =	vor.u32 v1, v53;
	v35 =	vld.idx.msk [tilespmem:v35+s28+$0x0], $0xffff  }
0x27c: {  	v17 =	vadd.f32 v27, v17;
	v19 =	vadd.f32 v32, v19;
	v58 =	vor.u32 v2, v53;
	v55 =	vld.idx.msk [tilespmem:v46+s29+$0x0], $0xffff  }
0x27d: {  	v16 =	vadd.f32 v43, v16;
	v21 =	vadd.f32 v62, v21;
	v60 =	vor.u32 v3, v53;
	v57 =	vld.idx.msk [tilespmem:v48+s29+$0x0], $0xffff  }
0x27e: {  	vm15 =	vgt.s32 v30, $0x0;
	v28 =	vor.u32 v4, v53;
	v62 =	vshll.u32 v36, $0x6;
	v59 =	vld.idx.msk [tilespmem:v50+s29+$0x0], $0xffff  }
0x27f: {  	s10 =	sadd.s32 $0xFFFFFFFE, s6;
	v17 =	vadd.f32 v45, v17;
	v19 =	vadd.f32 v47, v19;
	v44 =	vor.u32 v1, v62;
	v33 =	vld.idx.msk [tilespmem:v33+s29+$0x0], $0xffff  }
0x280: {  	v21 =	vadd.f32 v49, v21;
	v45 =	vor.u32 v2, v62;
	v46 =	vmov s10;
	v29 =	vld.idx.msk [tilespmem:v56+s29+$0x0], $0xffff  }
0x281: {  	v47 =	vor.u32 v3, v62;
	v49 =	vshll.u32 v37, $0x6;
	v20 =	vld.idx.msk [tilespmem:v58+s29+$0x0], $0xffff;
	v31 =	vand.u32 $0xFFFFFFFD, v46  }
0x282: {  	v16 =	vadd.f32 v52, v16;
	v52 =	vor.u32 v1, v49;
	s10 =	sadd.s32 $0xFFFFFFFF, s6;
	v26 =	vld.idx.msk [tilespmem:v60+s29+$0x0], $0xffff;
	v31 =	vbroadcast v31, $0x0  }
0x283: {  	v51 =	vsel vm15, $0x3F800000, v0;
	vm4 =	vgt.s32 v34, $0x0;
	v22 =	vld.idx.msk [tilespmem:v28+s29+$0x0], $0xffff;
	v50 =	vmov s10  }
0x284: {  	v18 =	vadd.f32 v51, v18;
	v53 =	vor.u32 v2, v49;
	v30 =	vld.idx.msk [tilespmem:v44+s29+$0x0], $0xffff;
	v39 =	vand.u32 $0xFFFFFFFE, v50  }
0x285: {  	v54 =	vsel vm4, $0x3F800000, v0;
	v48 =	vor.u32 v4, v62;
	v24 =	vld.idx.msk [tilespmem:v45+s29+$0x0], $0xffff;
	v39 =	vbroadcast v39, $0x0  }
0x286: {  	vm5 =	vgt.s32 v36, $0x0;
	v18 =	vadd.f32 v54, v18;
	v23 =	vld.idx.msk [tilespmem:v47+s29+$0x0], $0xffff;
	v60 =	vshll.u32 v35, $0x6  }
0x287: {  	vm6 =	vgt.s32 v37, $0x0;
	v58 =	vsel vm5, $0x3F800000, v0;
	v34 =	vld.idx.msk [tilespmem:v52+s29+$0x0], $0xffff;
	v61 =	vor.u32 v1, v60  }
0x288: {  	v18 =	vadd.f32 v58, v18;
	v19 =	vadd.f32 v57, v19;
	v57 =	vmov s6;
	v56 =	vld.idx.msk [tilespmem:v31+s28+$0x0], $0xffff  }
0x289: {  	v62 =	vsel vm6, $0x3F800000, v0;
	v32 =	vld.idx.msk [tilespmem:v53+s29+$0x0], $0xffff;
	v63 =	vor.u32 v2, v60  }
0x28a: {  	vm7 =	vgt.s32 v35, $0x0;
	v18 =	vadd.f32 v62, v18;
	v44 =	vor.u32 v3, v60;
	v27 =	vld.idx.msk [tilespmem:v48+s29+$0x0], $0xffff  }
0x28b: {  	v35 =	vsel vm7, $0x3F800000, v0;
	v38 =	vor.u32 v4, v60;
	v17 =	vadd.f32 v55, v17;
	v39 =	vld.idx.msk [tilespmem:v39+s28+$0x0], $0xffff  }
0x28c: {  	v21 =	vadd.f32 v59, v21;
	v55 =	vor.u32 v3, v49;
	v59 =	vor.u32 v4, v49;
	v47 =	vld.idx.msk [tilespmem:v61+s29+$0x0], $0xffff  }
0x28d: {  	v16 =	vadd.f32 v33, v16;
	v18 =	vadd.f32 v35, v18;
	v31 =	vld.idx.msk [tilespmem:v57+s28+$0x0], $0xffff;
	v45 =	vshll.u32 v56, $0x6  }
0x28e: {  	v17 =	vadd.f32 v29, v17;
	v40 =	vld.idx.msk [tilespmem:v63+s29+$0x0], $0xffff;
	vm8 =	vgt.s32 v56, $0x0;
	v46 =	vor.u32 v1, v45  }
0x28f: {  	v19 =	vadd.f32 v20, v19;
	v33 =	vld.idx.msk [tilespmem:v44+s29+$0x0], $0xffff;
	v48 =	vsel vm8, $0x3F800000, v0;
	v49 =	vor.u32 v2, v45  }
0x290: {  	v38 =	vld.idx.msk [tilespmem:v38+s29+$0x0], $0xffff;
	v50 =	vor.u32 v3, v45;
	vm9 =	vgt.s32 v39, $0x0;
	v18 =	vadd.f32 v48, v18  }
0x291: {  	v28 =	vld.idx.msk [tilespmem:v55+s29+$0x0], $0xffff;
	v41 =	vor.u32 v4, v45;
	v39 =	vshll.u32 v39, $0x6;
	v51 =	vsel vm9, $0x3F800000, v0  }
0x292: {  	v36 =	vld.idx.msk [tilespmem:v59+s29+$0x0], $0xffff;
	v52 =	vor.u32 v1, v39;
	vm10 =	vgt.s32 v31, $0x0;
	v18 =	vadd.f32 v51, v18  }
0x293: {  	v21 =	vadd.f32 v26, v21;
	v54 =	vor.u32 v2, v39;
	v43 =	vsel vm10, $0x3F800000, v0;
	v53 =	vld.idx.msk [tilespmem:v46+s29+$0x0], $0xffff  }
0x294: {  	v16 =	vadd.f32 v22, v16;
	v56 =	vor.u32 v3, v39;
	v55 =	vld.idx.msk [tilespmem:v49+s29+$0x0], $0xffff;
	v18 =	vadd.f32 v43, v18  }
0x295: {  	v17 =	vadd.f32 v30, v17;
	v58 =	vor.u32 v4, v39;
	v31 =	vshll.u32 v31, $0x6;
	v57 =	vld.idx.msk [tilespmem:v50+s29+$0x0], $0xffff  }
0x296: {  	v19 =	vadd.f32 v24, v19;
	v60 =	vor.u32 v1, v31;
	v59 =	vld.idx.msk [tilespmem:v41+s29+$0x0], $0xffff;
	v18 =	vadd.f32 $9.999999930e-09, v18  }
0x297: {  	v16 =	vadd.f32 v27, v16;
	v17 =	vadd.f32 v34, v17;
	v62 =	vor.u32 v2, v31;
	v61 =	vld.idx.msk [tilespmem:v52+s29+$0x0], $0xffff  }
0x298: {  	v63 =	vor.u32 v3, v31;
	v31 =	vor.u32 v4, v31;
	v25 =	vld.idx.msk [tilespmem:v54+s29+$0x0], $0xffff;
	(erf) = vrcp.f32 v18  }
0x299: {  	v21 =	vadd.f32 v23, v21;
	v19 =	vadd.f32 v32, v19;
	v34 =	vld.idx.msk [tilespmem:v56+s29+$0x0], $0xffff  }
0x29a: {  	v17 =	vadd.f32 v47, v17;
	v16 =	vadd.f32 v36, v16;
	v37 =	vld.idx.msk [tilespmem:v58+s29+$0x0], $0xffff  }
0x29b: {  	v19 =	vadd.f32 v40, v19;
	v21 =	vadd.f32 v28, v21;
	v41 =	vld.idx.msk [tilespmem:v60+s29+$0x0], $0xffff  }
0x29c: {  	v16 =	vadd.f32 v38, v16;
	v42 =	vld.idx.msk [tilespmem:v62+s29+$0x0], $0xffff;
	v17 =	vadd.f32 v53, v17  }
0x29d: {  	v21 =	vadd.f32 v33, v21;
	v43 =	vld.idx.msk [tilespmem:v31+s29+$0x0], $0xffff;
	v19 =	vadd.f32 v55, v19  }
0x29e: {  	v18 =	vld.idx.msk [tilespmem:v63+s29+$0x0], $0xffff;
	v16 =	vadd.f32 v59, v16;
	v17 =	vadd.f32 v61, v17  }
0x29f: {  	v21 =	vadd.f32 v57, v21;
	v19 =	vadd.f32 v25, v19  }
0x2a0: {  	v16 =	vadd.f32 v37, v16;
	v17 =	vadd.f32 v41, v17  }
0x2a1: {  	v21 =	vadd.f32 v34, v21;
	v19 =	vadd.f32 v42, v19;
	v44 =	vpop (erf)  }
0x2a2: {  	s10 =	sadd.s32 $0xFFFFFC00, s7;
	v16 =	vadd.f32 v43, v16;
	v17 =	vmul.f32 v44, v17  }
0x2a3: {  	v45 =	vmov s10;
	s10 =	sadd.s32 $0xFFFFFE00, s7;
	v18 =	vadd.f32 v18, v21;
	v19 =	vmul.f32 v44, v19  }
0x2a4: {  	v46 =	vmov s10;
	v16 =	vmul.f32 v44, v16;
	[tilespmem:s8+$0xFFFFFFE0] =	vst v17  }
0x2a5: {  	v17 =	vmul.f32 v44, v18;
	[tilespmem:s8+$0xFFFFFFF0] =	vst v19  }
0x2a6: {  	[tilespmem:s8+$0x10] =	vst v16  }
0x2a7: {  	[tilespmem:s8+$0x0] =	vst v17  }
0x2a8: {  	v16 =	vld.idx.msk [tilespmem:v45+s1+$0x0], $0xffff  }
0x2a9: {  	v17 =	vmov s7;
	v18 =	vld.idx.msk [tilespmem:v46+s1+$0x0], $0xffff;
	_ =	sdelay $0x4  }
0x2aa: {  	v17 =	vld.idx.msk [tilespmem:v17+s1+$0x0], $0xffff;
	vm11 =	vlt.f32 v14, v16;
	vm1 =	vlt.f32 v15, v16;
	vm12 =	vlt.f32 v14, v18  }
0x2ab: {  	vm13 =	vlt.f32 v15, v18;
	v16 =	vmpcnt.ones.xlane vm11;
	v47 =	vmpcnt.ones.xlane vm1  }
0x2ac: {  	v48 =	vmpcnt.ones.xlane vm12;
	v49 =	vmpcnt.ones.xlane vm13;
	_ =	sdelay $0x1  }
0x2ad: {  	v16 =	vadd.s32 v16, v47;
	v18 =	vadd.s32 v48, v49  }
0x2ae: {  	v16 =	vshll.u32 v16, $0x6;
	v18 =	vshll.u32 v18, $0x6;
	vm14 =	vlt.f32 v14, v17  }
0x2af: {  	vm15 =	vlt.f32 v15, v17;
	v50 =	vor.u32 v1, v16;
	v51 =	vor.u32 v2, v16  }
0x2b0: {  	v52 =	vor.u32 v3, v16;
	v53 =	vadd.s32 v5, v18;
	v54 =	vmpcnt.ones.xlane vm14  }
0x2b1: {  	v55 =	vadd.s32 v7, v18;
	v56 =	vmpcnt.ones.xlane vm15;
	v16 =	vor.u32 v4, v16  }
0x2b2: {  	v57 =	vadd.s32 v8, v18;
	v18 =	vadd.s32 v9, v18;
	v17 =	vand.u32 $0xFFFFFFC8, v53  }
0x2b3: {  	v22 =	vand.u32 $0xFFFFFFD8, v55;
	v17 =	vor.u32 v6, v17;
	v23 =	vadd.s32 v54, v56  }
0x2b4: {  	v58 =	vand.u32 $0xFFFFFFE8, v57;
	v22 =	vor.u32 v6, v22;
	v23 =	vshll.u32 v23, $0x6;
	v20 =	vld.idx.msk [tilespmem:v50+s30+$0x0], $0xffff  }
0x2b5: {  	v18 =	vand.u32 $0xFFFFFFF8, v18;
	v24 =	vor.u32 v6, v58;
	v59 =	vadd.s32 v10, v23;
	v21 =	vld.idx.msk [tilespmem:v51+s30+$0x0], $0xffff  }
0x2b6: {  	v18 =	vor.u32 v6, v18;
	v60 =	vadd.s32 v11, v23;
	v19 =	vld.idx.msk [tilespmem:v52+s30+$0x0], $0xffff;
	v25 =	vand.u32 $0xFFFFFFC8, v59  }
0x2b7: {  	v61 =	vadd.s32 v12, v23;
	v16 =	vld.idx.msk [tilespmem:v16+s30+$0x0], $0xffff;
	v26 =	vand.u32 $0xFFFFFFD8, v60;
	v25 =	vor.u32 v6, v25  }
0x2b8: {  	v23 =	vadd.s32 v13, v23;
	v27 =	vand.u32 $0xFFFFFFE8, v61;
	v26 =	vor.u32 v6, v26;
	v17 =	vld.idx.msk [tilespmem:v17+s30+$0x0], $0xffff  }
0x2b9: {  	v23 =	vand.u32 $0xFFFFFFF8, v23;
	v27 =	vor.u32 v6, v27;
	v22 =	vld.idx.msk [tilespmem:v22+s30+$0x0], $0xffff  }
0x2ba: {  	v23 =	vor.u32 v6, v23;
	v24 =	vld.idx.msk [tilespmem:v24+s30+$0x0], $0xffff  }
0x2bb: {  	v18 =	vld.idx.msk [tilespmem:v18+s30+$0x0], $0xffff  }
0x2bc: {  	v25 =	vld.idx.msk [tilespmem:v25+s30+$0x0], $0xffff  }
0x2bd: {  	v20 =	vadd.f32 $0.0e+00, v20;
	v26 =	vld.idx.msk [tilespmem:v26+s30+$0x0], $0xffff  }
0x2be: {  	v21 =	vadd.f32 $0.0e+00, v21;
	v27 =	vld.idx.msk [tilespmem:v27+s30+$0x0], $0xffff  }
0x2bf: {  	v19 =	vadd.f32 $0.0e+00, v19;
	v62 =	vld.idx.msk [tilespmem:v23+s30+$0x0], $0xffff;
	v17 =	vadd.f32 v17, v20  }
0x2c0: {  	v16 =	vadd.f32 $0.0e+00, v16;
	v21 =	vadd.f32 v22, v21  }
0x2c1: {  	p0 =	sne.s32 s6, $0x27FF;
	v19 =	vadd.f32 v24, v19;
	v17 =	vadd.f32 v25, v17  }
.Ltmp3:
0x2c2: {  	v16 =	vadd.f32 v18, v16;
	v63 =	vadd.f32 v26, v21;
	(pc) =	sbr.rel @p0 .LBB2_8-.Ltmp3, $4  }
0x2c3: {  	v19 =	vadd.f32 v27, v19;
	[tilespmem:s9+$0xFFFFFFE0] =	vst v17  }
0x2c4: {  	v16 =	vadd.f32 v62, v16;
	[tilespmem:s9+$0xFFFFFFF0] =	vst v63  }
0x2c5: {  	s6 =	sadd.s32 $0x14, s6;
	[tilespmem:s9+$0x0] =	vst v19  }
0x2c6: {  	s7 =	sadd.s32 $0x1, s7;
	s8 =	sadd.s32 $0x40, s8;
	[tilespmem:s9+$0x10] =	vst v16;
	s9 =	sadd.s32 $0x40, s9  }
0x2c7: {  	[hbm4b:s20+s2] =	stream.linear.scatter [tilespmem:s0], [sflag:$0x2], $0x2000, $0x38;
	[tilespmem:$0x1B920] =	vst v63  }
0x2c8: {  	_ =	swait.ge [sflag:s24], $0x2000  }
0x2c9: {  	[sflag:s24] =	ssyncset.done $0x0  }
0x2ca: {  	[sflag:s24] =	ssyncadd.s32 $0xFFFFE000  }
0x2cb: {  	[hbm4b:s21+s2] =	stream.linear.scatter [tilespmem:s31], [sflag:$0x2], $0x2000, $0x38;
	[tilespmem:$0x1B920] =	vst v63  }
0x2cc: {  	_ =	swait.ge [sflag:s24], $0x2000  }
0x2cd: {  	[sflag:s24] =	ssyncset.done $0x0  }
0x2ce: {  	[sflag:s24] =	ssyncadd.s32 $0xFFFFE000  }
0x2cf: {  	s5 =	sadd.s32 $0x1, s5;
	_ =	swait.ge [sflag:s3], $0x4000  }
0x2d0: {  	p0 =	sne.s32 s5, s23;
	[sflag:s3] =	ssyncset.done $0x0  }
.Ltmp4:
0x2d1: {  	[sflag:s3] =	ssyncadd.s32 $0xFFFFC000;
	(pc) =	sbr.rel @p0 .LBB2_1-.Ltmp4, $4  }
0x2d2: {  	[hbm4b:s22+s2] =	stream.linear.scatter [tilespmem:s26], [sflag:$0x2], $0x4000, $0x38;
	[tilespmem:$0x1B920] =	vst v63  }
0x2d3: {  	_ =	swait.ge [sflag:s24], $0x4000  }
0x2d4: {  	[sflag:s24] =	ssyncset.done $0x0  }
0x2d5: {  	[sflag:s24] =	ssyncadd.s32 $0xFFFFC000  }
0x2d6: {  	_ =	sfence.sel $0x180000  }
0x2d7: {  	[bflag:$0x0] =	sbarrier.arrive $0xFFFF  }
0x2d8: {  	_ =	strace $0x90000047  }
0x2d9: {  	s0 =	stileid.u32;
	[bflag:$0x2] =	sbarrier.arrive $0xFFFF  }
0x2da: {  	p0 =	sne.s32 s0, $0x0;
	s0 =	rddreg [dreg:$0x3]  }
0x2db: {  	s0 =	sadd.s32 @!p0 $0x100000, s0  }
0x2dc: {  	[sflag:s0] =	ssyncadd.tile.s32 @!p0 $0x1;
	_ =	shalt  }
.Lfunc_end2:
_tile_overlayer_lowered:
.L_overlay_start_2:
0x2dd: {  	(tag) =	ssettag $0x2  }
0x2de: {  	s0 =	rddreg [dreg:$0x0];
	s2 =	stileid.u32  }
0x2df: {  	s1 =	rddreg [dreg:$0x1];
	p0 =	sne.s32 s2, $0x0  }
0x2e0: {  	s3 =	rddreg [dreg:$0x2];
	[bflag:$0x3] =	sbarrier.arrive $0xFFFF;
	s2 =	simm.s32 @!p0 $0x1C02  }
0x2e1: {  	[timem:s3], [sflag:s2] =	dma.local @!p0 [hbm:s0], s1  }
0x2e2: {  	s0 =	simm.s32 @!p0 $0x2  }
0x2e3: {  	_ =	swait.ge @!p0 [sflag:s0], s1  }
0x2e4: {  	s1 =	ssub.s32 @!p0 $0x0, s1;
	[sflag:s0] =	ssyncset.done @!p0 $0x0  }
0x2e5: {  	[sflag:s0] =	ssyncadd.s32 @!p0 s1  }
0x2e6: {  	[bflag:$0x3] =	sbarrier.arrive $0xFFFF  }
0x2e7: {  	_ =	shalt  }

</sc_bundles>
